<compile_context>
chip_gen: v7x
topology: tpu7x:2x2x1
jax: 0.10.2.dev20260603
libtpu: 0.0.44.dev20260713+nightly
codegen_flags: <defaults>
</compile_context>

<pallas_src>
import jax
import jax.numpy as jnp
from jax import lax
from jax.experimental import pallas as pl
from jax.experimental.pallas import tpu as pltpu
from jax.experimental.pallas import tpu_sc as plsc

_MAX_K = 8
_TAU = 0.7
_BLOCK_T = 1024
_NW = 32
_L = 16

_S8 = [(0, 1), (2, 3), (4, 5), (6, 7),
       (0, 2), (1, 3), (4, 6), (5, 7),
       (1, 2), (5, 6),
       (0, 4), (1, 5), (2, 6), (3, 7),
       (2, 4), (3, 5),
       (1, 2), (3, 4), (5, 6)]
_M8 = [(0, 4), (1, 5), (2, 6), (3, 7),
       (0, 2), (1, 3), (4, 6), (5, 7),
       (0, 1), (2, 3), (4, 5), (6, 7)]


def _mm_softmax_body(x_ref, w_ref, p_ref):
    logits = jax.lax.dot_general(
        x_ref[...], w_ref[...], (((1,), (0,)), ((), ())),
        preferred_element_type=jnp.float32)
    mx = jnp.max(logits, axis=-1, keepdims=True)
    ex = jnp.exp(logits - mx)
    p_ref[...] = ex / jnp.sum(ex, axis=-1, keepdims=True)


def _router_probs(x, w):
    t, d = x.shape
    e = w.shape[1]
    return pl.pallas_call(
        _mm_softmax_body,
        grid=(t // _BLOCK_T,),
        in_specs=[
            pl.BlockSpec((_BLOCK_T, d), lambda i: (i, 0)),
            pl.BlockSpec((d, e), lambda i: (0, 0)),
        ],
        out_specs=pl.BlockSpec((_BLOCK_T, e), lambda i: (i, 0)),
        out_shape=jax.ShapeDtypeStruct((t, e), jnp.float32),
    )(x, w)


def _ce_desc(v, i, j):
    a, b = v[i], v[j]
    v[i] = jnp.maximum(a, b)
    v[j] = jnp.minimum(a, b)


def _top8_desc(p):
    runs = []
    for grp in range(8):
        v = [p[grp * 8 + i] for i in range(8)]
        for (i, j) in _S8:
            _ce_desc(v, i, j)
        runs.append(v)
    while len(runs) > 1:
        nxt = []
        for a, b in zip(runs[::2], runs[1::2]):
            t = [jnp.maximum(a[i], b[7 - i]) for i in range(8)]
            for (i, j) in _M8:
                _ce_desc(t, i, j)
            nxt.append(t)
        runs = nxt
    return runs[0]


def _make_gate_body(rows_per, e):
    def _gate_body(probs_hbm, out_hbm, in_v, out_v):
        wid = lax.axis_index("s") * 2 + lax.axis_index("c")
        base = wid * rows_per * e
        pltpu.sync_copy(probs_hbm.at[pl.ds(base, rows_per * e)], in_v)

        @plsc.parallel_loop(0, rows_per, _L, unroll=2)
        def group(row0):
            fidx = (lax.iota(jnp.int32, _L) + row0) * e
            p = [plsc.load_gather(in_v, [fidx + c]) for c in range(e)]
            m = _top8_desc(p)
            cum = m[0]
            denom = m[0]
            kcnt = jnp.ones((_L,), jnp.int32)
            cutoff = m[0]
            for k in range(1, _MAX_K):
                cum = cum + m[k]
                keep = (cum - m[k]) < _TAU
                denom = denom + jnp.where(keep, m[k], 0.0)
                kcnt = kcnt + jnp.where(keep, 1, 0)
                cutoff = jnp.where(keep, m[k], cutoff)
            invd = 1.0 / (denom + 1e-9)
            gcnt = jnp.where(m[0] > cutoff, 1, 0)
            for k in range(1, _MAX_K):
                gcnt = gcnt + jnp.where(m[k] > cutoff, 1, 0)
            rcnt = kcnt - gcnt
            acc = jnp.zeros((_L,), jnp.int32)
            for c in range(e):
                gt = p[c] > cutoff
                eq = p[c] == cutoff
                kp = gt | (eq & (acc < rcnt))
                val = jnp.where(kp, p[c] * invd, 0.0)
                plsc.store_scatter(out_v, [fidx + c], val)
                acc = acc + jnp.where(eq, 1, 0)

        del group
        pltpu.sync_copy(out_v, out_hbm.at[pl.ds(base, rows_per * e)])

    return _gate_body


def _gate_sc(probs):
    t, e = probs.shape
    rows_per = t // _NW
    mesh = plsc.VectorSubcoreMesh(core_axis_name="c", subcore_axis_name="s")
    f = pl.kernel(
        _make_gate_body(rows_per, e),
        out_type=jax.ShapeDtypeStruct((t * e,), jnp.float32),
        mesh=mesh,
        compiler_params=pltpu.CompilerParams(needs_layout_passes=False),
        scratch_types=[
            pltpu.VMEM((rows_per * e,), jnp.float32),
            pltpu.VMEM((rows_per * e,), jnp.float32),
        ],
    )
    return f(probs.reshape(-1)).reshape(t, e)


@jax.jit
def kernel(x, w_gating):
    return _gate_sc(_router_probs(x, w_gating))

# --- scband reference (transcript-rebuilt; emitter-appended) ---
"""Pipeline reference for scband-dynamic-kgating-26955214750161 (READ-ONLY COPY).

The authoritative reference and input builder live on the scoring server;
editing this copy changes nothing except your own understanding.
"""

import jax, jax.numpy as jnp
import numpy as np

TOKENS = 16384   # batch=4 * seq_len=4096 (LANG_PROMPT)
DIM = 2048       # d_model (AutoModel hidden_size stand-in)
NUM_GATES = 64   # num experts
MAX_K = 8
TAU = 0.7


def setup_inputs(seed: int = 0) -> dict:
    key = jax.random.key(seed)
    k1, k2 = jax.random.split(key)
    x = jax.random.normal(k1, (TOKENS, DIM), dtype=jnp.float32)
    # learned router weight, matches nn.Parameter(torch.randn(dim, num_gates))
    w_gating = jax.random.normal(k2, (DIM, NUM_GATES), dtype=jnp.float32)
    return {"x": x, "w_gating": w_gating}


def reference(x, w_gating):
    # router logits and probabilities
    logits = x @ w_gating                       # [T, E]
    probs = jax.nn.softmax(logits, axis=-1)     # [T, E]
    # dynamic-k: take experts in descending prob order until cumulative
    # probability reaches tau, capped at max_k experts per token
    topv, topi = jax.lax.top_k(probs, MAX_K)    # [T, max_k]
    cum = jnp.cumsum(topv, axis=-1)
    # keep expert j if cumulative mass BEFORE it is still below tau
    keep = (cum - topv) < TAU                   # first expert always kept
    gates = topv * keep.astype(topv.dtype)
    denom = jnp.sum(gates, axis=-1, keepdims=True) + 1e-9
    gates = gates / denom                       # renormalized combine weights
    # scatter sparse top-k gates back to a dense [T, E] combine tensor
    T = x.shape[0]
    rows = jnp.arange(T)[:, None]
    combine = jnp.zeros((T, NUM_GATES), dtype=x.dtype).at[rows, topi].set(gates)
    return combine

if __name__ == "__main__":
    import jax
    _d = setup_inputs()
    print(jax.jit(kernel)(*tuple(_d.values())))

</pallas_src>

<mosaic_0001>
#map = affine_map<(d0, d1) -> (0)>
module attributes {stable_mosaic.version = 14 : i64} {
  func.func @_gate_body(%arg0: i32, %arg1: i32, %arg2: memref<1048576xf32, #tpu.memory_space<hbm>>, %arg3: memref<1048576xf32, #tpu.memory_space<hbm>>, %arg4: memref<32768xf32, #tpu.memory_space<vmem>>, %arg5: memref<32768xf32, #tpu.memory_space<vmem>>) attributes {dimension_semantics = [#tpu.dimension_semantics<core_parallel>, #tpu.dimension_semantics<subcore_parallel>], iteration_bounds = array<i64: 2, 16>, scalar_prefetch = 0 : i64, scratch_operands = 2 : i64, tpu.core_type = #tpu.core_type<sc_vector_subcore>, window_params = [{transform_indices = #map}, {transform_indices = #map}]} {
    %mul3A = arith.constant 2 : i32
    %mul3A_0 = arith.muli %arg1, %mul3A : i32
    %add3A = arith.addi %mul3A_0, %arg0 : i32
    %mul3A_1 = arith.constant 512 : i32
    %mul3A_2 = arith.muli %add3A, %mul3A_1 : i32
    %mul3A_3 = arith.constant 64 : i32
    %mul3A_4 = arith.muli %mul3A_2, %mul3A_3 : i32
    "tpu.region"() ({
      %run_scoped3A = tpu.sem_alloc : memref<!tpu.dma_semaphore, #tpu.memory_space<semaphore_mem>>
      %dma_start3A = tpu.memref_slice %arg2[%mul3A_4] : memref<1048576xf32, #tpu.memory_space<hbm>> -> memref<32768xf32, #tpu.memory_space<hbm>>
      %dma_start3A_7 = tpu.memref_slice %arg2[%mul3A_4] : memref<1048576xf32, #tpu.memory_space<hbm>> -> memref<32768xf32, #tpu.memory_space<hbm>>
      tpu.enqueue_dma source(%dma_start3A_7 : memref<32768xf32, #tpu.memory_space<hbm>>) target(%arg4 : memref<32768xf32, #tpu.memory_space<vmem>>) target_semaphore(%run_scoped3A : memref<!tpu.dma_semaphore, #tpu.memory_space<semaphore_mem>>)
      %dma_wait3A = tpu.memref_slice %arg2[%mul3A_4] : memref<1048576xf32, #tpu.memory_space<hbm>> -> memref<32768xf32, #tpu.memory_space<hbm>>
      %dma_wait3A_8 = tpu.memref_slice %arg2[%mul3A_4] : memref<1048576xf32, #tpu.memory_space<hbm>> -> memref<32768xf32, #tpu.memory_space<hbm>>
      tpu.wait_dma2 semaphore(%run_scoped3A : memref<!tpu.dma_semaphore, #tpu.memory_space<semaphore_mem>>) src(%dma_wait3A_8 : memref<32768xf32, #tpu.memory_space<hbm>>) dst(%arg4 : memref<32768xf32, #tpu.memory_space<vmem>>)
      tpu.yield
    }) : () -> ()
    %parallel_loop3A = arith.constant 0 : i32
    %parallel_loop3A_5 = arith.constant 512 : i32
    %parallel_loop3A_6 = arith.constant 16 : i32
    scf.for %parallel_loop3A_7 = %parallel_loop3A to %parallel_loop3A_5 step %parallel_loop3A_6  : i32 {
      %parallel_loop3A_8 = tpu.iota {dimensions = array<i32: 0>} : vector<16xi32>
      %parallel_loop3A_9 = vector.broadcast %parallel_loop3A_7 : i32 to vector<16xi32>
      %parallel_loop3A_10 = arith.addi %parallel_loop3A_8, %parallel_loop3A_9 : vector<16xi32>
      %parallel_loop3A_11 = arith.constant 64 : i32
      %parallel_loop3A_12 = vector.broadcast %parallel_loop3A_11 : i32 to vector<16xi32>
      %parallel_loop3A_13 = arith.muli %parallel_loop3A_10, %parallel_loop3A_12 : vector<16xi32>
      %parallel_loop3A_14 = arith.constant 0 : i32
      %parallel_loop3A_15 = vector.broadcast %parallel_loop3A_14 : i32 to vector<16xi32>
      %parallel_loop3A_16 = arith.addi %parallel_loop3A_13, %parallel_loop3A_15 : vector<16xi32>
      %parallel_loop3A_17 = tpu.vector_load_idx %arg4[%parallel_loop3A_16] : memref<32768xf32, #tpu.memory_space<vmem>>[vector<16xi32>], vector<16xf32>,
      %parallel_loop3A_18 = arith.constant 1 : i32
      %parallel_loop3A_19 = vector.broadcast %parallel_loop3A_18 : i32 to vector<16xi32>
      %parallel_loop3A_20 = arith.addi %parallel_loop3A_13, %parallel_loop3A_19 : vector<16xi32>
      %parallel_loop3A_21 = tpu.vector_load_idx %arg4[%parallel_loop3A_20] : memref<32768xf32, #tpu.memory_space<vmem>>[vector<16xi32>], vector<16xf32>,
      %parallel_loop3A_22 = arith.constant 2 : i32
      %parallel_loop3A_23 = vector.broadcast %parallel_loop3A_22 : i32 to vector<16xi32>
      %parallel_loop3A_24 = arith.addi %parallel_loop3A_13, %parallel_loop3A_23 : vector<16xi32>
      %parallel_loop3A_25 = tpu.vector_load_idx %arg4[%parallel_loop3A_24] : memref<32768xf32, #tpu.memory_space<vmem>>[vector<16xi32>], vector<16xf32>,
      %parallel_loop3A_26 = arith.constant 3 : i32
      %parallel_loop3A_27 = vector.broadcast %parallel_loop3A_26 : i32 to vector<16xi32>
      %parallel_loop3A_28 = arith.addi %parallel_loop3A_13, %parallel_loop3A_27 : vector<16xi32>
      %parallel_loop3A_29 = tpu.vector_load_idx %arg4[%parallel_loop3A_28] : memref<32768xf32, #tpu.memory_space<vmem>>[vector<16xi32>], vector<16xf32>,
      %parallel_loop3A_30 = arith.constant 4 : i32
      %parallel_loop3A_31 = vector.broadcast %parallel_loop3A_30 : i32 to vector<16xi32>
      %parallel_loop3A_32 = arith.addi %parallel_loop3A_13, %parallel_loop3A_31 : vector<16xi32>
      %parallel_loop3A_33 = tpu.vector_load_idx %arg4[%parallel_loop3A_32] : memref<32768xf32, #tpu.memory_space<vmem>>[vector<16xi32>], vector<16xf32>,
      %parallel_loop3A_34 = arith.constant 5 : i32
      %parallel_loop3A_35 = vector.broadcast %parallel_loop3A_34 : i32 to vector<16xi32>
      %parallel_loop3A_36 = arith.addi %parallel_loop3A_13, %parallel_loop3A_35 : vector<16xi32>
      %parallel_loop3A_37 = tpu.vector_load_idx %arg4[%parallel_loop3A_36] : memref<32768xf32, #tpu.memory_space<vmem>>[vector<16xi32>], vector<16xf32>,
      %parallel_loop3A_38 = arith.constant 6 : i32
      %parallel_loop3A_39 = vector.broadcast %parallel_loop3A_38 : i32 to vector<16xi32>
      %parallel_loop3A_40 = arith.addi %parallel_loop3A_13, %parallel_loop3A_39 : vector<16xi32>
      %parallel_loop3A_41 = tpu.vector_load_idx %arg4[%parallel_loop3A_40] : memref<32768xf32, #tpu.memory_space<vmem>>[vector<16xi32>], vector<16xf32>,
      %parallel_loop3A_42 = arith.constant 7 : i32
      %parallel_loop3A_43 = vector.broadcast %parallel_loop3A_42 : i32 to vector<16xi32>
      %parallel_loop3A_44 = arith.addi %parallel_loop3A_13, %parallel_loop3A_43 : vector<16xi32>
      %parallel_loop3A_45 = tpu.vector_load_idx %arg4[%parallel_loop3A_44] : memref<32768xf32, #tpu.memory_space<vmem>>[vector<16xi32>], vector<16xf32>,
      %parallel_loop3A_46 = arith.constant 8 : i32
      %parallel_loop3A_47 = vector.broadcast %parallel_loop3A_46 : i32 to vector<16xi32>
      %parallel_loop3A_48 = arith.addi %parallel_loop3A_13, %parallel_loop3A_47 : vector<16xi32>
      %parallel_loop3A_49 = tpu.vector_load_idx %arg4[%parallel_loop3A_48] : memref<32768xf32, #tpu.memory_space<vmem>>[vector<16xi32>], vector<16xf32>,
      %parallel_loop3A_50 = arith.constant 9 : i32
      %parallel_loop3A_51 = vector.broadcast %parallel_loop3A_50 : i32 to vector<16xi32>
      %parallel_loop3A_52 = arith.addi %parallel_loop3A_13, %parallel_loop3A_51 : vector<16xi32>
      %parallel_loop3A_53 = tpu.vector_load_idx %arg4[%parallel_loop3A_52] : memref<32768xf32, #tpu.memory_space<vmem>>[vector<16xi32>], vector<16xf32>,
      %parallel_loop3A_54 = arith.constant 10 : i32
      %parallel_loop3A_55 = vector.broadcast %parallel_loop3A_54 : i32 to vector<16xi32>
      %parallel_loop3A_56 = arith.addi %parallel_loop3A_13, %parallel_loop3A_55 : vector<16xi32>
      %parallel_loop3A_57 = tpu.vector_load_idx %arg4[%parallel_loop3A_56] : memref<32768xf32, #tpu.memory_space<vmem>>[vector<16xi32>], vector<16xf32>,
      %parallel_loop3A_58 = arith.constant 11 : i32
      %parallel_loop3A_59 = vector.broadcast %parallel_loop3A_58 : i32 to vector<16xi32>
      %parallel_loop3A_60 = arith.addi %parallel_loop3A_13, %parallel_loop3A_59 : vector<16xi32>
      %parallel_loop3A_61 = tpu.vector_load_idx %arg4[%parallel_loop3A_60] : memref<32768xf32, #tpu.memory_space<vmem>>[vector<16xi32>], vector<16xf32>,
      %parallel_loop3A_62 = arith.constant 12 : i32
      %parallel_loop3A_63 = vector.broadcast %parallel_loop3A_62 : i32 to vector<16xi32>
      %parallel_loop3A_64 = arith.addi %parallel_loop3A_13, %parallel_loop3A_63 : vector<16xi32>
      %parallel_loop3A_65 = tpu.vector_load_idx %arg4[%parallel_loop3A_64] : memref<32768xf32, #tpu.memory_space<vmem>>[vector<16xi32>], vector<16xf32>,
      %parallel_loop3A_66 = arith.constant 13 : i32
      %parallel_loop3A_67 = vector.broadcast %parallel_loop3A_66 : i32 to vector<16xi32>
      %parallel_loop3A_68 = arith.addi %parallel_loop3A_13, %parallel_loop3A_67 : vector<16xi32>
      %parallel_loop3A_69 = tpu.vector_load_idx %arg4[%parallel_loop3A_68] : memref<32768xf32, #tpu.memory_space<vmem>>[vector<16xi32>], vector<16xf32>,
      %parallel_loop3A_70 = arith.constant 14 : i32
      %parallel_loop3A_71 = vector.broadcast %parallel_loop3A_70 : i32 to vector<16xi32>
      %parallel_loop3A_72 = arith.addi %parallel_loop3A_13, %parallel_loop3A_71 : vector<16xi32>
      %parallel_loop3A_73 = tpu.vector_load_idx %arg4[%parallel_loop3A_72] : memref<32768xf32, #tpu.memory_space<vmem>>[vector<16xi32>], vector<16xf32>,
      %parallel_loop3A_74 = arith.constant 15 : i32
      %parallel_loop3A_75 = vector.broadcast %parallel_loop3A_74 : i32 to vector<16xi32>
      %parallel_loop3A_76 = arith.addi %parallel_loop3A_13, %parallel_loop3A_75 : vector<16xi32>
      %parallel_loop3A_77 = tpu.vector_load_idx %arg4[%parallel_loop3A_76] : memref<32768xf32, #tpu.memory_space<vmem>>[vector<16xi32>], vector<16xf32>,
      %parallel_loop3A_78 = arith.constant 16 : i32
      %parallel_loop3A_79 = vector.broadcast %parallel_loop3A_78 : i32 to vector<16xi32>
      %parallel_loop3A_80 = arith.addi %parallel_loop3A_13, %parallel_loop3A_79 : vector<16xi32>
      %parallel_loop3A_81 = tpu.vector_load_idx %arg4[%parallel_loop3A_80] : memref<32768xf32, #tpu.memory_space<vmem>>[vector<16xi32>], vector<16xf32>,
      %parallel_loop3A_82 = arith.constant 17 : i32
      %parallel_loop3A_83 = vector.broadcast %parallel_loop3A_82 : i32 to vector<16xi32>
      %parallel_loop3A_84 = arith.addi %parallel_loop3A_13, %parallel_loop3A_83 : vector<16xi32>
      %parallel_loop3A_85 = tpu.vector_load_idx %arg4[%parallel_loop3A_84] : memref<32768xf32, #tpu.memory_space<vmem>>[vector<16xi32>], vector<16xf32>,
      %parallel_loop3A_86 = arith.constant 18 : i32
      %parallel_loop3A_87 = vector.broadcast %parallel_loop3A_86 : i32 to vector<16xi32>
      %parallel_loop3A_88 = arith.addi %parallel_loop3A_13, %parallel_loop3A_87 : vector<16xi32>
      %parallel_loop3A_89 = tpu.vector_load_idx %arg4[%parallel_loop3A_88] : memref<32768xf32, #tpu.memory_space<vmem>>[vector<16xi32>], vector<16xf32>,
      %parallel_loop3A_90 = arith.constant 19 : i32
      %parallel_loop3A_91 = vector.broadcast %parallel_loop3A_90 : i32 to vector<16xi32>
      %parallel_loop3A_92 = arith.addi %parallel_loop3A_13, %parallel_loop3A_91 : vector<16xi32>
      %parallel_loop3A_93 = tpu.vector_load_idx %arg4[%parallel_loop3A_92] : memref<32768xf32, #tpu.memory_space<vmem>>[vector<16xi32>], vector<16xf32>,
      %parallel_loop3A_94 = arith.constant 20 : i32
      %parallel_loop3A_95 = vector.broadcast %parallel_loop3A_94 : i32 to vector<16xi32>
      %parallel_loop3A_96 = arith.addi %parallel_loop3A_13, %parallel_loop3A_95 : vector<16xi32>
      %parallel_loop3A_97 = tpu.vector_load_idx %arg4[%parallel_loop3A_96] : memref<32768xf32, #tpu.memory_space<vmem>>[vector<16xi32>], vector<16xf32>,
      %parallel_loop3A_98 = arith.constant 21 : i32
      %parallel_loop3A_99 = vector.broadcast %parallel_loop3A_98 : i32 to vector<16xi32>
      %parallel_loop3A_100 = arith.addi %parallel_loop3A_13, %parallel_loop3A_99 : vector<16xi32>
      %parallel_loop3A_101 = tpu.vector_load_idx %arg4[%parallel_loop3A_100] : memref<32768xf32, #tpu.memory_space<vmem>>[vector<16xi32>], vector<16xf32>,
      %parallel_loop3A_102 = arith.constant 22 : i32
      %parallel_loop3A_103 = vector.broadcast %parallel_loop3A_102 : i32 to vector<16xi32>
      %parallel_loop3A_104 = arith.addi %parallel_loop3A_13, %parallel_loop3A_103 : vector<16xi32>
      %parallel_loop3A_105 = tpu.vector_load_idx %arg4[%parallel_loop3A_104] : memref<32768xf32, #tpu.memory_space<vmem>>[vector<16xi32>], vector<16xf32>,
      %parallel_loop3A_106 = arith.constant 23 : i32
      %parallel_loop3A_107 = vector.broadcast %parallel_loop3A_106 : i32 to vector<16xi32>
      %parallel_loop3A_108 = arith.addi %parallel_loop3A_13, %parallel_loop3A_107 : vector<16xi32>
      %parallel_loop3A_109 = tpu.vector_load_idx %arg4[%parallel_loop3A_108] : memref<32768xf32, #tpu.memory_space<vmem>>[vector<16xi32>], vector<16xf32>,
      %parallel_loop3A_110 = arith.constant 24 : i32
      %parallel_loop3A_111 = vector.broadcast %parallel_loop3A_110 : i32 to vector<16xi32>
      %parallel_loop3A_112 = arith.addi %parallel_loop3A_13, %parallel_loop3A_111 : vector<16xi32>
      %parallel_loop3A_113 = tpu.vector_load_idx %arg4[%parallel_loop3A_112] : memref<32768xf32, #tpu.memory_space<vmem>>[vector<16xi32>], vector<16xf32>,
      %parallel_loop3A_114 = arith.constant 25 : i32
      %parallel_loop3A_115 = vector.broadcast %parallel_loop3A_114 : i32 to vector<16xi32>
      %parallel_loop3A_116 = arith.addi %parallel_loop3A_13, %parallel_loop3A_115 : vector<16xi32>
      %parallel_loop3A_117 = tpu.vector_load_idx %arg4[%parallel_loop3A_116] : memref<32768xf32, #tpu.memory_space<vmem>>[vector<16xi32>], vector<16xf32>,
      %parallel_loop3A_118 = arith.constant 26 : i32
      %parallel_loop3A_119 = vector.broadcast %parallel_loop3A_118 : i32 to vector<16xi32>
      %parallel_loop3A_120 = arith.addi %parallel_loop3A_13, %parallel_loop3A_119 : vector<16xi32>
      %parallel_loop3A_121 = tpu.vector_load_idx %arg4[%parallel_loop3A_120] : memref<32768xf32, #tpu.memory_space<vmem>>[vector<16xi32>], vector<16xf32>,
      %parallel_loop3A_122 = arith.constant 27 : i32
      %parallel_loop3A_123 = vector.broadcast %parallel_loop3A_122 : i32 to vector<16xi32>
      %parallel_loop3A_124 = arith.addi %parallel_loop3A_13, %parallel_loop3A_123 : vector<16xi32>
      %parallel_loop3A_125 = tpu.vector_load_idx %arg4[%parallel_loop3A_124] : memref<32768xf32, #tpu.memory_space<vmem>>[vector<16xi32>], vector<16xf32>,
      %parallel_loop3A_126 = arith.constant 28 : i32
      %parallel_loop3A_127 = vector.broadcast %parallel_loop3A_126 : i32 to vector<16xi32>
      %parallel_loop3A_128 = arith.addi %parallel_loop3A_13, %parallel_loop3A_127 : vector<16xi32>
      %parallel_loop3A_129 = tpu.vector_load_idx %arg4[%parallel_loop3A_128] : memref<32768xf32, #tpu.memory_space<vmem>>[vector<16xi32>], vector<16xf32>,
      %parallel_loop3A_130 = arith.constant 29 : i32
      %parallel_loop3A_131 = vector.broadcast %parallel_loop3A_130 : i32 to vector<16xi32>
      %parallel_loop3A_132 = arith.addi %parallel_loop3A_13, %parallel_loop3A_131 : vector<16xi32>
      %parallel_loop3A_133 = tpu.vector_load_idx %arg4[%parallel_loop3A_132] : memref<32768xf32, #tpu.memory_space<vmem>>[vector<16xi32>], vector<16xf32>,
      %parallel_loop3A_134 = arith.constant 30 : i32
      %parallel_loop3A_135 = vector.broadcast %parallel_loop3A_134 : i32 to vector<16xi32>
      %parallel_loop3A_136 = arith.addi %parallel_loop3A_13, %parallel_loop3A_135 : vector<16xi32>
      %parallel_loop3A_137 = tpu.vector_load_idx %arg4[%parallel_loop3A_136] : memref<32768xf32, #tpu.memory_space<vmem>>[vector<16xi32>], vector<16xf32>,
      %parallel_loop3A_138 = arith.constant 31 : i32
      %parallel_loop3A_139 = vector.broadcast %parallel_loop3A_138 : i32 to vector<16xi32>
      %parallel_loop3A_140 = arith.addi %parallel_loop3A_13, %parallel_loop3A_139 : vector<16xi32>
      %parallel_loop3A_141 = tpu.vector_load_idx %arg4[%parallel_loop3A_140] : memref<32768xf32, #tpu.memory_space<vmem>>[vector<16xi32>], vector<16xf32>,
      %parallel_loop3A_142 = arith.constant 32 : i32
      %parallel_loop3A_143 = vector.broadcast %parallel_loop3A_142 : i32 to vector<16xi32>
      %parallel_loop3A_144 = arith.addi %parallel_loop3A_13, %parallel_loop3A_143 : vector<16xi32>
      %parallel_loop3A_145 = tpu.vector_load_idx %arg4[%parallel_loop3A_144] : memref<32768xf32, #tpu.memory_space<vmem>>[vector<16xi32>], vector<16xf32>,
      %parallel_loop3A_146 = arith.constant 33 : i32
      %parallel_loop3A_147 = vector.broadcast %parallel_loop3A_146 : i32 to vector<16xi32>
      %parallel_loop3A_148 = arith.addi %parallel_loop3A_13, %parallel_loop3A_147 : vector<16xi32>
      %parallel_loop3A_149 = tpu.vector_load_idx %arg4[%parallel_loop3A_148] : memref<32768xf32, #tpu.memory_space<vmem>>[vector<16xi32>], vector<16xf32>,
      %parallel_loop3A_150 = arith.constant 34 : i32
      %parallel_loop3A_151 = vector.broadcast %parallel_loop3A_150 : i32 to vector<16xi32>
      %parallel_loop3A_152 = arith.addi %parallel_loop3A_13, %parallel_loop3A_151 : vector<16xi32>
      %parallel_loop3A_153 = tpu.vector_load_idx %arg4[%parallel_loop3A_152] : memref<32768xf32, #tpu.memory_space<vmem>>[vector<16xi32>], vector<16xf32>,
      %parallel_loop3A_154 = arith.constant 35 : i32
      %parallel_loop3A_155 = vector.broadcast %parallel_loop3A_154 : i32 to vector<16xi32>
      %parallel_loop3A_156 = arith.addi %parallel_loop3A_13, %parallel_loop3A_155 : vector<16xi32>
      %parallel_loop3A_157 = tpu.vector_load_idx %arg4[%parallel_loop3A_156] : memref<32768xf32, #tpu.memory_space<vmem>>[vector<16xi32>], vector<16xf32>,
      %parallel_loop3A_158 = arith.constant 36 : i32
      %parallel_loop3A_159 = vector.broadcast %parallel_loop3A_158 : i32 to vector<16xi32>
      %parallel_loop3A_160 = arith.addi %parallel_loop3A_13, %parallel_loop3A_159 : vector<16xi32>
      %parallel_loop3A_161 = tpu.vector_load_idx %arg4[%parallel_loop3A_160] : memref<32768xf32, #tpu.memory_space<vmem>>[vector<16xi32>], vector<16xf32>,
      %parallel_loop3A_162 = arith.constant 37 : i32
      %parallel_loop3A_163 = vector.broadcast %parallel_loop3A_162 : i32 to vector<16xi32>
      %parallel_loop3A_164 = arith.addi %parallel_loop3A_13, %parallel_loop3A_163 : vector<16xi32>
      %parallel_loop3A_165 = tpu.vector_load_idx %arg4[%parallel_loop3A_164] : memref<32768xf32, #tpu.memory_space<vmem>>[vector<16xi32>], vector<16xf32>,
      %parallel_loop3A_166 = arith.constant 38 : i32
      %parallel_loop3A_167 = vector.broadcast %parallel_loop3A_166 : i32 to vector<16xi32>
      %parallel_loop3A_168 = arith.addi %parallel_loop3A_13, %parallel_loop3A_167 : vector<16xi32>
      %parallel_loop3A_169 = tpu.vector_load_idx %arg4[%parallel_loop3A_168] : memref<32768xf32, #tpu.memory_space<vmem>>[vector<16xi32>], vector<16xf32>,
      %parallel_loop3A_170 = arith.constant 39 : i32
      %parallel_loop3A_171 = vector.broadcast %parallel_loop3A_170 : i32 to vector<16xi32>
      %parallel_loop3A_172 = arith.addi %parallel_loop3A_13, %parallel_loop3A_171 : vector<16xi32>
      %parallel_loop3A_173 = tpu.vector_load_idx %arg4[%parallel_loop3A_172] : memref<32768xf32, #tpu.memory_space<vmem>>[vector<16xi32>], vector<16xf32>,
      %parallel_loop3A_174 = arith.constant 40 : i32
      %parallel_loop3A_175 = vector.broadcast %parallel_loop3A_174 : i32 to vector<16xi32>
      %parallel_loop3A_176 = arith.addi %parallel_loop3A_13, %parallel_loop3A_175 : vector<16xi32>
      %parallel_loop3A_177 = tpu.vector_load_idx %arg4[%parallel_loop3A_176] : memref<32768xf32, #tpu.memory_space<vmem>>[vector<16xi32>], vector<16xf32>,
      %parallel_loop3A_178 = arith.constant 41 : i32
      %parallel_loop3A_179 = vector.broadcast %parallel_loop3A_178 : i32 to vector<16xi32>
      %parallel_loop3A_180 = arith.addi %parallel_loop3A_13, %parallel_loop3A_179 : vector<16xi32>
      %parallel_loop3A_181 = tpu.vector_load_idx %arg4[%parallel_loop3A_180] : memref<32768xf32, #tpu.memory_space<vmem>>[vector<16xi32>], vector<16xf32>,
      %parallel_loop3A_182 = arith.constant 42 : i32
      %parallel_loop3A_183 = vector.broadcast %parallel_loop3A_182 : i32 to vector<16xi32>
      %parallel_loop3A_184 = arith.addi %parallel_loop3A_13, %parallel_loop3A_183 : vector<16xi32>
      %parallel_loop3A_185 = tpu.vector_load_idx %arg4[%parallel_loop3A_184] : memref<32768xf32, #tpu.memory_space<vmem>>[vector<16xi32>], vector<16xf32>,
      %parallel_loop3A_186 = arith.constant 43 : i32
      %parallel_loop3A_187 = vector.broadcast %parallel_loop3A_186 : i32 to vector<16xi32>
      %parallel_loop3A_188 = arith.addi %parallel_loop3A_13, %parallel_loop3A_187 : vector<16xi32>
      %parallel_loop3A_189 = tpu.vector_load_idx %arg4[%parallel_loop3A_188] : memref<32768xf32, #tpu.memory_space<vmem>>[vector<16xi32>], vector<16xf32>,
      %parallel_loop3A_190 = arith.constant 44 : i32
      %parallel_loop3A_191 = vector.broadcast %parallel_loop3A_190 : i32 to vector<16xi32>
      %parallel_loop3A_192 = arith.addi %parallel_loop3A_13, %parallel_loop3A_191 : vector<16xi32>
      %parallel_loop3A_193 = tpu.vector_load_idx %arg4[%parallel_loop3A_192] : memref<32768xf32, #tpu.memory_space<vmem>>[vector<16xi32>], vector<16xf32>,
      %parallel_loop3A_194 = arith.constant 45 : i32
      %parallel_loop3A_195 = vector.broadcast %parallel_loop3A_194 : i32 to vector<16xi32>
      %parallel_loop3A_196 = arith.addi %parallel_loop3A_13, %parallel_loop3A_195 : vector<16xi32>
      %parallel_loop3A_197 = tpu.vector_load_idx %arg4[%parallel_loop3A_196] : memref<32768xf32, #tpu.memory_space<vmem>>[vector<16xi32>], vector<16xf32>,
      %parallel_loop3A_198 = arith.constant 46 : i32
      %parallel_loop3A_199 = vector.broadcast %parallel_loop3A_198 : i32 to vector<16xi32>
      %parallel_loop3A_200 = arith.addi %parallel_loop3A_13, %parallel_loop3A_199 : vector<16xi32>
      %parallel_loop3A_201 = tpu.vector_load_idx %arg4[%parallel_loop3A_200] : memref<32768xf32, #tpu.memory_space<vmem>>[vector<16xi32>], vector<16xf32>,
      %parallel_loop3A_202 = arith.constant 47 : i32
      %parallel_loop3A_203 = vector.broadcast %parallel_loop3A_202 : i32 to vector<16xi32>
      %parallel_loop3A_204 = arith.addi %parallel_loop3A_13, %parallel_loop3A_203 : vector<16xi32>
      %parallel_loop3A_205 = tpu.vector_load_idx %arg4[%parallel_loop3A_204] : memref<32768xf32, #tpu.memory_space<vmem>>[vector<16xi32>], vector<16xf32>,
      %parallel_loop3A_206 = arith.constant 48 : i32
      %parallel_loop3A_207 = vector.broadcast %parallel_loop3A_206 : i32 to vector<16xi32>
      %parallel_loop3A_208 = arith.addi %parallel_loop3A_13, %parallel_loop3A_207 : vector<16xi32>
      %parallel_loop3A_209 = tpu.vector_load_idx %arg4[%parallel_loop3A_208] : memref<32768xf32, #tpu.memory_space<vmem>>[vector<16xi32>], vector<16xf32>,
      %parallel_loop3A_210 = arith.constant 49 : i32
      %parallel_loop3A_211 = vector.broadcast %parallel_loop3A_210 : i32 to vector<16xi32>
      %parallel_loop3A_212 = arith.addi %parallel_loop3A_13, %parallel_loop3A_211 : vector<16xi32>
      %parallel_loop3A_213 = tpu.vector_load_idx %arg4[%parallel_loop3A_212] : memref<32768xf32, #tpu.memory_space<vmem>>[vector<16xi32>], vector<16xf32>,
      %parallel_loop3A_214 = arith.constant 50 : i32
      %parallel_loop3A_215 = vector.broadcast %parallel_loop3A_214 : i32 to vector<16xi32>
      %parallel_loop3A_216 = arith.addi %parallel_loop3A_13, %parallel_loop3A_215 : vector<16xi32>
      %parallel_loop3A_217 = tpu.vector_load_idx %arg4[%parallel_loop3A_216] : memref<32768xf32, #tpu.memory_space<vmem>>[vector<16xi32>], vector<16xf32>,
      %parallel_loop3A_218 = arith.constant 51 : i32
      %parallel_loop3A_219 = vector.broadcast %parallel_loop3A_218 : i32 to vector<16xi32>
      %parallel_loop3A_220 = arith.addi %parallel_loop3A_13, %parallel_loop3A_219 : vector<16xi32>
      %parallel_loop3A_221 = tpu.vector_load_idx %arg4[%parallel_loop3A_220] : memref<32768xf32, #tpu.memory_space<vmem>>[vector<16xi32>], vector<16xf32>,
      %parallel_loop3A_222 = arith.constant 52 : i32
      %parallel_loop3A_223 = vector.broadcast %parallel_loop3A_222 : i32 to vector<16xi32>
      %parallel_loop3A_224 = arith.addi %parallel_loop3A_13, %parallel_loop3A_223 : vector<16xi32>
      %parallel_loop3A_225 = tpu.vector_load_idx %arg4[%parallel_loop3A_224] : memref<32768xf32, #tpu.memory_space<vmem>>[vector<16xi32>], vector<16xf32>,
      %parallel_loop3A_226 = arith.constant 53 : i32
      %parallel_loop3A_227 = vector.broadcast %parallel_loop3A_226 : i32 to vector<16xi32>
      %parallel_loop3A_228 = arith.addi %parallel_loop3A_13, %parallel_loop3A_227 : vector<16xi32>
      %parallel_loop3A_229 = tpu.vector_load_idx %arg4[%parallel_loop3A_228] : memref<32768xf32, #tpu.memory_space<vmem>>[vector<16xi32>], vector<16xf32>,
      %parallel_loop3A_230 = arith.constant 54 : i32
      %parallel_loop3A_231 = vector.broadcast %parallel_loop3A_230 : i32 to vector<16xi32>
      %parallel_loop3A_232 = arith.addi %parallel_loop3A_13, %parallel_loop3A_231 : vector<16xi32>
      %parallel_loop3A_233 = tpu.vector_load_idx %arg4[%parallel_loop3A_232] : memref<32768xf32, #tpu.memory_space<vmem>>[vector<16xi32>], vector<16xf32>,
      %parallel_loop3A_234 = arith.constant 55 : i32
      %parallel_loop3A_235 = vector.broadcast %parallel_loop3A_234 : i32 to vector<16xi32>
      %parallel_loop3A_236 = arith.addi %parallel_loop3A_13, %parallel_loop3A_235 : vector<16xi32>
      %parallel_loop3A_237 = tpu.vector_load_idx %arg4[%parallel_loop3A_236] : memref<32768xf32, #tpu.memory_space<vmem>>[vector<16xi32>], vector<16xf32>,
      %parallel_loop3A_238 = arith.constant 56 : i32
      %parallel_loop3A_239 = vector.broadcast %parallel_loop3A_238 : i32 to vector<16xi32>
      %parallel_loop3A_240 = arith.addi %parallel_loop3A_13, %parallel_loop3A_239 : vector<16xi32>
      %parallel_loop3A_241 = tpu.vector_load_idx %arg4[%parallel_loop3A_240] : memref<32768xf32, #tpu.memory_space<vmem>>[vector<16xi32>], vector<16xf32>,
      %parallel_loop3A_242 = arith.constant 57 : i32
      %parallel_loop3A_243 = vector.broadcast %parallel_loop3A_242 : i32 to vector<16xi32>
      %parallel_loop3A_244 = arith.addi %parallel_loop3A_13, %parallel_loop3A_243 : vector<16xi32>
      %parallel_loop3A_245 = tpu.vector_load_idx %arg4[%parallel_loop3A_244] : memref<32768xf32, #tpu.memory_space<vmem>>[vector<16xi32>], vector<16xf32>,
      %parallel_loop3A_246 = arith.constant 58 : i32
      %parallel_loop3A_247 = vector.broadcast %parallel_loop3A_246 : i32 to vector<16xi32>
      %parallel_loop3A_248 = arith.addi %parallel_loop3A_13, %parallel_loop3A_247 : vector<16xi32>
      %parallel_loop3A_249 = tpu.vector_load_idx %arg4[%parallel_loop3A_248] : memref<32768xf32, #tpu.memory_space<vmem>>[vector<16xi32>], vector<16xf32>,
      %parallel_loop3A_250 = arith.constant 59 : i32
      %parallel_loop3A_251 = vector.broadcast %parallel_loop3A_250 : i32 to vector<16xi32>
      %parallel_loop3A_252 = arith.addi %parallel_loop3A_13, %parallel_loop3A_251 : vector<16xi32>
      %parallel_loop3A_253 = tpu.vector_load_idx %arg4[%parallel_loop3A_252] : memref<32768xf32, #tpu.memory_space<vmem>>[vector<16xi32>], vector<16xf32>,
      %parallel_loop3A_254 = arith.constant 60 : i32
      %parallel_loop3A_255 = vector.broadcast %parallel_loop3A_254 : i32 to vector<16xi32>
      %parallel_loop3A_256 = arith.addi %parallel_loop3A_13, %parallel_loop3A_255 : vector<16xi32>
      %parallel_loop3A_257 = tpu.vector_load_idx %arg4[%parallel_loop3A_256] : memref<32768xf32, #tpu.memory_space<vmem>>[vector<16xi32>], vector<16xf32>,
      %parallel_loop3A_258 = arith.constant 61 : i32
      %parallel_loop3A_259 = vector.broadcast %parallel_loop3A_258 : i32 to vector<16xi32>
      %parallel_loop3A_260 = arith.addi %parallel_loop3A_13, %parallel_loop3A_259 : vector<16xi32>
      %parallel_loop3A_261 = tpu.vector_load_idx %arg4[%parallel_loop3A_260] : memref<32768xf32, #tpu.memory_space<vmem>>[vector<16xi32>], vector<16xf32>,
      %parallel_loop3A_262 = arith.constant 62 : i32
      %parallel_loop3A_263 = vector.broadcast %parallel_loop3A_262 : i32 to vector<16xi32>
      %parallel_loop3A_264 = arith.addi %parallel_loop3A_13, %parallel_loop3A_263 : vector<16xi32>
      %parallel_loop3A_265 = tpu.vector_load_idx %arg4[%parallel_loop3A_264] : memref<32768xf32, #tpu.memory_space<vmem>>[vector<16xi32>], vector<16xf32>,
      %parallel_loop3A_266 = arith.constant 63 : i32
      %parallel_loop3A_267 = vector.broadcast %parallel_loop3A_266 : i32 to vector<16xi32>
      %parallel_loop3A_268 = arith.addi %parallel_loop3A_13, %parallel_loop3A_267 : vector<16xi32>
      %parallel_loop3A_269 = tpu.vector_load_idx %arg4[%parallel_loop3A_268] : memref<32768xf32, #tpu.memory_space<vmem>>[vector<16xi32>], vector<16xf32>,
      %parallel_loop3A_270 = arith.maximumf %parallel_loop3A_17, %parallel_loop3A_21 : vector<16xf32>
      %parallel_loop3A_271 = arith.minimumf %parallel_loop3A_17, %parallel_loop3A_21 : vector<16xf32>
      %parallel_loop3A_272 = arith.maximumf %parallel_loop3A_25, %parallel_loop3A_29 : vector<16xf32>
      %parallel_loop3A_273 = arith.minimumf %parallel_loop3A_25, %parallel_loop3A_29 : vector<16xf32>
      %parallel_loop3A_274 = arith.maximumf %parallel_loop3A_33, %parallel_loop3A_37 : vector<16xf32>
      %parallel_loop3A_275 = arith.minimumf %parallel_loop3A_33, %parallel_loop3A_37 : vector<16xf32>
      %parallel_loop3A_276 = arith.maximumf %parallel_loop3A_41, %parallel_loop3A_45 : vector<16xf32>
      %parallel_loop3A_277 = arith.minimumf %parallel_loop3A_41, %parallel_loop3A_45 : vector<16xf32>
      %parallel_loop3A_278 = arith.maximumf %parallel_loop3A_270, %parallel_loop3A_272 : vector<16xf32>
      %parallel_loop3A_279 = arith.minimumf %parallel_loop3A_270, %parallel_loop3A_272 : vector<16xf32>
      %parallel_loop3A_280 = arith.maximumf %parallel_loop3A_271, %parallel_loop3A_273 : vector<16xf32>
      %parallel_loop3A_281 = arith.minimumf %parallel_loop3A_271, %parallel_loop3A_273 : vector<16xf32>
      %parallel_loop3A_282 = arith.maximumf %parallel_loop3A_274, %parallel_loop3A_276 : vector<16xf32>
      %parallel_loop3A_283 = arith.minimumf %parallel_loop3A_274, %parallel_loop3A_276 : vector<16xf32>
      %parallel_loop3A_284 = arith.maximumf %parallel_loop3A_275, %parallel_loop3A_277 : vector<16xf32>
      %parallel_loop3A_285 = arith.minimumf %parallel_loop3A_275, %parallel_loop3A_277 : vector<16xf32>
      %parallel_loop3A_286 = arith.maximumf %parallel_loop3A_280, %parallel_loop3A_279 : vector<16xf32>
      %parallel_loop3A_287 = arith.minimumf %parallel_loop3A_280, %parallel_loop3A_279 : vector<16xf32>
      %parallel_loop3A_288 = arith.maximumf %parallel_loop3A_284, %parallel_loop3A_283 : vector<16xf32>
      %parallel_loop3A_289 = arith.minimumf %parallel_loop3A_284, %parallel_loop3A_283 : vector<16xf32>
      %parallel_loop3A_290 = arith.maximumf %parallel_loop3A_278, %parallel_loop3A_282 : vector<16xf32>
      %parallel_loop3A_291 = arith.minimumf %parallel_loop3A_278, %parallel_loop3A_282 : vector<16xf32>
      %parallel_loop3A_292 = arith.maximumf %parallel_loop3A_286, %parallel_loop3A_288 : vector<16xf32>
      %parallel_loop3A_293 = arith.minimumf %parallel_loop3A_286, %parallel_loop3A_288 : vector<16xf32>
      %parallel_loop3A_294 = arith.maximumf %parallel_loop3A_287, %parallel_loop3A_289 : vector<16xf32>
      %parallel_loop3A_295 = arith.minimumf %parallel_loop3A_287, %parallel_loop3A_289 : vector<16xf32>
      %parallel_loop3A_296 = arith.maximumf %parallel_loop3A_281, %parallel_loop3A_285 : vector<16xf32>
      %parallel_loop3A_297 = arith.minimumf %parallel_loop3A_281, %parallel_loop3A_285 : vector<16xf32>
      %parallel_loop3A_298 = arith.maximumf %parallel_loop3A_294, %parallel_loop3A_291 : vector<16xf32>
      %parallel_loop3A_299 = arith.minimumf %parallel_loop3A_294, %parallel_loop3A_291 : vector<16xf32>
      %parallel_loop3A_300 = arith.maximumf %parallel_loop3A_296, %parallel_loop3A_293 : vector<16xf32>
      %parallel_loop3A_301 = arith.minimumf %parallel_loop3A_296, %parallel_loop3A_293 : vector<16xf32>
      %parallel_loop3A_302 = arith.maximumf %parallel_loop3A_292, %parallel_loop3A_298 : vector<16xf32>
      %parallel_loop3A_303 = arith.minimumf %parallel_loop3A_292, %parallel_loop3A_298 : vector<16xf32>
      %parallel_loop3A_304 = arith.maximumf %parallel_loop3A_300, %parallel_loop3A_299 : vector<16xf32>
      %parallel_loop3A_305 = arith.minimumf %parallel_loop3A_300, %parallel_loop3A_299 : vector<16xf32>
      %parallel_loop3A_306 = arith.maximumf %parallel_loop3A_301, %parallel_loop3A_295 : vector<16xf32>
      %parallel_loop3A_307 = arith.minimumf %parallel_loop3A_301, %parallel_loop3A_295 : vector<16xf32>
      %parallel_loop3A_308 = arith.maximumf %parallel_loop3A_49, %parallel_loop3A_53 : vector<16xf32>
      %parallel_loop3A_309 = arith.minimumf %parallel_loop3A_49, %parallel_loop3A_53 : vector<16xf32>
      %parallel_loop3A_310 = arith.maximumf %parallel_loop3A_57, %parallel_loop3A_61 : vector<16xf32>
      %parallel_loop3A_311 = arith.minimumf %parallel_loop3A_57, %parallel_loop3A_61 : vector<16xf32>
      %parallel_loop3A_312 = arith.maximumf %parallel_loop3A_65, %parallel_loop3A_69 : vector<16xf32>
      %parallel_loop3A_313 = arith.minimumf %parallel_loop3A_65, %parallel_loop3A_69 : vector<16xf32>
      %parallel_loop3A_314 = arith.maximumf %parallel_loop3A_73, %parallel_loop3A_77 : vector<16xf32>
      %parallel_loop3A_315 = arith.minimumf %parallel_loop3A_73, %parallel_loop3A_77 : vector<16xf32>
      %parallel_loop3A_316 = arith.maximumf %parallel_loop3A_308, %parallel_loop3A_310 : vector<16xf32>
      %parallel_loop3A_317 = arith.minimumf %parallel_loop3A_308, %parallel_loop3A_310 : vector<16xf32>
      %parallel_loop3A_318 = arith.maximumf %parallel_loop3A_309, %parallel_loop3A_311 : vector<16xf32>
      %parallel_loop3A_319 = arith.minimumf %parallel_loop3A_309, %parallel_loop3A_311 : vector<16xf32>
      %parallel_loop3A_320 = arith.maximumf %parallel_loop3A_312, %parallel_loop3A_314 : vector<16xf32>
      %parallel_loop3A_321 = arith.minimumf %parallel_loop3A_312, %parallel_loop3A_314 : vector<16xf32>
      %parallel_loop3A_322 = arith.maximumf %parallel_loop3A_313, %parallel_loop3A_315 : vector<16xf32>
      %parallel_loop3A_323 = arith.minimumf %parallel_loop3A_313, %parallel_loop3A_315 : vector<16xf32>
      %parallel_loop3A_324 = arith.maximumf %parallel_loop3A_318, %parallel_loop3A_317 : vector<16xf32>
      %parallel_loop3A_325 = arith.minimumf %parallel_loop3A_318, %parallel_loop3A_317 : vector<16xf32>
      %parallel_loop3A_326 = arith.maximumf %parallel_loop3A_322, %parallel_loop3A_321 : vector<16xf32>
      %parallel_loop3A_327 = arith.minimumf %parallel_loop3A_322, %parallel_loop3A_321 : vector<16xf32>
      %parallel_loop3A_328 = arith.maximumf %parallel_loop3A_316, %parallel_loop3A_320 : vector<16xf32>
      %parallel_loop3A_329 = arith.minimumf %parallel_loop3A_316, %parallel_loop3A_320 : vector<16xf32>
      %parallel_loop3A_330 = arith.maximumf %parallel_loop3A_324, %parallel_loop3A_326 : vector<16xf32>
      %parallel_loop3A_331 = arith.minimumf %parallel_loop3A_324, %parallel_loop3A_326 : vector<16xf32>
      %parallel_loop3A_332 = arith.maximumf %parallel_loop3A_325, %parallel_loop3A_327 : vector<16xf32>
      %parallel_loop3A_333 = arith.minimumf %parallel_loop3A_325, %parallel_loop3A_327 : vector<16xf32>
      %parallel_loop3A_334 = arith.maximumf %parallel_loop3A_319, %parallel_loop3A_323 : vector<16xf32>
      %parallel_loop3A_335 = arith.minimumf %parallel_loop3A_319, %parallel_loop3A_323 : vector<16xf32>
      %parallel_loop3A_336 = arith.maximumf %parallel_loop3A_332, %parallel_loop3A_329 : vector<16xf32>
      %parallel_loop3A_337 = arith.minimumf %parallel_loop3A_332, %parallel_loop3A_329 : vector<16xf32>
      %parallel_loop3A_338 = arith.maximumf %parallel_loop3A_334, %parallel_loop3A_331 : vector<16xf32>
      %parallel_loop3A_339 = arith.minimumf %parallel_loop3A_334, %parallel_loop3A_331 : vector<16xf32>
      %parallel_loop3A_340 = arith.maximumf %parallel_loop3A_330, %parallel_loop3A_336 : vector<16xf32>
      %parallel_loop3A_341 = arith.minimumf %parallel_loop3A_330, %parallel_loop3A_336 : vector<16xf32>
      %parallel_loop3A_342 = arith.maximumf %parallel_loop3A_338, %parallel_loop3A_337 : vector<16xf32>
      %parallel_loop3A_343 = arith.minimumf %parallel_loop3A_338, %parallel_loop3A_337 : vector<16xf32>
      %parallel_loop3A_344 = arith.maximumf %parallel_loop3A_339, %parallel_loop3A_333 : vector<16xf32>
      %parallel_loop3A_345 = arith.minimumf %parallel_loop3A_339, %parallel_loop3A_333 : vector<16xf32>
      %parallel_loop3A_346 = arith.maximumf %parallel_loop3A_81, %parallel_loop3A_85 : vector<16xf32>
      %parallel_loop3A_347 = arith.minimumf %parallel_loop3A_81, %parallel_loop3A_85 : vector<16xf32>
      %parallel_loop3A_348 = arith.maximumf %parallel_loop3A_89, %parallel_loop3A_93 : vector<16xf32>
      %parallel_loop3A_349 = arith.minimumf %parallel_loop3A_89, %parallel_loop3A_93 : vector<16xf32>
      %parallel_loop3A_350 = arith.maximumf %parallel_loop3A_97, %parallel_loop3A_101 : vector<16xf32>
      %parallel_loop3A_351 = arith.minimumf %parallel_loop3A_97, %parallel_loop3A_101 : vector<16xf32>
      %parallel_loop3A_352 = arith.maximumf %parallel_loop3A_105, %parallel_loop3A_109 : vector<16xf32>
      %parallel_loop3A_353 = arith.minimumf %parallel_loop3A_105, %parallel_loop3A_109 : vector<16xf32>
      %parallel_loop3A_354 = arith.maximumf %parallel_loop3A_346, %parallel_loop3A_348 : vector<16xf32>
      %parallel_loop3A_355 = arith.minimumf %parallel_loop3A_346, %parallel_loop3A_348 : vector<16xf32>
      %parallel_loop3A_356 = arith.maximumf %parallel_loop3A_347, %parallel_loop3A_349 : vector<16xf32>
      %parallel_loop3A_357 = arith.minimumf %parallel_loop3A_347, %parallel_loop3A_349 : vector<16xf32>
      %parallel_loop3A_358 = arith.maximumf %parallel_loop3A_350, %parallel_loop3A_352 : vector<16xf32>
      %parallel_loop3A_359 = arith.minimumf %parallel_loop3A_350, %parallel_loop3A_352 : vector<16xf32>
      %parallel_loop3A_360 = arith.maximumf %parallel_loop3A_351, %parallel_loop3A_353 : vector<16xf32>
      %parallel_loop3A_361 = arith.minimumf %parallel_loop3A_351, %parallel_loop3A_353 : vector<16xf32>
      %parallel_loop3A_362 = arith.maximumf %parallel_loop3A_356, %parallel_loop3A_355 : vector<16xf32>
      %parallel_loop3A_363 = arith.minimumf %parallel_loop3A_356, %parallel_loop3A_355 : vector<16xf32>
      %parallel_loop3A_364 = arith.maximumf %parallel_loop3A_360, %parallel_loop3A_359 : vector<16xf32>
      %parallel_loop3A_365 = arith.minimumf %parallel_loop3A_360, %parallel_loop3A_359 : vector<16xf32>
      %parallel_loop3A_366 = arith.maximumf %parallel_loop3A_354, %parallel_loop3A_358 : vector<16xf32>
      %parallel_loop3A_367 = arith.minimumf %parallel_loop3A_354, %parallel_loop3A_358 : vector<16xf32>
      %parallel_loop3A_368 = arith.maximumf %parallel_loop3A_362, %parallel_loop3A_364 : vector<16xf32>
      %parallel_loop3A_369 = arith.minimumf %parallel_loop3A_362, %parallel_loop3A_364 : vector<16xf32>
      %parallel_loop3A_370 = arith.maximumf %parallel_loop3A_363, %parallel_loop3A_365 : vector<16xf32>
      %parallel_loop3A_371 = arith.minimumf %parallel_loop3A_363, %parallel_loop3A_365 : vector<16xf32>
      %parallel_loop3A_372 = arith.maximumf %parallel_loop3A_357, %parallel_loop3A_361 : vector<16xf32>
      %parallel_loop3A_373 = arith.minimumf %parallel_loop3A_357, %parallel_loop3A_361 : vector<16xf32>
      %parallel_loop3A_374 = arith.maximumf %parallel_loop3A_370, %parallel_loop3A_367 : vector<16xf32>
      %parallel_loop3A_375 = arith.minimumf %parallel_loop3A_370, %parallel_loop3A_367 : vector<16xf32>
      %parallel_loop3A_376 = arith.maximumf %parallel_loop3A_372, %parallel_loop3A_369 : vector<16xf32>
      %parallel_loop3A_377 = arith.minimumf %parallel_loop3A_372, %parallel_loop3A_369 : vector<16xf32>
      %parallel_loop3A_378 = arith.maximumf %parallel_loop3A_368, %parallel_loop3A_374 : vector<16xf32>
      %parallel_loop3A_379 = arith.minimumf %parallel_loop3A_368, %parallel_loop3A_374 : vector<16xf32>
      %parallel_loop3A_380 = arith.maximumf %parallel_loop3A_376, %parallel_loop3A_375 : vector<16xf32>
      %parallel_loop3A_381 = arith.minimumf %parallel_loop3A_376, %parallel_loop3A_375 : vector<16xf32>
      %parallel_loop3A_382 = arith.maximumf %parallel_loop3A_377, %parallel_loop3A_371 : vector<16xf32>
      %parallel_loop3A_383 = arith.minimumf %parallel_loop3A_377, %parallel_loop3A_371 : vector<16xf32>
      %parallel_loop3A_384 = arith.maximumf %parallel_loop3A_113, %parallel_loop3A_117 : vector<16xf32>
      %parallel_loop3A_385 = arith.minimumf %parallel_loop3A_113, %parallel_loop3A_117 : vector<16xf32>
      %parallel_loop3A_386 = arith.maximumf %parallel_loop3A_121, %parallel_loop3A_125 : vector<16xf32>
      %parallel_loop3A_387 = arith.minimumf %parallel_loop3A_121, %parallel_loop3A_125 : vector<16xf32>
      %parallel_loop3A_388 = arith.maximumf %parallel_loop3A_129, %parallel_loop3A_133 : vector<16xf32>
      %parallel_loop3A_389 = arith.minimumf %parallel_loop3A_129, %parallel_loop3A_133 : vector<16xf32>
      %parallel_loop3A_390 = arith.maximumf %parallel_loop3A_137, %parallel_loop3A_141 : vector<16xf32>
      %parallel_loop3A_391 = arith.minimumf %parallel_loop3A_137, %parallel_loop3A_141 : vector<16xf32>
      %parallel_loop3A_392 = arith.maximumf %parallel_loop3A_384, %parallel_loop3A_386 : vector<16xf32>
      %parallel_loop3A_393 = arith.minimumf %parallel_loop3A_384, %parallel_loop3A_386 : vector<16xf32>
      %parallel_loop3A_394 = arith.maximumf %parallel_loop3A_385, %parallel_loop3A_387 : vector<16xf32>
      %parallel_loop3A_395 = arith.minimumf %parallel_loop3A_385, %parallel_loop3A_387 : vector<16xf32>
      %parallel_loop3A_396 = arith.maximumf %parallel_loop3A_388, %parallel_loop3A_390 : vector<16xf32>
      %parallel_loop3A_397 = arith.minimumf %parallel_loop3A_388, %parallel_loop3A_390 : vector<16xf32>
      %parallel_loop3A_398 = arith.maximumf %parallel_loop3A_389, %parallel_loop3A_391 : vector<16xf32>
      %parallel_loop3A_399 = arith.minimumf %parallel_loop3A_389, %parallel_loop3A_391 : vector<16xf32>
      %parallel_loop3A_400 = arith.maximumf %parallel_loop3A_394, %parallel_loop3A_393 : vector<16xf32>
      %parallel_loop3A_401 = arith.minimumf %parallel_loop3A_394, %parallel_loop3A_393 : vector<16xf32>
      %parallel_loop3A_402 = arith.maximumf %parallel_loop3A_398, %parallel_loop3A_397 : vector<16xf32>
      %parallel_loop3A_403 = arith.minimumf %parallel_loop3A_398, %parallel_loop3A_397 : vector<16xf32>
      %parallel_loop3A_404 = arith.maximumf %parallel_loop3A_392, %parallel_loop3A_396 : vector<16xf32>
      %parallel_loop3A_405 = arith.minimumf %parallel_loop3A_392, %parallel_loop3A_396 : vector<16xf32>
      %parallel_loop3A_406 = arith.maximumf %parallel_loop3A_400, %parallel_loop3A_402 : vector<16xf32>
      %parallel_loop3A_407 = arith.minimumf %parallel_loop3A_400, %parallel_loop3A_402 : vector<16xf32>
      %parallel_loop3A_408 = arith.maximumf %parallel_loop3A_401, %parallel_loop3A_403 : vector<16xf32>
      %parallel_loop3A_409 = arith.minimumf %parallel_loop3A_401, %parallel_loop3A_403 : vector<16xf32>
      %parallel_loop3A_410 = arith.maximumf %parallel_loop3A_395, %parallel_loop3A_399 : vector<16xf32>
      %parallel_loop3A_411 = arith.minimumf %parallel_loop3A_395, %parallel_loop3A_399 : vector<16xf32>
      %parallel_loop3A_412 = arith.maximumf %parallel_loop3A_408, %parallel_loop3A_405 : vector<16xf32>
      %parallel_loop3A_413 = arith.minimumf %parallel_loop3A_408, %parallel_loop3A_405 : vector<16xf32>
      %parallel_loop3A_414 = arith.maximumf %parallel_loop3A_410, %parallel_loop3A_407 : vector<16xf32>
      %parallel_loop3A_415 = arith.minimumf %parallel_loop3A_410, %parallel_loop3A_407 : vector<16xf32>
      %parallel_loop3A_416 = arith.maximumf %parallel_loop3A_406, %parallel_loop3A_412 : vector<16xf32>
      %parallel_loop3A_417 = arith.minimumf %parallel_loop3A_406, %parallel_loop3A_412 : vector<16xf32>
      %parallel_loop3A_418 = arith.maximumf %parallel_loop3A_414, %parallel_loop3A_413 : vector<16xf32>
      %parallel_loop3A_419 = arith.minimumf %parallel_loop3A_414, %parallel_loop3A_413 : vector<16xf32>
      %parallel_loop3A_420 = arith.maximumf %parallel_loop3A_415, %parallel_loop3A_409 : vector<16xf32>
      %parallel_loop3A_421 = arith.minimumf %parallel_loop3A_415, %parallel_loop3A_409 : vector<16xf32>
      %parallel_loop3A_422 = arith.maximumf %parallel_loop3A_145, %parallel_loop3A_149 : vector<16xf32>
      %parallel_loop3A_423 = arith.minimumf %parallel_loop3A_145, %parallel_loop3A_149 : vector<16xf32>
      %parallel_loop3A_424 = arith.maximumf %parallel_loop3A_153, %parallel_loop3A_157 : vector<16xf32>
      %parallel_loop3A_425 = arith.minimumf %parallel_loop3A_153, %parallel_loop3A_157 : vector<16xf32>
      %parallel_loop3A_426 = arith.maximumf %parallel_loop3A_161, %parallel_loop3A_165 : vector<16xf32>
      %parallel_loop3A_427 = arith.minimumf %parallel_loop3A_161, %parallel_loop3A_165 : vector<16xf32>
      %parallel_loop3A_428 = arith.maximumf %parallel_loop3A_169, %parallel_loop3A_173 : vector<16xf32>
      %parallel_loop3A_429 = arith.minimumf %parallel_loop3A_169, %parallel_loop3A_173 : vector<16xf32>
      %parallel_loop3A_430 = arith.maximumf %parallel_loop3A_422, %parallel_loop3A_424 : vector<16xf32>
      %parallel_loop3A_431 = arith.minimumf %parallel_loop3A_422, %parallel_loop3A_424 : vector<16xf32>
      %parallel_loop3A_432 = arith.maximumf %parallel_loop3A_423, %parallel_loop3A_425 : vector<16xf32>
      %parallel_loop3A_433 = arith.minimumf %parallel_loop3A_423, %parallel_loop3A_425 : vector<16xf32>
      %parallel_loop3A_434 = arith.maximumf %parallel_loop3A_426, %parallel_loop3A_428 : vector<16xf32>
      %parallel_loop3A_435 = arith.minimumf %parallel_loop3A_426, %parallel_loop3A_428 : vector<16xf32>
      %parallel_loop3A_436 = arith.maximumf %parallel_loop3A_427, %parallel_loop3A_429 : vector<16xf32>
      %parallel_loop3A_437 = arith.minimumf %parallel_loop3A_427, %parallel_loop3A_429 : vector<16xf32>
      %parallel_loop3A_438 = arith.maximumf %parallel_loop3A_432, %parallel_loop3A_431 : vector<16xf32>
      %parallel_loop3A_439 = arith.minimumf %parallel_loop3A_432, %parallel_loop3A_431 : vector<16xf32>
      %parallel_loop3A_440 = arith.maximumf %parallel_loop3A_436, %parallel_loop3A_435 : vector<16xf32>
      %parallel_loop3A_441 = arith.minimumf %parallel_loop3A_436, %parallel_loop3A_435 : vector<16xf32>
      %parallel_loop3A_442 = arith.maximumf %parallel_loop3A_430, %parallel_loop3A_434 : vector<16xf32>
      %parallel_loop3A_443 = arith.minimumf %parallel_loop3A_430, %parallel_loop3A_434 : vector<16xf32>
      %parallel_loop3A_444 = arith.maximumf %parallel_loop3A_438, %parallel_loop3A_440 : vector<16xf32>
      %parallel_loop3A_445 = arith.minimumf %parallel_loop3A_438, %parallel_loop3A_440 : vector<16xf32>
      %parallel_loop3A_446 = arith.maximumf %parallel_loop3A_439, %parallel_loop3A_441 : vector<16xf32>
      %parallel_loop3A_447 = arith.minimumf %parallel_loop3A_439, %parallel_loop3A_441 : vector<16xf32>
      %parallel_loop3A_448 = arith.maximumf %parallel_loop3A_433, %parallel_loop3A_437 : vector<16xf32>
      %parallel_loop3A_449 = arith.minimumf %parallel_loop3A_433, %parallel_loop3A_437 : vector<16xf32>
      %parallel_loop3A_450 = arith.maximumf %parallel_loop3A_446, %parallel_loop3A_443 : vector<16xf32>
      %parallel_loop3A_451 = arith.minimumf %parallel_loop3A_446, %parallel_loop3A_443 : vector<16xf32>
      %parallel_loop3A_452 = arith.maximumf %parallel_loop3A_448, %parallel_loop3A_445 : vector<16xf32>
      %parallel_loop3A_453 = arith.minimumf %parallel_loop3A_448, %parallel_loop3A_445 : vector<16xf32>
      %parallel_loop3A_454 = arith.maximumf %parallel_loop3A_444, %parallel_loop3A_450 : vector<16xf32>
      %parallel_loop3A_455 = arith.minimumf %parallel_loop3A_444, %parallel_loop3A_450 : vector<16xf32>
      %parallel_loop3A_456 = arith.maximumf %parallel_loop3A_452, %parallel_loop3A_451 : vector<16xf32>
      %parallel_loop3A_457 = arith.minimumf %parallel_loop3A_452, %parallel_loop3A_451 : vector<16xf32>
      %parallel_loop3A_458 = arith.maximumf %parallel_loop3A_453, %parallel_loop3A_447 : vector<16xf32>
      %parallel_loop3A_459 = arith.minimumf %parallel_loop3A_453, %parallel_loop3A_447 : vector<16xf32>
      %parallel_loop3A_460 = arith.maximumf %parallel_loop3A_177, %parallel_loop3A_181 : vector<16xf32>
      %parallel_loop3A_461 = arith.minimumf %parallel_loop3A_177, %parallel_loop3A_181 : vector<16xf32>
      %parallel_loop3A_462 = arith.maximumf %parallel_loop3A_185, %parallel_loop3A_189 : vector<16xf32>
      %parallel_loop3A_463 = arith.minimumf %parallel_loop3A_185, %parallel_loop3A_189 : vector<16xf32>
      %parallel_loop3A_464 = arith.maximumf %parallel_loop3A_193, %parallel_loop3A_197 : vector<16xf32>
      %parallel_loop3A_465 = arith.minimumf %parallel_loop3A_193, %parallel_loop3A_197 : vector<16xf32>
      %parallel_loop3A_466 = arith.maximumf %parallel_loop3A_201, %parallel_loop3A_205 : vector<16xf32>
      %parallel_loop3A_467 = arith.minimumf %parallel_loop3A_201, %parallel_loop3A_205 : vector<16xf32>
      %parallel_loop3A_468 = arith.maximumf %parallel_loop3A_460, %parallel_loop3A_462 : vector<16xf32>
      %parallel_loop3A_469 = arith.minimumf %parallel_loop3A_460, %parallel_loop3A_462 : vector<16xf32>
      %parallel_loop3A_470 = arith.maximumf %parallel_loop3A_461, %parallel_loop3A_463 : vector<16xf32>
      %parallel_loop3A_471 = arith.minimumf %parallel_loop3A_461, %parallel_loop3A_463 : vector<16xf32>
      %parallel_loop3A_472 = arith.maximumf %parallel_loop3A_464, %parallel_loop3A_466 : vector<16xf32>
      %parallel_loop3A_473 = arith.minimumf %parallel_loop3A_464, %parallel_loop3A_466 : vector<16xf32>
      %parallel_loop3A_474 = arith.maximumf %parallel_loop3A_465, %parallel_loop3A_467 : vector<16xf32>
      %parallel_loop3A_475 = arith.minimumf %parallel_loop3A_465, %parallel_loop3A_467 : vector<16xf32>
      %parallel_loop3A_476 = arith.maximumf %parallel_loop3A_470, %parallel_loop3A_469 : vector<16xf32>
      %parallel_loop3A_477 = arith.minimumf %parallel_loop3A_470, %parallel_loop3A_469 : vector<16xf32>
      %parallel_loop3A_478 = arith.maximumf %parallel_loop3A_474, %parallel_loop3A_473 : vector<16xf32>
      %parallel_loop3A_479 = arith.minimumf %parallel_loop3A_474, %parallel_loop3A_473 : vector<16xf32>
      %parallel_loop3A_480 = arith.maximumf %parallel_loop3A_468, %parallel_loop3A_472 : vector<16xf32>
      %parallel_loop3A_481 = arith.minimumf %parallel_loop3A_468, %parallel_loop3A_472 : vector<16xf32>
      %parallel_loop3A_482 = arith.maximumf %parallel_loop3A_476, %parallel_loop3A_478 : vector<16xf32>
      %parallel_loop3A_483 = arith.minimumf %parallel_loop3A_476, %parallel_loop3A_478 : vector<16xf32>
      %parallel_loop3A_484 = arith.maximumf %parallel_loop3A_477, %parallel_loop3A_479 : vector<16xf32>
      %parallel_loop3A_485 = arith.minimumf %parallel_loop3A_477, %parallel_loop3A_479 : vector<16xf32>
      %parallel_loop3A_486 = arith.maximumf %parallel_loop3A_471, %parallel_loop3A_475 : vector<16xf32>
      %parallel_loop3A_487 = arith.minimumf %parallel_loop3A_471, %parallel_loop3A_475 : vector<16xf32>
      %parallel_loop3A_488 = arith.maximumf %parallel_loop3A_484, %parallel_loop3A_481 : vector<16xf32>
      %parallel_loop3A_489 = arith.minimumf %parallel_loop3A_484, %parallel_loop3A_481 : vector<16xf32>
      %parallel_loop3A_490 = arith.maximumf %parallel_loop3A_486, %parallel_loop3A_483 : vector<16xf32>
      %parallel_loop3A_491 = arith.minimumf %parallel_loop3A_486, %parallel_loop3A_483 : vector<16xf32>
      %parallel_loop3A_492 = arith.maximumf %parallel_loop3A_482, %parallel_loop3A_488 : vector<16xf32>
      %parallel_loop3A_493 = arith.minimumf %parallel_loop3A_482, %parallel_loop3A_488 : vector<16xf32>
      %parallel_loop3A_494 = arith.maximumf %parallel_loop3A_490, %parallel_loop3A_489 : vector<16xf32>
      %parallel_loop3A_495 = arith.minimumf %parallel_loop3A_490, %parallel_loop3A_489 : vector<16xf32>
      %parallel_loop3A_496 = arith.maximumf %parallel_loop3A_491, %parallel_loop3A_485 : vector<16xf32>
      %parallel_loop3A_497 = arith.minimumf %parallel_loop3A_491, %parallel_loop3A_485 : vector<16xf32>
      %parallel_loop3A_498 = arith.maximumf %parallel_loop3A_209, %parallel_loop3A_213 : vector<16xf32>
      %parallel_loop3A_499 = arith.minimumf %parallel_loop3A_209, %parallel_loop3A_213 : vector<16xf32>
      %parallel_loop3A_500 = arith.maximumf %parallel_loop3A_217, %parallel_loop3A_221 : vector<16xf32>
      %parallel_loop3A_501 = arith.minimumf %parallel_loop3A_217, %parallel_loop3A_221 : vector<16xf32>
      %parallel_loop3A_502 = arith.maximumf %parallel_loop3A_225, %parallel_loop3A_229 : vector<16xf32>
      %parallel_loop3A_503 = arith.minimumf %parallel_loop3A_225, %parallel_loop3A_229 : vector<16xf32>
      %parallel_loop3A_504 = arith.maximumf %parallel_loop3A_233, %parallel_loop3A_237 : vector<16xf32>
      %parallel_loop3A_505 = arith.minimumf %parallel_loop3A_233, %parallel_loop3A_237 : vector<16xf32>
      %parallel_loop3A_506 = arith.maximumf %parallel_loop3A_498, %parallel_loop3A_500 : vector<16xf32>
      %parallel_loop3A_507 = arith.minimumf %parallel_loop3A_498, %parallel_loop3A_500 : vector<16xf32>
      %parallel_loop3A_508 = arith.maximumf %parallel_loop3A_499, %parallel_loop3A_501 : vector<16xf32>
      %parallel_loop3A_509 = arith.minimumf %parallel_loop3A_499, %parallel_loop3A_501 : vector<16xf32>
      %parallel_loop3A_510 = arith.maximumf %parallel_loop3A_502, %parallel_loop3A_504 : vector<16xf32>
      %parallel_loop3A_511 = arith.minimumf %parallel_loop3A_502, %parallel_loop3A_504 : vector<16xf32>
      %parallel_loop3A_512 = arith.maximumf %parallel_loop3A_503, %parallel_loop3A_505 : vector<16xf32>
      %parallel_loop3A_513 = arith.minimumf %parallel_loop3A_503, %parallel_loop3A_505 : vector<16xf32>
      %parallel_loop3A_514 = arith.maximumf %parallel_loop3A_508, %parallel_loop3A_507 : vector<16xf32>
      %parallel_loop3A_515 = arith.minimumf %parallel_loop3A_508, %parallel_loop3A_507 : vector<16xf32>
      %parallel_loop3A_516 = arith.maximumf %parallel_loop3A_512, %parallel_loop3A_511 : vector<16xf32>
      %parallel_loop3A_517 = arith.minimumf %parallel_loop3A_512, %parallel_loop3A_511 : vector<16xf32>
      %parallel_loop3A_518 = arith.maximumf %parallel_loop3A_506, %parallel_loop3A_510 : vector<16xf32>
      %parallel_loop3A_519 = arith.minimumf %parallel_loop3A_506, %parallel_loop3A_510 : vector<16xf32>
      %parallel_loop3A_520 = arith.maximumf %parallel_loop3A_514, %parallel_loop3A_516 : vector<16xf32>
      %parallel_loop3A_521 = arith.minimumf %parallel_loop3A_514, %parallel_loop3A_516 : vector<16xf32>
      %parallel_loop3A_522 = arith.maximumf %parallel_loop3A_515, %parallel_loop3A_517 : vector<16xf32>
      %parallel_loop3A_523 = arith.minimumf %parallel_loop3A_515, %parallel_loop3A_517 : vector<16xf32>
      %parallel_loop3A_524 = arith.maximumf %parallel_loop3A_509, %parallel_loop3A_513 : vector<16xf32>
      %parallel_loop3A_525 = arith.minimumf %parallel_loop3A_509, %parallel_loop3A_513 : vector<16xf32>
      %parallel_loop3A_526 = arith.maximumf %parallel_loop3A_522, %parallel_loop3A_519 : vector<16xf32>
      %parallel_loop3A_527 = arith.minimumf %parallel_loop3A_522, %parallel_loop3A_519 : vector<16xf32>
      %parallel_loop3A_528 = arith.maximumf %parallel_loop3A_524, %parallel_loop3A_521 : vector<16xf32>
      %parallel_loop3A_529 = arith.minimumf %parallel_loop3A_524, %parallel_loop3A_521 : vector<16xf32>
      %parallel_loop3A_530 = arith.maximumf %parallel_loop3A_520, %parallel_loop3A_526 : vector<16xf32>
      %parallel_loop3A_531 = arith.minimumf %parallel_loop3A_520, %parallel_loop3A_526 : vector<16xf32>
      %parallel_loop3A_532 = arith.maximumf %parallel_loop3A_528, %parallel_loop3A_527 : vector<16xf32>
      %parallel_loop3A_533 = arith.minimumf %parallel_loop3A_528, %parallel_loop3A_527 : vector<16xf32>
      %parallel_loop3A_534 = arith.maximumf %parallel_loop3A_529, %parallel_loop3A_523 : vector<16xf32>
      %parallel_loop3A_535 = arith.minimumf %parallel_loop3A_529, %parallel_loop3A_523 : vector<16xf32>
      %parallel_loop3A_536 = arith.maximumf %parallel_loop3A_241, %parallel_loop3A_245 : vector<16xf32>
      %parallel_loop3A_537 = arith.minimumf %parallel_loop3A_241, %parallel_loop3A_245 : vector<16xf32>
      %parallel_loop3A_538 = arith.maximumf %parallel_loop3A_249, %parallel_loop3A_253 : vector<16xf32>
      %parallel_loop3A_539 = arith.minimumf %parallel_loop3A_249, %parallel_loop3A_253 : vector<16xf32>
      %parallel_loop3A_540 = arith.maximumf %parallel_loop3A_257, %parallel_loop3A_261 : vector<16xf32>
      %parallel_loop3A_541 = arith.minimumf %parallel_loop3A_257, %parallel_loop3A_261 : vector<16xf32>
      %parallel_loop3A_542 = arith.maximumf %parallel_loop3A_265, %parallel_loop3A_269 : vector<16xf32>
      %parallel_loop3A_543 = arith.minimumf %parallel_loop3A_265, %parallel_loop3A_269 : vector<16xf32>
      %parallel_loop3A_544 = arith.maximumf %parallel_loop3A_536, %parallel_loop3A_538 : vector<16xf32>
      %parallel_loop3A_545 = arith.minimumf %parallel_loop3A_536, %parallel_loop3A_538 : vector<16xf32>
      %parallel_loop3A_546 = arith.maximumf %parallel_loop3A_537, %parallel_loop3A_539 : vector<16xf32>
      %parallel_loop3A_547 = arith.minimumf %parallel_loop3A_537, %parallel_loop3A_539 : vector<16xf32>
      %parallel_loop3A_548 = arith.maximumf %parallel_loop3A_540, %parallel_loop3A_542 : vector<16xf32>
      %parallel_loop3A_549 = arith.minimumf %parallel_loop3A_540, %parallel_loop3A_542 : vector<16xf32>
      %parallel_loop3A_550 = arith.maximumf %parallel_loop3A_541, %parallel_loop3A_543 : vector<16xf32>
      %parallel_loop3A_551 = arith.minimumf %parallel_loop3A_541, %parallel_loop3A_543 : vector<16xf32>
      %parallel_loop3A_552 = arith.maximumf %parallel_loop3A_546, %parallel_loop3A_545 : vector<16xf32>
      %parallel_loop3A_553 = arith.minimumf %parallel_loop3A_546, %parallel_loop3A_545 : vector<16xf32>
      %parallel_loop3A_554 = arith.maximumf %parallel_loop3A_550, %parallel_loop3A_549 : vector<16xf32>
      %parallel_loop3A_555 = arith.minimumf %parallel_loop3A_550, %parallel_loop3A_549 : vector<16xf32>
      %parallel_loop3A_556 = arith.maximumf %parallel_loop3A_544, %parallel_loop3A_548 : vector<16xf32>
      %parallel_loop3A_557 = arith.minimumf %parallel_loop3A_544, %parallel_loop3A_548 : vector<16xf32>
      %parallel_loop3A_558 = arith.maximumf %parallel_loop3A_552, %parallel_loop3A_554 : vector<16xf32>
      %parallel_loop3A_559 = arith.minimumf %parallel_loop3A_552, %parallel_loop3A_554 : vector<16xf32>
      %parallel_loop3A_560 = arith.maximumf %parallel_loop3A_553, %parallel_loop3A_555 : vector<16xf32>
      %parallel_loop3A_561 = arith.minimumf %parallel_loop3A_553, %parallel_loop3A_555 : vector<16xf32>
      %parallel_loop3A_562 = arith.maximumf %parallel_loop3A_547, %parallel_loop3A_551 : vector<16xf32>
      %parallel_loop3A_563 = arith.minimumf %parallel_loop3A_547, %parallel_loop3A_551 : vector<16xf32>
      %parallel_loop3A_564 = arith.maximumf %parallel_loop3A_560, %parallel_loop3A_557 : vector<16xf32>
      %parallel_loop3A_565 = arith.minimumf %parallel_loop3A_560, %parallel_loop3A_557 : vector<16xf32>
      %parallel_loop3A_566 = arith.maximumf %parallel_loop3A_562, %parallel_loop3A_559 : vector<16xf32>
      %parallel_loop3A_567 = arith.minimumf %parallel_loop3A_562, %parallel_loop3A_559 : vector<16xf32>
      %parallel_loop3A_568 = arith.maximumf %parallel_loop3A_558, %parallel_loop3A_564 : vector<16xf32>
      %parallel_loop3A_569 = arith.minimumf %parallel_loop3A_558, %parallel_loop3A_564 : vector<16xf32>
      %parallel_loop3A_570 = arith.maximumf %parallel_loop3A_566, %parallel_loop3A_565 : vector<16xf32>
      %parallel_loop3A_571 = arith.minimumf %parallel_loop3A_566, %parallel_loop3A_565 : vector<16xf32>
      %parallel_loop3A_572 = arith.maximumf %parallel_loop3A_567, %parallel_loop3A_561 : vector<16xf32>
      %parallel_loop3A_573 = arith.minimumf %parallel_loop3A_567, %parallel_loop3A_561 : vector<16xf32>
      %parallel_loop3A_574 = arith.maximumf %parallel_loop3A_290, %parallel_loop3A_335 : vector<16xf32>
      %parallel_loop3A_575 = arith.maximumf %parallel_loop3A_302, %parallel_loop3A_345 : vector<16xf32>
      %parallel_loop3A_576 = arith.maximumf %parallel_loop3A_303, %parallel_loop3A_344 : vector<16xf32>
      %parallel_loop3A_577 = arith.maximumf %parallel_loop3A_304, %parallel_loop3A_343 : vector<16xf32>
      %parallel_loop3A_578 = arith.maximumf %parallel_loop3A_305, %parallel_loop3A_342 : vector<16xf32>
      %parallel_loop3A_579 = arith.maximumf %parallel_loop3A_306, %parallel_loop3A_341 : vector<16xf32>
      %parallel_loop3A_580 = arith.maximumf %parallel_loop3A_307, %parallel_loop3A_340 : vector<16xf32>
      %parallel_loop3A_581 = arith.maximumf %parallel_loop3A_297, %parallel_loop3A_328 : vector<16xf32>
      %parallel_loop3A_582 = arith.maximumf %parallel_loop3A_574, %parallel_loop3A_578 : vector<16xf32>
      %parallel_loop3A_583 = arith.minimumf %parallel_loop3A_574, %parallel_loop3A_578 : vector<16xf32>
      %parallel_loop3A_584 = arith.maximumf %parallel_loop3A_575, %parallel_loop3A_579 : vector<16xf32>
      %parallel_loop3A_585 = arith.minimumf %parallel_loop3A_575, %parallel_loop3A_579 : vector<16xf32>
      %parallel_loop3A_586 = arith.maximumf %parallel_loop3A_576, %parallel_loop3A_580 : vector<16xf32>
      %parallel_loop3A_587 = arith.minimumf %parallel_loop3A_576, %parallel_loop3A_580 : vector<16xf32>
      %parallel_loop3A_588 = arith.maximumf %parallel_loop3A_577, %parallel_loop3A_581 : vector<16xf32>
      %parallel_loop3A_589 = arith.minimumf %parallel_loop3A_577, %parallel_loop3A_581 : vector<16xf32>
      %parallel_loop3A_590 = arith.maximumf %parallel_loop3A_582, %parallel_loop3A_586 : vector<16xf32>
      %parallel_loop3A_591 = arith.minimumf %parallel_loop3A_582, %parallel_loop3A_586 : vector<16xf32>
      %parallel_loop3A_592 = arith.maximumf %parallel_loop3A_584, %parallel_loop3A_588 : vector<16xf32>
      %parallel_loop3A_593 = arith.minimumf %parallel_loop3A_584, %parallel_loop3A_588 : vector<16xf32>
      %parallel_loop3A_594 = arith.maximumf %parallel_loop3A_583, %parallel_loop3A_587 : vector<16xf32>
      %parallel_loop3A_595 = arith.minimumf %parallel_loop3A_583, %parallel_loop3A_587 : vector<16xf32>
      %parallel_loop3A_596 = arith.maximumf %parallel_loop3A_585, %parallel_loop3A_589 : vector<16xf32>
      %parallel_loop3A_597 = arith.minimumf %parallel_loop3A_585, %parallel_loop3A_589 : vector<16xf32>
      %parallel_loop3A_598 = arith.maximumf %parallel_loop3A_590, %parallel_loop3A_592 : vector<16xf32>
      %parallel_loop3A_599 = arith.minimumf %parallel_loop3A_590, %parallel_loop3A_592 : vector<16xf32>
      %parallel_loop3A_600 = arith.maximumf %parallel_loop3A_591, %parallel_loop3A_593 : vector<16xf32>
      %parallel_loop3A_601 = arith.minimumf %parallel_loop3A_591, %parallel_loop3A_593 : vector<16xf32>
      %parallel_loop3A_602 = arith.maximumf %parallel_loop3A_594, %parallel_loop3A_596 : vector<16xf32>
      %parallel_loop3A_603 = arith.minimumf %parallel_loop3A_594, %parallel_loop3A_596 : vector<16xf32>
      %parallel_loop3A_604 = arith.maximumf %parallel_loop3A_595, %parallel_loop3A_597 : vector<16xf32>
      %parallel_loop3A_605 = arith.minimumf %parallel_loop3A_595, %parallel_loop3A_597 : vector<16xf32>
      %parallel_loop3A_606 = arith.maximumf %parallel_loop3A_366, %parallel_loop3A_411 : vector<16xf32>
      %parallel_loop3A_607 = arith.maximumf %parallel_loop3A_378, %parallel_loop3A_421 : vector<16xf32>
      %parallel_loop3A_608 = arith.maximumf %parallel_loop3A_379, %parallel_loop3A_420 : vector<16xf32>
      %parallel_loop3A_609 = arith.maximumf %parallel_loop3A_380, %parallel_loop3A_419 : vector<16xf32>
      %parallel_loop3A_610 = arith.maximumf %parallel_loop3A_381, %parallel_loop3A_418 : vector<16xf32>
      %parallel_loop3A_611 = arith.maximumf %parallel_loop3A_382, %parallel_loop3A_417 : vector<16xf32>
      %parallel_loop3A_612 = arith.maximumf %parallel_loop3A_383, %parallel_loop3A_416 : vector<16xf32>
      %parallel_loop3A_613 = arith.maximumf %parallel_loop3A_373, %parallel_loop3A_404 : vector<16xf32>
      %parallel_loop3A_614 = arith.maximumf %parallel_loop3A_606, %parallel_loop3A_610 : vector<16xf32>
      %parallel_loop3A_615 = arith.minimumf %parallel_loop3A_606, %parallel_loop3A_610 : vector<16xf32>
      %parallel_loop3A_616 = arith.maximumf %parallel_loop3A_607, %parallel_loop3A_611 : vector<16xf32>
      %parallel_loop3A_617 = arith.minimumf %parallel_loop3A_607, %parallel_loop3A_611 : vector<16xf32>
      %parallel_loop3A_618 = arith.maximumf %parallel_loop3A_608, %parallel_loop3A_612 : vector<16xf32>
      %parallel_loop3A_619 = arith.minimumf %parallel_loop3A_608, %parallel_loop3A_612 : vector<16xf32>
      %parallel_loop3A_620 = arith.maximumf %parallel_loop3A_609, %parallel_loop3A_613 : vector<16xf32>
      %parallel_loop3A_621 = arith.minimumf %parallel_loop3A_609, %parallel_loop3A_613 : vector<16xf32>
      %parallel_loop3A_622 = arith.maximumf %parallel_loop3A_614, %parallel_loop3A_618 : vector<16xf32>
      %parallel_loop3A_623 = arith.minimumf %parallel_loop3A_614, %parallel_loop3A_618 : vector<16xf32>
      %parallel_loop3A_624 = arith.maximumf %parallel_loop3A_616, %parallel_loop3A_620 : vector<16xf32>
      %parallel_loop3A_625 = arith.minimumf %parallel_loop3A_616, %parallel_loop3A_620 : vector<16xf32>
      %parallel_loop3A_626 = arith.maximumf %parallel_loop3A_615, %parallel_loop3A_619 : vector<16xf32>
      %parallel_loop3A_627 = arith.minimumf %parallel_loop3A_615, %parallel_loop3A_619 : vector<16xf32>
      %parallel_loop3A_628 = arith.maximumf %parallel_loop3A_617, %parallel_loop3A_621 : vector<16xf32>
      %parallel_loop3A_629 = arith.minimumf %parallel_loop3A_617, %parallel_loop3A_621 : vector<16xf32>
      %parallel_loop3A_630 = arith.maximumf %parallel_loop3A_622, %parallel_loop3A_624 : vector<16xf32>
      %parallel_loop3A_631 = arith.minimumf %parallel_loop3A_622, %parallel_loop3A_624 : vector<16xf32>
      %parallel_loop3A_632 = arith.maximumf %parallel_loop3A_623, %parallel_loop3A_625 : vector<16xf32>
      %parallel_loop3A_633 = arith.minimumf %parallel_loop3A_623, %parallel_loop3A_625 : vector<16xf32>
      %parallel_loop3A_634 = arith.maximumf %parallel_loop3A_626, %parallel_loop3A_628 : vector<16xf32>
      %parallel_loop3A_635 = arith.minimumf %parallel_loop3A_626, %parallel_loop3A_628 : vector<16xf32>
      %parallel_loop3A_636 = arith.maximumf %parallel_loop3A_627, %parallel_loop3A_629 : vector<16xf32>
      %parallel_loop3A_637 = arith.minimumf %parallel_loop3A_627, %parallel_loop3A_629 : vector<16xf32>
      %parallel_loop3A_638 = arith.maximumf %parallel_loop3A_442, %parallel_loop3A_487 : vector<16xf32>
      %parallel_loop3A_639 = arith.maximumf %parallel_loop3A_454, %parallel_loop3A_497 : vector<16xf32>
      %parallel_loop3A_640 = arith.maximumf %parallel_loop3A_455, %parallel_loop3A_496 : vector<16xf32>
      %parallel_loop3A_641 = arith.maximumf %parallel_loop3A_456, %parallel_loop3A_495 : vector<16xf32>
      %parallel_loop3A_642 = arith.maximumf %parallel_loop3A_457, %parallel_loop3A_494 : vector<16xf32>
      %parallel_loop3A_643 = arith.maximumf %parallel_loop3A_458, %parallel_loop3A_493 : vector<16xf32>
      %parallel_loop3A_644 = arith.maximumf %parallel_loop3A_459, %parallel_loop3A_492 : vector<16xf32>
      %parallel_loop3A_645 = arith.maximumf %parallel_loop3A_449, %parallel_loop3A_480 : vector<16xf32>
      %parallel_loop3A_646 = arith.maximumf %parallel_loop3A_638, %parallel_loop3A_642 : vector<16xf32>
      %parallel_loop3A_647 = arith.minimumf %parallel_loop3A_638, %parallel_loop3A_642 : vector<16xf32>
      %parallel_loop3A_648 = arith.maximumf %parallel_loop3A_639, %parallel_loop3A_643 : vector<16xf32>
      %parallel_loop3A_649 = arith.minimumf %parallel_loop3A_639, %parallel_loop3A_643 : vector<16xf32>
      %parallel_loop3A_650 = arith.maximumf %parallel_loop3A_640, %parallel_loop3A_644 : vector<16xf32>
      %parallel_loop3A_651 = arith.minimumf %parallel_loop3A_640, %parallel_loop3A_644 : vector<16xf32>
      %parallel_loop3A_652 = arith.maximumf %parallel_loop3A_641, %parallel_loop3A_645 : vector<16xf32>
      %parallel_loop3A_653 = arith.minimumf %parallel_loop3A_641, %parallel_loop3A_645 : vector<16xf32>
      %parallel_loop3A_654 = arith.maximumf %parallel_loop3A_646, %parallel_loop3A_650 : vector<16xf32>
      %parallel_loop3A_655 = arith.minimumf %parallel_loop3A_646, %parallel_loop3A_650 : vector<16xf32>
      %parallel_loop3A_656 = arith.maximumf %parallel_loop3A_648, %parallel_loop3A_652 : vector<16xf32>
      %parallel_loop3A_657 = arith.minimumf %parallel_loop3A_648, %parallel_loop3A_652 : vector<16xf32>
      %parallel_loop3A_658 = arith.maximumf %parallel_loop3A_647, %parallel_loop3A_651 : vector<16xf32>
      %parallel_loop3A_659 = arith.minimumf %parallel_loop3A_647, %parallel_loop3A_651 : vector<16xf32>
      %parallel_loop3A_660 = arith.maximumf %parallel_loop3A_649, %parallel_loop3A_653 : vector<16xf32>
      %parallel_loop3A_661 = arith.minimumf %parallel_loop3A_649, %parallel_loop3A_653 : vector<16xf32>
      %parallel_loop3A_662 = arith.maximumf %parallel_loop3A_654, %parallel_loop3A_656 : vector<16xf32>
      %parallel_loop3A_663 = arith.minimumf %parallel_loop3A_654, %parallel_loop3A_656 : vector<16xf32>
      %parallel_loop3A_664 = arith.maximumf %parallel_loop3A_655, %parallel_loop3A_657 : vector<16xf32>
      %parallel_loop3A_665 = arith.minimumf %parallel_loop3A_655, %parallel_loop3A_657 : vector<16xf32>
      %parallel_loop3A_666 = arith.maximumf %parallel_loop3A_658, %parallel_loop3A_660 : vector<16xf32>
      %parallel_loop3A_667 = arith.minimumf %parallel_loop3A_658, %parallel_loop3A_660 : vector<16xf32>
      %parallel_loop3A_668 = arith.maximumf %parallel_loop3A_659, %parallel_loop3A_661 : vector<16xf32>
      %parallel_loop3A_669 = arith.minimumf %parallel_loop3A_659, %parallel_loop3A_661 : vector<16xf32>
      %parallel_loop3A_670 = arith.maximumf %parallel_loop3A_518, %parallel_loop3A_563 : vector<16xf32>
      %parallel_loop3A_671 = arith.maximumf %parallel_loop3A_530, %parallel_loop3A_573 : vector<16xf32>
      %parallel_loop3A_672 = arith.maximumf %parallel_loop3A_531, %parallel_loop3A_572 : vector<16xf32>
      %parallel_loop3A_673 = arith.maximumf %parallel_loop3A_532, %parallel_loop3A_571 : vector<16xf32>
      %parallel_loop3A_674 = arith.maximumf %parallel_loop3A_533, %parallel_loop3A_570 : vector<16xf32>
      %parallel_loop3A_675 = arith.maximumf %parallel_loop3A_534, %parallel_loop3A_569 : vector<16xf32>
      %parallel_loop3A_676 = arith.maximumf %parallel_loop3A_535, %parallel_loop3A_568 : vector<16xf32>
      %parallel_loop3A_677 = arith.maximumf %parallel_loop3A_525, %parallel_loop3A_556 : vector<16xf32>
      %parallel_loop3A_678 = arith.maximumf %parallel_loop3A_670, %parallel_loop3A_674 : vector<16xf32>
      %parallel_loop3A_679 = arith.minimumf %parallel_loop3A_670, %parallel_loop3A_674 : vector<16xf32>
      %parallel_loop3A_680 = arith.maximumf %parallel_loop3A_671, %parallel_loop3A_675 : vector<16xf32>
      %parallel_loop3A_681 = arith.minimumf %parallel_loop3A_671, %parallel_loop3A_675 : vector<16xf32>
      %parallel_loop3A_682 = arith.maximumf %parallel_loop3A_672, %parallel_loop3A_676 : vector<16xf32>
      %parallel_loop3A_683 = arith.minimumf %parallel_loop3A_672, %parallel_loop3A_676 : vector<16xf32>
      %parallel_loop3A_684 = arith.maximumf %parallel_loop3A_673, %parallel_loop3A_677 : vector<16xf32>
      %parallel_loop3A_685 = arith.minimumf %parallel_loop3A_673, %parallel_loop3A_677 : vector<16xf32>
      %parallel_loop3A_686 = arith.maximumf %parallel_loop3A_678, %parallel_loop3A_682 : vector<16xf32>
      %parallel_loop3A_687 = arith.minimumf %parallel_loop3A_678, %parallel_loop3A_682 : vector<16xf32>
      %parallel_loop3A_688 = arith.maximumf %parallel_loop3A_680, %parallel_loop3A_684 : vector<16xf32>
      %parallel_loop3A_689 = arith.minimumf %parallel_loop3A_680, %parallel_loop3A_684 : vector<16xf32>
      %parallel_loop3A_690 = arith.maximumf %parallel_loop3A_679, %parallel_loop3A_683 : vector<16xf32>
      %parallel_loop3A_691 = arith.minimumf %parallel_loop3A_679, %parallel_loop3A_683 : vector<16xf32>
      %parallel_loop3A_692 = arith.maximumf %parallel_loop3A_681, %parallel_loop3A_685 : vector<16xf32>
      %parallel_loop3A_693 = arith.minimumf %parallel_loop3A_681, %parallel_loop3A_685 : vector<16xf32>
      %parallel_loop3A_694 = arith.maximumf %parallel_loop3A_686, %parallel_loop3A_688 : vector<16xf32>
      %parallel_loop3A_695 = arith.minimumf %parallel_loop3A_686, %parallel_loop3A_688 : vector<16xf32>
      %parallel_loop3A_696 = arith.maximumf %parallel_loop3A_687, %parallel_loop3A_689 : vector<16xf32>
      %parallel_loop3A_697 = arith.minimumf %parallel_loop3A_687, %parallel_loop3A_689 : vector<16xf32>
      %parallel_loop3A_698 = arith.maximumf %parallel_loop3A_690, %parallel_loop3A_692 : vector<16xf32>
      %parallel_loop3A_699 = arith.minimumf %parallel_loop3A_690, %parallel_loop3A_692 : vector<16xf32>
      %parallel_loop3A_700 = arith.maximumf %parallel_loop3A_691, %parallel_loop3A_693 : vector<16xf32>
      %parallel_loop3A_701 = arith.minimumf %parallel_loop3A_691, %parallel_loop3A_693 : vector<16xf32>
      %parallel_loop3A_702 = arith.maximumf %parallel_loop3A_598, %parallel_loop3A_637 : vector<16xf32>
      %parallel_loop3A_703 = arith.maximumf %parallel_loop3A_599, %parallel_loop3A_636 : vector<16xf32>
      %parallel_loop3A_704 = arith.maximumf %parallel_loop3A_600, %parallel_loop3A_635 : vector<16xf32>
      %parallel_loop3A_705 = arith.maximumf %parallel_loop3A_601, %parallel_loop3A_634 : vector<16xf32>
      %parallel_loop3A_706 = arith.maximumf %parallel_loop3A_602, %parallel_loop3A_633 : vector<16xf32>
      %parallel_loop3A_707 = arith.maximumf %parallel_loop3A_603, %parallel_loop3A_632 : vector<16xf32>
      %parallel_loop3A_708 = arith.maximumf %parallel_loop3A_604, %parallel_loop3A_631 : vector<16xf32>
      %parallel_loop3A_709 = arith.maximumf %parallel_loop3A_605, %parallel_loop3A_630 : vector<16xf32>
      %parallel_loop3A_710 = arith.maximumf %parallel_loop3A_702, %parallel_loop3A_706 : vector<16xf32>
      %parallel_loop3A_711 = arith.minimumf %parallel_loop3A_702, %parallel_loop3A_706 : vector<16xf32>
      %parallel_loop3A_712 = arith.maximumf %parallel_loop3A_703, %parallel_loop3A_707 : vector<16xf32>
      %parallel_loop3A_713 = arith.minimumf %parallel_loop3A_703, %parallel_loop3A_707 : vector<16xf32>
      %parallel_loop3A_714 = arith.maximumf %parallel_loop3A_704, %parallel_loop3A_708 : vector<16xf32>
      %parallel_loop3A_715 = arith.minimumf %parallel_loop3A_704, %parallel_loop3A_708 : vector<16xf32>
      %parallel_loop3A_716 = arith.maximumf %parallel_loop3A_705, %parallel_loop3A_709 : vector<16xf32>
      %parallel_loop3A_717 = arith.minimumf %parallel_loop3A_705, %parallel_loop3A_709 : vector<16xf32>
      %parallel_loop3A_718 = arith.maximumf %parallel_loop3A_710, %parallel_loop3A_714 : vector<16xf32>
      %parallel_loop3A_719 = arith.minimumf %parallel_loop3A_710, %parallel_loop3A_714 : vector<16xf32>
      %parallel_loop3A_720 = arith.maximumf %parallel_loop3A_712, %parallel_loop3A_716 : vector<16xf32>
      %parallel_loop3A_721 = arith.minimumf %parallel_loop3A_712, %parallel_loop3A_716 : vector<16xf32>
      %parallel_loop3A_722 = arith.maximumf %parallel_loop3A_711, %parallel_loop3A_715 : vector<16xf32>
      %parallel_loop3A_723 = arith.minimumf %parallel_loop3A_711, %parallel_loop3A_715 : vector<16xf32>
      %parallel_loop3A_724 = arith.maximumf %parallel_loop3A_713, %parallel_loop3A_717 : vector<16xf32>
      %parallel_loop3A_725 = arith.minimumf %parallel_loop3A_713, %parallel_loop3A_717 : vector<16xf32>
      %parallel_loop3A_726 = arith.maximumf %parallel_loop3A_718, %parallel_loop3A_720 : vector<16xf32>
      %parallel_loop3A_727 = arith.minimumf %parallel_loop3A_718, %parallel_loop3A_720 : vector<16xf32>
      %parallel_loop3A_728 = arith.maximumf %parallel_loop3A_719, %parallel_loop3A_721 : vector<16xf32>
      %parallel_loop3A_729 = arith.minimumf %parallel_loop3A_719, %parallel_loop3A_721 : vector<16xf32>
      %parallel_loop3A_730 = arith.maximumf %parallel_loop3A_722, %parallel_loop3A_724 : vector<16xf32>
      %parallel_loop3A_731 = arith.minimumf %parallel_loop3A_722, %parallel_loop3A_724 : vector<16xf32>
      %parallel_loop3A_732 = arith.maximumf %parallel_loop3A_723, %parallel_loop3A_725 : vector<16xf32>
      %parallel_loop3A_733 = arith.minimumf %parallel_loop3A_723, %parallel_loop3A_725 : vector<16xf32>
      %parallel_loop3A_734 = arith.maximumf %parallel_loop3A_662, %parallel_loop3A_701 : vector<16xf32>
      %parallel_loop3A_735 = arith.maximumf %parallel_loop3A_663, %parallel_loop3A_700 : vector<16xf32>
      %parallel_loop3A_736 = arith.maximumf %parallel_loop3A_664, %parallel_loop3A_699 : vector<16xf32>
      %parallel_loop3A_737 = arith.maximumf %parallel_loop3A_665, %parallel_loop3A_698 : vector<16xf32>
      %parallel_loop3A_738 = arith.maximumf %parallel_loop3A_666, %parallel_loop3A_697 : vector<16xf32>
      %parallel_loop3A_739 = arith.maximumf %parallel_loop3A_667, %parallel_loop3A_696 : vector<16xf32>
      %parallel_loop3A_740 = arith.maximumf %parallel_loop3A_668, %parallel_loop3A_695 : vector<16xf32>
      %parallel_loop3A_741 = arith.maximumf %parallel_loop3A_669, %parallel_loop3A_694 : vector<16xf32>
      %parallel_loop3A_742 = arith.maximumf %parallel_loop3A_734, %parallel_loop3A_738 : vector<16xf32>
      %parallel_loop3A_743 = arith.minimumf %parallel_loop3A_734, %parallel_loop3A_738 : vector<16xf32>
      %parallel_loop3A_744 = arith.maximumf %parallel_loop3A_735, %parallel_loop3A_739 : vector<16xf32>
      %parallel_loop3A_745 = arith.minimumf %parallel_loop3A_735, %parallel_loop3A_739 : vector<16xf32>
      %parallel_loop3A_746 = arith.maximumf %parallel_loop3A_736, %parallel_loop3A_740 : vector<16xf32>
      %parallel_loop3A_747 = arith.minimumf %parallel_loop3A_736, %parallel_loop3A_740 : vector<16xf32>
      %parallel_loop3A_748 = arith.maximumf %parallel_loop3A_737, %parallel_loop3A_741 : vector<16xf32>
      %parallel_loop3A_749 = arith.minimumf %parallel_loop3A_737, %parallel_loop3A_741 : vector<16xf32>
      %parallel_loop3A_750 = arith.maximumf %parallel_loop3A_742, %parallel_loop3A_746 : vector<16xf32>
      %parallel_loop3A_751 = arith.minimumf %parallel_loop3A_742, %parallel_loop3A_746 : vector<16xf32>
      %parallel_loop3A_752 = arith.maximumf %parallel_loop3A_744, %parallel_loop3A_748 : vector<16xf32>
      %parallel_loop3A_753 = arith.minimumf %parallel_loop3A_744, %parallel_loop3A_748 : vector<16xf32>
      %parallel_loop3A_754 = arith.maximumf %parallel_loop3A_743, %parallel_loop3A_747 : vector<16xf32>
      %parallel_loop3A_755 = arith.minimumf %parallel_loop3A_743, %parallel_loop3A_747 : vector<16xf32>
      %parallel_loop3A_756 = arith.maximumf %parallel_loop3A_745, %parallel_loop3A_749 : vector<16xf32>
      %parallel_loop3A_757 = arith.minimumf %parallel_loop3A_745, %parallel_loop3A_749 : vector<16xf32>
      %parallel_loop3A_758 = arith.maximumf %parallel_loop3A_750, %parallel_loop3A_752 : vector<16xf32>
      %parallel_loop3A_759 = arith.minimumf %parallel_loop3A_750, %parallel_loop3A_752 : vector<16xf32>
      %parallel_loop3A_760 = arith.maximumf %parallel_loop3A_751, %parallel_loop3A_753 : vector<16xf32>
      %parallel_loop3A_761 = arith.minimumf %parallel_loop3A_751, %parallel_loop3A_753 : vector<16xf32>
      %parallel_loop3A_762 = arith.maximumf %parallel_loop3A_754, %parallel_loop3A_756 : vector<16xf32>
      %parallel_loop3A_763 = arith.minimumf %parallel_loop3A_754, %parallel_loop3A_756 : vector<16xf32>
      %parallel_loop3A_764 = arith.maximumf %parallel_loop3A_755, %parallel_loop3A_757 : vector<16xf32>
      %parallel_loop3A_765 = arith.minimumf %parallel_loop3A_755, %parallel_loop3A_757 : vector<16xf32>
      %parallel_loop3A_766 = arith.maximumf %parallel_loop3A_726, %parallel_loop3A_765 : vector<16xf32>
      %parallel_loop3A_767 = arith.maximumf %parallel_loop3A_727, %parallel_loop3A_764 : vector<16xf32>
      %parallel_loop3A_768 = arith.maximumf %parallel_loop3A_728, %parallel_loop3A_763 : vector<16xf32>
      %parallel_loop3A_769 = arith.maximumf %parallel_loop3A_729, %parallel_loop3A_762 : vector<16xf32>
      %parallel_loop3A_770 = arith.maximumf %parallel_loop3A_730, %parallel_loop3A_761 : vector<16xf32>
      %parallel_loop3A_771 = arith.maximumf %parallel_loop3A_731, %parallel_loop3A_760 : vector<16xf32>
      %parallel_loop3A_772 = arith.maximumf %parallel_loop3A_732, %parallel_loop3A_759 : vector<16xf32>
      %parallel_loop3A_773 = arith.maximumf %parallel_loop3A_733, %parallel_loop3A_758 : vector<16xf32>
      %parallel_loop3A_774 = arith.maximumf %parallel_loop3A_766, %parallel_loop3A_770 : vector<16xf32>
      %parallel_loop3A_775 = arith.minimumf %parallel_loop3A_766, %parallel_loop3A_770 : vector<16xf32>
      %parallel_loop3A_776 = arith.maximumf %parallel_loop3A_767, %parallel_loop3A_771 : vector<16xf32>
      %parallel_loop3A_777 = arith.minimumf %parallel_loop3A_767, %parallel_loop3A_771 : vector<16xf32>
      %parallel_loop3A_778 = arith.maximumf %parallel_loop3A_768, %parallel_loop3A_772 : vector<16xf32>
      %parallel_loop3A_779 = arith.minimumf %parallel_loop3A_768, %parallel_loop3A_772 : vector<16xf32>
      %parallel_loop3A_780 = arith.maximumf %parallel_loop3A_769, %parallel_loop3A_773 : vector<16xf32>
      %parallel_loop3A_781 = arith.minimumf %parallel_loop3A_769, %parallel_loop3A_773 : vector<16xf32>
      %parallel_loop3A_782 = arith.maximumf %parallel_loop3A_774, %parallel_loop3A_778 : vector<16xf32>
      %parallel_loop3A_783 = arith.minimumf %parallel_loop3A_774, %parallel_loop3A_778 : vector<16xf32>
      %parallel_loop3A_784 = arith.maximumf %parallel_loop3A_776, %parallel_loop3A_780 : vector<16xf32>
      %parallel_loop3A_785 = arith.minimumf %parallel_loop3A_776, %parallel_loop3A_780 : vector<16xf32>
      %parallel_loop3A_786 = arith.maximumf %parallel_loop3A_775, %parallel_loop3A_779 : vector<16xf32>
      %parallel_loop3A_787 = arith.minimumf %parallel_loop3A_775, %parallel_loop3A_779 : vector<16xf32>
      %parallel_loop3A_788 = arith.maximumf %parallel_loop3A_777, %parallel_loop3A_781 : vector<16xf32>
      %parallel_loop3A_789 = arith.minimumf %parallel_loop3A_777, %parallel_loop3A_781 : vector<16xf32>
      %parallel_loop3A_790 = arith.maximumf %parallel_loop3A_782, %parallel_loop3A_784 : vector<16xf32>
      %parallel_loop3A_791 = arith.minimumf %parallel_loop3A_782, %parallel_loop3A_784 : vector<16xf32>
      %parallel_loop3A_792 = arith.maximumf %parallel_loop3A_783, %parallel_loop3A_785 : vector<16xf32>
      %parallel_loop3A_793 = arith.minimumf %parallel_loop3A_783, %parallel_loop3A_785 : vector<16xf32>
      %parallel_loop3A_794 = arith.maximumf %parallel_loop3A_786, %parallel_loop3A_788 : vector<16xf32>
      %parallel_loop3A_795 = arith.minimumf %parallel_loop3A_786, %parallel_loop3A_788 : vector<16xf32>
      %parallel_loop3A_796 = arith.maximumf %parallel_loop3A_787, %parallel_loop3A_789 : vector<16xf32>
      %parallel_loop3A_797 = arith.minimumf %parallel_loop3A_787, %parallel_loop3A_789 : vector<16xf32>
      %parallel_loop3A_798 = arith.constant 1 : i32
      %parallel_loop3A_799 = vector.broadcast %parallel_loop3A_798 : i32 to vector<16xi32>
      %parallel_loop3A_800 = arith.addf %parallel_loop3A_790, %parallel_loop3A_791 : vector<16xf32>
      %parallel_loop3A_801 = arith.subf %parallel_loop3A_800, %parallel_loop3A_791 : vector<16xf32>
      %parallel_loop3A_802 = arith.constant 0.699999988 : f32
      %parallel_loop3A_803 = vector.broadcast %parallel_loop3A_802 : f32 to vector<16xf32>
      %parallel_loop3A_804 = arith.cmpf olt, %parallel_loop3A_801, %parallel_loop3A_803 : vector<16xf32>
      %parallel_loop3A_805 = arith.constant 0.000000e+00 : f32
      %parallel_loop3A_806 = vector.broadcast %parallel_loop3A_805 : f32 to vector<16xf32>
      %parallel_loop3A_807 = arith.select %parallel_loop3A_804, %parallel_loop3A_791, %parallel_loop3A_806 : vector<16xi1>, vector<16xf32>
      %parallel_loop3A_808 = arith.addf %parallel_loop3A_790, %parallel_loop3A_807 : vector<16xf32>
      %parallel_loop3A_809 = arith.constant 1 : i32
      %parallel_loop3A_810 = arith.constant 0 : i32
      %parallel_loop3A_811 = vector.broadcast %parallel_loop3A_809 : i32 to vector<16xi32>
      %parallel_loop3A_812 = vector.broadcast %parallel_loop3A_810 : i32 to vector<16xi32>
      %parallel_loop3A_813 = arith.select %parallel_loop3A_804, %parallel_loop3A_811, %parallel_loop3A_812 : vector<16xi1>, vector<16xi32>
      %parallel_loop3A_814 = arith.addi %parallel_loop3A_799, %parallel_loop3A_813 : vector<16xi32>
      %parallel_loop3A_815 = arith.select %parallel_loop3A_804, %parallel_loop3A_791, %parallel_loop3A_790 : vector<16xi1>, vector<16xf32>
      %parallel_loop3A_816 = arith.addf %parallel_loop3A_800, %parallel_loop3A_792 : vector<16xf32>
      %parallel_loop3A_817 = arith.subf %parallel_loop3A_816, %parallel_loop3A_792 : vector<16xf32>
      %parallel_loop3A_818 = arith.constant 0.699999988 : f32
      %parallel_loop3A_819 = vector.broadcast %parallel_loop3A_818 : f32 to vector<16xf32>
      %parallel_loop3A_820 = arith.cmpf olt, %parallel_loop3A_817, %parallel_loop3A_819 : vector<16xf32>
      %parallel_loop3A_821 = arith.constant 0.000000e+00 : f32
      %parallel_loop3A_822 = vector.broadcast %parallel_loop3A_821 : f32 to vector<16xf32>
      %parallel_loop3A_823 = arith.select %parallel_loop3A_820, %parallel_loop3A_792, %parallel_loop3A_822 : vector<16xi1>, vector<16xf32>
      %parallel_loop3A_824 = arith.addf %parallel_loop3A_808, %parallel_loop3A_823 : vector<16xf32>
      %parallel_loop3A_825 = arith.constant 1 : i32
      %parallel_loop3A_826 = arith.constant 0 : i32
      %parallel_loop3A_827 = vector.broadcast %parallel_loop3A_825 : i32 to vector<16xi32>
      %parallel_loop3A_828 = vector.broadcast %parallel_loop3A_826 : i32 to vector<16xi32>
      %parallel_loop3A_829 = arith.select %parallel_loop3A_820, %parallel_loop3A_827, %parallel_loop3A_828 : vector<16xi1>, vector<16xi32>
      %parallel_loop3A_830 = arith.addi %parallel_loop3A_814, %parallel_loop3A_829 : vector<16xi32>
      %parallel_loop3A_831 = arith.select %parallel_loop3A_820, %parallel_loop3A_792, %parallel_loop3A_815 : vector<16xi1>, vector<16xf32>
      %parallel_loop3A_832 = arith.addf %parallel_loop3A_816, %parallel_loop3A_793 : vector<16xf32>
      %parallel_loop3A_833 = arith.subf %parallel_loop3A_832, %parallel_loop3A_793 : vector<16xf32>
      %parallel_loop3A_834 = arith.constant 0.699999988 : f32
      %parallel_loop3A_835 = vector.broadcast %parallel_loop3A_834 : f32 to vector<16xf32>
      %parallel_loop3A_836 = arith.cmpf olt, %parallel_loop3A_833, %parallel_loop3A_835 : vector<16xf32>
      %parallel_loop3A_837 = arith.constant 0.000000e+00 : f32
      %parallel_loop3A_838 = vector.broadcast %parallel_loop3A_837 : f32 to vector<16xf32>
      %parallel_loop3A_839 = arith.select %parallel_loop3A_836, %parallel_loop3A_793, %parallel_loop3A_838 : vector<16xi1>, vector<16xf32>
      %parallel_loop3A_840 = arith.addf %parallel_loop3A_824, %parallel_loop3A_839 : vector<16xf32>
      %parallel_loop3A_841 = arith.constant 1 : i32
      %parallel_loop3A_842 = arith.constant 0 : i32
      %parallel_loop3A_843 = vector.broadcast %parallel_loop3A_841 : i32 to vector<16xi32>
      %parallel_loop3A_844 = vector.broadcast %parallel_loop3A_842 : i32 to vector<16xi32>
      %parallel_loop3A_845 = arith.select %parallel_loop3A_836, %parallel_loop3A_843, %parallel_loop3A_844 : vector<16xi1>, vector<16xi32>
      %parallel_loop3A_846 = arith.addi %parallel_loop3A_830, %parallel_loop3A_845 : vector<16xi32>
      %parallel_loop3A_847 = arith.select %parallel_loop3A_836, %parallel_loop3A_793, %parallel_loop3A_831 : vector<16xi1>, vector<16xf32>
      %parallel_loop3A_848 = arith.addf %parallel_loop3A_832, %parallel_loop3A_794 : vector<16xf32>
      %parallel_loop3A_849 = arith.subf %parallel_loop3A_848, %parallel_loop3A_794 : vector<16xf32>
      %parallel_loop3A_850 = arith.constant 0.699999988 : f32
      %parallel_loop3A_851 = vector.broadcast %parallel_loop3A_850 : f32 to vector<16xf32>
      %parallel_loop3A_852 = arith.cmpf olt, %parallel_loop3A_849, %parallel_loop3A_851 : vector<16xf32>
      %parallel_loop3A_853 = arith.constant 0.000000e+00 : f32
      %parallel_loop3A_854 = vector.broadcast %parallel_loop3A_853 : f32 to vector<16xf32>
      %parallel_loop3A_855 = arith.select %parallel_loop3A_852, %parallel_loop3A_794, %parallel_loop3A_854 : vector<16xi1>, vector<16xf32>
      %parallel_loop3A_856 = arith.addf %parallel_loop3A_840, %parallel_loop3A_855 : vector<16xf32>
      %parallel_loop3A_857 = arith.constant 1 : i32
      %parallel_loop3A_858 = arith.constant 0 : i32
      %parallel_loop3A_859 = vector.broadcast %parallel_loop3A_857 : i32 to vector<16xi32>
      %parallel_loop3A_860 = vector.broadcast %parallel_loop3A_858 : i32 to vector<16xi32>
      %parallel_loop3A_861 = arith.select %parallel_loop3A_852, %parallel_loop3A_859, %parallel_loop3A_860 : vector<16xi1>, vector<16xi32>
      %parallel_loop3A_862 = arith.addi %parallel_loop3A_846, %parallel_loop3A_861 : vector<16xi32>
      %parallel_loop3A_863 = arith.select %parallel_loop3A_852, %parallel_loop3A_794, %parallel_loop3A_847 : vector<16xi1>, vector<16xf32>
      %parallel_loop3A_864 = arith.addf %parallel_loop3A_848, %parallel_loop3A_795 : vector<16xf32>
      %parallel_loop3A_865 = arith.subf %parallel_loop3A_864, %parallel_loop3A_795 : vector<16xf32>
      %parallel_loop3A_866 = arith.constant 0.699999988 : f32
      %parallel_loop3A_867 = vector.broadcast %parallel_loop3A_866 : f32 to vector<16xf32>
      %parallel_loop3A_868 = arith.cmpf olt, %parallel_loop3A_865, %parallel_loop3A_867 : vector<16xf32>
      %parallel_loop3A_869 = arith.constant 0.000000e+00 : f32
      %parallel_loop3A_870 = vector.broadcast %parallel_loop3A_869 : f32 to vector<16xf32>
      %parallel_loop3A_871 = arith.select %parallel_loop3A_868, %parallel_loop3A_795, %parallel_loop3A_870 : vector<16xi1>, vector<16xf32>
      %parallel_loop3A_872 = arith.addf %parallel_loop3A_856, %parallel_loop3A_871 : vector<16xf32>
      %parallel_loop3A_873 = arith.constant 1 : i32
      %parallel_loop3A_874 = arith.constant 0 : i32
      %parallel_loop3A_875 = vector.broadcast %parallel_loop3A_873 : i32 to vector<16xi32>
      %parallel_loop3A_876 = vector.broadcast %parallel_loop3A_874 : i32 to vector<16xi32>
      %parallel_loop3A_877 = arith.select %parallel_loop3A_868, %parallel_loop3A_875, %parallel_loop3A_876 : vector<16xi1>, vector<16xi32>
      %parallel_loop3A_878 = arith.addi %parallel_loop3A_862, %parallel_loop3A_877 : vector<16xi32>
      %parallel_loop3A_879 = arith.select %parallel_loop3A_868, %parallel_loop3A_795, %parallel_loop3A_863 : vector<16xi1>, vector<16xf32>
      %parallel_loop3A_880 = arith.addf %parallel_loop3A_864, %parallel_loop3A_796 : vector<16xf32>
      %parallel_loop3A_881 = arith.subf %parallel_loop3A_880, %parallel_loop3A_796 : vector<16xf32>
      %parallel_loop3A_882 = arith.constant 0.699999988 : f32
      %parallel_loop3A_883 = vector.broadcast %parallel_loop3A_882 : f32 to vector<16xf32>
      %parallel_loop3A_884 = arith.cmpf olt, %parallel_loop3A_881, %parallel_loop3A_883 : vector<16xf32>
      %parallel_loop3A_885 = arith.constant 0.000000e+00 : f32
      %parallel_loop3A_886 = vector.broadcast %parallel_loop3A_885 : f32 to vector<16xf32>
      %parallel_loop3A_887 = arith.select %parallel_loop3A_884, %parallel_loop3A_796, %parallel_loop3A_886 : vector<16xi1>, vector<16xf32>
      %parallel_loop3A_888 = arith.addf %parallel_loop3A_872, %parallel_loop3A_887 : vector<16xf32>
      %parallel_loop3A_889 = arith.constant 1 : i32
      %parallel_loop3A_890 = arith.constant 0 : i32
      %parallel_loop3A_891 = vector.broadcast %parallel_loop3A_889 : i32 to vector<16xi32>
      %parallel_loop3A_892 = vector.broadcast %parallel_loop3A_890 : i32 to vector<16xi32>
      %parallel_loop3A_893 = arith.select %parallel_loop3A_884, %parallel_loop3A_891, %parallel_loop3A_892 : vector<16xi1>, vector<16xi32>
      %parallel_loop3A_894 = arith.addi %parallel_loop3A_878, %parallel_loop3A_893 : vector<16xi32>
      %parallel_loop3A_895 = arith.select %parallel_loop3A_884, %parallel_loop3A_796, %parallel_loop3A_879 : vector<16xi1>, vector<16xf32>
      %parallel_loop3A_896 = arith.addf %parallel_loop3A_880, %parallel_loop3A_797 : vector<16xf32>
      %parallel_loop3A_897 = arith.subf %parallel_loop3A_896, %parallel_loop3A_797 : vector<16xf32>
      %parallel_loop3A_898 = arith.constant 0.699999988 : f32
      %parallel_loop3A_899 = vector.broadcast %parallel_loop3A_898 : f32 to vector<16xf32>
      %parallel_loop3A_900 = arith.cmpf olt, %parallel_loop3A_897, %parallel_loop3A_899 : vector<16xf32>
      %parallel_loop3A_901 = arith.constant 0.000000e+00 : f32
      %parallel_loop3A_902 = vector.broadcast %parallel_loop3A_901 : f32 to vector<16xf32>
      %parallel_loop3A_903 = arith.select %parallel_loop3A_900, %parallel_loop3A_797, %parallel_loop3A_902 : vector<16xi1>, vector<16xf32>
      %parallel_loop3A_904 = arith.addf %parallel_loop3A_888, %parallel_loop3A_903 : vector<16xf32>
      %parallel_loop3A_905 = arith.constant 1 : i32
      %parallel_loop3A_906 = arith.constant 0 : i32
      %parallel_loop3A_907 = vector.broadcast %parallel_loop3A_905 : i32 to vector<16xi32>
      %parallel_loop3A_908 = vector.broadcast %parallel_loop3A_906 : i32 to vector<16xi32>
      %parallel_loop3A_909 = arith.select %parallel_loop3A_900, %parallel_loop3A_907, %parallel_loop3A_908 : vector<16xi1>, vector<16xi32>
      %parallel_loop3A_910 = arith.addi %parallel_loop3A_894, %parallel_loop3A_909 : vector<16xi32>
      %parallel_loop3A_911 = arith.select %parallel_loop3A_900, %parallel_loop3A_797, %parallel_loop3A_895 : vector<16xi1>, vector<16xf32>
      %parallel_loop3A_912 = arith.constant 9.99999971E-10 : f32
      %parallel_loop3A_913 = vector.broadcast %parallel_loop3A_912 : f32 to vector<16xf32>
      %parallel_loop3A_914 = arith.addf %parallel_loop3A_904, %parallel_loop3A_913 : vector<16xf32>
      %parallel_loop3A_915 = arith.constant 1.000000e+00 : f32
      %parallel_loop3A_916 = vector.broadcast %parallel_loop3A_915 : f32 to vector<16xf32>
      %parallel_loop3A_917 = arith.divf %parallel_loop3A_916, %parallel_loop3A_914 : vector<16xf32>
      %parallel_loop3A_918 = arith.cmpf ogt, %parallel_loop3A_790, %parallel_loop3A_911 : vector<16xf32>
      %parallel_loop3A_919 = arith.constant 1 : i32
      %parallel_loop3A_920 = arith.constant 0 : i32
      %parallel_loop3A_921 = vector.broadcast %parallel_loop3A_919 : i32 to vector<16xi32>
      %parallel_loop3A_922 = vector.broadcast %parallel_loop3A_920 : i32 to vector<16xi32>
      %parallel_loop3A_923 = arith.select %parallel_loop3A_918, %parallel_loop3A_921, %parallel_loop3A_922 : vector<16xi1>, vector<16xi32>
      %parallel_loop3A_924 = arith.cmpf ogt, %parallel_loop3A_791, %parallel_loop3A_911 : vector<16xf32>
      %parallel_loop3A_925 = arith.constant 1 : i32
      %parallel_loop3A_926 = arith.constant 0 : i32
      %parallel_loop3A_927 = vector.broadcast %parallel_loop3A_925 : i32 to vector<16xi32>
      %parallel_loop3A_928 = vector.broadcast %parallel_loop3A_926 : i32 to vector<16xi32>
      %parallel_loop3A_929 = arith.select %parallel_loop3A_924, %parallel_loop3A_927, %parallel_loop3A_928 : vector<16xi1>, vector<16xi32>
      %parallel_loop3A_930 = arith.addi %parallel_loop3A_923, %parallel_loop3A_929 : vector<16xi32>
      %parallel_loop3A_931 = arith.cmpf ogt, %parallel_loop3A_792, %parallel_loop3A_911 : vector<16xf32>
      %parallel_loop3A_932 = arith.constant 1 : i32
      %parallel_loop3A_933 = arith.constant 0 : i32
      %parallel_loop3A_934 = vector.broadcast %parallel_loop3A_932 : i32 to vector<16xi32>
      %parallel_loop3A_935 = vector.broadcast %parallel_loop3A_933 : i32 to vector<16xi32>
      %parallel_loop3A_936 = arith.select %parallel_loop3A_931, %parallel_loop3A_934, %parallel_loop3A_935 : vector<16xi1>, vector<16xi32>
      %parallel_loop3A_937 = arith.addi %parallel_loop3A_930, %parallel_loop3A_936 : vector<16xi32>
      %parallel_loop3A_938 = arith.cmpf ogt, %parallel_loop3A_793, %parallel_loop3A_911 : vector<16xf32>
      %parallel_loop3A_939 = arith.constant 1 : i32
      %parallel_loop3A_940 = arith.constant 0 : i32
      %parallel_loop3A_941 = vector.broadcast %parallel_loop3A_939 : i32 to vector<16xi32>
      %parallel_loop3A_942 = vector.broadcast %parallel_loop3A_940 : i32 to vector<16xi32>
      %parallel_loop3A_943 = arith.select %parallel_loop3A_938, %parallel_loop3A_941, %parallel_loop3A_942 : vector<16xi1>, vector<16xi32>
      %parallel_loop3A_944 = arith.addi %parallel_loop3A_937, %parallel_loop3A_943 : vector<16xi32>
      %parallel_loop3A_945 = arith.cmpf ogt, %parallel_loop3A_794, %parallel_loop3A_911 : vector<16xf32>
      %parallel_loop3A_946 = arith.constant 1 : i32
      %parallel_loop3A_947 = arith.constant 0 : i32
      %parallel_loop3A_948 = vector.broadcast %parallel_loop3A_946 : i32 to vector<16xi32>
      %parallel_loop3A_949 = vector.broadcast %parallel_loop3A_947 : i32 to vector<16xi32>
      %parallel_loop3A_950 = arith.select %parallel_loop3A_945, %parallel_loop3A_948, %parallel_loop3A_949 : vector<16xi1>, vector<16xi32>
      %parallel_loop3A_951 = arith.addi %parallel_loop3A_944, %parallel_loop3A_950 : vector<16xi32>
      %parallel_loop3A_952 = arith.cmpf ogt, %parallel_loop3A_795, %parallel_loop3A_911 : vector<16xf32>
      %parallel_loop3A_953 = arith.constant 1 : i32
      %parallel_loop3A_954 = arith.constant 0 : i32
      %parallel_loop3A_955 = vector.broadcast %parallel_loop3A_953 : i32 to vector<16xi32>
      %parallel_loop3A_956 = vector.broadcast %parallel_loop3A_954 : i32 to vector<16xi32>
      %parallel_loop3A_957 = arith.select %parallel_loop3A_952, %parallel_loop3A_955, %parallel_loop3A_956 : vector<16xi1>, vector<16xi32>
      %parallel_loop3A_958 = arith.addi %parallel_loop3A_951, %parallel_loop3A_957 : vector<16xi32>
      %parallel_loop3A_959 = arith.cmpf ogt, %parallel_loop3A_796, %parallel_loop3A_911 : vector<16xf32>
      %parallel_loop3A_960 = arith.constant 1 : i32
      %parallel_loop3A_961 = arith.constant 0 : i32
      %parallel_loop3A_962 = vector.broadcast %parallel_loop3A_960 : i32 to vector<16xi32>
      %parallel_loop3A_963 = vector.broadcast %parallel_loop3A_961 : i32 to vector<16xi32>
      %parallel_loop3A_964 = arith.select %parallel_loop3A_959, %parallel_loop3A_962, %parallel_loop3A_963 : vector<16xi1>, vector<16xi32>
      %parallel_loop3A_965 = arith.addi %parallel_loop3A_958, %parallel_loop3A_964 : vector<16xi32>
      %parallel_loop3A_966 = arith.cmpf ogt, %parallel_loop3A_797, %parallel_loop3A_911 : vector<16xf32>
      %parallel_loop3A_967 = arith.constant 1 : i32
      %parallel_loop3A_968 = arith.constant 0 : i32
      %parallel_loop3A_969 = vector.broadcast %parallel_loop3A_967 : i32 to vector<16xi32>
      %parallel_loop3A_970 = vector.broadcast %parallel_loop3A_968 : i32 to vector<16xi32>
      %parallel_loop3A_971 = arith.select %parallel_loop3A_966, %parallel_loop3A_969, %parallel_loop3A_970 : vector<16xi1>, vector<16xi32>
      %parallel_loop3A_972 = arith.addi %parallel_loop3A_965, %parallel_loop3A_971 : vector<16xi32>
      %parallel_loop3A_973 = arith.subi %parallel_loop3A_910, %parallel_loop3A_972 : vector<16xi32>
      %parallel_loop3A_974 = arith.constant 0 : i32
      %parallel_loop3A_975 = vector.broadcast %parallel_loop3A_974 : i32 to vector<16xi32>
      %parallel_loop3A_976 = arith.cmpf ogt, %parallel_loop3A_17, %parallel_loop3A_911 : vector<16xf32>
      %parallel_loop3A_977 = arith.cmpf oeq, %parallel_loop3A_17, %parallel_loop3A_911 : vector<16xf32>
      %parallel_loop3A_978 = arith.cmpi slt, %parallel_loop3A_975, %parallel_loop3A_973 : vector<16xi32>
      %parallel_loop3A_979 = arith.andi %parallel_loop3A_977, %parallel_loop3A_978 : vector<16xi1>
      %parallel_loop3A_980 = arith.ori %parallel_loop3A_976, %parallel_loop3A_979 : vector<16xi1>
      %parallel_loop3A_981 = arith.mulf %parallel_loop3A_17, %parallel_loop3A_917 : vector<16xf32>
      %parallel_loop3A_982 = arith.constant 0.000000e+00 : f32
      %parallel_loop3A_983 = vector.broadcast %parallel_loop3A_982 : f32 to vector<16xf32>
      %parallel_loop3A_984 = arith.select %parallel_loop3A_980, %parallel_loop3A_981, %parallel_loop3A_983 : vector<16xi1>, vector<16xf32>
      %parallel_loop3A_985 = arith.constant 0 : i32
      %parallel_loop3A_986 = vector.broadcast %parallel_loop3A_985 : i32 to vector<16xi32>
      %parallel_loop3A_987 = arith.addi %parallel_loop3A_13, %parallel_loop3A_986 : vector<16xi32>
      tpu.vector_store_idx %arg5[%parallel_loop3A_987], %parallel_loop3A_984 : memref<32768xf32, #tpu.memory_space<vmem>>[vector<16xi32>], vector<16xf32>,
      %parallel_loop3A_988 = arith.constant 1 : i32
      %parallel_loop3A_989 = arith.constant 0 : i32
      %parallel_loop3A_990 = vector.broadcast %parallel_loop3A_988 : i32 to vector<16xi32>
      %parallel_loop3A_991 = vector.broadcast %parallel_loop3A_989 : i32 to vector<16xi32>
      %parallel_loop3A_992 = arith.select %parallel_loop3A_977, %parallel_loop3A_990, %parallel_loop3A_991 : vector<16xi1>, vector<16xi32>
      %parallel_loop3A_993 = arith.addi %parallel_loop3A_975, %parallel_loop3A_992 : vector<16xi32>
      %parallel_loop3A_994 = arith.cmpf ogt, %parallel_loop3A_21, %parallel_loop3A_911 : vector<16xf32>
      %parallel_loop3A_995 = arith.cmpf oeq, %parallel_loop3A_21, %parallel_loop3A_911 : vector<16xf32>
      %parallel_loop3A_996 = arith.cmpi slt, %parallel_loop3A_993, %parallel_loop3A_973 : vector<16xi32>
      %parallel_loop3A_997 = arith.andi %parallel_loop3A_995, %parallel_loop3A_996 : vector<16xi1>
      %parallel_loop3A_998 = arith.ori %parallel_loop3A_994, %parallel_loop3A_997 : vector<16xi1>
      %parallel_loop3A_999 = arith.mulf %parallel_loop3A_21, %parallel_loop3A_917 : vector<16xf32>
      %parallel_loop3A_1000 = arith.constant 0.000000e+00 : f32
      %parallel_loop3A_1001 = vector.broadcast %parallel_loop3A_1000 : f32 to vector<16xf32>
      %parallel_loop3A_1002 = arith.select %parallel_loop3A_998, %parallel_loop3A_999, %parallel_loop3A_1001 : vector<16xi1>, vector<16xf32>
      %parallel_loop3A_1003 = arith.constant 1 : i32
      %parallel_loop3A_1004 = vector.broadcast %parallel_loop3A_1003 : i32 to vector<16xi32>
      %parallel_loop3A_1005 = arith.addi %parallel_loop3A_13, %parallel_loop3A_1004 : vector<16xi32>
      tpu.vector_store_idx %arg5[%parallel_loop3A_1005], %parallel_loop3A_1002 : memref<32768xf32, #tpu.memory_space<vmem>>[vector<16xi32>], vector<16xf32>,
      %parallel_loop3A_1006 = arith.constant 1 : i32
      %parallel_loop3A_1007 = arith.constant 0 : i32
      %parallel_loop3A_1008 = vector.broadcast %parallel_loop3A_1006 : i32 to vector<16xi32>
      %parallel_loop3A_1009 = vector.broadcast %parallel_loop3A_1007 : i32 to vector<16xi32>
      %parallel_loop3A_1010 = arith.select %parallel_loop3A_995, %parallel_loop3A_1008, %parallel_loop3A_1009 : vector<16xi1>, vector<16xi32>
      %parallel_loop3A_1011 = arith.addi %parallel_loop3A_993, %parallel_loop3A_1010 : vector<16xi32>
      %parallel_loop3A_1012 = arith.cmpf ogt, %parallel_loop3A_25, %parallel_loop3A_911 : vector<16xf32>
      %parallel_loop3A_1013 = arith.cmpf oeq, %parallel_loop3A_25, %parallel_loop3A_911 : vector<16xf32>
      %parallel_loop3A_1014 = arith.cmpi slt, %parallel_loop3A_1011, %parallel_loop3A_973 : vector<16xi32>
      %parallel_loop3A_1015 = arith.andi %parallel_loop3A_1013, %parallel_loop3A_1014 : vector<16xi1>
      %parallel_loop3A_1016 = arith.ori %parallel_loop3A_1012, %parallel_loop3A_1015 : vector<16xi1>
      %parallel_loop3A_1017 = arith.mulf %parallel_loop3A_25, %parallel_loop3A_917 : vector<16xf32>
      %parallel_loop3A_1018 = arith.constant 0.000000e+00 : f32
      %parallel_loop3A_1019 = vector.broadcast %parallel_loop3A_1018 : f32 to vector<16xf32>
      %parallel_loop3A_1020 = arith.select %parallel_loop3A_1016, %parallel_loop3A_1017, %parallel_loop3A_1019 : vector<16xi1>, vector<16xf32>
      %parallel_loop3A_1021 = arith.constant 2 : i32
      %parallel_loop3A_1022 = vector.broadcast %parallel_loop3A_1021 : i32 to vector<16xi32>
      %parallel_loop3A_1023 = arith.addi %parallel_loop3A_13, %parallel_loop3A_1022 : vector<16xi32>
      tpu.vector_store_idx %arg5[%parallel_loop3A_1023], %parallel_loop3A_1020 : memref<32768xf32, #tpu.memory_space<vmem>>[vector<16xi32>], vector<16xf32>,
      %parallel_loop3A_1024 = arith.constant 1 : i32
      %parallel_loop3A_1025 = arith.constant 0 : i32
      %parallel_loop3A_1026 = vector.broadcast %parallel_loop3A_1024 : i32 to vector<16xi32>
      %parallel_loop3A_1027 = vector.broadcast %parallel_loop3A_1025 : i32 to vector<16xi32>
      %parallel_loop3A_1028 = arith.select %parallel_loop3A_1013, %parallel_loop3A_1026, %parallel_loop3A_1027 : vector<16xi1>, vector<16xi32>
      %parallel_loop3A_1029 = arith.addi %parallel_loop3A_1011, %parallel_loop3A_1028 : vector<16xi32>
      %parallel_loop3A_1030 = arith.cmpf ogt, %parallel_loop3A_29, %parallel_loop3A_911 : vector<16xf32>
      %parallel_loop3A_1031 = arith.cmpf oeq, %parallel_loop3A_29, %parallel_loop3A_911 : vector<16xf32>
      %parallel_loop3A_1032 = arith.cmpi slt, %parallel_loop3A_1029, %parallel_loop3A_973 : vector<16xi32>
      %parallel_loop3A_1033 = arith.andi %parallel_loop3A_1031, %parallel_loop3A_1032 : vector<16xi1>
      %parallel_loop3A_1034 = arith.ori %parallel_loop3A_1030, %parallel_loop3A_1033 : vector<16xi1>
      %parallel_loop3A_1035 = arith.mulf %parallel_loop3A_29, %parallel_loop3A_917 : vector<16xf32>
      %parallel_loop3A_1036 = arith.constant 0.000000e+00 : f32
      %parallel_loop3A_1037 = vector.broadcast %parallel_loop3A_1036 : f32 to vector<16xf32>
      %parallel_loop3A_1038 = arith.select %parallel_loop3A_1034, %parallel_loop3A_1035, %parallel_loop3A_1037 : vector<16xi1>, vector<16xf32>
      %parallel_loop3A_1039 = arith.constant 3 : i32
      %parallel_loop3A_1040 = vector.broadcast %parallel_loop3A_1039 : i32 to vector<16xi32>
      %parallel_loop3A_1041 = arith.addi %parallel_loop3A_13, %parallel_loop3A_1040 : vector<16xi32>
      tpu.vector_store_idx %arg5[%parallel_loop3A_1041], %parallel_loop3A_1038 : memref<32768xf32, #tpu.memory_space<vmem>>[vector<16xi32>], vector<16xf32>,
      %parallel_loop3A_1042 = arith.constant 1 : i32
      %parallel_loop3A_1043 = arith.constant 0 : i32
      %parallel_loop3A_1044 = vector.broadcast %parallel_loop3A_1042 : i32 to vector<16xi32>
      %parallel_loop3A_1045 = vector.broadcast %parallel_loop3A_1043 : i32 to vector<16xi32>
      %parallel_loop3A_1046 = arith.select %parallel_loop3A_1031, %parallel_loop3A_1044, %parallel_loop3A_1045 : vector<16xi1>, vector<16xi32>
      %parallel_loop3A_1047 = arith.addi %parallel_loop3A_1029, %parallel_loop3A_1046 : vector<16xi32>
      %parallel_loop3A_1048 = arith.cmpf ogt, %parallel_loop3A_33, %parallel_loop3A_911 : vector<16xf32>
      %parallel_loop3A_1049 = arith.cmpf oeq, %parallel_loop3A_33, %parallel_loop3A_911 : vector<16xf32>
      %parallel_loop3A_1050 = arith.cmpi slt, %parallel_loop3A_1047, %parallel_loop3A_973 : vector<16xi32>
      %parallel_loop3A_1051 = arith.andi %parallel_loop3A_1049, %parallel_loop3A_1050 : vector<16xi1>
      %parallel_loop3A_1052 = arith.ori %parallel_loop3A_1048, %parallel_loop3A_1051 : vector<16xi1>
      %parallel_loop3A_1053 = arith.mulf %parallel_loop3A_33, %parallel_loop3A_917 : vector<16xf32>
      %parallel_loop3A_1054 = arith.constant 0.000000e+00 : f32
      %parallel_loop3A_1055 = vector.broadcast %parallel_loop3A_1054 : f32 to vector<16xf32>
      %parallel_loop3A_1056 = arith.select %parallel_loop3A_1052, %parallel_loop3A_1053, %parallel_loop3A_1055 : vector<16xi1>, vector<16xf32>
      %parallel_loop3A_1057 = arith.constant 4 : i32
      %parallel_loop3A_1058 = vector.broadcast %parallel_loop3A_1057 : i32 to vector<16xi32>
      %parallel_loop3A_1059 = arith.addi %parallel_loop3A_13, %parallel_loop3A_1058 : vector<16xi32>
      tpu.vector_store_idx %arg5[%parallel_loop3A_1059], %parallel_loop3A_1056 : memref<32768xf32, #tpu.memory_space<vmem>>[vector<16xi32>], vector<16xf32>,
      %parallel_loop3A_1060 = arith.constant 1 : i32
      %parallel_loop3A_1061 = arith.constant 0 : i32
      %parallel_loop3A_1062 = vector.broadcast %parallel_loop3A_1060 : i32 to vector<16xi32>
      %parallel_loop3A_1063 = vector.broadcast %parallel_loop3A_1061 : i32 to vector<16xi32>
      %parallel_loop3A_1064 = arith.select %parallel_loop3A_1049, %parallel_loop3A_1062, %parallel_loop3A_1063 : vector<16xi1>, vector<16xi32>
      %parallel_loop3A_1065 = arith.addi %parallel_loop3A_1047, %parallel_loop3A_1064 : vector<16xi32>
      %parallel_loop3A_1066 = arith.cmpf ogt, %parallel_loop3A_37, %parallel_loop3A_911 : vector<16xf32>
      %parallel_loop3A_1067 = arith.cmpf oeq, %parallel_loop3A_37, %parallel_loop3A_911 : vector<16xf32>
      %parallel_loop3A_1068 = arith.cmpi slt, %parallel_loop3A_1065, %parallel_loop3A_973 : vector<16xi32>
      %parallel_loop3A_1069 = arith.andi %parallel_loop3A_1067, %parallel_loop3A_1068 : vector<16xi1>
      %parallel_loop3A_1070 = arith.ori %parallel_loop3A_1066, %parallel_loop3A_1069 : vector<16xi1>
      %parallel_loop3A_1071 = arith.mulf %parallel_loop3A_37, %parallel_loop3A_917 : vector<16xf32>
      %parallel_loop3A_1072 = arith.constant 0.000000e+00 : f32
      %parallel_loop3A_1073 = vector.broadcast %parallel_loop3A_1072 : f32 to vector<16xf32>
      %parallel_loop3A_1074 = arith.select %parallel_loop3A_1070, %parallel_loop3A_1071, %parallel_loop3A_1073 : vector<16xi1>, vector<16xf32>
      %parallel_loop3A_1075 = arith.constant 5 : i32
      %parallel_loop3A_1076 = vector.broadcast %parallel_loop3A_1075 : i32 to vector<16xi32>
      %parallel_loop3A_1077 = arith.addi %parallel_loop3A_13, %parallel_loop3A_1076 : vector<16xi32>
      tpu.vector_store_idx %arg5[%parallel_loop3A_1077], %parallel_loop3A_1074 : memref<32768xf32, #tpu.memory_space<vmem>>[vector<16xi32>], vector<16xf32>,
      %parallel_loop3A_1078 = arith.constant 1 : i32
      %parallel_loop3A_1079 = arith.constant 0 : i32
      %parallel_loop3A_1080 = vector.broadcast %parallel_loop3A_1078 : i32 to vector<16xi32>
      %parallel_loop3A_1081 = vector.broadcast %parallel_loop3A_1079 : i32 to vector<16xi32>
      %parallel_loop3A_1082 = arith.select %parallel_loop3A_1067, %parallel_loop3A_1080, %parallel_loop3A_1081 : vector<16xi1>, vector<16xi32>
      %parallel_loop3A_1083 = arith.addi %parallel_loop3A_1065, %parallel_loop3A_1082 : vector<16xi32>
      %parallel_loop3A_1084 = arith.cmpf ogt, %parallel_loop3A_41, %parallel_loop3A_911 : vector<16xf32>
      %parallel_loop3A_1085 = arith.cmpf oeq, %parallel_loop3A_41, %parallel_loop3A_911 : vector<16xf32>
      %parallel_loop3A_1086 = arith.cmpi slt, %parallel_loop3A_1083, %parallel_loop3A_973 : vector<16xi32>
      %parallel_loop3A_1087 = arith.andi %parallel_loop3A_1085, %parallel_loop3A_1086 : vector<16xi1>
      %parallel_loop3A_1088 = arith.ori %parallel_loop3A_1084, %parallel_loop3A_1087 : vector<16xi1>
      %parallel_loop3A_1089 = arith.mulf %parallel_loop3A_41, %parallel_loop3A_917 : vector<16xf32>
      %parallel_loop3A_1090 = arith.constant 0.000000e+00 : f32
      %parallel_loop3A_1091 = vector.broadcast %parallel_loop3A_1090 : f32 to vector<16xf32>
      %parallel_loop3A_1092 = arith.select %parallel_loop3A_1088, %parallel_loop3A_1089, %parallel_loop3A_1091 : vector<16xi1>, vector<16xf32>
      %parallel_loop3A_1093 = arith.constant 6 : i32
      %parallel_loop3A_1094 = vector.broadcast %parallel_loop3A_1093 : i32 to vector<16xi32>
      %parallel_loop3A_1095 = arith.addi %parallel_loop3A_13, %parallel_loop3A_1094 : vector<16xi32>
      tpu.vector_store_idx %arg5[%parallel_loop3A_1095], %parallel_loop3A_1092 : memref<32768xf32, #tpu.memory_space<vmem>>[vector<16xi32>], vector<16xf32>,
      %parallel_loop3A_1096 = arith.constant 1 : i32
      %parallel_loop3A_1097 = arith.constant 0 : i32
      %parallel_loop3A_1098 = vector.broadcast %parallel_loop3A_1096 : i32 to vector<16xi32>
      %parallel_loop3A_1099 = vector.broadcast %parallel_loop3A_1097 : i32 to vector<16xi32>
      %parallel_loop3A_1100 = arith.select %parallel_loop3A_1085, %parallel_loop3A_1098, %parallel_loop3A_1099 : vector<16xi1>, vector<16xi32>
      %parallel_loop3A_1101 = arith.addi %parallel_loop3A_1083, %parallel_loop3A_1100 : vector<16xi32>
      %parallel_loop3A_1102 = arith.cmpf ogt, %parallel_loop3A_45, %parallel_loop3A_911 : vector<16xf32>
      %parallel_loop3A_1103 = arith.cmpf oeq, %parallel_loop3A_45, %parallel_loop3A_911 : vector<16xf32>
      %parallel_loop3A_1104 = arith.cmpi slt, %parallel_loop3A_1101, %parallel_loop3A_973 : vector<16xi32>
      %parallel_loop3A_1105 = arith.andi %parallel_loop3A_1103, %parallel_loop3A_1104 : vector<16xi1>
      %parallel_loop3A_1106 = arith.ori %parallel_loop3A_1102, %parallel_loop3A_1105 : vector<16xi1>
      %parallel_loop3A_1107 = arith.mulf %parallel_loop3A_45, %parallel_loop3A_917 : vector<16xf32>
      %parallel_loop3A_1108 = arith.constant 0.000000e+00 : f32
      %parallel_loop3A_1109 = vector.broadcast %parallel_loop3A_1108 : f32 to vector<16xf32>
      %parallel_loop3A_1110 = arith.select %parallel_loop3A_1106, %parallel_loop3A_1107, %parallel_loop3A_1109 : vector<16xi1>, vector<16xf32>
      %parallel_loop3A_1111 = arith.constant 7 : i32
      %parallel_loop3A_1112 = vector.broadcast %parallel_loop3A_1111 : i32 to vector<16xi32>
      %parallel_loop3A_1113 = arith.addi %parallel_loop3A_13, %parallel_loop3A_1112 : vector<16xi32>
      tpu.vector_store_idx %arg5[%parallel_loop3A_1113], %parallel_loop3A_1110 : memref<32768xf32, #tpu.memory_space<vmem>>[vector<16xi32>], vector<16xf32>,
      %parallel_loop3A_1114 = arith.constant 1 : i32
      %parallel_loop3A_1115 = arith.constant 0 : i32
      %parallel_loop3A_1116 = vector.broadcast %parallel_loop3A_1114 : i32 to vector<16xi32>
      %parallel_loop3A_1117 = vector.broadcast %parallel_loop3A_1115 : i32 to vector<16xi32>
      %parallel_loop3A_1118 = arith.select %parallel_loop3A_1103, %parallel_loop3A_1116, %parallel_loop3A_1117 : vector<16xi1>, vector<16xi32>
      %parallel_loop3A_1119 = arith.addi %parallel_loop3A_1101, %parallel_loop3A_1118 : vector<16xi32>
      %parallel_loop3A_1120 = arith.cmpf ogt, %parallel_loop3A_49, %parallel_loop3A_911 : vector<16xf32>
      %parallel_loop3A_1121 = arith.cmpf oeq, %parallel_loop3A_49, %parallel_loop3A_911 : vector<16xf32>
      %parallel_loop3A_1122 = arith.cmpi slt, %parallel_loop3A_1119, %parallel_loop3A_973 : vector<16xi32>
      %parallel_loop3A_1123 = arith.andi %parallel_loop3A_1121, %parallel_loop3A_1122 : vector<16xi1>
      %parallel_loop3A_1124 = arith.ori %parallel_loop3A_1120, %parallel_loop3A_1123 : vector<16xi1>
      %parallel_loop3A_1125 = arith.mulf %parallel_loop3A_49, %parallel_loop3A_917 : vector<16xf32>
      %parallel_loop3A_1126 = arith.constant 0.000000e+00 : f32
      %parallel_loop3A_1127 = vector.broadcast %parallel_loop3A_1126 : f32 to vector<16xf32>
      %parallel_loop3A_1128 = arith.select %parallel_loop3A_1124, %parallel_loop3A_1125, %parallel_loop3A_1127 : vector<16xi1>, vector<16xf32>
      %parallel_loop3A_1129 = arith.constant 8 : i32
      %parallel_loop3A_1130 = vector.broadcast %parallel_loop3A_1129 : i32 to vector<16xi32>
      %parallel_loop3A_1131 = arith.addi %parallel_loop3A_13, %parallel_loop3A_1130 : vector<16xi32>
      tpu.vector_store_idx %arg5[%parallel_loop3A_1131], %parallel_loop3A_1128 : memref<32768xf32, #tpu.memory_space<vmem>>[vector<16xi32>], vector<16xf32>,
      %parallel_loop3A_1132 = arith.constant 1 : i32
      %parallel_loop3A_1133 = arith.constant 0 : i32
      %parallel_loop3A_1134 = vector.broadcast %parallel_loop3A_1132 : i32 to vector<16xi32>
      %parallel_loop3A_1135 = vector.broadcast %parallel_loop3A_1133 : i32 to vector<16xi32>
      %parallel_loop3A_1136 = arith.select %parallel_loop3A_1121, %parallel_loop3A_1134, %parallel_loop3A_1135 : vector<16xi1>, vector<16xi32>
      %parallel_loop3A_1137 = arith.addi %parallel_loop3A_1119, %parallel_loop3A_1136 : vector<16xi32>
      %parallel_loop3A_1138 = arith.cmpf ogt, %parallel_loop3A_53, %parallel_loop3A_911 : vector<16xf32>
      %parallel_loop3A_1139 = arith.cmpf oeq, %parallel_loop3A_53, %parallel_loop3A_911 : vector<16xf32>
      %parallel_loop3A_1140 = arith.cmpi slt, %parallel_loop3A_1137, %parallel_loop3A_973 : vector<16xi32>
      %parallel_loop3A_1141 = arith.andi %parallel_loop3A_1139, %parallel_loop3A_1140 : vector<16xi1>
      %parallel_loop3A_1142 = arith.ori %parallel_loop3A_1138, %parallel_loop3A_1141 : vector<16xi1>
      %parallel_loop3A_1143 = arith.mulf %parallel_loop3A_53, %parallel_loop3A_917 : vector<16xf32>
      %parallel_loop3A_1144 = arith.constant 0.000000e+00 : f32
      %parallel_loop3A_1145 = vector.broadcast %parallel_loop3A_1144 : f32 to vector<16xf32>
      %parallel_loop3A_1146 = arith.select %parallel_loop3A_1142, %parallel_loop3A_1143, %parallel_loop3A_1145 : vector<16xi1>, vector<16xf32>
      %parallel_loop3A_1147 = arith.constant 9 : i32
      %parallel_loop3A_1148 = vector.broadcast %parallel_loop3A_1147 : i32 to vector<16xi32>
      %parallel_loop3A_1149 = arith.addi %parallel_loop3A_13, %parallel_loop3A_1148 : vector<16xi32>
      tpu.vector_store_idx %arg5[%parallel_loop3A_1149], %parallel_loop3A_1146 : memref<32768xf32, #tpu.memory_space<vmem>>[vector<16xi32>], vector<16xf32>,
      %parallel_loop3A_1150 = arith.constant 1 : i32
      %parallel_loop3A_1151 = arith.constant 0 : i32
      %parallel_loop3A_1152 = vector.broadcast %parallel_loop3A_1150 : i32 to vector<16xi32>
      %parallel_loop3A_1153 = vector.broadcast %parallel_loop3A_1151 : i32 to vector<16xi32>
      %parallel_loop3A_1154 = arith.select %parallel_loop3A_1139, %parallel_loop3A_1152, %parallel_loop3A_1153 : vector<16xi1>, vector<16xi32>
      %parallel_loop3A_1155 = arith.addi %parallel_loop3A_1137, %parallel_loop3A_1154 : vector<16xi32>
      %parallel_loop3A_1156 = arith.cmpf ogt, %parallel_loop3A_57, %parallel_loop3A_911 : vector<16xf32>
      %parallel_loop3A_1157 = arith.cmpf oeq, %parallel_loop3A_57, %parallel_loop3A_911 : vector<16xf32>
      %parallel_loop3A_1158 = arith.cmpi slt, %parallel_loop3A_1155, %parallel_loop3A_973 : vector<16xi32>
      %parallel_loop3A_1159 = arith.andi %parallel_loop3A_1157, %parallel_loop3A_1158 : vector<16xi1>
      %parallel_loop3A_1160 = arith.ori %parallel_loop3A_1156, %parallel_loop3A_1159 : vector<16xi1>
      %parallel_loop3A_1161 = arith.mulf %parallel_loop3A_57, %parallel_loop3A_917 : vector<16xf32>
      %parallel_loop3A_1162 = arith.constant 0.000000e+00 : f32
      %parallel_loop3A_1163 = vector.broadcast %parallel_loop3A_1162 : f32 to vector<16xf32>
      %parallel_loop3A_1164 = arith.select %parallel_loop3A_1160, %parallel_loop3A_1161, %parallel_loop3A_1163 : vector<16xi1>, vector<16xf32>
      %parallel_loop3A_1165 = arith.constant 10 : i32
      %parallel_loop3A_1166 = vector.broadcast %parallel_loop3A_1165 : i32 to vector<16xi32>
      %parallel_loop3A_1167 = arith.addi %parallel_loop3A_13, %parallel_loop3A_1166 : vector<16xi32>
      tpu.vector_store_idx %arg5[%parallel_loop3A_1167], %parallel_loop3A_1164 : memref<32768xf32, #tpu.memory_space<vmem>>[vector<16xi32>], vector<16xf32>,
      %parallel_loop3A_1168 = arith.constant 1 : i32
      %parallel_loop3A_1169 = arith.constant 0 : i32
      %parallel_loop3A_1170 = vector.broadcast %parallel_loop3A_1168 : i32 to vector<16xi32>
      %parallel_loop3A_1171 = vector.broadcast %parallel_loop3A_1169 : i32 to vector<16xi32>
      %parallel_loop3A_1172 = arith.select %parallel_loop3A_1157, %parallel_loop3A_1170, %parallel_loop3A_1171 : vector<16xi1>, vector<16xi32>
      %parallel_loop3A_1173 = arith.addi %parallel_loop3A_1155, %parallel_loop3A_1172 : vector<16xi32>
      %parallel_loop3A_1174 = arith.cmpf ogt, %parallel_loop3A_61, %parallel_loop3A_911 : vector<16xf32>
      %parallel_loop3A_1175 = arith.cmpf oeq, %parallel_loop3A_61, %parallel_loop3A_911 : vector<16xf32>
      %parallel_loop3A_1176 = arith.cmpi slt, %parallel_loop3A_1173, %parallel_loop3A_973 : vector<16xi32>
      %parallel_loop3A_1177 = arith.andi %parallel_loop3A_1175, %parallel_loop3A_1176 : vector<16xi1>
      %parallel_loop3A_1178 = arith.ori %parallel_loop3A_1174, %parallel_loop3A_1177 : vector<16xi1>
      %parallel_loop3A_1179 = arith.mulf %parallel_loop3A_61, %parallel_loop3A_917 : vector<16xf32>
      %parallel_loop3A_1180 = arith.constant 0.000000e+00 : f32
      %parallel_loop3A_1181 = vector.broadcast %parallel_loop3A_1180 : f32 to vector<16xf32>
      %parallel_loop3A_1182 = arith.select %parallel_loop3A_1178, %parallel_loop3A_1179, %parallel_loop3A_1181 : vector<16xi1>, vector<16xf32>
      %parallel_loop3A_1183 = arith.constant 11 : i32
      %parallel_loop3A_1184 = vector.broadcast %parallel_loop3A_1183 : i32 to vector<16xi32>
      %parallel_loop3A_1185 = arith.addi %parallel_loop3A_13, %parallel_loop3A_1184 : vector<16xi32>
      tpu.vector_store_idx %arg5[%parallel_loop3A_1185], %parallel_loop3A_1182 : memref<32768xf32, #tpu.memory_space<vmem>>[vector<16xi32>], vector<16xf32>,
      %parallel_loop3A_1186 = arith.constant 1 : i32
      %parallel_loop3A_1187 = arith.constant 0 : i32
      %parallel_loop3A_1188 = vector.broadcast %parallel_loop3A_1186 : i32 to vector<16xi32>
      %parallel_loop3A_1189 = vector.broadcast %parallel_loop3A_1187 : i32 to vector<16xi32>
      %parallel_loop3A_1190 = arith.select %parallel_loop3A_1175, %parallel_loop3A_1188, %parallel_loop3A_1189 : vector<16xi1>, vector<16xi32>
      %parallel_loop3A_1191 = arith.addi %parallel_loop3A_1173, %parallel_loop3A_1190 : vector<16xi32>
      %parallel_loop3A_1192 = arith.cmpf ogt, %parallel_loop3A_65, %parallel_loop3A_911 : vector<16xf32>
      %parallel_loop3A_1193 = arith.cmpf oeq, %parallel_loop3A_65, %parallel_loop3A_911 : vector<16xf32>
      %parallel_loop3A_1194 = arith.cmpi slt, %parallel_loop3A_1191, %parallel_loop3A_973 : vector<16xi32>
      %parallel_loop3A_1195 = arith.andi %parallel_loop3A_1193, %parallel_loop3A_1194 : vector<16xi1>
      %parallel_loop3A_1196 = arith.ori %parallel_loop3A_1192, %parallel_loop3A_1195 : vector<16xi1>
      %parallel_loop3A_1197 = arith.mulf %parallel_loop3A_65, %parallel_loop3A_917 : vector<16xf32>
      %parallel_loop3A_1198 = arith.constant 0.000000e+00 : f32
      %parallel_loop3A_1199 = vector.broadcast %parallel_loop3A_1198 : f32 to vector<16xf32>
      %parallel_loop3A_1200 = arith.select %parallel_loop3A_1196, %parallel_loop3A_1197, %parallel_loop3A_1199 : vector<16xi1>, vector<16xf32>
      %parallel_loop3A_1201 = arith.constant 12 : i32
      %parallel_loop3A_1202 = vector.broadcast %parallel_loop3A_1201 : i32 to vector<16xi32>
      %parallel_loop3A_1203 = arith.addi %parallel_loop3A_13, %parallel_loop3A_1202 : vector<16xi32>
      tpu.vector_store_idx %arg5[%parallel_loop3A_1203], %parallel_loop3A_1200 : memref<32768xf32, #tpu.memory_space<vmem>>[vector<16xi32>], vector<16xf32>,
      %parallel_loop3A_1204 = arith.constant 1 : i32
      %parallel_loop3A_1205 = arith.constant 0 : i32
      %parallel_loop3A_1206 = vector.broadcast %parallel_loop3A_1204 : i32 to vector<16xi32>
      %parallel_loop3A_1207 = vector.broadcast %parallel_loop3A_1205 : i32 to vector<16xi32>
      %parallel_loop3A_1208 = arith.select %parallel_loop3A_1193, %parallel_loop3A_1206, %parallel_loop3A_1207 : vector<16xi1>, vector<16xi32>
      %parallel_loop3A_1209 = arith.addi %parallel_loop3A_1191, %parallel_loop3A_1208 : vector<16xi32>
      %parallel_loop3A_1210 = arith.cmpf ogt, %parallel_loop3A_69, %parallel_loop3A_911 : vector<16xf32>
      %parallel_loop3A_1211 = arith.cmpf oeq, %parallel_loop3A_69, %parallel_loop3A_911 : vector<16xf32>
      %parallel_loop3A_1212 = arith.cmpi slt, %parallel_loop3A_1209, %parallel_loop3A_973 : vector<16xi32>
      %parallel_loop3A_1213 = arith.andi %parallel_loop3A_1211, %parallel_loop3A_1212 : vector<16xi1>
      %parallel_loop3A_1214 = arith.ori %parallel_loop3A_1210, %parallel_loop3A_1213 : vector<16xi1>
      %parallel_loop3A_1215 = arith.mulf %parallel_loop3A_69, %parallel_loop3A_917 : vector<16xf32>
      %parallel_loop3A_1216 = arith.constant 0.000000e+00 : f32
      %parallel_loop3A_1217 = vector.broadcast %parallel_loop3A_1216 : f32 to vector<16xf32>
      %parallel_loop3A_1218 = arith.select %parallel_loop3A_1214, %parallel_loop3A_1215, %parallel_loop3A_1217 : vector<16xi1>, vector<16xf32>
      %parallel_loop3A_1219 = arith.constant 13 : i32
      %parallel_loop3A_1220 = vector.broadcast %parallel_loop3A_1219 : i32 to vector<16xi32>
      %parallel_loop3A_1221 = arith.addi %parallel_loop3A_13, %parallel_loop3A_1220 : vector<16xi32>
      tpu.vector_store_idx %arg5[%parallel_loop3A_1221], %parallel_loop3A_1218 : memref<32768xf32, #tpu.memory_space<vmem>>[vector<16xi32>], vector<16xf32>,
      %parallel_loop3A_1222 = arith.constant 1 : i32
      %parallel_loop3A_1223 = arith.constant 0 : i32
      %parallel_loop3A_1224 = vector.broadcast %parallel_loop3A_1222 : i32 to vector<16xi32>
      %parallel_loop3A_1225 = vector.broadcast %parallel_loop3A_1223 : i32 to vector<16xi32>
      %parallel_loop3A_1226 = arith.select %parallel_loop3A_1211, %parallel_loop3A_1224, %parallel_loop3A_1225 : vector<16xi1>, vector<16xi32>
      %parallel_loop3A_1227 = arith.addi %parallel_loop3A_1209, %parallel_loop3A_1226 : vector<16xi32>
      %parallel_loop3A_1228 = arith.cmpf ogt, %parallel_loop3A_73, %parallel_loop3A_911 : vector<16xf32>
      %parallel_loop3A_1229 = arith.cmpf oeq, %parallel_loop3A_73, %parallel_loop3A_911 : vector<16xf32>
      %parallel_loop3A_1230 = arith.cmpi slt, %parallel_loop3A_1227, %parallel_loop3A_973 : vector<16xi32>
      %parallel_loop3A_1231 = arith.andi %parallel_loop3A_1229, %parallel_loop3A_1230 : vector<16xi1>
      %parallel_loop3A_1232 = arith.ori %parallel_loop3A_1228, %parallel_loop3A_1231 : vector<16xi1>
      %parallel_loop3A_1233 = arith.mulf %parallel_loop3A_73, %parallel_loop3A_917 : vector<16xf32>
      %parallel_loop3A_1234 = arith.constant 0.000000e+00 : f32
      %parallel_loop3A_1235 = vector.broadcast %parallel_loop3A_1234 : f32 to vector<16xf32>
      %parallel_loop3A_1236 = arith.select %parallel_loop3A_1232, %parallel_loop3A_1233, %parallel_loop3A_1235 : vector<16xi1>, vector<16xf32>
      %parallel_loop3A_1237 = arith.constant 14 : i32
      %parallel_loop3A_1238 = vector.broadcast %parallel_loop3A_1237 : i32 to vector<16xi32>
      %parallel_loop3A_1239 = arith.addi %parallel_loop3A_13, %parallel_loop3A_1238 : vector<16xi32>
      tpu.vector_store_idx %arg5[%parallel_loop3A_1239], %parallel_loop3A_1236 : memref<32768xf32, #tpu.memory_space<vmem>>[vector<16xi32>], vector<16xf32>,
      %parallel_loop3A_1240 = arith.constant 1 : i32
      %parallel_loop3A_1241 = arith.constant 0 : i32
      %parallel_loop3A_1242 = vector.broadcast %parallel_loop3A_1240 : i32 to vector<16xi32>
      %parallel_loop3A_1243 = vector.broadcast %parallel_loop3A_1241 : i32 to vector<16xi32>
      %parallel_loop3A_1244 = arith.select %parallel_loop3A_1229, %parallel_loop3A_1242, %parallel_loop3A_1243 : vector<16xi1>, vector<16xi32>
      %parallel_loop3A_1245 = arith.addi %parallel_loop3A_1227, %parallel_loop3A_1244 : vector<16xi32>
      %parallel_loop3A_1246 = arith.cmpf ogt, %parallel_loop3A_77, %parallel_loop3A_911 : vector<16xf32>
      %parallel_loop3A_1247 = arith.cmpf oeq, %parallel_loop3A_77, %parallel_loop3A_911 : vector<16xf32>
      %parallel_loop3A_1248 = arith.cmpi slt, %parallel_loop3A_1245, %parallel_loop3A_973 : vector<16xi32>
      %parallel_loop3A_1249 = arith.andi %parallel_loop3A_1247, %parallel_loop3A_1248 : vector<16xi1>
      %parallel_loop3A_1250 = arith.ori %parallel_loop3A_1246, %parallel_loop3A_1249 : vector<16xi1>
      %parallel_loop3A_1251 = arith.mulf %parallel_loop3A_77, %parallel_loop3A_917 : vector<16xf32>
      %parallel_loop3A_1252 = arith.constant 0.000000e+00 : f32
      %parallel_loop3A_1253 = vector.broadcast %parallel_loop3A_1252 : f32 to vector<16xf32>
      %parallel_loop3A_1254 = arith.select %parallel_loop3A_1250, %parallel_loop3A_1251, %parallel_loop3A_1253 : vector<16xi1>, vector<16xf32>
      %parallel_loop3A_1255 = arith.constant 15 : i32
      %parallel_loop3A_1256 = vector.broadcast %parallel_loop3A_1255 : i32 to vector<16xi32>
      %parallel_loop3A_1257 = arith.addi %parallel_loop3A_13, %parallel_loop3A_1256 : vector<16xi32>
      tpu.vector_store_idx %arg5[%parallel_loop3A_1257], %parallel_loop3A_1254 : memref<32768xf32, #tpu.memory_space<vmem>>[vector<16xi32>], vector<16xf32>,
      %parallel_loop3A_1258 = arith.constant 1 : i32
      %parallel_loop3A_1259 = arith.constant 0 : i32
      %parallel_loop3A_1260 = vector.broadcast %parallel_loop3A_1258 : i32 to vector<16xi32>
      %parallel_loop3A_1261 = vector.broadcast %parallel_loop3A_1259 : i32 to vector<16xi32>
      %parallel_loop3A_1262 = arith.select %parallel_loop3A_1247, %parallel_loop3A_1260, %parallel_loop3A_1261 : vector<16xi1>, vector<16xi32>
      %parallel_loop3A_1263 = arith.addi %parallel_loop3A_1245, %parallel_loop3A_1262 : vector<16xi32>
      %parallel_loop3A_1264 = arith.cmpf ogt, %parallel_loop3A_81, %parallel_loop3A_911 : vector<16xf32>
      %parallel_loop3A_1265 = arith.cmpf oeq, %parallel_loop3A_81, %parallel_loop3A_911 : vector<16xf32>
      %parallel_loop3A_1266 = arith.cmpi slt, %parallel_loop3A_1263, %parallel_loop3A_973 : vector<16xi32>
      %parallel_loop3A_1267 = arith.andi %parallel_loop3A_1265, %parallel_loop3A_1266 : vector<16xi1>
      %parallel_loop3A_1268 = arith.ori %parallel_loop3A_1264, %parallel_loop3A_1267 : vector<16xi1>
      %parallel_loop3A_1269 = arith.mulf %parallel_loop3A_81, %parallel_loop3A_917 : vector<16xf32>
      %parallel_loop3A_1270 = arith.constant 0.000000e+00 : f32
      %parallel_loop3A_1271 = vector.broadcast %parallel_loop3A_1270 : f32 to vector<16xf32>
      %parallel_loop3A_1272 = arith.select %parallel_loop3A_1268, %parallel_loop3A_1269, %parallel_loop3A_1271 : vector<16xi1>, vector<16xf32>
      %parallel_loop3A_1273 = arith.constant 16 : i32
      %parallel_loop3A_1274 = vector.broadcast %parallel_loop3A_1273 : i32 to vector<16xi32>
      %parallel_loop3A_1275 = arith.addi %parallel_loop3A_13, %parallel_loop3A_1274 : vector<16xi32>
      tpu.vector_store_idx %arg5[%parallel_loop3A_1275], %parallel_loop3A_1272 : memref<32768xf32, #tpu.memory_space<vmem>>[vector<16xi32>], vector<16xf32>,
      %parallel_loop3A_1276 = arith.constant 1 : i32
      %parallel_loop3A_1277 = arith.constant 0 : i32
      %parallel_loop3A_1278 = vector.broadcast %parallel_loop3A_1276 : i32 to vector<16xi32>
      %parallel_loop3A_1279 = vector.broadcast %parallel_loop3A_1277 : i32 to vector<16xi32>
      %parallel_loop3A_1280 = arith.select %parallel_loop3A_1265, %parallel_loop3A_1278, %parallel_loop3A_1279 : vector<16xi1>, vector<16xi32>
      %parallel_loop3A_1281 = arith.addi %parallel_loop3A_1263, %parallel_loop3A_1280 : vector<16xi32>
      %parallel_loop3A_1282 = arith.cmpf ogt, %parallel_loop3A_85, %parallel_loop3A_911 : vector<16xf32>
      %parallel_loop3A_1283 = arith.cmpf oeq, %parallel_loop3A_85, %parallel_loop3A_911 : vector<16xf32>
      %parallel_loop3A_1284 = arith.cmpi slt, %parallel_loop3A_1281, %parallel_loop3A_973 : vector<16xi32>
      %parallel_loop3A_1285 = arith.andi %parallel_loop3A_1283, %parallel_loop3A_1284 : vector<16xi1>
      %parallel_loop3A_1286 = arith.ori %parallel_loop3A_1282, %parallel_loop3A_1285 : vector<16xi1>
      %parallel_loop3A_1287 = arith.mulf %parallel_loop3A_85, %parallel_loop3A_917 : vector<16xf32>
      %parallel_loop3A_1288 = arith.constant 0.000000e+00 : f32
      %parallel_loop3A_1289 = vector.broadcast %parallel_loop3A_1288 : f32 to vector<16xf32>
      %parallel_loop3A_1290 = arith.select %parallel_loop3A_1286, %parallel_loop3A_1287, %parallel_loop3A_1289 : vector<16xi1>, vector<16xf32>
      %parallel_loop3A_1291 = arith.constant 17 : i32
      %parallel_loop3A_1292 = vector.broadcast %parallel_loop3A_1291 : i32 to vector<16xi32>
      %parallel_loop3A_1293 = arith.addi %parallel_loop3A_13, %parallel_loop3A_1292 : vector<16xi32>
      tpu.vector_store_idx %arg5[%parallel_loop3A_1293], %parallel_loop3A_1290 : memref<32768xf32, #tpu.memory_space<vmem>>[vector<16xi32>], vector<16xf32>,
      %parallel_loop3A_1294 = arith.constant 1 : i32
      %parallel_loop3A_1295 = arith.constant 0 : i32
      %parallel_loop3A_1296 = vector.broadcast %parallel_loop3A_1294 : i32 to vector<16xi32>
      %parallel_loop3A_1297 = vector.broadcast %parallel_loop3A_1295 : i32 to vector<16xi32>
      %parallel_loop3A_1298 = arith.select %parallel_loop3A_1283, %parallel_loop3A_1296, %parallel_loop3A_1297 : vector<16xi1>, vector<16xi32>
      %parallel_loop3A_1299 = arith.addi %parallel_loop3A_1281, %parallel_loop3A_1298 : vector<16xi32>
      %parallel_loop3A_1300 = arith.cmpf ogt, %parallel_loop3A_89, %parallel_loop3A_911 : vector<16xf32>
      %parallel_loop3A_1301 = arith.cmpf oeq, %parallel_loop3A_89, %parallel_loop3A_911 : vector<16xf32>
      %parallel_loop3A_1302 = arith.cmpi slt, %parallel_loop3A_1299, %parallel_loop3A_973 : vector<16xi32>
      %parallel_loop3A_1303 = arith.andi %parallel_loop3A_1301, %parallel_loop3A_1302 : vector<16xi1>
      %parallel_loop3A_1304 = arith.ori %parallel_loop3A_1300, %parallel_loop3A_1303 : vector<16xi1>
      %parallel_loop3A_1305 = arith.mulf %parallel_loop3A_89, %parallel_loop3A_917 : vector<16xf32>
      %parallel_loop3A_1306 = arith.constant 0.000000e+00 : f32
      %parallel_loop3A_1307 = vector.broadcast %parallel_loop3A_1306 : f32 to vector<16xf32>
      %parallel_loop3A_1308 = arith.select %parallel_loop3A_1304, %parallel_loop3A_1305, %parallel_loop3A_1307 : vector<16xi1>, vector<16xf32>
      %parallel_loop3A_1309 = arith.constant 18 : i32
      %parallel_loop3A_1310 = vector.broadcast %parallel_loop3A_1309 : i32 to vector<16xi32>
      %parallel_loop3A_1311 = arith.addi %parallel_loop3A_13, %parallel_loop3A_1310 : vector<16xi32>
      tpu.vector_store_idx %arg5[%parallel_loop3A_1311], %parallel_loop3A_1308 : memref<32768xf32, #tpu.memory_space<vmem>>[vector<16xi32>], vector<16xf32>,
      %parallel_loop3A_1312 = arith.constant 1 : i32
      %parallel_loop3A_1313 = arith.constant 0 : i32
      %parallel_loop3A_1314 = vector.broadcast %parallel_loop3A_1312 : i32 to vector<16xi32>
      %parallel_loop3A_1315 = vector.broadcast %parallel_loop3A_1313 : i32 to vector<16xi32>
      %parallel_loop3A_1316 = arith.select %parallel_loop3A_1301, %parallel_loop3A_1314, %parallel_loop3A_1315 : vector<16xi1>, vector<16xi32>
      %parallel_loop3A_1317 = arith.addi %parallel_loop3A_1299, %parallel_loop3A_1316 : vector<16xi32>
      %parallel_loop3A_1318 = arith.cmpf ogt, %parallel_loop3A_93, %parallel_loop3A_911 : vector<16xf32>
      %parallel_loop3A_1319 = arith.cmpf oeq, %parallel_loop3A_93, %parallel_loop3A_911 : vector<16xf32>
      %parallel_loop3A_1320 = arith.cmpi slt, %parallel_loop3A_1317, %parallel_loop3A_973 : vector<16xi32>
      %parallel_loop3A_1321 = arith.andi %parallel_loop3A_1319, %parallel_loop3A_1320 : vector<16xi1>
      %parallel_loop3A_1322 = arith.ori %parallel_loop3A_1318, %parallel_loop3A_1321 : vector<16xi1>
      %parallel_loop3A_1323 = arith.mulf %parallel_loop3A_93, %parallel_loop3A_917 : vector<16xf32>
      %parallel_loop3A_1324 = arith.constant 0.000000e+00 : f32
      %parallel_loop3A_1325 = vector.broadcast %parallel_loop3A_1324 : f32 to vector<16xf32>
      %parallel_loop3A_1326 = arith.select %parallel_loop3A_1322, %parallel_loop3A_1323, %parallel_loop3A_1325 : vector<16xi1>, vector<16xf32>
      %parallel_loop3A_1327 = arith.constant 19 : i32
      %parallel_loop3A_1328 = vector.broadcast %parallel_loop3A_1327 : i32 to vector<16xi32>
      %parallel_loop3A_1329 = arith.addi %parallel_loop3A_13, %parallel_loop3A_1328 : vector<16xi32>
      tpu.vector_store_idx %arg5[%parallel_loop3A_1329], %parallel_loop3A_1326 : memref<32768xf32, #tpu.memory_space<vmem>>[vector<16xi32>], vector<16xf32>,
      %parallel_loop3A_1330 = arith.constant 1 : i32
      %parallel_loop3A_1331 = arith.constant 0 : i32
      %parallel_loop3A_1332 = vector.broadcast %parallel_loop3A_1330 : i32 to vector<16xi32>
      %parallel_loop3A_1333 = vector.broadcast %parallel_loop3A_1331 : i32 to vector<16xi32>
      %parallel_loop3A_1334 = arith.select %parallel_loop3A_1319, %parallel_loop3A_1332, %parallel_loop3A_1333 : vector<16xi1>, vector<16xi32>
      %parallel_loop3A_1335 = arith.addi %parallel_loop3A_1317, %parallel_loop3A_1334 : vector<16xi32>
      %parallel_loop3A_1336 = arith.cmpf ogt, %parallel_loop3A_97, %parallel_loop3A_911 : vector<16xf32>
      %parallel_loop3A_1337 = arith.cmpf oeq, %parallel_loop3A_97, %parallel_loop3A_911 : vector<16xf32>
      %parallel_loop3A_1338 = arith.cmpi slt, %parallel_loop3A_1335, %parallel_loop3A_973 : vector<16xi32>
      %parallel_loop3A_1339 = arith.andi %parallel_loop3A_1337, %parallel_loop3A_1338 : vector<16xi1>
      %parallel_loop3A_1340 = arith.ori %parallel_loop3A_1336, %parallel_loop3A_1339 : vector<16xi1>
      %parallel_loop3A_1341 = arith.mulf %parallel_loop3A_97, %parallel_loop3A_917 : vector<16xf32>
      %parallel_loop3A_1342 = arith.constant 0.000000e+00 : f32
      %parallel_loop3A_1343 = vector.broadcast %parallel_loop3A_1342 : f32 to vector<16xf32>
      %parallel_loop3A_1344 = arith.select %parallel_loop3A_1340, %parallel_loop3A_1341, %parallel_loop3A_1343 : vector<16xi1>, vector<16xf32>
      %parallel_loop3A_1345 = arith.constant 20 : i32
      %parallel_loop3A_1346 = vector.broadcast %parallel_loop3A_1345 : i32 to vector<16xi32>
      %parallel_loop3A_1347 = arith.addi %parallel_loop3A_13, %parallel_loop3A_1346 : vector<16xi32>
      tpu.vector_store_idx %arg5[%parallel_loop3A_1347], %parallel_loop3A_1344 : memref<32768xf32, #tpu.memory_space<vmem>>[vector<16xi32>], vector<16xf32>,
      %parallel_loop3A_1348 = arith.constant 1 : i32
      %parallel_loop3A_1349 = arith.constant 0 : i32
      %parallel_loop3A_1350 = vector.broadcast %parallel_loop3A_1348 : i32 to vector<16xi32>
      %parallel_loop3A_1351 = vector.broadcast %parallel_loop3A_1349 : i32 to vector<16xi32>
      %parallel_loop3A_1352 = arith.select %parallel_loop3A_1337, %parallel_loop3A_1350, %parallel_loop3A_1351 : vector<16xi1>, vector<16xi32>
      %parallel_loop3A_1353 = arith.addi %parallel_loop3A_1335, %parallel_loop3A_1352 : vector<16xi32>
      %parallel_loop3A_1354 = arith.cmpf ogt, %parallel_loop3A_101, %parallel_loop3A_911 : vector<16xf32>
      %parallel_loop3A_1355 = arith.cmpf oeq, %parallel_loop3A_101, %parallel_loop3A_911 : vector<16xf32>
      %parallel_loop3A_1356 = arith.cmpi slt, %parallel_loop3A_1353, %parallel_loop3A_973 : vector<16xi32>
      %parallel_loop3A_1357 = arith.andi %parallel_loop3A_1355, %parallel_loop3A_1356 : vector<16xi1>
      %parallel_loop3A_1358 = arith.ori %parallel_loop3A_1354, %parallel_loop3A_1357 : vector<16xi1>
      %parallel_loop3A_1359 = arith.mulf %parallel_loop3A_101, %parallel_loop3A_917 : vector<16xf32>
      %parallel_loop3A_1360 = arith.constant 0.000000e+00 : f32
      %parallel_loop3A_1361 = vector.broadcast %parallel_loop3A_1360 : f32 to vector<16xf32>
      %parallel_loop3A_1362 = arith.select %parallel_loop3A_1358, %parallel_loop3A_1359, %parallel_loop3A_1361 : vector<16xi1>, vector<16xf32>
      %parallel_loop3A_1363 = arith.constant 21 : i32
      %parallel_loop3A_1364 = vector.broadcast %parallel_loop3A_1363 : i32 to vector<16xi32>
      %parallel_loop3A_1365 = arith.addi %parallel_loop3A_13, %parallel_loop3A_1364 : vector<16xi32>
      tpu.vector_store_idx %arg5[%parallel_loop3A_1365], %parallel_loop3A_1362 : memref<32768xf32, #tpu.memory_space<vmem>>[vector<16xi32>], vector<16xf32>,
      %parallel_loop3A_1366 = arith.constant 1 : i32
      %parallel_loop3A_1367 = arith.constant 0 : i32
      %parallel_loop3A_1368 = vector.broadcast %parallel_loop3A_1366 : i32 to vector<16xi32>
      %parallel_loop3A_1369 = vector.broadcast %parallel_loop3A_1367 : i32 to vector<16xi32>
      %parallel_loop3A_1370 = arith.select %parallel_loop3A_1355, %parallel_loop3A_1368, %parallel_loop3A_1369 : vector<16xi1>, vector<16xi32>
      %parallel_loop3A_1371 = arith.addi %parallel_loop3A_1353, %parallel_loop3A_1370 : vector<16xi32>
      %parallel_loop3A_1372 = arith.cmpf ogt, %parallel_loop3A_105, %parallel_loop3A_911 : vector<16xf32>
      %parallel_loop3A_1373 = arith.cmpf oeq, %parallel_loop3A_105, %parallel_loop3A_911 : vector<16xf32>
      %parallel_loop3A_1374 = arith.cmpi slt, %parallel_loop3A_1371, %parallel_loop3A_973 : vector<16xi32>
      %parallel_loop3A_1375 = arith.andi %parallel_loop3A_1373, %parallel_loop3A_1374 : vector<16xi1>
      %parallel_loop3A_1376 = arith.ori %parallel_loop3A_1372, %parallel_loop3A_1375 : vector<16xi1>
      %parallel_loop3A_1377 = arith.mulf %parallel_loop3A_105, %parallel_loop3A_917 : vector<16xf32>
      %parallel_loop3A_1378 = arith.constant 0.000000e+00 : f32
      %parallel_loop3A_1379 = vector.broadcast %parallel_loop3A_1378 : f32 to vector<16xf32>
      %parallel_loop3A_1380 = arith.select %parallel_loop3A_1376, %parallel_loop3A_1377, %parallel_loop3A_1379 : vector<16xi1>, vector<16xf32>
      %parallel_loop3A_1381 = arith.constant 22 : i32
      %parallel_loop3A_1382 = vector.broadcast %parallel_loop3A_1381 : i32 to vector<16xi32>
      %parallel_loop3A_1383 = arith.addi %parallel_loop3A_13, %parallel_loop3A_1382 : vector<16xi32>
      tpu.vector_store_idx %arg5[%parallel_loop3A_1383], %parallel_loop3A_1380 : memref<32768xf32, #tpu.memory_space<vmem>>[vector<16xi32>], vector<16xf32>,
      %parallel_loop3A_1384 = arith.constant 1 : i32
      %parallel_loop3A_1385 = arith.constant 0 : i32
      %parallel_loop3A_1386 = vector.broadcast %parallel_loop3A_1384 : i32 to vector<16xi32>
      %parallel_loop3A_1387 = vector.broadcast %parallel_loop3A_1385 : i32 to vector<16xi32>
      %parallel_loop3A_1388 = arith.select %parallel_loop3A_1373, %parallel_loop3A_1386, %parallel_loop3A_1387 : vector<16xi1>, vector<16xi32>
      %parallel_loop3A_1389 = arith.addi %parallel_loop3A_1371, %parallel_loop3A_1388 : vector<16xi32>
      %parallel_loop3A_1390 = arith.cmpf ogt, %parallel_loop3A_109, %parallel_loop3A_911 : vector<16xf32>
      %parallel_loop3A_1391 = arith.cmpf oeq, %parallel_loop3A_109, %parallel_loop3A_911 : vector<16xf32>
      %parallel_loop3A_1392 = arith.cmpi slt, %parallel_loop3A_1389, %parallel_loop3A_973 : vector<16xi32>
      %parallel_loop3A_1393 = arith.andi %parallel_loop3A_1391, %parallel_loop3A_1392 : vector<16xi1>
      %parallel_loop3A_1394 = arith.ori %parallel_loop3A_1390, %parallel_loop3A_1393 : vector<16xi1>
      %parallel_loop3A_1395 = arith.mulf %parallel_loop3A_109, %parallel_loop3A_917 : vector<16xf32>
      %parallel_loop3A_1396 = arith.constant 0.000000e+00 : f32
      %parallel_loop3A_1397 = vector.broadcast %parallel_loop3A_1396 : f32 to vector<16xf32>
      %parallel_loop3A_1398 = arith.select %parallel_loop3A_1394, %parallel_loop3A_1395, %parallel_loop3A_1397 : vector<16xi1>, vector<16xf32>
      %parallel_loop3A_1399 = arith.constant 23 : i32
      %parallel_loop3A_1400 = vector.broadcast %parallel_loop3A_1399 : i32 to vector<16xi32>
      %parallel_loop3A_1401 = arith.addi %parallel_loop3A_13, %parallel_loop3A_1400 : vector<16xi32>
      tpu.vector_store_idx %arg5[%parallel_loop3A_1401], %parallel_loop3A_1398 : memref<32768xf32, #tpu.memory_space<vmem>>[vector<16xi32>], vector<16xf32>,
      %parallel_loop3A_1402 = arith.constant 1 : i32
      %parallel_loop3A_1403 = arith.constant 0 : i32
      %parallel_loop3A_1404 = vector.broadcast %parallel_loop3A_1402 : i32 to vector<16xi32>
      %parallel_loop3A_1405 = vector.broadcast %parallel_loop3A_1403 : i32 to vector<16xi32>
      %parallel_loop3A_1406 = arith.select %parallel_loop3A_1391, %parallel_loop3A_1404, %parallel_loop3A_1405 : vector<16xi1>, vector<16xi32>
      %parallel_loop3A_1407 = arith.addi %parallel_loop3A_1389, %parallel_loop3A_1406 : vector<16xi32>
      %parallel_loop3A_1408 = arith.cmpf ogt, %parallel_loop3A_113, %parallel_loop3A_911 : vector<16xf32>
      %parallel_loop3A_1409 = arith.cmpf oeq, %parallel_loop3A_113, %parallel_loop3A_911 : vector<16xf32>
      %parallel_loop3A_1410 = arith.cmpi slt, %parallel_loop3A_1407, %parallel_loop3A_973 : vector<16xi32>
      %parallel_loop3A_1411 = arith.andi %parallel_loop3A_1409, %parallel_loop3A_1410 : vector<16xi1>
      %parallel_loop3A_1412 = arith.ori %parallel_loop3A_1408, %parallel_loop3A_1411 : vector<16xi1>
      %parallel_loop3A_1413 = arith.mulf %parallel_loop3A_113, %parallel_loop3A_917 : vector<16xf32>
      %parallel_loop3A_1414 = arith.constant 0.000000e+00 : f32
      %parallel_loop3A_1415 = vector.broadcast %parallel_loop3A_1414 : f32 to vector<16xf32>
      %parallel_loop3A_1416 = arith.select %parallel_loop3A_1412, %parallel_loop3A_1413, %parallel_loop3A_1415 : vector<16xi1>, vector<16xf32>
      %parallel_loop3A_1417 = arith.constant 24 : i32
      %parallel_loop3A_1418 = vector.broadcast %parallel_loop3A_1417 : i32 to vector<16xi32>
      %parallel_loop3A_1419 = arith.addi %parallel_loop3A_13, %parallel_loop3A_1418 : vector<16xi32>
      tpu.vector_store_idx %arg5[%parallel_loop3A_1419], %parallel_loop3A_1416 : memref<32768xf32, #tpu.memory_space<vmem>>[vector<16xi32>], vector<16xf32>,
      %parallel_loop3A_1420 = arith.constant 1 : i32
      %parallel_loop3A_1421 = arith.constant 0 : i32
      %parallel_loop3A_1422 = vector.broadcast %parallel_loop3A_1420 : i32 to vector<16xi32>
      %parallel_loop3A_1423 = vector.broadcast %parallel_loop3A_1421 : i32 to vector<16xi32>
      %parallel_loop3A_1424 = arith.select %parallel_loop3A_1409, %parallel_loop3A_1422, %parallel_loop3A_1423 : vector<16xi1>, vector<16xi32>
      %parallel_loop3A_1425 = arith.addi %parallel_loop3A_1407, %parallel_loop3A_1424 : vector<16xi32>
      %parallel_loop3A_1426 = arith.cmpf ogt, %parallel_loop3A_117, %parallel_loop3A_911 : vector<16xf32>
      %parallel_loop3A_1427 = arith.cmpf oeq, %parallel_loop3A_117, %parallel_loop3A_911 : vector<16xf32>
      %parallel_loop3A_1428 = arith.cmpi slt, %parallel_loop3A_1425, %parallel_loop3A_973 : vector<16xi32>
      %parallel_loop3A_1429 = arith.andi %parallel_loop3A_1427, %parallel_loop3A_1428 : vector<16xi1>
      %parallel_loop3A_1430 = arith.ori %parallel_loop3A_1426, %parallel_loop3A_1429 : vector<16xi1>
      %parallel_loop3A_1431 = arith.mulf %parallel_loop3A_117, %parallel_loop3A_917 : vector<16xf32>
      %parallel_loop3A_1432 = arith.constant 0.000000e+00 : f32
      %parallel_loop3A_1433 = vector.broadcast %parallel_loop3A_1432 : f32 to vector<16xf32>
      %parallel_loop3A_1434 = arith.select %parallel_loop3A_1430, %parallel_loop3A_1431, %parallel_loop3A_1433 : vector<16xi1>, vector<16xf32>
      %parallel_loop3A_1435 = arith.constant 25 : i32
      %parallel_loop3A_1436 = vector.broadcast %parallel_loop3A_1435 : i32 to vector<16xi32>
      %parallel_loop3A_1437 = arith.addi %parallel_loop3A_13, %parallel_loop3A_1436 : vector<16xi32>
      tpu.vector_store_idx %arg5[%parallel_loop3A_1437], %parallel_loop3A_1434 : memref<32768xf32, #tpu.memory_space<vmem>>[vector<16xi32>], vector<16xf32>,
      %parallel_loop3A_1438 = arith.constant 1 : i32
      %parallel_loop3A_1439 = arith.constant 0 : i32
      %parallel_loop3A_1440 = vector.broadcast %parallel_loop3A_1438 : i32 to vector<16xi32>
      %parallel_loop3A_1441 = vector.broadcast %parallel_loop3A_1439 : i32 to vector<16xi32>
      %parallel_loop3A_1442 = arith.select %parallel_loop3A_1427, %parallel_loop3A_1440, %parallel_loop3A_1441 : vector<16xi1>, vector<16xi32>
      %parallel_loop3A_1443 = arith.addi %parallel_loop3A_1425, %parallel_loop3A_1442 : vector<16xi32>
      %parallel_loop3A_1444 = arith.cmpf ogt, %parallel_loop3A_121, %parallel_loop3A_911 : vector<16xf32>
      %parallel_loop3A_1445 = arith.cmpf oeq, %parallel_loop3A_121, %parallel_loop3A_911 : vector<16xf32>
      %parallel_loop3A_1446 = arith.cmpi slt, %parallel_loop3A_1443, %parallel_loop3A_973 : vector<16xi32>
      %parallel_loop3A_1447 = arith.andi %parallel_loop3A_1445, %parallel_loop3A_1446 : vector<16xi1>
      %parallel_loop3A_1448 = arith.ori %parallel_loop3A_1444, %parallel_loop3A_1447 : vector<16xi1>
      %parallel_loop3A_1449 = arith.mulf %parallel_loop3A_121, %parallel_loop3A_917 : vector<16xf32>
      %parallel_loop3A_1450 = arith.constant 0.000000e+00 : f32
      %parallel_loop3A_1451 = vector.broadcast %parallel_loop3A_1450 : f32 to vector<16xf32>
      %parallel_loop3A_1452 = arith.select %parallel_loop3A_1448, %parallel_loop3A_1449, %parallel_loop3A_1451 : vector<16xi1>, vector<16xf32>
      %parallel_loop3A_1453 = arith.constant 26 : i32
      %parallel_loop3A_1454 = vector.broadcast %parallel_loop3A_1453 : i32 to vector<16xi32>
      %parallel_loop3A_1455 = arith.addi %parallel_loop3A_13, %parallel_loop3A_1454 : vector<16xi32>
      tpu.vector_store_idx %arg5[%parallel_loop3A_1455], %parallel_loop3A_1452 : memref<32768xf32, #tpu.memory_space<vmem>>[vector<16xi32>], vector<16xf32>,
      %parallel_loop3A_1456 = arith.constant 1 : i32
      %parallel_loop3A_1457 = arith.constant 0 : i32
      %parallel_loop3A_1458 = vector.broadcast %parallel_loop3A_1456 : i32 to vector<16xi32>
      %parallel_loop3A_1459 = vector.broadcast %parallel_loop3A_1457 : i32 to vector<16xi32>
      %parallel_loop3A_1460 = arith.select %parallel_loop3A_1445, %parallel_loop3A_1458, %parallel_loop3A_1459 : vector<16xi1>, vector<16xi32>
      %parallel_loop3A_1461 = arith.addi %parallel_loop3A_1443, %parallel_loop3A_1460 : vector<16xi32>
      %parallel_loop3A_1462 = arith.cmpf ogt, %parallel_loop3A_125, %parallel_loop3A_911 : vector<16xf32>
      %parallel_loop3A_1463 = arith.cmpf oeq, %parallel_loop3A_125, %parallel_loop3A_911 : vector<16xf32>
      %parallel_loop3A_1464 = arith.cmpi slt, %parallel_loop3A_1461, %parallel_loop3A_973 : vector<16xi32>
      %parallel_loop3A_1465 = arith.andi %parallel_loop3A_1463, %parallel_loop3A_1464 : vector<16xi1>
      %parallel_loop3A_1466 = arith.ori %parallel_loop3A_1462, %parallel_loop3A_1465 : vector<16xi1>
      %parallel_loop3A_1467 = arith.mulf %parallel_loop3A_125, %parallel_loop3A_917 : vector<16xf32>
      %parallel_loop3A_1468 = arith.constant 0.000000e+00 : f32
      %parallel_loop3A_1469 = vector.broadcast %parallel_loop3A_1468 : f32 to vector<16xf32>
      %parallel_loop3A_1470 = arith.select %parallel_loop3A_1466, %parallel_loop3A_1467, %parallel_loop3A_1469 : vector<16xi1>, vector<16xf32>
      %parallel_loop3A_1471 = arith.constant 27 : i32
      %parallel_loop3A_1472 = vector.broadcast %parallel_loop3A_1471 : i32 to vector<16xi32>
      %parallel_loop3A_1473 = arith.addi %parallel_loop3A_13, %parallel_loop3A_1472 : vector<16xi32>
      tpu.vector_store_idx %arg5[%parallel_loop3A_1473], %parallel_loop3A_1470 : memref<32768xf32, #tpu.memory_space<vmem>>[vector<16xi32>], vector<16xf32>,
      %parallel_loop3A_1474 = arith.constant 1 : i32
      %parallel_loop3A_1475 = arith.constant 0 : i32
      %parallel_loop3A_1476 = vector.broadcast %parallel_loop3A_1474 : i32 to vector<16xi32>
      %parallel_loop3A_1477 = vector.broadcast %parallel_loop3A_1475 : i32 to vector<16xi32>
      %parallel_loop3A_1478 = arith.select %parallel_loop3A_1463, %parallel_loop3A_1476, %parallel_loop3A_1477 : vector<16xi1>, vector<16xi32>
      %parallel_loop3A_1479 = arith.addi %parallel_loop3A_1461, %parallel_loop3A_1478 : vector<16xi32>
      %parallel_loop3A_1480 = arith.cmpf ogt, %parallel_loop3A_129, %parallel_loop3A_911 : vector<16xf32>
      %parallel_loop3A_1481 = arith.cmpf oeq, %parallel_loop3A_129, %parallel_loop3A_911 : vector<16xf32>
      %parallel_loop3A_1482 = arith.cmpi slt, %parallel_loop3A_1479, %parallel_loop3A_973 : vector<16xi32>
      %parallel_loop3A_1483 = arith.andi %parallel_loop3A_1481, %parallel_loop3A_1482 : vector<16xi1>
      %parallel_loop3A_1484 = arith.ori %parallel_loop3A_1480, %parallel_loop3A_1483 : vector<16xi1>
      %parallel_loop3A_1485 = arith.mulf %parallel_loop3A_129, %parallel_loop3A_917 : vector<16xf32>
      %parallel_loop3A_1486 = arith.constant 0.000000e+00 : f32
      %parallel_loop3A_1487 = vector.broadcast %parallel_loop3A_1486 : f32 to vector<16xf32>
      %parallel_loop3A_1488 = arith.select %parallel_loop3A_1484, %parallel_loop3A_1485, %parallel_loop3A_1487 : vector<16xi1>, vector<16xf32>
      %parallel_loop3A_1489 = arith.constant 28 : i32
      %parallel_loop3A_1490 = vector.broadcast %parallel_loop3A_1489 : i32 to vector<16xi32>
      %parallel_loop3A_1491 = arith.addi %parallel_loop3A_13, %parallel_loop3A_1490 : vector<16xi32>
      tpu.vector_store_idx %arg5[%parallel_loop3A_1491], %parallel_loop3A_1488 : memref<32768xf32, #tpu.memory_space<vmem>>[vector<16xi32>], vector<16xf32>,
      %parallel_loop3A_1492 = arith.constant 1 : i32
      %parallel_loop3A_1493 = arith.constant 0 : i32
      %parallel_loop3A_1494 = vector.broadcast %parallel_loop3A_1492 : i32 to vector<16xi32>
      %parallel_loop3A_1495 = vector.broadcast %parallel_loop3A_1493 : i32 to vector<16xi32>
      %parallel_loop3A_1496 = arith.select %parallel_loop3A_1481, %parallel_loop3A_1494, %parallel_loop3A_1495 : vector<16xi1>, vector<16xi32>
      %parallel_loop3A_1497 = arith.addi %parallel_loop3A_1479, %parallel_loop3A_1496 : vector<16xi32>
      %parallel_loop3A_1498 = arith.cmpf ogt, %parallel_loop3A_133, %parallel_loop3A_911 : vector<16xf32>
      %parallel_loop3A_1499 = arith.cmpf oeq, %parallel_loop3A_133, %parallel_loop3A_911 : vector<16xf32>
      %parallel_loop3A_1500 = arith.cmpi slt, %parallel_loop3A_1497, %parallel_loop3A_973 : vector<16xi32>
      %parallel_loop3A_1501 = arith.andi %parallel_loop3A_1499, %parallel_loop3A_1500 : vector<16xi1>
      %parallel_loop3A_1502 = arith.ori %parallel_loop3A_1498, %parallel_loop3A_1501 : vector<16xi1>
      %parallel_loop3A_1503 = arith.mulf %parallel_loop3A_133, %parallel_loop3A_917 : vector<16xf32>
      %parallel_loop3A_1504 = arith.constant 0.000000e+00 : f32
      %parallel_loop3A_1505 = vector.broadcast %parallel_loop3A_1504 : f32 to vector<16xf32>
      %parallel_loop3A_1506 = arith.select %parallel_loop3A_1502, %parallel_loop3A_1503, %parallel_loop3A_1505 : vector<16xi1>, vector<16xf32>
      %parallel_loop3A_1507 = arith.constant 29 : i32
      %parallel_loop3A_1508 = vector.broadcast %parallel_loop3A_1507 : i32 to vector<16xi32>
      %parallel_loop3A_1509 = arith.addi %parallel_loop3A_13, %parallel_loop3A_1508 : vector<16xi32>
      tpu.vector_store_idx %arg5[%parallel_loop3A_1509], %parallel_loop3A_1506 : memref<32768xf32, #tpu.memory_space<vmem>>[vector<16xi32>], vector<16xf32>,
      %parallel_loop3A_1510 = arith.constant 1 : i32
      %parallel_loop3A_1511 = arith.constant 0 : i32
      %parallel_loop3A_1512 = vector.broadcast %parallel_loop3A_1510 : i32 to vector<16xi32>
      %parallel_loop3A_1513 = vector.broadcast %parallel_loop3A_1511 : i32 to vector<16xi32>
      %parallel_loop3A_1514 = arith.select %parallel_loop3A_1499, %parallel_loop3A_1512, %parallel_loop3A_1513 : vector<16xi1>, vector<16xi32>
      %parallel_loop3A_1515 = arith.addi %parallel_loop3A_1497, %parallel_loop3A_1514 : vector<16xi32>
      %parallel_loop3A_1516 = arith.cmpf ogt, %parallel_loop3A_137, %parallel_loop3A_911 : vector<16xf32>
      %parallel_loop3A_1517 = arith.cmpf oeq, %parallel_loop3A_137, %parallel_loop3A_911 : vector<16xf32>
      %parallel_loop3A_1518 = arith.cmpi slt, %parallel_loop3A_1515, %parallel_loop3A_973 : vector<16xi32>
      %parallel_loop3A_1519 = arith.andi %parallel_loop3A_1517, %parallel_loop3A_1518 : vector<16xi1>
      %parallel_loop3A_1520 = arith.ori %parallel_loop3A_1516, %parallel_loop3A_1519 : vector<16xi1>
      %parallel_loop3A_1521 = arith.mulf %parallel_loop3A_137, %parallel_loop3A_917 : vector<16xf32>
      %parallel_loop3A_1522 = arith.constant 0.000000e+00 : f32
      %parallel_loop3A_1523 = vector.broadcast %parallel_loop3A_1522 : f32 to vector<16xf32>
      %parallel_loop3A_1524 = arith.select %parallel_loop3A_1520, %parallel_loop3A_1521, %parallel_loop3A_1523 : vector<16xi1>, vector<16xf32>
      %parallel_loop3A_1525 = arith.constant 30 : i32
      %parallel_loop3A_1526 = vector.broadcast %parallel_loop3A_1525 : i32 to vector<16xi32>
      %parallel_loop3A_1527 = arith.addi %parallel_loop3A_13, %parallel_loop3A_1526 : vector<16xi32>
      tpu.vector_store_idx %arg5[%parallel_loop3A_1527], %parallel_loop3A_1524 : memref<32768xf32, #tpu.memory_space<vmem>>[vector<16xi32>], vector<16xf32>,
      %parallel_loop3A_1528 = arith.constant 1 : i32
      %parallel_loop3A_1529 = arith.constant 0 : i32
      %parallel_loop3A_1530 = vector.broadcast %parallel_loop3A_1528 : i32 to vector<16xi32>
      %parallel_loop3A_1531 = vector.broadcast %parallel_loop3A_1529 : i32 to vector<16xi32>
      %parallel_loop3A_1532 = arith.select %parallel_loop3A_1517, %parallel_loop3A_1530, %parallel_loop3A_1531 : vector<16xi1>, vector<16xi32>
      %parallel_loop3A_1533 = arith.addi %parallel_loop3A_1515, %parallel_loop3A_1532 : vector<16xi32>
      %parallel_loop3A_1534 = arith.cmpf ogt, %parallel_loop3A_141, %parallel_loop3A_911 : vector<16xf32>
      %parallel_loop3A_1535 = arith.cmpf oeq, %parallel_loop3A_141, %parallel_loop3A_911 : vector<16xf32>
      %parallel_loop3A_1536 = arith.cmpi slt, %parallel_loop3A_1533, %parallel_loop3A_973 : vector<16xi32>
      %parallel_loop3A_1537 = arith.andi %parallel_loop3A_1535, %parallel_loop3A_1536 : vector<16xi1>
      %parallel_loop3A_1538 = arith.ori %parallel_loop3A_1534, %parallel_loop3A_1537 : vector<16xi1>
      %parallel_loop3A_1539 = arith.mulf %parallel_loop3A_141, %parallel_loop3A_917 : vector<16xf32>
      %parallel_loop3A_1540 = arith.constant 0.000000e+00 : f32
      %parallel_loop3A_1541 = vector.broadcast %parallel_loop3A_1540 : f32 to vector<16xf32>
      %parallel_loop3A_1542 = arith.select %parallel_loop3A_1538, %parallel_loop3A_1539, %parallel_loop3A_1541 : vector<16xi1>, vector<16xf32>
      %parallel_loop3A_1543 = arith.constant 31 : i32
      %parallel_loop3A_1544 = vector.broadcast %parallel_loop3A_1543 : i32 to vector<16xi32>
      %parallel_loop3A_1545 = arith.addi %parallel_loop3A_13, %parallel_loop3A_1544 : vector<16xi32>
      tpu.vector_store_idx %arg5[%parallel_loop3A_1545], %parallel_loop3A_1542 : memref<32768xf32, #tpu.memory_space<vmem>>[vector<16xi32>], vector<16xf32>,
      %parallel_loop3A_1546 = arith.constant 1 : i32
      %parallel_loop3A_1547 = arith.constant 0 : i32
      %parallel_loop3A_1548 = vector.broadcast %parallel_loop3A_1546 : i32 to vector<16xi32>
      %parallel_loop3A_1549 = vector.broadcast %parallel_loop3A_1547 : i32 to vector<16xi32>
      %parallel_loop3A_1550 = arith.select %parallel_loop3A_1535, %parallel_loop3A_1548, %parallel_loop3A_1549 : vector<16xi1>, vector<16xi32>
      %parallel_loop3A_1551 = arith.addi %parallel_loop3A_1533, %parallel_loop3A_1550 : vector<16xi32>
      %parallel_loop3A_1552 = arith.cmpf ogt, %parallel_loop3A_145, %parallel_loop3A_911 : vector<16xf32>
      %parallel_loop3A_1553 = arith.cmpf oeq, %parallel_loop3A_145, %parallel_loop3A_911 : vector<16xf32>
      %parallel_loop3A_1554 = arith.cmpi slt, %parallel_loop3A_1551, %parallel_loop3A_973 : vector<16xi32>
      %parallel_loop3A_1555 = arith.andi %parallel_loop3A_1553, %parallel_loop3A_1554 : vector<16xi1>
      %parallel_loop3A_1556 = arith.ori %parallel_loop3A_1552, %parallel_loop3A_1555 : vector<16xi1>
      %parallel_loop3A_1557 = arith.mulf %parallel_loop3A_145, %parallel_loop3A_917 : vector<16xf32>
      %parallel_loop3A_1558 = arith.constant 0.000000e+00 : f32
      %parallel_loop3A_1559 = vector.broadcast %parallel_loop3A_1558 : f32 to vector<16xf32>
      %parallel_loop3A_1560 = arith.select %parallel_loop3A_1556, %parallel_loop3A_1557, %parallel_loop3A_1559 : vector<16xi1>, vector<16xf32>
      %parallel_loop3A_1561 = arith.constant 32 : i32
      %parallel_loop3A_1562 = vector.broadcast %parallel_loop3A_1561 : i32 to vector<16xi32>
      %parallel_loop3A_1563 = arith.addi %parallel_loop3A_13, %parallel_loop3A_1562 : vector<16xi32>
      tpu.vector_store_idx %arg5[%parallel_loop3A_1563], %parallel_loop3A_1560 : memref<32768xf32, #tpu.memory_space<vmem>>[vector<16xi32>], vector<16xf32>,
      %parallel_loop3A_1564 = arith.constant 1 : i32
      %parallel_loop3A_1565 = arith.constant 0 : i32
      %parallel_loop3A_1566 = vector.broadcast %parallel_loop3A_1564 : i32 to vector<16xi32>
      %parallel_loop3A_1567 = vector.broadcast %parallel_loop3A_1565 : i32 to vector<16xi32>
      %parallel_loop3A_1568 = arith.select %parallel_loop3A_1553, %parallel_loop3A_1566, %parallel_loop3A_1567 : vector<16xi1>, vector<16xi32>
      %parallel_loop3A_1569 = arith.addi %parallel_loop3A_1551, %parallel_loop3A_1568 : vector<16xi32>
      %parallel_loop3A_1570 = arith.cmpf ogt, %parallel_loop3A_149, %parallel_loop3A_911 : vector<16xf32>
      %parallel_loop3A_1571 = arith.cmpf oeq, %parallel_loop3A_149, %parallel_loop3A_911 : vector<16xf32>
      %parallel_loop3A_1572 = arith.cmpi slt, %parallel_loop3A_1569, %parallel_loop3A_973 : vector<16xi32>
      %parallel_loop3A_1573 = arith.andi %parallel_loop3A_1571, %parallel_loop3A_1572 : vector<16xi1>
      %parallel_loop3A_1574 = arith.ori %parallel_loop3A_1570, %parallel_loop3A_1573 : vector<16xi1>
      %parallel_loop3A_1575 = arith.mulf %parallel_loop3A_149, %parallel_loop3A_917 : vector<16xf32>
      %parallel_loop3A_1576 = arith.constant 0.000000e+00 : f32
      %parallel_loop3A_1577 = vector.broadcast %parallel_loop3A_1576 : f32 to vector<16xf32>
      %parallel_loop3A_1578 = arith.select %parallel_loop3A_1574, %parallel_loop3A_1575, %parallel_loop3A_1577 : vector<16xi1>, vector<16xf32>
      %parallel_loop3A_1579 = arith.constant 33 : i32
      %parallel_loop3A_1580 = vector.broadcast %parallel_loop3A_1579 : i32 to vector<16xi32>
      %parallel_loop3A_1581 = arith.addi %parallel_loop3A_13, %parallel_loop3A_1580 : vector<16xi32>
      tpu.vector_store_idx %arg5[%parallel_loop3A_1581], %parallel_loop3A_1578 : memref<32768xf32, #tpu.memory_space<vmem>>[vector<16xi32>], vector<16xf32>,
      %parallel_loop3A_1582 = arith.constant 1 : i32
      %parallel_loop3A_1583 = arith.constant 0 : i32
      %parallel_loop3A_1584 = vector.broadcast %parallel_loop3A_1582 : i32 to vector<16xi32>
      %parallel_loop3A_1585 = vector.broadcast %parallel_loop3A_1583 : i32 to vector<16xi32>
      %parallel_loop3A_1586 = arith.select %parallel_loop3A_1571, %parallel_loop3A_1584, %parallel_loop3A_1585 : vector<16xi1>, vector<16xi32>
      %parallel_loop3A_1587 = arith.addi %parallel_loop3A_1569, %parallel_loop3A_1586 : vector<16xi32>
      %parallel_loop3A_1588 = arith.cmpf ogt, %parallel_loop3A_153, %parallel_loop3A_911 : vector<16xf32>
      %parallel_loop3A_1589 = arith.cmpf oeq, %parallel_loop3A_153, %parallel_loop3A_911 : vector<16xf32>
      %parallel_loop3A_1590 = arith.cmpi slt, %parallel_loop3A_1587, %parallel_loop3A_973 : vector<16xi32>
      %parallel_loop3A_1591 = arith.andi %parallel_loop3A_1589, %parallel_loop3A_1590 : vector<16xi1>
      %parallel_loop3A_1592 = arith.ori %parallel_loop3A_1588, %parallel_loop3A_1591 : vector<16xi1>
      %parallel_loop3A_1593 = arith.mulf %parallel_loop3A_153, %parallel_loop3A_917 : vector<16xf32>
      %parallel_loop3A_1594 = arith.constant 0.000000e+00 : f32
      %parallel_loop3A_1595 = vector.broadcast %parallel_loop3A_1594 : f32 to vector<16xf32>
      %parallel_loop3A_1596 = arith.select %parallel_loop3A_1592, %parallel_loop3A_1593, %parallel_loop3A_1595 : vector<16xi1>, vector<16xf32>
      %parallel_loop3A_1597 = arith.constant 34 : i32
      %parallel_loop3A_1598 = vector.broadcast %parallel_loop3A_1597 : i32 to vector<16xi32>
      %parallel_loop3A_1599 = arith.addi %parallel_loop3A_13, %parallel_loop3A_1598 : vector<16xi32>
      tpu.vector_store_idx %arg5[%parallel_loop3A_1599], %parallel_loop3A_1596 : memref<32768xf32, #tpu.memory_space<vmem>>[vector<16xi32>], vector<16xf32>,
      %parallel_loop3A_1600 = arith.constant 1 : i32
      %parallel_loop3A_1601 = arith.constant 0 : i32
      %parallel_loop3A_1602 = vector.broadcast %parallel_loop3A_1600 : i32 to vector<16xi32>
      %parallel_loop3A_1603 = vector.broadcast %parallel_loop3A_1601 : i32 to vector<16xi32>
      %parallel_loop3A_1604 = arith.select %parallel_loop3A_1589, %parallel_loop3A_1602, %parallel_loop3A_1603 : vector<16xi1>, vector<16xi32>
      %parallel_loop3A_1605 = arith.addi %parallel_loop3A_1587, %parallel_loop3A_1604 : vector<16xi32>
      %parallel_loop3A_1606 = arith.cmpf ogt, %parallel_loop3A_157, %parallel_loop3A_911 : vector<16xf32>
      %parallel_loop3A_1607 = arith.cmpf oeq, %parallel_loop3A_157, %parallel_loop3A_911 : vector<16xf32>
      %parallel_loop3A_1608 = arith.cmpi slt, %parallel_loop3A_1605, %parallel_loop3A_973 : vector<16xi32>
      %parallel_loop3A_1609 = arith.andi %parallel_loop3A_1607, %parallel_loop3A_1608 : vector<16xi1>
      %parallel_loop3A_1610 = arith.ori %parallel_loop3A_1606, %parallel_loop3A_1609 : vector<16xi1>
      %parallel_loop3A_1611 = arith.mulf %parallel_loop3A_157, %parallel_loop3A_917 : vector<16xf32>
      %parallel_loop3A_1612 = arith.constant 0.000000e+00 : f32
      %parallel_loop3A_1613 = vector.broadcast %parallel_loop3A_1612 : f32 to vector<16xf32>
      %parallel_loop3A_1614 = arith.select %parallel_loop3A_1610, %parallel_loop3A_1611, %parallel_loop3A_1613 : vector<16xi1>, vector<16xf32>
      %parallel_loop3A_1615 = arith.constant 35 : i32
      %parallel_loop3A_1616 = vector.broadcast %parallel_loop3A_1615 : i32 to vector<16xi32>
      %parallel_loop3A_1617 = arith.addi %parallel_loop3A_13, %parallel_loop3A_1616 : vector<16xi32>
      tpu.vector_store_idx %arg5[%parallel_loop3A_1617], %parallel_loop3A_1614 : memref<32768xf32, #tpu.memory_space<vmem>>[vector<16xi32>], vector<16xf32>,
      %parallel_loop3A_1618 = arith.constant 1 : i32
      %parallel_loop3A_1619 = arith.constant 0 : i32
      %parallel_loop3A_1620 = vector.broadcast %parallel_loop3A_1618 : i32 to vector<16xi32>
      %parallel_loop3A_1621 = vector.broadcast %parallel_loop3A_1619 : i32 to vector<16xi32>
      %parallel_loop3A_1622 = arith.select %parallel_loop3A_1607, %parallel_loop3A_1620, %parallel_loop3A_1621 : vector<16xi1>, vector<16xi32>
      %parallel_loop3A_1623 = arith.addi %parallel_loop3A_1605, %parallel_loop3A_1622 : vector<16xi32>
      %parallel_loop3A_1624 = arith.cmpf ogt, %parallel_loop3A_161, %parallel_loop3A_911 : vector<16xf32>
      %parallel_loop3A_1625 = arith.cmpf oeq, %parallel_loop3A_161, %parallel_loop3A_911 : vector<16xf32>
      %parallel_loop3A_1626 = arith.cmpi slt, %parallel_loop3A_1623, %parallel_loop3A_973 : vector<16xi32>
      %parallel_loop3A_1627 = arith.andi %parallel_loop3A_1625, %parallel_loop3A_1626 : vector<16xi1>
      %parallel_loop3A_1628 = arith.ori %parallel_loop3A_1624, %parallel_loop3A_1627 : vector<16xi1>
      %parallel_loop3A_1629 = arith.mulf %parallel_loop3A_161, %parallel_loop3A_917 : vector<16xf32>
      %parallel_loop3A_1630 = arith.constant 0.000000e+00 : f32
      %parallel_loop3A_1631 = vector.broadcast %parallel_loop3A_1630 : f32 to vector<16xf32>
      %parallel_loop3A_1632 = arith.select %parallel_loop3A_1628, %parallel_loop3A_1629, %parallel_loop3A_1631 : vector<16xi1>, vector<16xf32>
      %parallel_loop3A_1633 = arith.constant 36 : i32
      %parallel_loop3A_1634 = vector.broadcast %parallel_loop3A_1633 : i32 to vector<16xi32>
      %parallel_loop3A_1635 = arith.addi %parallel_loop3A_13, %parallel_loop3A_1634 : vector<16xi32>
      tpu.vector_store_idx %arg5[%parallel_loop3A_1635], %parallel_loop3A_1632 : memref<32768xf32, #tpu.memory_space<vmem>>[vector<16xi32>], vector<16xf32>,
      %parallel_loop3A_1636 = arith.constant 1 : i32
      %parallel_loop3A_1637 = arith.constant 0 : i32
      %parallel_loop3A_1638 = vector.broadcast %parallel_loop3A_1636 : i32 to vector<16xi32>
      %parallel_loop3A_1639 = vector.broadcast %parallel_loop3A_1637 : i32 to vector<16xi32>
      %parallel_loop3A_1640 = arith.select %parallel_loop3A_1625, %parallel_loop3A_1638, %parallel_loop3A_1639 : vector<16xi1>, vector<16xi32>
      %parallel_loop3A_1641 = arith.addi %parallel_loop3A_1623, %parallel_loop3A_1640 : vector<16xi32>
      %parallel_loop3A_1642 = arith.cmpf ogt, %parallel_loop3A_165, %parallel_loop3A_911 : vector<16xf32>
      %parallel_loop3A_1643 = arith.cmpf oeq, %parallel_loop3A_165, %parallel_loop3A_911 : vector<16xf32>
      %parallel_loop3A_1644 = arith.cmpi slt, %parallel_loop3A_1641, %parallel_loop3A_973 : vector<16xi32>
      %parallel_loop3A_1645 = arith.andi %parallel_loop3A_1643, %parallel_loop3A_1644 : vector<16xi1>
      %parallel_loop3A_1646 = arith.ori %parallel_loop3A_1642, %parallel_loop3A_1645 : vector<16xi1>
      %parallel_loop3A_1647 = arith.mulf %parallel_loop3A_165, %parallel_loop3A_917 : vector<16xf32>
      %parallel_loop3A_1648 = arith.constant 0.000000e+00 : f32
      %parallel_loop3A_1649 = vector.broadcast %parallel_loop3A_1648 : f32 to vector<16xf32>
      %parallel_loop3A_1650 = arith.select %parallel_loop3A_1646, %parallel_loop3A_1647, %parallel_loop3A_1649 : vector<16xi1>, vector<16xf32>
      %parallel_loop3A_1651 = arith.constant 37 : i32
      %parallel_loop3A_1652 = vector.broadcast %parallel_loop3A_1651 : i32 to vector<16xi32>
      %parallel_loop3A_1653 = arith.addi %parallel_loop3A_13, %parallel_loop3A_1652 : vector<16xi32>
      tpu.vector_store_idx %arg5[%parallel_loop3A_1653], %parallel_loop3A_1650 : memref<32768xf32, #tpu.memory_space<vmem>>[vector<16xi32>], vector<16xf32>,
      %parallel_loop3A_1654 = arith.constant 1 : i32
      %parallel_loop3A_1655 = arith.constant 0 : i32
      %parallel_loop3A_1656 = vector.broadcast %parallel_loop3A_1654 : i32 to vector<16xi32>
      %parallel_loop3A_1657 = vector.broadcast %parallel_loop3A_1655 : i32 to vector<16xi32>
      %parallel_loop3A_1658 = arith.select %parallel_loop3A_1643, %parallel_loop3A_1656, %parallel_loop3A_1657 : vector<16xi1>, vector<16xi32>
      %parallel_loop3A_1659 = arith.addi %parallel_loop3A_1641, %parallel_loop3A_1658 : vector<16xi32>
      %parallel_loop3A_1660 = arith.cmpf ogt, %parallel_loop3A_169, %parallel_loop3A_911 : vector<16xf32>
      %parallel_loop3A_1661 = arith.cmpf oeq, %parallel_loop3A_169, %parallel_loop3A_911 : vector<16xf32>
      %parallel_loop3A_1662 = arith.cmpi slt, %parallel_loop3A_1659, %parallel_loop3A_973 : vector<16xi32>
      %parallel_loop3A_1663 = arith.andi %parallel_loop3A_1661, %parallel_loop3A_1662 : vector<16xi1>
      %parallel_loop3A_1664 = arith.ori %parallel_loop3A_1660, %parallel_loop3A_1663 : vector<16xi1>
      %parallel_loop3A_1665 = arith.mulf %parallel_loop3A_169, %parallel_loop3A_917 : vector<16xf32>
      %parallel_loop3A_1666 = arith.constant 0.000000e+00 : f32
      %parallel_loop3A_1667 = vector.broadcast %parallel_loop3A_1666 : f32 to vector<16xf32>
      %parallel_loop3A_1668 = arith.select %parallel_loop3A_1664, %parallel_loop3A_1665, %parallel_loop3A_1667 : vector<16xi1>, vector<16xf32>
      %parallel_loop3A_1669 = arith.constant 38 : i32
      %parallel_loop3A_1670 = vector.broadcast %parallel_loop3A_1669 : i32 to vector<16xi32>
      %parallel_loop3A_1671 = arith.addi %parallel_loop3A_13, %parallel_loop3A_1670 : vector<16xi32>
      tpu.vector_store_idx %arg5[%parallel_loop3A_1671], %parallel_loop3A_1668 : memref<32768xf32, #tpu.memory_space<vmem>>[vector<16xi32>], vector<16xf32>,
      %parallel_loop3A_1672 = arith.constant 1 : i32
      %parallel_loop3A_1673 = arith.constant 0 : i32
      %parallel_loop3A_1674 = vector.broadcast %parallel_loop3A_1672 : i32 to vector<16xi32>
      %parallel_loop3A_1675 = vector.broadcast %parallel_loop3A_1673 : i32 to vector<16xi32>
      %parallel_loop3A_1676 = arith.select %parallel_loop3A_1661, %parallel_loop3A_1674, %parallel_loop3A_1675 : vector<16xi1>, vector<16xi32>
      %parallel_loop3A_1677 = arith.addi %parallel_loop3A_1659, %parallel_loop3A_1676 : vector<16xi32>
      %parallel_loop3A_1678 = arith.cmpf ogt, %parallel_loop3A_173, %parallel_loop3A_911 : vector<16xf32>
      %parallel_loop3A_1679 = arith.cmpf oeq, %parallel_loop3A_173, %parallel_loop3A_911 : vector<16xf32>
      %parallel_loop3A_1680 = arith.cmpi slt, %parallel_loop3A_1677, %parallel_loop3A_973 : vector<16xi32>
      %parallel_loop3A_1681 = arith.andi %parallel_loop3A_1679, %parallel_loop3A_1680 : vector<16xi1>
      %parallel_loop3A_1682 = arith.ori %parallel_loop3A_1678, %parallel_loop3A_1681 : vector<16xi1>
      %parallel_loop3A_1683 = arith.mulf %parallel_loop3A_173, %parallel_loop3A_917 : vector<16xf32>
      %parallel_loop3A_1684 = arith.constant 0.000000e+00 : f32
      %parallel_loop3A_1685 = vector.broadcast %parallel_loop3A_1684 : f32 to vector<16xf32>
      %parallel_loop3A_1686 = arith.select %parallel_loop3A_1682, %parallel_loop3A_1683, %parallel_loop3A_1685 : vector<16xi1>, vector<16xf32>
      %parallel_loop3A_1687 = arith.constant 39 : i32
      %parallel_loop3A_1688 = vector.broadcast %parallel_loop3A_1687 : i32 to vector<16xi32>
      %parallel_loop3A_1689 = arith.addi %parallel_loop3A_13, %parallel_loop3A_1688 : vector<16xi32>
      tpu.vector_store_idx %arg5[%parallel_loop3A_1689], %parallel_loop3A_1686 : memref<32768xf32, #tpu.memory_space<vmem>>[vector<16xi32>], vector<16xf32>,
      %parallel_loop3A_1690 = arith.constant 1 : i32
      %parallel_loop3A_1691 = arith.constant 0 : i32
      %parallel_loop3A_1692 = vector.broadcast %parallel_loop3A_1690 : i32 to vector<16xi32>
      %parallel_loop3A_1693 = vector.broadcast %parallel_loop3A_1691 : i32 to vector<16xi32>
      %parallel_loop3A_1694 = arith.select %parallel_loop3A_1679, %parallel_loop3A_1692, %parallel_loop3A_1693 : vector<16xi1>, vector<16xi32>
      %parallel_loop3A_1695 = arith.addi %parallel_loop3A_1677, %parallel_loop3A_1694 : vector<16xi32>
      %parallel_loop3A_1696 = arith.cmpf ogt, %parallel_loop3A_177, %parallel_loop3A_911 : vector<16xf32>
      %parallel_loop3A_1697 = arith.cmpf oeq, %parallel_loop3A_177, %parallel_loop3A_911 : vector<16xf32>
      %parallel_loop3A_1698 = arith.cmpi slt, %parallel_loop3A_1695, %parallel_loop3A_973 : vector<16xi32>
      %parallel_loop3A_1699 = arith.andi %parallel_loop3A_1697, %parallel_loop3A_1698 : vector<16xi1>
      %parallel_loop3A_1700 = arith.ori %parallel_loop3A_1696, %parallel_loop3A_1699 : vector<16xi1>
      %parallel_loop3A_1701 = arith.mulf %parallel_loop3A_177, %parallel_loop3A_917 : vector<16xf32>
      %parallel_loop3A_1702 = arith.constant 0.000000e+00 : f32
      %parallel_loop3A_1703 = vector.broadcast %parallel_loop3A_1702 : f32 to vector<16xf32>
      %parallel_loop3A_1704 = arith.select %parallel_loop3A_1700, %parallel_loop3A_1701, %parallel_loop3A_1703 : vector<16xi1>, vector<16xf32>
      %parallel_loop3A_1705 = arith.constant 40 : i32
      %parallel_loop3A_1706 = vector.broadcast %parallel_loop3A_1705 : i32 to vector<16xi32>
      %parallel_loop3A_1707 = arith.addi %parallel_loop3A_13, %parallel_loop3A_1706 : vector<16xi32>
      tpu.vector_store_idx %arg5[%parallel_loop3A_1707], %parallel_loop3A_1704 : memref<32768xf32, #tpu.memory_space<vmem>>[vector<16xi32>], vector<16xf32>,
      %parallel_loop3A_1708 = arith.constant 1 : i32
      %parallel_loop3A_1709 = arith.constant 0 : i32
      %parallel_loop3A_1710 = vector.broadcast %parallel_loop3A_1708 : i32 to vector<16xi32>
      %parallel_loop3A_1711 = vector.broadcast %parallel_loop3A_1709 : i32 to vector<16xi32>
      %parallel_loop3A_1712 = arith.select %parallel_loop3A_1697, %parallel_loop3A_1710, %parallel_loop3A_1711 : vector<16xi1>, vector<16xi32>
      %parallel_loop3A_1713 = arith.addi %parallel_loop3A_1695, %parallel_loop3A_1712 : vector<16xi32>
      %parallel_loop3A_1714 = arith.cmpf ogt, %parallel_loop3A_181, %parallel_loop3A_911 : vector<16xf32>
      %parallel_loop3A_1715 = arith.cmpf oeq, %parallel_loop3A_181, %parallel_loop3A_911 : vector<16xf32>
      %parallel_loop3A_1716 = arith.cmpi slt, %parallel_loop3A_1713, %parallel_loop3A_973 : vector<16xi32>
      %parallel_loop3A_1717 = arith.andi %parallel_loop3A_1715, %parallel_loop3A_1716 : vector<16xi1>
      %parallel_loop3A_1718 = arith.ori %parallel_loop3A_1714, %parallel_loop3A_1717 : vector<16xi1>
      %parallel_loop3A_1719 = arith.mulf %parallel_loop3A_181, %parallel_loop3A_917 : vector<16xf32>
      %parallel_loop3A_1720 = arith.constant 0.000000e+00 : f32
      %parallel_loop3A_1721 = vector.broadcast %parallel_loop3A_1720 : f32 to vector<16xf32>
      %parallel_loop3A_1722 = arith.select %parallel_loop3A_1718, %parallel_loop3A_1719, %parallel_loop3A_1721 : vector<16xi1>, vector<16xf32>
      %parallel_loop3A_1723 = arith.constant 41 : i32
      %parallel_loop3A_1724 = vector.broadcast %parallel_loop3A_1723 : i32 to vector<16xi32>
      %parallel_loop3A_1725 = arith.addi %parallel_loop3A_13, %parallel_loop3A_1724 : vector<16xi32>
      tpu.vector_store_idx %arg5[%parallel_loop3A_1725], %parallel_loop3A_1722 : memref<32768xf32, #tpu.memory_space<vmem>>[vector<16xi32>], vector<16xf32>,
      %parallel_loop3A_1726 = arith.constant 1 : i32
      %parallel_loop3A_1727 = arith.constant 0 : i32
      %parallel_loop3A_1728 = vector.broadcast %parallel_loop3A_1726 : i32 to vector<16xi32>
      %parallel_loop3A_1729 = vector.broadcast %parallel_loop3A_1727 : i32 to vector<16xi32>
      %parallel_loop3A_1730 = arith.select %parallel_loop3A_1715, %parallel_loop3A_1728, %parallel_loop3A_1729 : vector<16xi1>, vector<16xi32>
      %parallel_loop3A_1731 = arith.addi %parallel_loop3A_1713, %parallel_loop3A_1730 : vector<16xi32>
      %parallel_loop3A_1732 = arith.cmpf ogt, %parallel_loop3A_185, %parallel_loop3A_911 : vector<16xf32>
      %parallel_loop3A_1733 = arith.cmpf oeq, %parallel_loop3A_185, %parallel_loop3A_911 : vector<16xf32>
      %parallel_loop3A_1734 = arith.cmpi slt, %parallel_loop3A_1731, %parallel_loop3A_973 : vector<16xi32>
      %parallel_loop3A_1735 = arith.andi %parallel_loop3A_1733, %parallel_loop3A_1734 : vector<16xi1>
      %parallel_loop3A_1736 = arith.ori %parallel_loop3A_1732, %parallel_loop3A_1735 : vector<16xi1>
      %parallel_loop3A_1737 = arith.mulf %parallel_loop3A_185, %parallel_loop3A_917 : vector<16xf32>
      %parallel_loop3A_1738 = arith.constant 0.000000e+00 : f32
      %parallel_loop3A_1739 = vector.broadcast %parallel_loop3A_1738 : f32 to vector<16xf32>
      %parallel_loop3A_1740 = arith.select %parallel_loop3A_1736, %parallel_loop3A_1737, %parallel_loop3A_1739 : vector<16xi1>, vector<16xf32>
      %parallel_loop3A_1741 = arith.constant 42 : i32
      %parallel_loop3A_1742 = vector.broadcast %parallel_loop3A_1741 : i32 to vector<16xi32>
      %parallel_loop3A_1743 = arith.addi %parallel_loop3A_13, %parallel_loop3A_1742 : vector<16xi32>
      tpu.vector_store_idx %arg5[%parallel_loop3A_1743], %parallel_loop3A_1740 : memref<32768xf32, #tpu.memory_space<vmem>>[vector<16xi32>], vector<16xf32>,
      %parallel_loop3A_1744 = arith.constant 1 : i32
      %parallel_loop3A_1745 = arith.constant 0 : i32
      %parallel_loop3A_1746 = vector.broadcast %parallel_loop3A_1744 : i32 to vector<16xi32>
      %parallel_loop3A_1747 = vector.broadcast %parallel_loop3A_1745 : i32 to vector<16xi32>
      %parallel_loop3A_1748 = arith.select %parallel_loop3A_1733, %parallel_loop3A_1746, %parallel_loop3A_1747 : vector<16xi1>, vector<16xi32>
      %parallel_loop3A_1749 = arith.addi %parallel_loop3A_1731, %parallel_loop3A_1748 : vector<16xi32>
      %parallel_loop3A_1750 = arith.cmpf ogt, %parallel_loop3A_189, %parallel_loop3A_911 : vector<16xf32>
      %parallel_loop3A_1751 = arith.cmpf oeq, %parallel_loop3A_189, %parallel_loop3A_911 : vector<16xf32>
      %parallel_loop3A_1752 = arith.cmpi slt, %parallel_loop3A_1749, %parallel_loop3A_973 : vector<16xi32>
      %parallel_loop3A_1753 = arith.andi %parallel_loop3A_1751, %parallel_loop3A_1752 : vector<16xi1>
      %parallel_loop3A_1754 = arith.ori %parallel_loop3A_1750, %parallel_loop3A_1753 : vector<16xi1>
      %parallel_loop3A_1755 = arith.mulf %parallel_loop3A_189, %parallel_loop3A_917 : vector<16xf32>
      %parallel_loop3A_1756 = arith.constant 0.000000e+00 : f32
      %parallel_loop3A_1757 = vector.broadcast %parallel_loop3A_1756 : f32 to vector<16xf32>
      %parallel_loop3A_1758 = arith.select %parallel_loop3A_1754, %parallel_loop3A_1755, %parallel_loop3A_1757 : vector<16xi1>, vector<16xf32>
      %parallel_loop3A_1759 = arith.constant 43 : i32
      %parallel_loop3A_1760 = vector.broadcast %parallel_loop3A_1759 : i32 to vector<16xi32>
      %parallel_loop3A_1761 = arith.addi %parallel_loop3A_13, %parallel_loop3A_1760 : vector<16xi32>
      tpu.vector_store_idx %arg5[%parallel_loop3A_1761], %parallel_loop3A_1758 : memref<32768xf32, #tpu.memory_space<vmem>>[vector<16xi32>], vector<16xf32>,
      %parallel_loop3A_1762 = arith.constant 1 : i32
      %parallel_loop3A_1763 = arith.constant 0 : i32
      %parallel_loop3A_1764 = vector.broadcast %parallel_loop3A_1762 : i32 to vector<16xi32>
      %parallel_loop3A_1765 = vector.broadcast %parallel_loop3A_1763 : i32 to vector<16xi32>
      %parallel_loop3A_1766 = arith.select %parallel_loop3A_1751, %parallel_loop3A_1764, %parallel_loop3A_1765 : vector<16xi1>, vector<16xi32>
      %parallel_loop3A_1767 = arith.addi %parallel_loop3A_1749, %parallel_loop3A_1766 : vector<16xi32>
      %parallel_loop3A_1768 = arith.cmpf ogt, %parallel_loop3A_193, %parallel_loop3A_911 : vector<16xf32>
      %parallel_loop3A_1769 = arith.cmpf oeq, %parallel_loop3A_193, %parallel_loop3A_911 : vector<16xf32>
      %parallel_loop3A_1770 = arith.cmpi slt, %parallel_loop3A_1767, %parallel_loop3A_973 : vector<16xi32>
      %parallel_loop3A_1771 = arith.andi %parallel_loop3A_1769, %parallel_loop3A_1770 : vector<16xi1>
      %parallel_loop3A_1772 = arith.ori %parallel_loop3A_1768, %parallel_loop3A_1771 : vector<16xi1>
      %parallel_loop3A_1773 = arith.mulf %parallel_loop3A_193, %parallel_loop3A_917 : vector<16xf32>
      %parallel_loop3A_1774 = arith.constant 0.000000e+00 : f32
      %parallel_loop3A_1775 = vector.broadcast %parallel_loop3A_1774 : f32 to vector<16xf32>
      %parallel_loop3A_1776 = arith.select %parallel_loop3A_1772, %parallel_loop3A_1773, %parallel_loop3A_1775 : vector<16xi1>, vector<16xf32>
      %parallel_loop3A_1777 = arith.constant 44 : i32
      %parallel_loop3A_1778 = vector.broadcast %parallel_loop3A_1777 : i32 to vector<16xi32>
      %parallel_loop3A_1779 = arith.addi %parallel_loop3A_13, %parallel_loop3A_1778 : vector<16xi32>
      tpu.vector_store_idx %arg5[%parallel_loop3A_1779], %parallel_loop3A_1776 : memref<32768xf32, #tpu.memory_space<vmem>>[vector<16xi32>], vector<16xf32>,
      %parallel_loop3A_1780 = arith.constant 1 : i32
      %parallel_loop3A_1781 = arith.constant 0 : i32
      %parallel_loop3A_1782 = vector.broadcast %parallel_loop3A_1780 : i32 to vector<16xi32>
      %parallel_loop3A_1783 = vector.broadcast %parallel_loop3A_1781 : i32 to vector<16xi32>
      %parallel_loop3A_1784 = arith.select %parallel_loop3A_1769, %parallel_loop3A_1782, %parallel_loop3A_1783 : vector<16xi1>, vector<16xi32>
      %parallel_loop3A_1785 = arith.addi %parallel_loop3A_1767, %parallel_loop3A_1784 : vector<16xi32>
      %parallel_loop3A_1786 = arith.cmpf ogt, %parallel_loop3A_197, %parallel_loop3A_911 : vector<16xf32>
      %parallel_loop3A_1787 = arith.cmpf oeq, %parallel_loop3A_197, %parallel_loop3A_911 : vector<16xf32>
      %parallel_loop3A_1788 = arith.cmpi slt, %parallel_loop3A_1785, %parallel_loop3A_973 : vector<16xi32>
      %parallel_loop3A_1789 = arith.andi %parallel_loop3A_1787, %parallel_loop3A_1788 : vector<16xi1>
      %parallel_loop3A_1790 = arith.ori %parallel_loop3A_1786, %parallel_loop3A_1789 : vector<16xi1>
      %parallel_loop3A_1791 = arith.mulf %parallel_loop3A_197, %parallel_loop3A_917 : vector<16xf32>
      %parallel_loop3A_1792 = arith.constant 0.000000e+00 : f32
      %parallel_loop3A_1793 = vector.broadcast %parallel_loop3A_1792 : f32 to vector<16xf32>
      %parallel_loop3A_1794 = arith.select %parallel_loop3A_1790, %parallel_loop3A_1791, %parallel_loop3A_1793 : vector<16xi1>, vector<16xf32>
      %parallel_loop3A_1795 = arith.constant 45 : i32
      %parallel_loop3A_1796 = vector.broadcast %parallel_loop3A_1795 : i32 to vector<16xi32>
      %parallel_loop3A_1797 = arith.addi %parallel_loop3A_13, %parallel_loop3A_1796 : vector<16xi32>
      tpu.vector_store_idx %arg5[%parallel_loop3A_1797], %parallel_loop3A_1794 : memref<32768xf32, #tpu.memory_space<vmem>>[vector<16xi32>], vector<16xf32>,
      %parallel_loop3A_1798 = arith.constant 1 : i32
      %parallel_loop3A_1799 = arith.constant 0 : i32
      %parallel_loop3A_1800 = vector.broadcast %parallel_loop3A_1798 : i32 to vector<16xi32>
      %parallel_loop3A_1801 = vector.broadcast %parallel_loop3A_1799 : i32 to vector<16xi32>
      %parallel_loop3A_1802 = arith.select %parallel_loop3A_1787, %parallel_loop3A_1800, %parallel_loop3A_1801 : vector<16xi1>, vector<16xi32>
      %parallel_loop3A_1803 = arith.addi %parallel_loop3A_1785, %parallel_loop3A_1802 : vector<16xi32>
      %parallel_loop3A_1804 = arith.cmpf ogt, %parallel_loop3A_201, %parallel_loop3A_911 : vector<16xf32>
      %parallel_loop3A_1805 = arith.cmpf oeq, %parallel_loop3A_201, %parallel_loop3A_911 : vector<16xf32>
      %parallel_loop3A_1806 = arith.cmpi slt, %parallel_loop3A_1803, %parallel_loop3A_973 : vector<16xi32>
      %parallel_loop3A_1807 = arith.andi %parallel_loop3A_1805, %parallel_loop3A_1806 : vector<16xi1>
      %parallel_loop3A_1808 = arith.ori %parallel_loop3A_1804, %parallel_loop3A_1807 : vector<16xi1>
      %parallel_loop3A_1809 = arith.mulf %parallel_loop3A_201, %parallel_loop3A_917 : vector<16xf32>
      %parallel_loop3A_1810 = arith.constant 0.000000e+00 : f32
      %parallel_loop3A_1811 = vector.broadcast %parallel_loop3A_1810 : f32 to vector<16xf32>
      %parallel_loop3A_1812 = arith.select %parallel_loop3A_1808, %parallel_loop3A_1809, %parallel_loop3A_1811 : vector<16xi1>, vector<16xf32>
      %parallel_loop3A_1813 = arith.constant 46 : i32
      %parallel_loop3A_1814 = vector.broadcast %parallel_loop3A_1813 : i32 to vector<16xi32>
      %parallel_loop3A_1815 = arith.addi %parallel_loop3A_13, %parallel_loop3A_1814 : vector<16xi32>
      tpu.vector_store_idx %arg5[%parallel_loop3A_1815], %parallel_loop3A_1812 : memref<32768xf32, #tpu.memory_space<vmem>>[vector<16xi32>], vector<16xf32>,
      %parallel_loop3A_1816 = arith.constant 1 : i32
      %parallel_loop3A_1817 = arith.constant 0 : i32
      %parallel_loop3A_1818 = vector.broadcast %parallel_loop3A_1816 : i32 to vector<16xi32>
      %parallel_loop3A_1819 = vector.broadcast %parallel_loop3A_1817 : i32 to vector<16xi32>
      %parallel_loop3A_1820 = arith.select %parallel_loop3A_1805, %parallel_loop3A_1818, %parallel_loop3A_1819 : vector<16xi1>, vector<16xi32>
      %parallel_loop3A_1821 = arith.addi %parallel_loop3A_1803, %parallel_loop3A_1820 : vector<16xi32>
      %parallel_loop3A_1822 = arith.cmpf ogt, %parallel_loop3A_205, %parallel_loop3A_911 : vector<16xf32>
      %parallel_loop3A_1823 = arith.cmpf oeq, %parallel_loop3A_205, %parallel_loop3A_911 : vector<16xf32>
      %parallel_loop3A_1824 = arith.cmpi slt, %parallel_loop3A_1821, %parallel_loop3A_973 : vector<16xi32>
      %parallel_loop3A_1825 = arith.andi %parallel_loop3A_1823, %parallel_loop3A_1824 : vector<16xi1>
      %parallel_loop3A_1826 = arith.ori %parallel_loop3A_1822, %parallel_loop3A_1825 : vector<16xi1>
      %parallel_loop3A_1827 = arith.mulf %parallel_loop3A_205, %parallel_loop3A_917 : vector<16xf32>
      %parallel_loop3A_1828 = arith.constant 0.000000e+00 : f32
      %parallel_loop3A_1829 = vector.broadcast %parallel_loop3A_1828 : f32 to vector<16xf32>
      %parallel_loop3A_1830 = arith.select %parallel_loop3A_1826, %parallel_loop3A_1827, %parallel_loop3A_1829 : vector<16xi1>, vector<16xf32>
      %parallel_loop3A_1831 = arith.constant 47 : i32
      %parallel_loop3A_1832 = vector.broadcast %parallel_loop3A_1831 : i32 to vector<16xi32>
      %parallel_loop3A_1833 = arith.addi %parallel_loop3A_13, %parallel_loop3A_1832 : vector<16xi32>
      tpu.vector_store_idx %arg5[%parallel_loop3A_1833], %parallel_loop3A_1830 : memref<32768xf32, #tpu.memory_space<vmem>>[vector<16xi32>], vector<16xf32>,
      %parallel_loop3A_1834 = arith.constant 1 : i32
      %parallel_loop3A_1835 = arith.constant 0 : i32
      %parallel_loop3A_1836 = vector.broadcast %parallel_loop3A_1834 : i32 to vector<16xi32>
      %parallel_loop3A_1837 = vector.broadcast %parallel_loop3A_1835 : i32 to vector<16xi32>
      %parallel_loop3A_1838 = arith.select %parallel_loop3A_1823, %parallel_loop3A_1836, %parallel_loop3A_1837 : vector<16xi1>, vector<16xi32>
      %parallel_loop3A_1839 = arith.addi %parallel_loop3A_1821, %parallel_loop3A_1838 : vector<16xi32>
      %parallel_loop3A_1840 = arith.cmpf ogt, %parallel_loop3A_209, %parallel_loop3A_911 : vector<16xf32>
      %parallel_loop3A_1841 = arith.cmpf oeq, %parallel_loop3A_209, %parallel_loop3A_911 : vector<16xf32>
      %parallel_loop3A_1842 = arith.cmpi slt, %parallel_loop3A_1839, %parallel_loop3A_973 : vector<16xi32>
      %parallel_loop3A_1843 = arith.andi %parallel_loop3A_1841, %parallel_loop3A_1842 : vector<16xi1>
      %parallel_loop3A_1844 = arith.ori %parallel_loop3A_1840, %parallel_loop3A_1843 : vector<16xi1>
      %parallel_loop3A_1845 = arith.mulf %parallel_loop3A_209, %parallel_loop3A_917 : vector<16xf32>
      %parallel_loop3A_1846 = arith.constant 0.000000e+00 : f32
      %parallel_loop3A_1847 = vector.broadcast %parallel_loop3A_1846 : f32 to vector<16xf32>
      %parallel_loop3A_1848 = arith.select %parallel_loop3A_1844, %parallel_loop3A_1845, %parallel_loop3A_1847 : vector<16xi1>, vector<16xf32>
      %parallel_loop3A_1849 = arith.constant 48 : i32
      %parallel_loop3A_1850 = vector.broadcast %parallel_loop3A_1849 : i32 to vector<16xi32>
      %parallel_loop3A_1851 = arith.addi %parallel_loop3A_13, %parallel_loop3A_1850 : vector<16xi32>
      tpu.vector_store_idx %arg5[%parallel_loop3A_1851], %parallel_loop3A_1848 : memref<32768xf32, #tpu.memory_space<vmem>>[vector<16xi32>], vector<16xf32>,
      %parallel_loop3A_1852 = arith.constant 1 : i32
      %parallel_loop3A_1853 = arith.constant 0 : i32
      %parallel_loop3A_1854 = vector.broadcast %parallel_loop3A_1852 : i32 to vector<16xi32>
      %parallel_loop3A_1855 = vector.broadcast %parallel_loop3A_1853 : i32 to vector<16xi32>
      %parallel_loop3A_1856 = arith.select %parallel_loop3A_1841, %parallel_loop3A_1854, %parallel_loop3A_1855 : vector<16xi1>, vector<16xi32>
      %parallel_loop3A_1857 = arith.addi %parallel_loop3A_1839, %parallel_loop3A_1856 : vector<16xi32>
      %parallel_loop3A_1858 = arith.cmpf ogt, %parallel_loop3A_213, %parallel_loop3A_911 : vector<16xf32>
      %parallel_loop3A_1859 = arith.cmpf oeq, %parallel_loop3A_213, %parallel_loop3A_911 : vector<16xf32>
      %parallel_loop3A_1860 = arith.cmpi slt, %parallel_loop3A_1857, %parallel_loop3A_973 : vector<16xi32>
      %parallel_loop3A_1861 = arith.andi %parallel_loop3A_1859, %parallel_loop3A_1860 : vector<16xi1>
      %parallel_loop3A_1862 = arith.ori %parallel_loop3A_1858, %parallel_loop3A_1861 : vector<16xi1>
      %parallel_loop3A_1863 = arith.mulf %parallel_loop3A_213, %parallel_loop3A_917 : vector<16xf32>
      %parallel_loop3A_1864 = arith.constant 0.000000e+00 : f32
      %parallel_loop3A_1865 = vector.broadcast %parallel_loop3A_1864 : f32 to vector<16xf32>
      %parallel_loop3A_1866 = arith.select %parallel_loop3A_1862, %parallel_loop3A_1863, %parallel_loop3A_1865 : vector<16xi1>, vector<16xf32>
      %parallel_loop3A_1867 = arith.constant 49 : i32
      %parallel_loop3A_1868 = vector.broadcast %parallel_loop3A_1867 : i32 to vector<16xi32>
      %parallel_loop3A_1869 = arith.addi %parallel_loop3A_13, %parallel_loop3A_1868 : vector<16xi32>
      tpu.vector_store_idx %arg5[%parallel_loop3A_1869], %parallel_loop3A_1866 : memref<32768xf32, #tpu.memory_space<vmem>>[vector<16xi32>], vector<16xf32>,
      %parallel_loop3A_1870 = arith.constant 1 : i32
      %parallel_loop3A_1871 = arith.constant 0 : i32
      %parallel_loop3A_1872 = vector.broadcast %parallel_loop3A_1870 : i32 to vector<16xi32>
      %parallel_loop3A_1873 = vector.broadcast %parallel_loop3A_1871 : i32 to vector<16xi32>
      %parallel_loop3A_1874 = arith.select %parallel_loop3A_1859, %parallel_loop3A_1872, %parallel_loop3A_1873 : vector<16xi1>, vector<16xi32>
      %parallel_loop3A_1875 = arith.addi %parallel_loop3A_1857, %parallel_loop3A_1874 : vector<16xi32>
      %parallel_loop3A_1876 = arith.cmpf ogt, %parallel_loop3A_217, %parallel_loop3A_911 : vector<16xf32>
      %parallel_loop3A_1877 = arith.cmpf oeq, %parallel_loop3A_217, %parallel_loop3A_911 : vector<16xf32>
      %parallel_loop3A_1878 = arith.cmpi slt, %parallel_loop3A_1875, %parallel_loop3A_973 : vector<16xi32>
      %parallel_loop3A_1879 = arith.andi %parallel_loop3A_1877, %parallel_loop3A_1878 : vector<16xi1>
      %parallel_loop3A_1880 = arith.ori %parallel_loop3A_1876, %parallel_loop3A_1879 : vector<16xi1>
      %parallel_loop3A_1881 = arith.mulf %parallel_loop3A_217, %parallel_loop3A_917 : vector<16xf32>
      %parallel_loop3A_1882 = arith.constant 0.000000e+00 : f32
      %parallel_loop3A_1883 = vector.broadcast %parallel_loop3A_1882 : f32 to vector<16xf32>
      %parallel_loop3A_1884 = arith.select %parallel_loop3A_1880, %parallel_loop3A_1881, %parallel_loop3A_1883 : vector<16xi1>, vector<16xf32>
      %parallel_loop3A_1885 = arith.constant 50 : i32
      %parallel_loop3A_1886 = vector.broadcast %parallel_loop3A_1885 : i32 to vector<16xi32>
      %parallel_loop3A_1887 = arith.addi %parallel_loop3A_13, %parallel_loop3A_1886 : vector<16xi32>
      tpu.vector_store_idx %arg5[%parallel_loop3A_1887], %parallel_loop3A_1884 : memref<32768xf32, #tpu.memory_space<vmem>>[vector<16xi32>], vector<16xf32>,
      %parallel_loop3A_1888 = arith.constant 1 : i32
      %parallel_loop3A_1889 = arith.constant 0 : i32
      %parallel_loop3A_1890 = vector.broadcast %parallel_loop3A_1888 : i32 to vector<16xi32>
      %parallel_loop3A_1891 = vector.broadcast %parallel_loop3A_1889 : i32 to vector<16xi32>
      %parallel_loop3A_1892 = arith.select %parallel_loop3A_1877, %parallel_loop3A_1890, %parallel_loop3A_1891 : vector<16xi1>, vector<16xi32>
      %parallel_loop3A_1893 = arith.addi %parallel_loop3A_1875, %parallel_loop3A_1892 : vector<16xi32>
      %parallel_loop3A_1894 = arith.cmpf ogt, %parallel_loop3A_221, %parallel_loop3A_911 : vector<16xf32>
      %parallel_loop3A_1895 = arith.cmpf oeq, %parallel_loop3A_221, %parallel_loop3A_911 : vector<16xf32>
      %parallel_loop3A_1896 = arith.cmpi slt, %parallel_loop3A_1893, %parallel_loop3A_973 : vector<16xi32>
      %parallel_loop3A_1897 = arith.andi %parallel_loop3A_1895, %parallel_loop3A_1896 : vector<16xi1>
      %parallel_loop3A_1898 = arith.ori %parallel_loop3A_1894, %parallel_loop3A_1897 : vector<16xi1>
      %parallel_loop3A_1899 = arith.mulf %parallel_loop3A_221, %parallel_loop3A_917 : vector<16xf32>
      %parallel_loop3A_1900 = arith.constant 0.000000e+00 : f32
      %parallel_loop3A_1901 = vector.broadcast %parallel_loop3A_1900 : f32 to vector<16xf32>
      %parallel_loop3A_1902 = arith.select %parallel_loop3A_1898, %parallel_loop3A_1899, %parallel_loop3A_1901 : vector<16xi1>, vector<16xf32>
      %parallel_loop3A_1903 = arith.constant 51 : i32
      %parallel_loop3A_1904 = vector.broadcast %parallel_loop3A_1903 : i32 to vector<16xi32>
      %parallel_loop3A_1905 = arith.addi %parallel_loop3A_13, %parallel_loop3A_1904 : vector<16xi32>
      tpu.vector_store_idx %arg5[%parallel_loop3A_1905], %parallel_loop3A_1902 : memref<32768xf32, #tpu.memory_space<vmem>>[vector<16xi32>], vector<16xf32>,
      %parallel_loop3A_1906 = arith.constant 1 : i32
      %parallel_loop3A_1907 = arith.constant 0 : i32
      %parallel_loop3A_1908 = vector.broadcast %parallel_loop3A_1906 : i32 to vector<16xi32>
      %parallel_loop3A_1909 = vector.broadcast %parallel_loop3A_1907 : i32 to vector<16xi32>
      %parallel_loop3A_1910 = arith.select %parallel_loop3A_1895, %parallel_loop3A_1908, %parallel_loop3A_1909 : vector<16xi1>, vector<16xi32>
      %parallel_loop3A_1911 = arith.addi %parallel_loop3A_1893, %parallel_loop3A_1910 : vector<16xi32>
      %parallel_loop3A_1912 = arith.cmpf ogt, %parallel_loop3A_225, %parallel_loop3A_911 : vector<16xf32>
      %parallel_loop3A_1913 = arith.cmpf oeq, %parallel_loop3A_225, %parallel_loop3A_911 : vector<16xf32>
      %parallel_loop3A_1914 = arith.cmpi slt, %parallel_loop3A_1911, %parallel_loop3A_973 : vector<16xi32>
      %parallel_loop3A_1915 = arith.andi %parallel_loop3A_1913, %parallel_loop3A_1914 : vector<16xi1>
      %parallel_loop3A_1916 = arith.ori %parallel_loop3A_1912, %parallel_loop3A_1915 : vector<16xi1>
      %parallel_loop3A_1917 = arith.mulf %parallel_loop3A_225, %parallel_loop3A_917 : vector<16xf32>
      %parallel_loop3A_1918 = arith.constant 0.000000e+00 : f32
      %parallel_loop3A_1919 = vector.broadcast %parallel_loop3A_1918 : f32 to vector<16xf32>
      %parallel_loop3A_1920 = arith.select %parallel_loop3A_1916, %parallel_loop3A_1917, %parallel_loop3A_1919 : vector<16xi1>, vector<16xf32>
      %parallel_loop3A_1921 = arith.constant 52 : i32
      %parallel_loop3A_1922 = vector.broadcast %parallel_loop3A_1921 : i32 to vector<16xi32>
      %parallel_loop3A_1923 = arith.addi %parallel_loop3A_13, %parallel_loop3A_1922 : vector<16xi32>
      tpu.vector_store_idx %arg5[%parallel_loop3A_1923], %parallel_loop3A_1920 : memref<32768xf32, #tpu.memory_space<vmem>>[vector<16xi32>], vector<16xf32>,
      %parallel_loop3A_1924 = arith.constant 1 : i32
      %parallel_loop3A_1925 = arith.constant 0 : i32
      %parallel_loop3A_1926 = vector.broadcast %parallel_loop3A_1924 : i32 to vector<16xi32>
      %parallel_loop3A_1927 = vector.broadcast %parallel_loop3A_1925 : i32 to vector<16xi32>
      %parallel_loop3A_1928 = arith.select %parallel_loop3A_1913, %parallel_loop3A_1926, %parallel_loop3A_1927 : vector<16xi1>, vector<16xi32>
      %parallel_loop3A_1929 = arith.addi %parallel_loop3A_1911, %parallel_loop3A_1928 : vector<16xi32>
      %parallel_loop3A_1930 = arith.cmpf ogt, %parallel_loop3A_229, %parallel_loop3A_911 : vector<16xf32>
      %parallel_loop3A_1931 = arith.cmpf oeq, %parallel_loop3A_229, %parallel_loop3A_911 : vector<16xf32>
      %parallel_loop3A_1932 = arith.cmpi slt, %parallel_loop3A_1929, %parallel_loop3A_973 : vector<16xi32>
      %parallel_loop3A_1933 = arith.andi %parallel_loop3A_1931, %parallel_loop3A_1932 : vector<16xi1>
      %parallel_loop3A_1934 = arith.ori %parallel_loop3A_1930, %parallel_loop3A_1933 : vector<16xi1>
      %parallel_loop3A_1935 = arith.mulf %parallel_loop3A_229, %parallel_loop3A_917 : vector<16xf32>
      %parallel_loop3A_1936 = arith.constant 0.000000e+00 : f32
      %parallel_loop3A_1937 = vector.broadcast %parallel_loop3A_1936 : f32 to vector<16xf32>
      %parallel_loop3A_1938 = arith.select %parallel_loop3A_1934, %parallel_loop3A_1935, %parallel_loop3A_1937 : vector<16xi1>, vector<16xf32>
      %parallel_loop3A_1939 = arith.constant 53 : i32
      %parallel_loop3A_1940 = vector.broadcast %parallel_loop3A_1939 : i32 to vector<16xi32>
      %parallel_loop3A_1941 = arith.addi %parallel_loop3A_13, %parallel_loop3A_1940 : vector<16xi32>
      tpu.vector_store_idx %arg5[%parallel_loop3A_1941], %parallel_loop3A_1938 : memref<32768xf32, #tpu.memory_space<vmem>>[vector<16xi32>], vector<16xf32>,
      %parallel_loop3A_1942 = arith.constant 1 : i32
      %parallel_loop3A_1943 = arith.constant 0 : i32
      %parallel_loop3A_1944 = vector.broadcast %parallel_loop3A_1942 : i32 to vector<16xi32>
      %parallel_loop3A_1945 = vector.broadcast %parallel_loop3A_1943 : i32 to vector<16xi32>
      %parallel_loop3A_1946 = arith.select %parallel_loop3A_1931, %parallel_loop3A_1944, %parallel_loop3A_1945 : vector<16xi1>, vector<16xi32>
      %parallel_loop3A_1947 = arith.addi %parallel_loop3A_1929, %parallel_loop3A_1946 : vector<16xi32>
      %parallel_loop3A_1948 = arith.cmpf ogt, %parallel_loop3A_233, %parallel_loop3A_911 : vector<16xf32>
      %parallel_loop3A_1949 = arith.cmpf oeq, %parallel_loop3A_233, %parallel_loop3A_911 : vector<16xf32>
      %parallel_loop3A_1950 = arith.cmpi slt, %parallel_loop3A_1947, %parallel_loop3A_973 : vector<16xi32>
      %parallel_loop3A_1951 = arith.andi %parallel_loop3A_1949, %parallel_loop3A_1950 : vector<16xi1>
      %parallel_loop3A_1952 = arith.ori %parallel_loop3A_1948, %parallel_loop3A_1951 : vector<16xi1>
      %parallel_loop3A_1953 = arith.mulf %parallel_loop3A_233, %parallel_loop3A_917 : vector<16xf32>
      %parallel_loop3A_1954 = arith.constant 0.000000e+00 : f32
      %parallel_loop3A_1955 = vector.broadcast %parallel_loop3A_1954 : f32 to vector<16xf32>
      %parallel_loop3A_1956 = arith.select %parallel_loop3A_1952, %parallel_loop3A_1953, %parallel_loop3A_1955 : vector<16xi1>, vector<16xf32>
      %parallel_loop3A_1957 = arith.constant 54 : i32
      %parallel_loop3A_1958 = vector.broadcast %parallel_loop3A_1957 : i32 to vector<16xi32>
      %parallel_loop3A_1959 = arith.addi %parallel_loop3A_13, %parallel_loop3A_1958 : vector<16xi32>
      tpu.vector_store_idx %arg5[%parallel_loop3A_1959], %parallel_loop3A_1956 : memref<32768xf32, #tpu.memory_space<vmem>>[vector<16xi32>], vector<16xf32>,
      %parallel_loop3A_1960 = arith.constant 1 : i32
      %parallel_loop3A_1961 = arith.constant 0 : i32
      %parallel_loop3A_1962 = vector.broadcast %parallel_loop3A_1960 : i32 to vector<16xi32>
      %parallel_loop3A_1963 = vector.broadcast %parallel_loop3A_1961 : i32 to vector<16xi32>
      %parallel_loop3A_1964 = arith.select %parallel_loop3A_1949, %parallel_loop3A_1962, %parallel_loop3A_1963 : vector<16xi1>, vector<16xi32>
      %parallel_loop3A_1965 = arith.addi %parallel_loop3A_1947, %parallel_loop3A_1964 : vector<16xi32>
      %parallel_loop3A_1966 = arith.cmpf ogt, %parallel_loop3A_237, %parallel_loop3A_911 : vector<16xf32>
      %parallel_loop3A_1967 = arith.cmpf oeq, %parallel_loop3A_237, %parallel_loop3A_911 : vector<16xf32>
      %parallel_loop3A_1968 = arith.cmpi slt, %parallel_loop3A_1965, %parallel_loop3A_973 : vector<16xi32>
      %parallel_loop3A_1969 = arith.andi %parallel_loop3A_1967, %parallel_loop3A_1968 : vector<16xi1>
      %parallel_loop3A_1970 = arith.ori %parallel_loop3A_1966, %parallel_loop3A_1969 : vector<16xi1>
      %parallel_loop3A_1971 = arith.mulf %parallel_loop3A_237, %parallel_loop3A_917 : vector<16xf32>
      %parallel_loop3A_1972 = arith.constant 0.000000e+00 : f32
      %parallel_loop3A_1973 = vector.broadcast %parallel_loop3A_1972 : f32 to vector<16xf32>
      %parallel_loop3A_1974 = arith.select %parallel_loop3A_1970, %parallel_loop3A_1971, %parallel_loop3A_1973 : vector<16xi1>, vector<16xf32>
      %parallel_loop3A_1975 = arith.constant 55 : i32
      %parallel_loop3A_1976 = vector.broadcast %parallel_loop3A_1975 : i32 to vector<16xi32>
      %parallel_loop3A_1977 = arith.addi %parallel_loop3A_13, %parallel_loop3A_1976 : vector<16xi32>
      tpu.vector_store_idx %arg5[%parallel_loop3A_1977], %parallel_loop3A_1974 : memref<32768xf32, #tpu.memory_space<vmem>>[vector<16xi32>], vector<16xf32>,
      %parallel_loop3A_1978 = arith.constant 1 : i32
      %parallel_loop3A_1979 = arith.constant 0 : i32
      %parallel_loop3A_1980 = vector.broadcast %parallel_loop3A_1978 : i32 to vector<16xi32>
      %parallel_loop3A_1981 = vector.broadcast %parallel_loop3A_1979 : i32 to vector<16xi32>
      %parallel_loop3A_1982 = arith.select %parallel_loop3A_1967, %parallel_loop3A_1980, %parallel_loop3A_1981 : vector<16xi1>, vector<16xi32>
      %parallel_loop3A_1983 = arith.addi %parallel_loop3A_1965, %parallel_loop3A_1982 : vector<16xi32>
      %parallel_loop3A_1984 = arith.cmpf ogt, %parallel_loop3A_241, %parallel_loop3A_911 : vector<16xf32>
      %parallel_loop3A_1985 = arith.cmpf oeq, %parallel_loop3A_241, %parallel_loop3A_911 : vector<16xf32>
      %parallel_loop3A_1986 = arith.cmpi slt, %parallel_loop3A_1983, %parallel_loop3A_973 : vector<16xi32>
      %parallel_loop3A_1987 = arith.andi %parallel_loop3A_1985, %parallel_loop3A_1986 : vector<16xi1>
      %parallel_loop3A_1988 = arith.ori %parallel_loop3A_1984, %parallel_loop3A_1987 : vector<16xi1>
      %parallel_loop3A_1989 = arith.mulf %parallel_loop3A_241, %parallel_loop3A_917 : vector<16xf32>
      %parallel_loop3A_1990 = arith.constant 0.000000e+00 : f32
      %parallel_loop3A_1991 = vector.broadcast %parallel_loop3A_1990 : f32 to vector<16xf32>
      %parallel_loop3A_1992 = arith.select %parallel_loop3A_1988, %parallel_loop3A_1989, %parallel_loop3A_1991 : vector<16xi1>, vector<16xf32>
      %parallel_loop3A_1993 = arith.constant 56 : i32
      %parallel_loop3A_1994 = vector.broadcast %parallel_loop3A_1993 : i32 to vector<16xi32>
      %parallel_loop3A_1995 = arith.addi %parallel_loop3A_13, %parallel_loop3A_1994 : vector<16xi32>
      tpu.vector_store_idx %arg5[%parallel_loop3A_1995], %parallel_loop3A_1992 : memref<32768xf32, #tpu.memory_space<vmem>>[vector<16xi32>], vector<16xf32>,
      %parallel_loop3A_1996 = arith.constant 1 : i32
      %parallel_loop3A_1997 = arith.constant 0 : i32
      %parallel_loop3A_1998 = vector.broadcast %parallel_loop3A_1996 : i32 to vector<16xi32>
      %parallel_loop3A_1999 = vector.broadcast %parallel_loop3A_1997 : i32 to vector<16xi32>
      %parallel_loop3A_2000 = arith.select %parallel_loop3A_1985, %parallel_loop3A_1998, %parallel_loop3A_1999 : vector<16xi1>, vector<16xi32>
      %parallel_loop3A_2001 = arith.addi %parallel_loop3A_1983, %parallel_loop3A_2000 : vector<16xi32>
      %parallel_loop3A_2002 = arith.cmpf ogt, %parallel_loop3A_245, %parallel_loop3A_911 : vector<16xf32>
      %parallel_loop3A_2003 = arith.cmpf oeq, %parallel_loop3A_245, %parallel_loop3A_911 : vector<16xf32>
      %parallel_loop3A_2004 = arith.cmpi slt, %parallel_loop3A_2001, %parallel_loop3A_973 : vector<16xi32>
      %parallel_loop3A_2005 = arith.andi %parallel_loop3A_2003, %parallel_loop3A_2004 : vector<16xi1>
      %parallel_loop3A_2006 = arith.ori %parallel_loop3A_2002, %parallel_loop3A_2005 : vector<16xi1>
      %parallel_loop3A_2007 = arith.mulf %parallel_loop3A_245, %parallel_loop3A_917 : vector<16xf32>
      %parallel_loop3A_2008 = arith.constant 0.000000e+00 : f32
      %parallel_loop3A_2009 = vector.broadcast %parallel_loop3A_2008 : f32 to vector<16xf32>
      %parallel_loop3A_2010 = arith.select %parallel_loop3A_2006, %parallel_loop3A_2007, %parallel_loop3A_2009 : vector<16xi1>, vector<16xf32>
      %parallel_loop3A_2011 = arith.constant 57 : i32
      %parallel_loop3A_2012 = vector.broadcast %parallel_loop3A_2011 : i32 to vector<16xi32>
      %parallel_loop3A_2013 = arith.addi %parallel_loop3A_13, %parallel_loop3A_2012 : vector<16xi32>
      tpu.vector_store_idx %arg5[%parallel_loop3A_2013], %parallel_loop3A_2010 : memref<32768xf32, #tpu.memory_space<vmem>>[vector<16xi32>], vector<16xf32>,
      %parallel_loop3A_2014 = arith.constant 1 : i32
      %parallel_loop3A_2015 = arith.constant 0 : i32
      %parallel_loop3A_2016 = vector.broadcast %parallel_loop3A_2014 : i32 to vector<16xi32>
      %parallel_loop3A_2017 = vector.broadcast %parallel_loop3A_2015 : i32 to vector<16xi32>
      %parallel_loop3A_2018 = arith.select %parallel_loop3A_2003, %parallel_loop3A_2016, %parallel_loop3A_2017 : vector<16xi1>, vector<16xi32>
      %parallel_loop3A_2019 = arith.addi %parallel_loop3A_2001, %parallel_loop3A_2018 : vector<16xi32>
      %parallel_loop3A_2020 = arith.cmpf ogt, %parallel_loop3A_249, %parallel_loop3A_911 : vector<16xf32>
      %parallel_loop3A_2021 = arith.cmpf oeq, %parallel_loop3A_249, %parallel_loop3A_911 : vector<16xf32>
      %parallel_loop3A_2022 = arith.cmpi slt, %parallel_loop3A_2019, %parallel_loop3A_973 : vector<16xi32>
      %parallel_loop3A_2023 = arith.andi %parallel_loop3A_2021, %parallel_loop3A_2022 : vector<16xi1>
      %parallel_loop3A_2024 = arith.ori %parallel_loop3A_2020, %parallel_loop3A_2023 : vector<16xi1>
      %parallel_loop3A_2025 = arith.mulf %parallel_loop3A_249, %parallel_loop3A_917 : vector<16xf32>
      %parallel_loop3A_2026 = arith.constant 0.000000e+00 : f32
      %parallel_loop3A_2027 = vector.broadcast %parallel_loop3A_2026 : f32 to vector<16xf32>
      %parallel_loop3A_2028 = arith.select %parallel_loop3A_2024, %parallel_loop3A_2025, %parallel_loop3A_2027 : vector<16xi1>, vector<16xf32>
      %parallel_loop3A_2029 = arith.constant 58 : i32
      %parallel_loop3A_2030 = vector.broadcast %parallel_loop3A_2029 : i32 to vector<16xi32>
      %parallel_loop3A_2031 = arith.addi %parallel_loop3A_13, %parallel_loop3A_2030 : vector<16xi32>
      tpu.vector_store_idx %arg5[%parallel_loop3A_2031], %parallel_loop3A_2028 : memref<32768xf32, #tpu.memory_space<vmem>>[vector<16xi32>], vector<16xf32>,
      %parallel_loop3A_2032 = arith.constant 1 : i32
      %parallel_loop3A_2033 = arith.constant 0 : i32
      %parallel_loop3A_2034 = vector.broadcast %parallel_loop3A_2032 : i32 to vector<16xi32>
      %parallel_loop3A_2035 = vector.broadcast %parallel_loop3A_2033 : i32 to vector<16xi32>
      %parallel_loop3A_2036 = arith.select %parallel_loop3A_2021, %parallel_loop3A_2034, %parallel_loop3A_2035 : vector<16xi1>, vector<16xi32>
      %parallel_loop3A_2037 = arith.addi %parallel_loop3A_2019, %parallel_loop3A_2036 : vector<16xi32>
      %parallel_loop3A_2038 = arith.cmpf ogt, %parallel_loop3A_253, %parallel_loop3A_911 : vector<16xf32>
      %parallel_loop3A_2039 = arith.cmpf oeq, %parallel_loop3A_253, %parallel_loop3A_911 : vector<16xf32>
      %parallel_loop3A_2040 = arith.cmpi slt, %parallel_loop3A_2037, %parallel_loop3A_973 : vector<16xi32>
      %parallel_loop3A_2041 = arith.andi %parallel_loop3A_2039, %parallel_loop3A_2040 : vector<16xi1>
      %parallel_loop3A_2042 = arith.ori %parallel_loop3A_2038, %parallel_loop3A_2041 : vector<16xi1>
      %parallel_loop3A_2043 = arith.mulf %parallel_loop3A_253, %parallel_loop3A_917 : vector<16xf32>
      %parallel_loop3A_2044 = arith.constant 0.000000e+00 : f32
      %parallel_loop3A_2045 = vector.broadcast %parallel_loop3A_2044 : f32 to vector<16xf32>
      %parallel_loop3A_2046 = arith.select %parallel_loop3A_2042, %parallel_loop3A_2043, %parallel_loop3A_2045 : vector<16xi1>, vector<16xf32>
      %parallel_loop3A_2047 = arith.constant 59 : i32
      %parallel_loop3A_2048 = vector.broadcast %parallel_loop3A_2047 : i32 to vector<16xi32>
      %parallel_loop3A_2049 = arith.addi %parallel_loop3A_13, %parallel_loop3A_2048 : vector<16xi32>
      tpu.vector_store_idx %arg5[%parallel_loop3A_2049], %parallel_loop3A_2046 : memref<32768xf32, #tpu.memory_space<vmem>>[vector<16xi32>], vector<16xf32>,
      %parallel_loop3A_2050 = arith.constant 1 : i32
      %parallel_loop3A_2051 = arith.constant 0 : i32
      %parallel_loop3A_2052 = vector.broadcast %parallel_loop3A_2050 : i32 to vector<16xi32>
      %parallel_loop3A_2053 = vector.broadcast %parallel_loop3A_2051 : i32 to vector<16xi32>
      %parallel_loop3A_2054 = arith.select %parallel_loop3A_2039, %parallel_loop3A_2052, %parallel_loop3A_2053 : vector<16xi1>, vector<16xi32>
      %parallel_loop3A_2055 = arith.addi %parallel_loop3A_2037, %parallel_loop3A_2054 : vector<16xi32>
      %parallel_loop3A_2056 = arith.cmpf ogt, %parallel_loop3A_257, %parallel_loop3A_911 : vector<16xf32>
      %parallel_loop3A_2057 = arith.cmpf oeq, %parallel_loop3A_257, %parallel_loop3A_911 : vector<16xf32>
      %parallel_loop3A_2058 = arith.cmpi slt, %parallel_loop3A_2055, %parallel_loop3A_973 : vector<16xi32>
      %parallel_loop3A_2059 = arith.andi %parallel_loop3A_2057, %parallel_loop3A_2058 : vector<16xi1>
      %parallel_loop3A_2060 = arith.ori %parallel_loop3A_2056, %parallel_loop3A_2059 : vector<16xi1>
      %parallel_loop3A_2061 = arith.mulf %parallel_loop3A_257, %parallel_loop3A_917 : vector<16xf32>
      %parallel_loop3A_2062 = arith.constant 0.000000e+00 : f32
      %parallel_loop3A_2063 = vector.broadcast %parallel_loop3A_2062 : f32 to vector<16xf32>
      %parallel_loop3A_2064 = arith.select %parallel_loop3A_2060, %parallel_loop3A_2061, %parallel_loop3A_2063 : vector<16xi1>, vector<16xf32>
      %parallel_loop3A_2065 = arith.constant 60 : i32
      %parallel_loop3A_2066 = vector.broadcast %parallel_loop3A_2065 : i32 to vector<16xi32>
      %parallel_loop3A_2067 = arith.addi %parallel_loop3A_13, %parallel_loop3A_2066 : vector<16xi32>
      tpu.vector_store_idx %arg5[%parallel_loop3A_2067], %parallel_loop3A_2064 : memref<32768xf32, #tpu.memory_space<vmem>>[vector<16xi32>], vector<16xf32>,
      %parallel_loop3A_2068 = arith.constant 1 : i32
      %parallel_loop3A_2069 = arith.constant 0 : i32
      %parallel_loop3A_2070 = vector.broadcast %parallel_loop3A_2068 : i32 to vector<16xi32>
      %parallel_loop3A_2071 = vector.broadcast %parallel_loop3A_2069 : i32 to vector<16xi32>
      %parallel_loop3A_2072 = arith.select %parallel_loop3A_2057, %parallel_loop3A_2070, %parallel_loop3A_2071 : vector<16xi1>, vector<16xi32>
      %parallel_loop3A_2073 = arith.addi %parallel_loop3A_2055, %parallel_loop3A_2072 : vector<16xi32>
      %parallel_loop3A_2074 = arith.cmpf ogt, %parallel_loop3A_261, %parallel_loop3A_911 : vector<16xf32>
      %parallel_loop3A_2075 = arith.cmpf oeq, %parallel_loop3A_261, %parallel_loop3A_911 : vector<16xf32>
      %parallel_loop3A_2076 = arith.cmpi slt, %parallel_loop3A_2073, %parallel_loop3A_973 : vector<16xi32>
      %parallel_loop3A_2077 = arith.andi %parallel_loop3A_2075, %parallel_loop3A_2076 : vector<16xi1>
      %parallel_loop3A_2078 = arith.ori %parallel_loop3A_2074, %parallel_loop3A_2077 : vector<16xi1>
      %parallel_loop3A_2079 = arith.mulf %parallel_loop3A_261, %parallel_loop3A_917 : vector<16xf32>
      %parallel_loop3A_2080 = arith.constant 0.000000e+00 : f32
      %parallel_loop3A_2081 = vector.broadcast %parallel_loop3A_2080 : f32 to vector<16xf32>
      %parallel_loop3A_2082 = arith.select %parallel_loop3A_2078, %parallel_loop3A_2079, %parallel_loop3A_2081 : vector<16xi1>, vector<16xf32>
      %parallel_loop3A_2083 = arith.constant 61 : i32
      %parallel_loop3A_2084 = vector.broadcast %parallel_loop3A_2083 : i32 to vector<16xi32>
      %parallel_loop3A_2085 = arith.addi %parallel_loop3A_13, %parallel_loop3A_2084 : vector<16xi32>
      tpu.vector_store_idx %arg5[%parallel_loop3A_2085], %parallel_loop3A_2082 : memref<32768xf32, #tpu.memory_space<vmem>>[vector<16xi32>], vector<16xf32>,
      %parallel_loop3A_2086 = arith.constant 1 : i32
      %parallel_loop3A_2087 = arith.constant 0 : i32
      %parallel_loop3A_2088 = vector.broadcast %parallel_loop3A_2086 : i32 to vector<16xi32>
      %parallel_loop3A_2089 = vector.broadcast %parallel_loop3A_2087 : i32 to vector<16xi32>
      %parallel_loop3A_2090 = arith.select %parallel_loop3A_2075, %parallel_loop3A_2088, %parallel_loop3A_2089 : vector<16xi1>, vector<16xi32>
      %parallel_loop3A_2091 = arith.addi %parallel_loop3A_2073, %parallel_loop3A_2090 : vector<16xi32>
      %parallel_loop3A_2092 = arith.cmpf ogt, %parallel_loop3A_265, %parallel_loop3A_911 : vector<16xf32>
      %parallel_loop3A_2093 = arith.cmpf oeq, %parallel_loop3A_265, %parallel_loop3A_911 : vector<16xf32>
      %parallel_loop3A_2094 = arith.cmpi slt, %parallel_loop3A_2091, %parallel_loop3A_973 : vector<16xi32>
      %parallel_loop3A_2095 = arith.andi %parallel_loop3A_2093, %parallel_loop3A_2094 : vector<16xi1>
      %parallel_loop3A_2096 = arith.ori %parallel_loop3A_2092, %parallel_loop3A_2095 : vector<16xi1>
      %parallel_loop3A_2097 = arith.mulf %parallel_loop3A_265, %parallel_loop3A_917 : vector<16xf32>
      %parallel_loop3A_2098 = arith.constant 0.000000e+00 : f32
      %parallel_loop3A_2099 = vector.broadcast %parallel_loop3A_2098 : f32 to vector<16xf32>
      %parallel_loop3A_2100 = arith.select %parallel_loop3A_2096, %parallel_loop3A_2097, %parallel_loop3A_2099 : vector<16xi1>, vector<16xf32>
      %parallel_loop3A_2101 = arith.constant 62 : i32
      %parallel_loop3A_2102 = vector.broadcast %parallel_loop3A_2101 : i32 to vector<16xi32>
      %parallel_loop3A_2103 = arith.addi %parallel_loop3A_13, %parallel_loop3A_2102 : vector<16xi32>
      tpu.vector_store_idx %arg5[%parallel_loop3A_2103], %parallel_loop3A_2100 : memref<32768xf32, #tpu.memory_space<vmem>>[vector<16xi32>], vector<16xf32>,
      %parallel_loop3A_2104 = arith.constant 1 : i32
      %parallel_loop3A_2105 = arith.constant 0 : i32
      %parallel_loop3A_2106 = vector.broadcast %parallel_loop3A_2104 : i32 to vector<16xi32>
      %parallel_loop3A_2107 = vector.broadcast %parallel_loop3A_2105 : i32 to vector<16xi32>
      %parallel_loop3A_2108 = arith.select %parallel_loop3A_2093, %parallel_loop3A_2106, %parallel_loop3A_2107 : vector<16xi1>, vector<16xi32>
      %parallel_loop3A_2109 = arith.addi %parallel_loop3A_2091, %parallel_loop3A_2108 : vector<16xi32>
      %parallel_loop3A_2110 = arith.cmpf ogt, %parallel_loop3A_269, %parallel_loop3A_911 : vector<16xf32>
      %parallel_loop3A_2111 = arith.cmpf oeq, %parallel_loop3A_269, %parallel_loop3A_911 : vector<16xf32>
      %parallel_loop3A_2112 = arith.cmpi slt, %parallel_loop3A_2109, %parallel_loop3A_973 : vector<16xi32>
      %parallel_loop3A_2113 = arith.andi %parallel_loop3A_2111, %parallel_loop3A_2112 : vector<16xi1>
      %parallel_loop3A_2114 = arith.ori %parallel_loop3A_2110, %parallel_loop3A_2113 : vector<16xi1>
      %parallel_loop3A_2115 = arith.mulf %parallel_loop3A_269, %parallel_loop3A_917 : vector<16xf32>
      %parallel_loop3A_2116 = arith.constant 0.000000e+00 : f32
      %parallel_loop3A_2117 = vector.broadcast %parallel_loop3A_2116 : f32 to vector<16xf32>
      %parallel_loop3A_2118 = arith.select %parallel_loop3A_2114, %parallel_loop3A_2115, %parallel_loop3A_2117 : vector<16xi1>, vector<16xf32>
      %parallel_loop3A_2119 = arith.constant 63 : i32
      %parallel_loop3A_2120 = vector.broadcast %parallel_loop3A_2119 : i32 to vector<16xi32>
      %parallel_loop3A_2121 = arith.addi %parallel_loop3A_13, %parallel_loop3A_2120 : vector<16xi32>
      tpu.vector_store_idx %arg5[%parallel_loop3A_2121], %parallel_loop3A_2118 : memref<32768xf32, #tpu.memory_space<vmem>>[vector<16xi32>], vector<16xf32>,
      %parallel_loop3A_2122 = arith.constant 1 : i32
      %parallel_loop3A_2123 = arith.constant 0 : i32
      %parallel_loop3A_2124 = vector.broadcast %parallel_loop3A_2122 : i32 to vector<16xi32>
      %parallel_loop3A_2125 = vector.broadcast %parallel_loop3A_2123 : i32 to vector<16xi32>
      %parallel_loop3A_2126 = arith.select %parallel_loop3A_2111, %parallel_loop3A_2124, %parallel_loop3A_2125 : vector<16xi1>, vector<16xi32>
      %parallel_loop3A_2127 = arith.addi %parallel_loop3A_2109, %parallel_loop3A_2126 : vector<16xi32>
    } {sc.loop_unroll_factor = 2 : i64, sc.parallel_access}
    "tpu.region"() ({
      %run_scoped3A = tpu.sem_alloc : memref<!tpu.dma_semaphore, #tpu.memory_space<semaphore_mem>>
      %dma_start3A = tpu.memref_slice %arg3[%mul3A_4] : memref<1048576xf32, #tpu.memory_space<hbm>> -> memref<32768xf32, #tpu.memory_space<hbm>>
      %dma_start3A_7 = tpu.memref_slice %arg3[%mul3A_4] : memref<1048576xf32, #tpu.memory_space<hbm>> -> memref<32768xf32, #tpu.memory_space<hbm>>
      tpu.enqueue_dma source(%arg5 : memref<32768xf32, #tpu.memory_space<vmem>>) target(%dma_start3A_7 : memref<32768xf32, #tpu.memory_space<hbm>>) target_semaphore(%run_scoped3A : memref<!tpu.dma_semaphore, #tpu.memory_space<semaphore_mem>>)
      %dma_wait3A = tpu.memref_slice %arg3[%mul3A_4] : memref<1048576xf32, #tpu.memory_space<hbm>> -> memref<32768xf32, #tpu.memory_space<hbm>>
      %dma_wait3A_8 = tpu.memref_slice %arg3[%mul3A_4] : memref<1048576xf32, #tpu.memory_space<hbm>> -> memref<32768xf32, #tpu.memory_space<hbm>>
      tpu.wait_dma2 semaphore(%run_scoped3A : memref<!tpu.dma_semaphore, #tpu.memory_space<semaphore_mem>>) src(%arg5 : memref<32768xf32, #tpu.memory_space<vmem>>) dst(%dma_wait3A_8 : memref<32768xf32, #tpu.memory_space<hbm>>)
      tpu.yield
    }) : () -> ()
    return
  }
}

module attributes {stable_mosaic.version = 14 : i64} {
  func.func @_mm_softmax_body(%arg0: i32, %arg1: memref<1024x2048xf32, #tpu.memory_space<vmem>>, %arg2: memref<2048x64xf32, #tpu.memory_space<vmem>>, %arg3: memref<1024x64xf32, #tpu.memory_space<vmem>>) attributes {dimension_semantics = [#tpu.dimension_semantics<arbitrary>], iteration_bounds = array<i64: 16>, scalar_prefetch = 0 : i64, scratch_operands = 0 : i64, tpu.core_type = #tpu.core_type<tc>, window_params = [{transform_indices = @transform_0, window_bounds = array<i64: 1024, 2048>}, {pipeline_mode = #tpu.pipeline_mode<synchronous>, transform_indices = @transform_1, window_bounds = array<i64: 2048, 64>}, {transform_indices = @transform_2, window_bounds = array<i64: 1024, 64>}]} {
    %get3A = arith.constant 0 : index
    %get3A_0 = arith.constant 0 : index
    %get3A_1 = vector.load %arg1[%get3A, %get3A_0] : memref<1024x2048xf32, #tpu.memory_space<vmem>>, vector<1024x2048xf32>
    %get3A_2 = arith.constant 0 : index
    %get3A_3 = arith.constant 0 : index
    %get3A_4 = vector.load %arg2[%get3A_2, %get3A_3] : memref<2048x64xf32, #tpu.memory_space<vmem>>, vector<2048x64xf32>
    %dot_general3A = arith.constant dense<0.000000e+00> : vector<1024x64xf32>
    %dot_general3A_5 = tpu.matmul %get3A_1, %get3A_4, %dot_general3A {dimension_numbers = #tpu.dot_dimension_numbers<[1], [0], [0], [1], [0, 0, 1, 1], [], []>, transpose_lhs_hint = false} : vector<1024x2048xf32>, vector<2048x64xf32>, vector<1024x64xf32> -> vector<1024x64xf32>
    %reduce_max3A = arith.constant dense<0xFF800000> : vector<1024xf32>
    %reduce_max3A_6 = vector.multi_reduction <maximumf>, %dot_general3A_5, %reduce_max3A [1] : vector<1024x64xf32> to vector<1024xf32>
    %broadcast_in_dim3A = vector.shape_cast %reduce_max3A_6 : vector<1024xf32> to vector<1024x1xf32>
    %sub3A = vector.broadcast %broadcast_in_dim3A : vector<1024x1xf32> to vector<1024x64xf32>
    %sub3A_7 = arith.subf %dot_general3A_5, %sub3A : vector<1024x64xf32>
    %exp3A = math.exp %sub3A_7 : vector<1024x64xf32>
    %reduce_sum3A = arith.constant dense<0.000000e+00> : vector<1024xf32>
    %reduce_sum3A_8 = vector.multi_reduction <add>, %exp3A, %reduce_sum3A [1] : vector<1024x64xf32> to vector<1024xf32>
    %broadcast_in_dim3A_9 = vector.shape_cast %reduce_sum3A_8 : vector<1024xf32> to vector<1024x1xf32>
    %div3A = vector.broadcast %broadcast_in_dim3A_9 : vector<1024x1xf32> to vector<1024x64xf32>
    %div3A_10 = arith.divf %exp3A, %div3A : vector<1024x64xf32>
    %swap3A = arith.constant 0 : index
    %swap3A_11 = arith.constant 0 : index
    %swap3A_12 = vector.load %arg3[%swap3A, %swap3A_11] : memref<1024x64xf32, #tpu.memory_space<vmem>>, vector<1024x64xf32>
    tpu.vector_store %arg3[%swap3A, %swap3A_11], %div3A_10 {strides = array<i32>} : memref<1024x64xf32, #tpu.memory_space<vmem>>, vector<1024x64xf32>,
    return
  }
  func.func @transform_0(%arg0: i32) -> (i32, i32) {
    %c0_i32 = arith.constant 0 : i32
    %c0_i32_0 = arith.constant 0 : i32
    return %arg0, %c0_i32 : i32, i32
  }
  func.func @transform_1(%arg0: i32) -> (i32, i32) {
    %c0_i32 = arith.constant 0 : i32
    %c0_i32_0 = arith.constant 0 : i32
    %c0_i32_1 = arith.constant 0 : i32
    return %c0_i32, %c0_i32_0 : i32, i32
  }
  func.func @transform_2(%arg0: i32) -> (i32, i32) {
    %c0_i32 = arith.constant 0 : i32
    %c0_i32_0 = arith.constant 0 : i32
    return %arg0, %c0_i32 : i32, i32
  }
}

</mosaic_0001>

<sc_bundles>
// kernel: kernel.4.cloned.1.call-start
scs
__scs_entry_jumppad:
0x0: {  	(pc) =	sbr.rel $0x88, $3  }
0x1: {  	(tag) =	ssettag $0x0;
	lr =	simm.s32 $0x1  }
0x2: {  	[smem:$0x3F9F] =	sst lr;
	_ =	strace $0xD0000000  }
0x3: {  	_ = 	snop  }
0x4: {  	_ = 	snop  }
0x5: {  	_ = 	snop  }
0x6: {  	_ = 	snop  }
0x7: {  	_ = 	snop  }
__scs_overlays_trampoline_lowered:
0x8: {  	[smem:$0x3FAE] =	sst s0  }
0x9: {  	[smem:$0x3FAF] =	sst s1  }
0xa: {  	[smem:$0x3FB0] =	sst s2  }
0xb: {  	[smem:$0x3FB1] =	sst s3  }
0xc: {  	[smem:$0x3FB2] =	sst s4  }
0xd: {  	[smem:$0x3FB3] =	sst s5  }
0xe: {  	[smem:$0x3FB4] =	sst s6  }
0xf: {  	[smem:$0x3FB5] =	sst s7  }
0x10: {  	[smem:$0x3FB6] =	sst s8  }
0x11: {  	[smem:$0x3FB7] =	sst s9;
	s0 =	simm.s32 @!p0 $0x0  }
0x12: {  	s1 =	sld [smem:$0x3F9D];
	s0 =	simm.s32 @p0 $0x1  }
0x13: {  	[smem:$0x3FB8] =	sst s0;
	s0 =	simm.s32 @!p1 $0x0  }
0x14: {  	s2 =	sld [smem:$0x3F9C];
	s0 =	simm.s32 @p1 $0x1  }
0x15: {  	[smem:$0x3FB9] =	sst s0;
	s0 =	simm.s32 @!p2 $0x0  }
0x16: {  	s3 =	sld [smem:$0x3FDB];
	s0 =	simm.s32 @p2 $0x1  }
0x17: {  	s4 =	simm.s32 $0x1BF5;
	[smem:$0x3FBB] =	sst s0  }
0x18: {  	s0 =	sld [smem:$0x3F9E];
	_ =	swait.ge [sflag:s4], $0x0  }
0x19: {  	s7 =	sld [smem:$0x3F9F]  }
0x1a: {  	s8 =	sadd.s32 $0xFFFFE003, lr  }
0x1b: {  	s9 =	sadd.s32 $0xFFFFFEF7, lr;
	s5 =	simm.s32 $0xFFFFFFFF;
	p2 =	slt.u32 s8, $0xFFFFF086  }
0x1c: {  	p1 =	slt.u32 s9, $0xF7A;
	s5 =	simm.s32 @!p2 $0x0  }
0x1d: {  	s5 =	simm.s32 @p1 $0x1;
	p0 =	seq.s32 s7, s2  }
0x1e: {  	s7 =	smul.u32 @!p0 $0xF7A, s2;
	p2 =	seq.s32 @!p0 s5, $0x0  }
0x1f: {  	s9 =	smul.u32 $0xF7A, s1;
	s8 =	simm.s32 @!p0 $0x1BF5;
	p2 =	por !p2, p0  }
0x20: {  	[sflag:s8] =	ssyncset.s32 @!p0 $0xFFFFF086;
	s6 =	sadd.s32 @!p0 s3, s7;
	s7 =	simm.s32 @!p0 $0x108  }
0x21: {  	s3 =	sadd.s32 s3, s9;
	s6 =	sadd.s32 @!p0 $0x88, s6;
	s7 =	simm.s32 @p2 $0x1082  }
0x22: {  	[simem:s7], [sflag:s8] =	dma.local @!p0 [hbm:s6], $0xF7A  }
0x23: {  	s9 =	sor.u32 $0xD0000000, s2;
	s6 =	simm.s32 $0x108;
	_ =	swait.ge @!p0 [sflag:s8], $0x0  }
0x24: {  	s3 =	sadd.s32 $0x88, s3;
	s6 =	simm.s32 @!p1 $0x1082;
	[sflag:s4] =	ssyncset.s32 $0xFFFFF086  }
0x25: {  	[simem:s6], [sflag:s4] =	dma.local [hbm:s3], $0xF7A  }
0x26: {  	[smem:$0x3F9F] =	sst s1;
	(tag) =	ssettag s2;
	_ =	strace s9  }
0x27: {  	s1 =	sld [smem:$0x3FAF]  }
0x28: {  	s2 =	sld [smem:$0x3FB0]  }
0x29: {  	s4 =	sld [smem:$0x3FB2]  }
0x2a: {  	p0 =	seq.s32 s5, $0x0;
	s5 =	sld [smem:$0x3FB3]  }
0x2b: {  	s6 =	sld [smem:$0x3FB4]  }
0x2c: {  	s7 =	sld [smem:$0x3FB5]  }
0x2d: {  	s3 =	simm.s32 $0x108;
	s8 =	sld [smem:$0x3FB6]  }
0x2e: {  	s3 =	simm.s32 @!p0 $0x1082;
	s9 =	sld [smem:$0x3FB7]  }
0x2f: {  	lr =	sadd.s32 s0, s3;
	s0 =	sld [smem:$0x3FAE]  }
0x30: {  	s3 =	sld [smem:$0x3FB1]  }
0x31: {  	[smem:$0x3FBA] =	sst s10  }
0x32: {  	s10 =	sld [smem:$0x3FB8];
	_ =	sdelay $0x3  }
0x33: {  	p0 =	seq.s32 s10, $0x1;
	s10 =	sld [smem:$0x3FBA];
	_ =	sdelay $0x3  }
0x34: {  	[smem:$0x3FBA] =	sst s10  }
0x35: {  	s10 =	sld [smem:$0x3FB9];
	_ =	sdelay $0x3  }
0x36: {  	p1 =	seq.s32 s10, $0x1;
	s10 =	sld [smem:$0x3FBA];
	_ =	sdelay $0x3  }
0x37: {  	[smem:$0x3FBA] =	sst s10  }
0x38: {  	s10 =	sld [smem:$0x3FBB]  }
0x39: {  	_ = 	snop;
	(pc) =	sbr.ind lr, $3  }
0x3a: {  	_ = 	snop  }
0x3b: {  	_ = 	snop  }
0x3c: {  	p2 =	seq.s32 s10, $0x1;
	s10 =	sld [smem:$0x3FBA]  }
0x3d: {  	_ =	shalt  }
0x3e: {  	_ =	shalt  }
0x3f: {  	_ =	shalt  }
0x40: {  	_ =	shalt  }
0x41: {  	_ =	shalt  }
0x42: {  	_ =	shalt  }
0x43: {  	_ =	shalt  }
0x44: {  	_ =	shalt  }
0x45: {  	_ =	shalt  }
0x46: {  	_ =	shalt  }
0x47: {  	_ =	shalt  }
0x48: {  	_ =	shalt  }
0x49: {  	_ =	shalt  }
0x4a: {  	_ =	shalt  }
0x4b: {  	_ =	shalt  }
0x4c: {  	_ =	shalt  }
0x4d: {  	_ =	shalt  }
0x4e: {  	_ =	shalt  }
0x4f: {  	_ =	shalt  }
0x50: {  	_ =	shalt  }
0x51: {  	_ =	shalt  }
0x52: {  	_ =	shalt  }
0x53: {  	_ =	shalt  }
0x54: {  	_ =	shalt  }
0x55: {  	_ =	shalt  }
0x56: {  	_ =	shalt  }
0x57: {  	_ =	shalt  }
0x58: {  	_ =	shalt  }
0x59: {  	_ =	shalt  }
0x5a: {  	_ =	shalt  }
0x5b: {  	_ =	shalt  }
0x5c: {  	_ =	shalt  }
0x5d: {  	_ =	shalt  }
0x5e: {  	_ =	shalt  }
0x5f: {  	_ =	shalt  }
0x60: {  	_ =	shalt  }
0x61: {  	_ =	shalt  }
0x62: {  	_ =	shalt  }
0x63: {  	_ =	shalt  }
0x64: {  	_ =	shalt  }
0x65: {  	_ =	shalt  }
0x66: {  	_ =	shalt  }
0x67: {  	_ =	shalt  }
0x68: {  	_ =	shalt  }
0x69: {  	_ =	shalt  }
0x6a: {  	_ =	shalt  }
0x6b: {  	_ =	shalt  }
0x6c: {  	_ =	shalt  }
0x6d: {  	_ =	shalt  }
0x6e: {  	_ =	shalt  }
0x6f: {  	_ =	shalt  }
0x70: {  	_ =	shalt  }
0x71: {  	_ =	shalt  }
0x72: {  	_ =	shalt  }
0x73: {  	_ =	shalt  }
0x74: {  	_ =	shalt  }
0x75: {  	_ =	shalt  }
0x76: {  	_ =	shalt  }
0x77: {  	_ =	shalt  }
0x78: {  	_ =	shalt  }
0x79: {  	_ =	shalt  }
0x7a: {  	_ =	shalt  }
0x7b: {  	_ =	shalt  }
0x7c: {  	_ =	shalt  }
0x7d: {  	_ =	shalt  }
0x7e: {  	_ =	shalt  }
0x7f: {  	_ =	shalt  }
0x80: {  	_ =	shalt  }
0x81: {  	_ =	shalt  }
0x82: {  	_ =	shalt  }
0x83: {  	_ =	shalt  }
0x84: {  	_ =	shalt  }
0x85: {  	_ =	shalt  }
0x86: {  	_ =	shalt  }
0x87: {  	_ =	shalt  }
.Lfunc_end0:
.L_simem_size_0:
called_computation_lowered:
.L_overlay_start_0:
0x88: {  	s2 =	sld [smem:$0x3FD9]  }
0x89: {  	s3 =	sld [smem:$0x3FFE];
	_ =	sdelay $0x1  }
0x8a: {  	s1 =	srdreg.scid  }
0x8b: {  	s0 =	sand.u32 $0x1, s1  }
0x8c: {  	s17 =	sshll.u32 s0, $0xA;
	s2 =	sadd.s32 s3, s2  }
0x8d: {  	s2 =	sadd.s32 s2, s17  }
0x8e: {  	[smem:$0x3FC6] =	sst s2  }
0x8f: {  	_ = 	snop  }
0x90: {  	s2 =	sld [smem:$0x3FD0];
	(tm) =	ssettm $0x1  }
0x91: {  	s18 =	sld [smem:$0x3FFB];
	_ =	sdelay $0x3  }
0x92: {  	_ =	strace s18  }
0x93: {  	s3 =	sld [smem:$0x3FFC];
	_ =	sdelay $0x3  }
0x94: {  	_ =	strace s3  }
0x95: {  	s3 =	sld [smem:$0x3FFD];
	_ =	sdelay $0x3  }
0x96: {  	_ =	strace s3  }
0x97: {  	_ =	strace $0x8FFFFFFF  }
0x98: {  	s19 =	sld [smem:$0x3FDB];
	_ =	sdelay $0x1  }
0x99: {  	s4 =	simm.s32 $_scs_section_size  }
0x9a: {  	s5 =	simm.s32 $_size__tile_overlayer_lowered;
	s6 =	simm.s32 $_tile_overlayer_lowered  }
0x9b: {  	s22 =	simm.s32 $0x1BFF;
	s21 =	sshll.u32 s6, $0x1;
	s3 =	sadd.s32 s4, s19  }
0x9c: {  	s7 =	simm.s32 $0x0;
	s20 =	sshll.u32 s5, $0x1;
	s5 =	sadd.s32 s21, s3  }
0x9d: {  	[timem:s7], [sflag:s22] =	dma.local [hbm:s5], s20  }
0x9e: {  	_ =	swait.ge [sflag:s22], s20  }
0x9f: {  	s4 =	ssub.s32 $0x0, s20;
	[sflag:s22] =	ssyncset.done $0x0  }
0xa0: {  	[sflag:s22] =	ssyncadd.s32 s4;
	_ =	sdelay $0x1  }
0xa1: {  	s23 =	simm.s32 $0x1B8B  }
0xa2: {  	_ =	swait.ge [sflag:s23], $0x1  }
0xa3: {  	[sflag:s23] =	ssyncset.done $0x0  }
0xa4: {  	s25 =	simm.s32 $0x1B8E;
	s24 =	sld [smem:$0x3FFE];
	[sflag:s23] =	ssyncadd.s32 $0xFFFFFFFF  }
0xa5: {  	s26 =	simm.s32 $execute0_lowered;
	[smem:$0x3FD2] =	sst s25  }
0xa6: {  	s5 =	sshll.u32 s26, $0x1;
	_ =	strace $0x80000046;
	[dreg:$0x1] =	wrdreg $0xFFFFFFFF  }
0xa7: {  	s28 =	simm.s32 $_size_execute0_lowered;
	s3 =	sadd.s32 s3, s5;
	[dreg:$0x0] =	wrdreg $0x0  }
0xa8: {  	s5 =	sshll.u32 s28, $0x1;
	[dreg:$0x2] =	wrdreg s3  }
0xa9: {  	[dreg:$0x3] =	wrdreg s5  }
0xaa: {  	[dreg:$0x4] =	wrdreg $0xC0  }
0xab: {  	_ =	task [dreg:s7], $0x5FFFF  }
0xac: {  	[dreg:$0x1] =	wrdreg $0xFFFFFFFF  }
0xad: {  	[dreg:$0x0] =	wrdreg $0x60  }
0xae: {  	[dreg:$0x2] =	wrdreg s2  }
0xaf: {  	[dreg:$0x3] =	wrdreg s24  }
0xb0: {  	[dreg:$0x4] =	wrdreg $0x9  }
0xb1: {  	_ =	task.clear_ibuf [dreg:s7], $0x5FFFF;
	_ =	strace $0x90000046  }
0xb2: {  	s29 =	simm.s32 $0x9;
	_ =	strace $0x80000048  }
0xb3: {  	_ =	swait.ge [sflag:s29], $0x1  }
0xb4: {  	[sflag:s29] =	ssyncadd.s32 $0xFFFFFFFF  }
0xb5: {  	_ =	strace $0x90000048  }
0xb6: {  	_ =	sfence  }
0xb7: {  	s30 =	sld [smem:$0x0];
	_ =	sdelay $0x2  }
0xb8: {  	s31 =	sshll.u32 s1, $0xD;
	s1 =	sshrl.u32 s1, $0x2  }
0xb9: {  	s3 =	sand.u32 $0x4000, s31;
	s1 =	sadd.s32 s1, s30  }
0xba: {  	s0 =	sor.u32 s3, s0;
	s1 =	sshll.u32 s1, $0x11  }
0xbb: {  	s0 =	sor.u32 s1, s0  }
0xbc: {  	s0 =	sadd.s32 $0x8F2B, s0  }
0xbd: {  	[sflag:s0] =	ssyncadd.remote.s32 $0x1  }
0xbe: {  	_ =	sfence.sel $0xFFFF  }
0xbf: {  	[dreg:$0x0] =	wrdreg $0xFFFFFFFF;
	(pc) =	sbr.abs _section_cstart, $3  }
0xc0: {  	[dreg:$0x1] =	wrdreg $0xFFFFFFFF  }
0xc1: {  	_ =	task.clear_ibuf [dreg:s7], $0x2FFFF;
	_ =	strace $0x9FFFFFFF  }
0xc2: {  	(tm) =	ssettm $0x7FFFFFFF  }
0xc3: {  	_ =	shalt  }
tec
execute0_lowered:
.L_overlay_start_1:
0x0: {  	(tag) =	ssettag $0x1  }
0x1: {  	s3 =	rddreg [dreg:$0x0]  }
0x2: {  	s4 =	rddreg [dreg:$0x1]  }
0x3: {  	s0 =	rddreg [dreg:$0x2];
	s5 =	srdreg.scid  }
0x4: {  	s2 =	simm.s32 $0x0;
	s1 =	stileid.u32;
	s8 =	simm.s32 $0x0  }
0x5: {  	s5 =	sand.u32 $0x1, s5;
	s6 =	sshll.u32 s1, $0xD;
	[smem:$0x7FF] =	sst s2  }
0x6: {  	v0 =	vlaneseq.u32;
	s7 =	sshll.u32 s5, $0xC;
	s5 =	ssub.s32 $0x2, s5;
	_ =	strace $0x80000047  }
0x7: {  	v37 =	vmul.u32 $0x40, v0;
	s6 =	sor.u32 s7, s6;
	s31 =	sshrl.u32 s5, $0x1;
	s7 =	simm.s32 $0x8000  }
0x8: {  	s4 =	sadd.s32 s6, s4;
	s5 =	ssub.s32 s5, s31;
	s3 =	sadd.s32 s3, s6  }
0x9: {  	[tilespmem:$0x1FFF0] =	vst v37;
	s6 =	simm.s32 $0x1;
	s4 =	sadd.s32 $0x400, s4;
	s5 =	smax.u32 s5, $0x1  }
.LBB2_1:
0xa: {  	[tilespmem:s2], [sflag:$0x1] =	stream.linear.gather [hbm4b:s3+s2], $0x8000, $0x38;
	[tilespmem:$0x10000] =	vst v63  }
0xb: {  	_ =	swait.ge [sflag:s6], $0x8000  }
0xc: {  	[sflag:s6] =	ssyncset.done $0x0  }
0xd: {  	s9 =	simm.s32 $0x0;
	[sflag:s6] =	ssyncadd.s32 $0xFFFF8000  }
.LBB2_2:
0xe: {  	_ =	sdelay $0x1  }
0xf: {  	v0 =	vmov s9  }
0x10: {  	v0 =	vshll.u32 v0, $0x6  }
0x11: {  	v26 =	vor.u32 v37, v0  }
0x12: {  	v1 =	vor.u32 $0x1, v26  }
0x13: {  	v0 =	vor.u32 $0x2, v26  }
0x14: {  	v4 =	vor.u32 $0x3, v26  }
0x15: {  	v3 =	vor.u32 $0x4, v26;
	[tilespmem:$0x1F1B0] =	vst v1  }
0x16: {  	v2 =	vor.u32 $0x5, v26;
	[tilespmem:$0x1F1D0] =	vst v0;
	v54 =	vld.idx.msk [tilespmem:v26+s2+$0x0], $0xffff  }
0x17: {  	v30 =	vor.u32 $0x6, v26;
	[tilespmem:$0x1F200] =	vst v4;
	v55 =	vld.idx.msk [tilespmem:v1+s2+$0x0], $0xffff  }
0x18: {  	v31 =	vor.u32 $0x7, v26;
	[tilespmem:$0x1F220] =	vst v3;
	v53 =	vld.idx.msk [tilespmem:v0+s2+$0x0], $0xffff  }
0x19: {  	v8 =	vor.u32 $0x8, v26;
	[tilespmem:$0x1F250] =	vst v2;
	v52 =	vld.idx.msk [tilespmem:v4+s2+$0x0], $0xffff  }
0x1a: {  	v23 =	vor.u32 $0x9, v26;
	[tilespmem:$0x1F280] =	vst v30;
	v51 =	vld.idx.msk [tilespmem:v3+s2+$0x0], $0xffff  }
0x1b: {  	v22 =	vor.u32 $0xA, v26;
	[tilespmem:$0x1F2A0] =	vst v31;
	v49 =	vld.idx.msk [tilespmem:v2+s2+$0x0], $0xffff  }
0x1c: {  	v21 =	vor.u32 $0xB, v26;
	[tilespmem:$0x1F2C0] =	vst v8;
	v45 =	vld.idx.msk [tilespmem:v30+s2+$0x0], $0xffff  }
0x1d: {  	v20 =	vor.u32 $0xC, v26;
	[tilespmem:$0x1F2F0] =	vst v23;
	v47 =	vld.idx.msk [tilespmem:v31+s2+$0x0], $0xffff  }
0x1e: {  	v19 =	vor.u32 $0xD, v26;
	[tilespmem:$0x1F310] =	vst v22;
	v50 =	vld.idx.msk [tilespmem:v8+s2+$0x0], $0xffff  }
0x1f: {  	v18 =	vor.u32 $0xE, v26;
	[tilespmem:$0x1F340] =	vst v21;
	v46 =	vld.idx.msk [tilespmem:v23+s2+$0x0], $0xffff  }
0x20: {  	v17 =	vor.u32 $0xF, v26;
	[tilespmem:$0x1F360] =	vst v20;
	v48 =	vld.idx.msk [tilespmem:v22+s2+$0x0], $0xffff  }
0x21: {  	[tilespmem:$0x1F380] =	vst v19;
	v44 =	vld.idx.msk [tilespmem:v21+s2+$0x0], $0xffff  }
0x22: {  	[tilespmem:$0x1F3B0] =	vst v18;
	v20 =	vld.idx.msk [tilespmem:v20+s2+$0x0], $0xffff  }
0x23: {  	v16 =	vor.u32 $0x10, v26;
	[tilespmem:$0x1F3D0] =	vst v17;
	v19 =	vld.idx.msk [tilespmem:v19+s2+$0x0], $0xffff  }
0x24: {  	v15 =	vor.u32 $0x11, v26;
	v14 =	vor.u32 $0x12, v26;
	[tilespmem:$0x1F3F0] =	vst v16;
	v18 =	vld.idx.msk [tilespmem:v18+s2+$0x0], $0xffff  }
0x25: {  	v13 =	vor.u32 $0x13, v26;
	v12 =	vor.u32 $0x14, v26;
	v11 =	vor.u32 $0x15, v26;
	[tilespmem:$0x1F420] =	vst v15;
	v61 =	vld.idx.msk [tilespmem:v17+s2+$0x0], $0xffff  }
0x26: {  	v10 =	vor.u32 $0x16, v26;
	v9 =	vor.u32 $0x17, v26;
	[tilespmem:$0x1F440] =	vst v14;
	v32 =	vmax.f32 v54, v55  }
0x27: {  	[tilespmem:$0x1F470] =	vst v13;
	v33 =	vmin.f32 v54, v55;
	v34 =	vmax.f32 v53, v52;
	v35 =	vmin.f32 v53, v52  }
0x28: {  	[tilespmem:$0x1F490] =	vst v12;
	v36 =	vmax.f32 v51, v49;
	v5 =	vmin.f32 v51, v49;
	v6 =	vmax.f32 v45, v47  }
0x29: {  	[tilespmem:$0x1F4C0] =	vst v11;
	v7 =	vmin.f32 v45, v47;
	v17 =	vmax.f32 v50, v46;
	v22 =	vmax.f32 v48, v44  }
0x2a: {  	[tilespmem:$0x1F4F0] =	vst v10;
	v24 =	vmax.f32 v20, v19;
	v25 =	vmin.f32 v20, v19;
	v27 =	vmax.f32 v18, v61  }
0x2b: {  	[tilespmem:$0x1F510] =	vst v9;
	v28 =	vmin.f32 v18, v61;
	v37 =	vmax.f32 v32, v34;
	v0 =	vmin.f32 v32, v34  }
0x2c: {  	[tilespmem:$0x1EB40] =	vst v18;
	v38 =	vmax.f32 v33, v35;
	v1 =	vmin.f32 v33, v35;
	v39 =	vmax.f32 v36, v6  }
0x2d: {  	[tilespmem:$0x1EB50] =	vst v61;
	v4 =	vmin.f32 v36, v6;
	v40 =	vmax.f32 v5, v7;
	v5 =	vmin.f32 v5, v7  }
0x2e: {  	[tilespmem:$0x1EB10] =	vst v20;
	v29 =	vmax.f32 v17, v22;
	v31 =	vmax.f32 v24, v27;
	v32 =	vmax.f32 v25, v28  }
0x2f: {  	[tilespmem:$0x1EB20] =	vst v19;
	v35 =	vld.idx.msk [tilespmem:v14+s2+$0x0], $0xffff;
	v14 =	vor.u32 $0x36, v26;
	v41 =	vmax.f32 v38, v0;
	v0 =	vmin.f32 v38, v0  }
0x30: {  	v43 =	vmax.f32 v40, v4;
	v4 =	vmin.f32 v40, v4;
	v56 =	vmax.f32 v37, v39;
	[tilespmem:$0x1F9C0] =	vst v14  }
0x31: {  	v3 =	vmin.f32 v37, v39;
	v59 =	vmax.f32 v1, v5;
	v1 =	vmin.f32 v1, v5;
	[tilespmem:$0x1E990] =	vst v56  }
0x32: {  	v5 =	vmin.f32 v25, v28;
	v38 =	vmax.f32 v29, v31;
	v58 =	vmax.f32 v0, v4;
	[tilespmem:$0x1EA70] =	vst v1  }
0x33: {  	v28 =	vor.u32 $0x1A, v26;
	v57 =	vmax.f32 v41, v43;
	[tilespmem:$0x1EA80] =	vst v38;
	v60 =	vmax.f32 v58, v3  }
0x34: {  	v2 =	vmin.f32 v41, v43;
	[tilespmem:$0x1F580] =	vst v28;
	v63 =	vmax.f32 v57, v60  }
0x35: {  	v3 =	vmin.f32 v58, v3;
	v62 =	vmax.f32 v59, v2;
	v1 =	vmin.f32 v57, v60;
	[tilespmem:$0x1E9B0] =	vst v63  }
0x36: {  	v33 =	vld.idx.msk [tilespmem:v15+s2+$0x0], $0xffff;
	v0 =	vmin.f32 v0, v4;
	v4 =	vmax.f32 v62, v3;
	[tilespmem:$0x1E9D0] =	vst v1  }
0x37: {  	v2 =	vmin.f32 v59, v2;
	v6 =	vmin.f32 v62, v3;
	[tilespmem:$0x1E9F0] =	vst v4  }
0x38: {  	v39 =	vld.idx.msk [tilespmem:v13+s2+$0x0], $0xffff;
	v7 =	vmax.f32 v2, v0;
	[tilespmem:$0x1EA10] =	vst v6  }
0x39: {  	v0 =	vmin.f32 v2, v0;
	[tilespmem:$0x1EA30] =	vst v7  }
0x3a: {  	[tilespmem:$0x1EA50] =	vst v0  }
0x3b: {  	v37 =	vld.idx.msk [tilespmem:v16+s2+$0x0], $0xffff;
	[tilespmem:$0x1EB70] =	vst v33  }
0x3c: {  	v21 =	vmin.f32 v50, v46;
	v56 =	vld.idx.msk [tilespmem:v11+s2+$0x0], $0xffff;
	[tilespmem:$0x1EB80] =	vst v35  }
0x3d: {  	v23 =	vmin.f32 v48, v44;
	v41 =	vld.idx.msk [tilespmem:v12+s2+$0x0], $0xffff;
	v0 =	vmin.f32 v17, v22;
	v22 =	vor.u32 $0x18, v26;
	[tilespmem:$0x1EB90] =	vst v39  }
0x3e: {  	v1 =	vmin.f32 v21, v23;
	v4 =	vmin.f32 v24, v27;
	v27 =	vor.u32 $0x19, v26;
	[tilespmem:$0x1F530] =	vst v22  }
0x3f: {  	v43 =	vmax.f32 v1, v5;
	v1 =	vmin.f32 v1, v5;
	[tilespmem:$0x1F560] =	vst v27  }
0x40: {  	v30 =	vmax.f32 v21, v23;
	v58 =	vld.idx.msk [tilespmem:v10+s2+$0x0], $0xffff;
	[tilespmem:$0x1E9A0] =	vst v1  }
0x41: {  	v3 =	vmin.f32 v29, v31;
	v34 =	vmax.f32 v30, v0;
	v36 =	vmax.f32 v32, v4;
	[tilespmem:$0x1EBB0] =	vst v56  }
0x42: {  	v19 =	vmax.f32 v37, v33;
	v23 =	vmin.f32 v37, v33;
	v33 =	vor.u32 $0x1B, v26;
	[tilespmem:$0x1EBA0] =	vst v41  }
0x43: {  	v20 =	vmax.f32 v35, v39;
	v24 =	vmin.f32 v35, v39;
	v39 =	vor.u32 $0x1D, v26;
	[tilespmem:$0x1F5B0] =	vst v33  }
0x44: {  	v0 =	vmin.f32 v30, v0;
	v4 =	vmin.f32 v32, v4;
	v40 =	vmax.f32 v34, v36;
	[tilespmem:$0x1F600] =	vst v39  }
0x45: {  	v2 =	vmin.f32 v34, v36;
	v42 =	vmax.f32 v0, v4;
	v34 =	vor.u32 $0x1C, v26;
	[tilespmem:$0x1EBC0] =	vst v58  }
0x46: {  	v57 =	vmax.f32 v42, v3;
	v3 =	vmin.f32 v42, v3;
	[tilespmem:$0x1F5D0] =	vst v34;
	v42 =	vor.u32 $0x1E, v26  }
0x47: {  	v63 =	vld.idx.msk [tilespmem:v9+s2+$0x0], $0xffff;
	v60 =	vmax.f32 v40, v57;
	[tilespmem:$0x1F620] =	vst v42  }
0x48: {  	v59 =	vmax.f32 v43, v2;
	v1 =	vmin.f32 v40, v57;
	[tilespmem:$0x1EA60] =	vst v60  }
0x49: {  	v61 =	vmax.f32 v59, v3;
	[tilespmem:$0x1EA40] =	vst v1  }
0x4a: {  	v62 =	vmin.f32 v59, v3;
	[tilespmem:$0x1EA20] =	vst v61  }
0x4b: {  	v0 =	vmin.f32 v0, v4;
	v2 =	vmin.f32 v43, v2;
	[tilespmem:$0x1EA00] =	vst v62  }
0x4c: {  	v21 =	vmax.f32 v19, v20;
	v12 =	vmax.f32 v2, v0;
	[tilespmem:$0x1EBE0] =	vst v63  }
0x4d: {  	v29 =	vmov v41;
	v30 =	vmax.f32 v41, v56;
	v0 =	vmin.f32 v2, v0;
	[tilespmem:$0x1E9E0] =	vst v12  }
0x4e: {  	v35 =	vmin.f32 v29, v56;
	v57 =	vor.u32 $0x1F, v26;
	[tilespmem:$0x1E9C0] =	vst v0;
	v31 =	vmax.f32 v58, v63  }
0x4f: {  	v56 =	vld.idx.msk [tilespmem:v28+s2+$0x0], $0xffff;
	[tilespmem:$0x1F650] =	vst v57;
	v32 =	vmax.f32 v30, v31;
	v3 =	vmin.f32 v30, v31;
	v31 =	vor.u32 $0x20, v26  }
0x50: {  	v2 =	vmin.f32 v23, v24;
	v36 =	vmin.f32 v58, v63;
	v63 =	vld.idx.msk [tilespmem:v39+s2+$0x0], $0xffff;
	v39 =	vor.u32 $0x23, v26;
	[tilespmem:$0x1F670] =	vst v31  }
0x51: {  	v38 =	vld.idx.msk [tilespmem:v22+s2+$0x0], $0xffff;
	v5 =	vmin.f32 v35, v36;
	v58 =	vmax.f32 v21, v32;
	[tilespmem:$0x1F6E0] =	vst v39  }
0x52: {  	v41 =	vld.idx.msk [tilespmem:v27+s2+$0x0], $0xffff;
	v62 =	vmax.f32 v2, v5;
	v2 =	vmin.f32 v2, v5;
	[tilespmem:$0x1EA90] =	vst v58  }
0x53: {  	v25 =	vmax.f32 v23, v24;
	v1 =	vmin.f32 v19, v20;
	v8 =	vmax.f32 v35, v36;
	[tilespmem:$0x1EB00] =	vst v2  }
0x54: {  	v40 =	vmax.f32 v25, v1;
	v0 =	vmin.f32 v21, v32;
	v32 =	vor.u32 $0x21, v26;
	[tilespmem:$0x1EC10] =	vst v56  }
0x55: {  	v1 =	vmin.f32 v25, v1;
	v43 =	vmax.f32 v8, v3;
	v3 =	vmin.f32 v8, v3;
	[tilespmem:$0x1F690] =	vst v32  }
0x56: {  	v59 =	vmax.f32 v40, v43;
	v60 =	vmax.f32 v1, v3;
	[tilespmem:$0x1EBF0] =	vst v38  }
0x57: {  	v11 =	vmax.f32 v60, v0;
	v0 =	vmin.f32 v60, v0;
	v60 =	vor.u32 $0x25, v26;
	[tilespmem:$0x1EC00] =	vst v41  }
0x58: {  	v13 =	vld.idx.msk [tilespmem:v33+s2+$0x0], $0xffff;
	v4 =	vmin.f32 v40, v43;
	v20 =	vmax.f32 v59, v11;
	[tilespmem:$0x1F730] =	vst v60  }
0x59: {  	v18 =	vmax.f32 v62, v4;
	v2 =	vmin.f32 v59, v11;
	[tilespmem:$0x1EAA0] =	vst v20  }
0x5a: {  	v22 =	vmax.f32 v18, v0;
	[tilespmem:$0x1EAB0] =	vst v2  }
0x5b: {  	v0 =	vmin.f32 v18, v0;
	[tilespmem:$0x1EAC0] =	vst v22  }
0x5c: {  	v1 =	vmin.f32 v1, v3;
	v3 =	vmin.f32 v62, v4;
	[tilespmem:$0x1EAD0] =	vst v0  }
0x5d: {  	v25 =	vmax.f32 v3, v1;
	[tilespmem:$0x1EC20] =	vst v13  }
0x5e: {  	v1 =	vmin.f32 v3, v1;
	[tilespmem:$0x1EAE0] =	vst v25  }
0x5f: {  	v61 =	vld.idx.msk [tilespmem:v34+s2+$0x0], $0xffff;
	[tilespmem:$0x1EAF0] =	vst v1  }
0x60: {  	v23 =	vmax.f32 v38, v41;
	v28 =	vmin.f32 v38, v41;
	v38 =	vor.u32 $0x22, v26;
	[tilespmem:$0x1EC50] =	vst v63  }
0x61: {  	v19 =	vld.idx.msk [tilespmem:v42+s2+$0x0], $0xffff;
	v41 =	vor.u32 $0x24, v26;
	[tilespmem:$0x1F6B0] =	vst v38  }
0x62: {  	v59 =	vor.u32 $0x28, v26;
	[tilespmem:$0x1F710] =	vst v41  }
0x63: {  	v21 =	vld.idx.msk [tilespmem:v57+s2+$0x0], $0xffff;
	v24 =	vmax.f32 v56, v13;
	v29 =	vmin.f32 v56, v13;
	[tilespmem:$0x1F7A0] =	vst v59  }
0x64: {  	v33 =	vmov v63;
	v43 =	vld.idx.msk [tilespmem:v31+s2+$0x0], $0xffff;
	v13 =	vor.u32 $0x33, v26;
	v27 =	vmax.f32 v23, v24;
	[tilespmem:$0x1EC30] =	vst v61  }
0x65: {  	v0 =	vmin.f32 v23, v24;
	v30 =	vmax.f32 v28, v29;
	v2 =	vmin.f32 v28, v29;
	[tilespmem:$0x1F940] =	vst v13  }
0x66: {  	v9 =	vld.idx.msk [tilespmem:v39+s2+$0x0], $0xffff;
	v34 =	vmax.f32 v61, v63;
	v40 =	vmin.f32 v61, v33;
	v63 =	vor.u32 $0x26, v26;
	[tilespmem:$0x1EC60] =	vst v19  }
0x67: {  	v62 =	vld.idx.msk [tilespmem:v32+s2+$0x0], $0xffff;
	v42 =	vmax.f32 v30, v0;
	v0 =	vmin.f32 v30, v0;
	[tilespmem:$0x1F750] =	vst v63  }
0x68: {  	[tilespmem:$0x1EC70] =	vst v21;
	v35 =	vmax.f32 v19, v21;
	v7 =	vmin.f32 v19, v21;
	v21 =	vor.u32 $0x27, v26  }
0x69: {  	v36 =	vmax.f32 v34, v35;
	v3 =	vmin.f32 v34, v35;
	v8 =	vmax.f32 v40, v7;
	[tilespmem:$0x1F770] =	vst v21  }
0x6a: {  	v5 =	vmin.f32 v40, v7;
	v61 =	vmax.f32 v8, v3;
	v3 =	vmin.f32 v8, v3;
	[tilespmem:$0x1EC90] =	vst v43  }
0x6b: {  	v56 =	vmax.f32 v27, v36;
	v1 =	vmin.f32 v27, v36;
	v24 =	vmax.f32 v2, v5;
	[tilespmem:$0x1ECD0] =	vst v9  }
0x6c: {  	v20 =	vld.idx.msk [tilespmem:v38+s2+$0x0], $0xffff;
	v22 =	vmax.f32 v42, v61;
	v4 =	vmin.f32 v42, v61;
	[tilespmem:$0x1ECA0] =	vst v62;
	v61 =	vor.u32 $0x29, v26  }
0x6d: {  	v25 =	vld.idx.msk [tilespmem:v41+s2+$0x0], $0xffff;
	v41 =	vmax.f32 v43, v62;
	v43 =	vmin.f32 v43, v62;
	v62 =	vor.u32 $0x2A, v26;
	[tilespmem:$0x1F7C0] =	vst v61  }
0x6e: {  	v23 =	vmax.f32 v0, v3;
	v0 =	vmin.f32 v0, v3;
	v39 =	vld.idx.msk [tilespmem:v63+s2+$0x0], $0xffff;
	v63 =	vor.u32 $0x2B, v26;
	[tilespmem:$0x1F7F0] =	vst v62  }
0x6f: {  	v31 =	vmax.f32 v23, v1;
	v1 =	vmin.f32 v23, v1;
	[tilespmem:$0x1F810] =	vst v63;
	v23 =	vor.u32 $0x2D, v26  }
0x70: {  	v38 =	vmax.f32 v24, v4;
	v3 =	vmin.f32 v24, v4;
	v24 =	vor.u32 $0x2E, v26;
	[tilespmem:$0x1F860] =	vst v23  }
0x71: {  	v35 =	vmin.f32 v2, v5;
	v36 =	vld.idx.msk [tilespmem:v60+s2+$0x0], $0xffff;
	v34 =	vmax.f32 v22, v31;
	[tilespmem:$0x1F880] =	vst v24  }
0x72: {  	v33 =	vmin.f32 v22, v31;
	v32 =	vmax.f32 v38, v1;
	v31 =	vmin.f32 v38, v1;
	[tilespmem:$0x1ECB0] =	vst v20  }
0x73: {  	v40 =	vld.idx.msk [tilespmem:v21+s2+$0x0], $0xffff;
	v30 =	vmax.f32 v3, v0;
	v29 =	vmin.f32 v3, v0;
	v21 =	vor.u32 $0x2C, v26;
	[tilespmem:$0x1ECE0] =	vst v25  }
0x74: {  	v38 =	vor.u32 $0x2F, v26;
	v42 =	vmax.f32 v20, v9;
	v57 =	vmin.f32 v20, v9;
	[tilespmem:$0x1F830] =	vst v21  }
0x75: {  	[tilespmem:$0x1F8A0] =	vst v38;
	v58 =	vmax.f32 v41, v42;
	v0 =	vmin.f32 v41, v42;
	v42 =	vld.idx.msk [tilespmem:v61+s2+$0x0], $0xffff  }
0x76: {  	[tilespmem:$0x1ECF0] =	vst v36;
	v16 =	vmax.f32 v25, v36;
	v18 =	vmin.f32 v25, v36;
	v36 =	vld.idx.msk [tilespmem:v62+s2+$0x0], $0xffff  }
0x77: {  	v60 =	vmax.f32 v43, v57;
	v2 =	vmin.f32 v43, v57;
	[tilespmem:$0x1ED10] =	vst v39;
	v9 =	vld.idx.msk [tilespmem:v63+s2+$0x0], $0xffff  }
0x78: {  	v41 =	vmax.f32 v60, v0;
	v0 =	vmin.f32 v60, v0;
	v60 =	vld.idx.msk [tilespmem:v23+s2+$0x0], $0xffff;
	v17 =	vmax.f32 v39, v40  }
0x79: {  	[tilespmem:$0x1ED20] =	vst v40;
	v19 =	vmin.f32 v39, v40;
	v63 =	vld.idx.msk [tilespmem:v38+s2+$0x0], $0xffff;
	v38 =	vor.u32 $0x35, v26;
	v3 =	vmin.f32 v16, v17  }
0x7a: {  	v62 =	vld.idx.msk [tilespmem:v24+s2+$0x0], $0xffff;
	v22 =	vmax.f32 v18, v19;
	v6 =	vmin.f32 v18, v19;
	v18 =	vor.u32 $0x30, v26;
	[tilespmem:$0x1F9A0] =	vst v38  }
0x7b: {  	v20 =	vmax.f32 v16, v17;
	v17 =	vld.idx.msk [tilespmem:v59+s2+$0x0], $0xffff;
	v19 =	vor.u32 $0x31, v26;
	v25 =	vmax.f32 v22, v3;
	[tilespmem:$0x1F8D0] =	vst v18  }
0x7c: {  	v3 =	vmin.f32 v22, v3;
	v28 =	vmax.f32 v58, v20;
	v4 =	vmin.f32 v58, v20;
	[tilespmem:$0x1F8F0] =	vst v19  }
0x7d: {  	v43 =	vmax.f32 v2, v6;
	v57 =	vmin.f32 v2, v6;
	v39 =	vmax.f32 v41, v25;
	[tilespmem:$0x1ED40] =	vst v42  }
0x7e: {  	v1 =	vmin.f32 v41, v25;
	v40 =	vmax.f32 v0, v3;
	v0 =	vmin.f32 v0, v3;
	[tilespmem:$0x1ED50] =	vst v36  }
0x7f: {  	v41 =	vld.idx.msk [tilespmem:v21+s2+$0x0], $0xffff;
	[tilespmem:$0x1ED60] =	vst v9;
	v12 =	vmax.f32 v36, v9;
	v16 =	vmin.f32 v36, v9;
	v21 =	vor.u32 $0x32, v26  }
0x80: {  	v59 =	vmax.f32 v40, v4;
	v4 =	vmin.f32 v40, v4;
	v61 =	vmax.f32 v43, v1;
	[tilespmem:$0x1F920] =	vst v21  }
0x81: {  	v1 =	vmin.f32 v43, v1;
	[tilespmem:$0x1ED90] =	vst v60;
	v24 =	vmax.f32 v39, v59;
	v27 =	vmin.f32 v39, v59  }
0x82: {  	[tilespmem:$0x1EDA0] =	vst v62;
	v25 =	vmax.f32 v61, v4;
	v23 =	vmin.f32 v61, v4;
	v20 =	vmax.f32 v1, v0  }
0x83: {  	[tilespmem:$0x1EDD0] =	vst v63;
	v22 =	vmin.f32 v1, v0;
	v43 =	vmax.f32 v62, v63;
	v59 =	vmin.f32 v62, v63  }
0x84: {  	v62 =	vor.u32 $0x34, v26;
	v39 =	vld.idx.msk [tilespmem:v38+s2+$0x0], $0xffff;
	[tilespmem:$0x1ED30] =	vst v17;
	v10 =	vmax.f32 v17, v42;
	v11 =	vmin.f32 v17, v42  }
0x85: {  	[tilespmem:$0x1F970] =	vst v62;
	v4 =	vmax.f32 v10, v12;
	v0 =	vmin.f32 v10, v12;
	v17 =	vmax.f32 v11, v16  }
0x86: {  	v1 =	vmin.f32 v11, v16;
	v11 =	vld.idx.msk [tilespmem:v13+s2+$0x0], $0xffff;
	v10 =	vor.u32 $0x3A, v26;
	[tilespmem:$0x1ED80] =	vst v41;
	v42 =	vmax.f32 v41, v60  }
0x87: {  	v58 =	vmin.f32 v41, v60;
	v36 =	vmax.f32 v17, v0;
	v0 =	vmin.f32 v17, v0;
	v41 =	vld.idx.msk [tilespmem:v18+s2+$0x0], $0xffff  }
0x88: {  	v21 =	vld.idx.msk [tilespmem:v21+s2+$0x0], $0xffff;
	v60 =	vmax.f32 v42, v43;
	v3 =	vmin.f32 v42, v43;
	v61 =	vmax.f32 v58, v59  }
0x89: {  	[tilespmem:$0x1FA20] =	vst v10;
	v6 =	vmin.f32 v58, v59;
	v42 =	vld.idx.msk [tilespmem:v19+s2+$0x0], $0xffff;
	v58 =	vor.u32 $0x37, v26;
	v43 =	vor.u32 $0x38, v26  }
0x8a: {  	v63 =	vmax.f32 v61, v3;
	v3 =	vmin.f32 v61, v3;
	v19 =	vmax.f32 v4, v60;
	[tilespmem:$0x1F9D0] =	vst v58  }
0x8b: {  	v4 =	vmin.f32 v4, v60;
	v61 =	vmax.f32 v1, v6;
	v18 =	vmin.f32 v1, v6;
	[tilespmem:$0x1EE40] =	vst v39  }
0x8c: {  	v8 =	vor.u32 $0x3E, v26;
	v40 =	vld.idx.msk [tilespmem:v62+s2+$0x0], $0xffff;
	[tilespmem:$0x1F9F0] =	vst v43;
	v59 =	vmax.f32 v36, v63;
	v60 =	vmax.f32 v0, v3  }
0x8d: {  	v2 =	vmin.f32 v36, v63;
	v0 =	vmin.f32 v0, v3;
	v62 =	vmax.f32 v60, v4;
	[tilespmem:$0x1EE20] =	vst v11  }
0x8e: {  	v4 =	vmin.f32 v60, v4;
	v63 =	vmax.f32 v61, v2;
	v2 =	vmin.f32 v61, v2;
	[tilespmem:$0x1EDE0] =	vst v41  }
0x8f: {  	v36 =	vld.idx.msk [tilespmem:v14+s2+$0x0], $0xffff;
	v60 =	vor.u32 $0x39, v26;
	v17 =	vmax.f32 v59, v62;
	v16 =	vmin.f32 v59, v62;
	[tilespmem:$0x1EE10] =	vst v21  }
0x90: {  	v15 =	vmax.f32 v63, v4;
	v14 =	vmin.f32 v63, v4;
	v13 =	vmax.f32 v2, v0;
	[tilespmem:$0x1FA00] =	vst v60  }
0x91: {  	v59 =	vmax.f32 v21, v11;
	v62 =	vmin.f32 v21, v11;
	v21 =	vor.u32 $0x3B, v26;
	v38 =	vld.idx.msk [tilespmem:v58+s2+$0x0], $0xffff;
	[tilespmem:$0x1EDF0] =	vst v42  }
0x92: {  	v12 =	vmin.f32 v2, v0;
	v11 =	vor.u32 $0x3C, v26;
	v58 =	vmax.f32 v41, v42;
	[tilespmem:$0x1FA30] =	vst v21  }
0x93: {  	v61 =	vmin.f32 v41, v42;
	[tilespmem:$0x1EE30] =	vst v40;
	v2 =	vmax.f32 v58, v59;
	v0 =	vmin.f32 v58, v59  }
0x94: {  	v4 =	vmax.f32 v61, v62;
	v1 =	vmin.f32 v61, v62;
	v63 =	vmax.f32 v40, v39;
	v58 =	vld.idx.msk [tilespmem:v43+s2+$0x0], $0xffff  }
0x95: {  	v40 =	vmin.f32 v40, v39;
	v43 =	vmax.f32 v4, v0;
	v0 =	vmin.f32 v4, v0;
	v42 =	vld.idx.msk [tilespmem:v60+s2+$0x0], $0xffff  }
0x96: {  	[tilespmem:$0x1EFB0] =	vst v36;
	v9 =	vmax.f32 v36, v38;
	v41 =	vmin.f32 v36, v38;
	v36 =	vld.idx.msk [tilespmem:v10+s2+$0x0], $0xffff;
	v10 =	vor.u32 $0x3F, v26  }
0x97: {  	[tilespmem:$0x1FA50] =	vst v11;
	v6 =	vmax.f32 v63, v9;
	v3 =	vmin.f32 v63, v9;
	v63 =	vmax.f32 v40, v41  }
0x98: {  	v39 =	vld.idx.msk [tilespmem:v11+s2+$0x0], $0xffff;
	[tilespmem:$0x1EFC0] =	vst v38;
	v9 =	vor.u32 $0x3D, v26;
	v5 =	vmin.f32 v40, v41;
	v59 =	vmax.f32 v63, v3  }
0x99: {  	v38 =	vld.idx.msk [tilespmem:v21+s2+$0x0], $0xffff;
	v3 =	vmin.f32 v63, v3;
	v63 =	vmax.f32 v2, v6;
	v2 =	vmin.f32 v2, v6  }
0x9a: {  	v41 =	vld.idx.msk [tilespmem:v8+s2+$0x0], $0xffff;
	v60 =	vmax.f32 v1, v5;
	v21 =	vmin.f32 v1, v5;
	v6 =	vmax.f32 v43, v59  }
0x9b: {  	v4 =	vmin.f32 v43, v59;
	v62 =	vmax.f32 v0, v3;
	v0 =	vmin.f32 v0, v3;
	[tilespmem:$0x1EFF0] =	vst v42  }
0x9c: {  	v61 =	vmax.f32 v62, v2;
	v62 =	vmin.f32 v62, v2;
	v59 =	vmax.f32 v60, v4;
	v43 =	vld.idx.msk [tilespmem:v10+s2+$0x0], $0xffff  }
0x9d: {  	v3 =	vmin.f32 v60, v4;
	v60 =	vmax.f32 v58, v42;
	v42 =	vmin.f32 v58, v42;
	v40 =	vld.idx.msk [tilespmem:v9+s2+$0x0], $0xffff  }
0x9e: {  	[tilespmem:$0x1FAA0] =	vst v10;
	v11 =	vmax.f32 v6, v61;
	v7 =	vmin.f32 v6, v61;
	v6 =	vmax.f32 v59, v62  }
0x9f: {  	[tilespmem:$0x1FA70] =	vst v9;
	v10 =	vmin.f32 v3, v0;
	v61 =	vmax.f32 v36, v38;
	v9 =	vmax.f32 v3, v0  }
0xa0: {  	[tilespmem:$0x1FA80] =	vst v8;
	v1 =	vmax.f32 v60, v61;
	v0 =	vmin.f32 v60, v61;
	v61 =	vmin.f32 v36, v38  }
0xa1: {  	[tilespmem:$0x1EFD0] =	vst v58;
	v8 =	vmin.f32 v59, v62;
	v58 =	vmax.f32 v42, v61;
	v3 =	vmin.f32 v42, v61  }
0xa2: {  	[tilespmem:$0x1F030] =	vst v39;
	v59 =	vmax.f32 v41, v43;
	v4 =	vmin.f32 v41, v43;
	v60 =	vmax.f32 v39, v40  }
0xa3: {  	[tilespmem:$0x1F040] =	vst v40;
	v2 =	vmin.f32 v39, v40;
	v40 =	vmax.f32 v58, v0;
	v0 =	vmin.f32 v58, v0  }
0xa4: {  	[tilespmem:$0x1F020] =	vst v38;
	v42 =	vmax.f32 v60, v59;
	v59 =	vmin.f32 v60, v59;
	v5 =	vmax.f32 v2, v4  }
0xa5: {  	[tilespmem:$0x1F050] =	vst v41;
	v39 =	vmin.f32 v2, v4;
	v41 =	vmax.f32 v5, v59;
	v38 =	vmin.f32 v5, v59  }
0xa6: {  	v59 =	vmax.f32 v1, v42;
	v1 =	vmin.f32 v1, v42;
	v42 =	vmax.f32 v3, v39  }
0xa7: {  	v61 =	vmax.f32 v40, v41;
	v58 =	vmin.f32 v40, v41;
	v60 =	vmax.f32 v0, v38;
	v41 =	vld [tilespmem:$0x1E990]  }
0xa8: {  	v0 =	vmin.f32 v0, v38;
	v4 =	vmax.f32 v42, v58;
	v38 =	vmin.f32 v42, v58;
	v42 =	vld [tilespmem:$0x1E9A0];
	_ =	sdelay $0x1  }
0xa9: {  	[tilespmem:$0x1F010] =	vst v36;
	v36 =	vld [tilespmem:$0x1E9C0]  }
0xaa: {  	[tilespmem:$0x1F060] =	vst v43;
	v5 =	vmin.f32 v3, v39;
	v40 =	vld [tilespmem:$0x1E9D0];
	v43 =	vmax.f32 v60, v1  }
0xab: {  	v1 =	vmin.f32 v60, v1;
	v58 =	vmax.f32 v61, v43;
	v39 =	vmin.f32 v61, v43;
	v43 =	vld [tilespmem:$0x1E9B0]  }
0xac: {  	v60 =	vmax.f32 v38, v0;
	v3 =	vmin.f32 v38, v0;
	v38 =	vmax.f32 v41, v42;
	v41 =	vld [tilespmem:$0x1E9E0];
	_ =	sdelay $0x3  }
0xad: {  	v0 =	vmax.f32 v43, v36;
	v36 =	vld [tilespmem:$0x1EA10]  }
0xae: {  	v61 =	vmax.f32 v4, v1;
	v4 =	vmin.f32 v4, v1;
	v1 =	vmax.f32 v40, v41;
	v40 =	vld [tilespmem:$0x1EA20];
	_ =	sdelay $0x1  }
0xaf: {  	v42 =	vld [tilespmem:$0x1E9F0]  }
0xb0: {  	v43 =	vld [tilespmem:$0x1EA00]  }
0xb1: {  	v41 =	vld [tilespmem:$0x1EA40]  }
0xb2: {  	v36 =	vmax.f32 v36, v40;
	v40 =	vld [tilespmem:$0x1EA30];
	_ =	sdelay $0x3  }
0xb3: {  	v2 =	vmax.f32 v42, v43;
	v42 =	vld [tilespmem:$0x1EA60]  }
0xb4: {  	v40 =	vmax.f32 v40, v41;
	v41 =	vld [tilespmem:$0x1EA50];
	_ =	sdelay $0x3  }
0xb5: {  	v43 =	vld [tilespmem:$0x1EA80]  }
0xb6: {  	v41 =	vmax.f32 v41, v42;
	v42 =	vld [tilespmem:$0x1EA70];
	_ =	sdelay $0x4  }
0xb7: {  	v42 =	vmax.f32 v42, v43  }
0xb8: {  	v43 =	vmax.f32 v38, v36;
	v36 =	vmin.f32 v38, v36;
	v38 =	vmax.f32 v0, v40  }
0xb9: {  	v0 =	vmin.f32 v0, v40;
	v40 =	vmax.f32 v1, v41;
	v1 =	vmin.f32 v1, v41  }
0xba: {  	v41 =	vmax.f32 v2, v42;
	v2 =	vmin.f32 v2, v42;
	v42 =	vmax.f32 v43, v40  }
0xbb: {  	v40 =	vmin.f32 v43, v40;
	v43 =	vmax.f32 v38, v41;
	v38 =	vmin.f32 v38, v41  }
0xbc: {  	v41 =	vmax.f32 v36, v1;
	v1 =	vmin.f32 v36, v1;
	v36 =	vmax.f32 v0, v2  }
0xbd: {  	v0 =	vmin.f32 v0, v2;
	v2 =	vmax.f32 v42, v43;
	v42 =	vmin.f32 v42, v43  }
0xbe: {  	v43 =	vmax.f32 v40, v38;
	v38 =	vmin.f32 v40, v38;
	v40 =	vmax.f32 v41, v36  }
0xbf: {  	v36 =	vmin.f32 v41, v36;
	v41 =	vmax.f32 v1, v0;
	v0 =	vmin.f32 v1, v0;
	v1 =	vld [tilespmem:$0x1EA90];
	_ =	sdelay $0x4  }
0xc0: {  	v1 =	vmax.f32 v1, v35;
	v35 =	vld [tilespmem:$0x1EAA0];
	_ =	sdelay $0x4  }
0xc1: {  	v29 =	vmax.f32 v35, v29;
	v35 =	vld [tilespmem:$0x1EAB0];
	_ =	sdelay $0x4  }
0xc2: {  	v30 =	vmax.f32 v35, v30;
	v35 =	vld [tilespmem:$0x1EAC0];
	_ =	sdelay $0x4  }
0xc3: {  	v31 =	vmax.f32 v35, v31;
	v35 =	vld [tilespmem:$0x1EAD0];
	_ =	sdelay $0x4  }
0xc4: {  	v32 =	vmax.f32 v35, v32;
	v35 =	vld [tilespmem:$0x1EAE0];
	_ =	sdelay $0x4  }
0xc5: {  	v18 =	vmax.f32 v28, v18;
	v33 =	vmax.f32 v35, v33;
	v35 =	vld [tilespmem:$0x1EAF0]  }
0xc6: {  	v19 =	vmax.f32 v57, v19;
	v12 =	vmax.f32 v24, v12;
	v13 =	vmax.f32 v27, v13  }
0xc7: {  	v14 =	vmax.f32 v25, v14;
	v15 =	vmax.f32 v23, v15;
	v16 =	vmax.f32 v20, v16  }
0xc8: {  	v17 =	vmax.f32 v22, v17;
	v57 =	vmax.f32 v12, v16;
	v12 =	vmin.f32 v12, v16  }
0xc9: {  	v23 =	vmax.f32 v13, v17;
	v13 =	vmin.f32 v13, v17;
	v24 =	vmax.f32 v14, v19  }
0xca: {  	v14 =	vmin.f32 v14, v19;
	v27 =	vmax.f32 v57, v24;
	v34 =	vmax.f32 v35, v34;
	v35 =	vld [tilespmem:$0x1EB00]  }
0xcb: {  	v17 =	vmin.f32 v57, v24;
	v5 =	vmax.f32 v63, v5;
	v63 =	vmax.f32 v21, v59  }
0xcc: {  	v3 =	vmax.f32 v11, v3;
	v7 =	vmax.f32 v7, v60;
	v4 =	vmax.f32 v6, v4  }
0xcd: {  	v57 =	vmax.f32 v8, v61;
	v60 =	vmax.f32 v9, v39;
	v61 =	vmax.f32 v10, v58  }
0xce: {  	v21 =	vmax.f32 v3, v60;
	v3 =	vmin.f32 v3, v60;
	v22 =	vmax.f32 v7, v61  }
0xcf: {  	v7 =	vmin.f32 v7, v61;
	v35 =	vmax.f32 v35, v56;
	v56 =	vmax.f32 v1, v32  }
0xd0: {  	v1 =	vmin.f32 v1, v32;
	v32 =	vmax.f32 v29, v33;
	v29 =	vmin.f32 v29, v33  }
0xd1: {  	v33 =	vmax.f32 v30, v34;
	v30 =	vmin.f32 v30, v34;
	v34 =	vmax.f32 v31, v35  }
0xd2: {  	v31 =	vmin.f32 v31, v35;
	v35 =	vmax.f32 v56, v33;
	v33 =	vmin.f32 v56, v33  }
0xd3: {  	v56 =	vmax.f32 v32, v34;
	v32 =	vmin.f32 v32, v34;
	v34 =	vmax.f32 v1, v30  }
0xd4: {  	v1 =	vmin.f32 v1, v30;
	v30 =	vmax.f32 v29, v31;
	v29 =	vmin.f32 v29, v31  }
0xd5: {  	v31 =	vmax.f32 v35, v56;
	v35 =	vmin.f32 v35, v56;
	v56 =	vmax.f32 v33, v32  }
0xd6: {  	v32 =	vmin.f32 v33, v32;
	v33 =	vmax.f32 v34, v30;
	v30 =	vmin.f32 v34, v30  }
0xd7: {  	v34 =	vmax.f32 v1, v29;
	v1 =	vmin.f32 v1, v29;
	v29 =	vmax.f32 v18, v15  }
0xd8: {  	v15 =	vmin.f32 v18, v15;
	v25 =	vmax.f32 v29, v23;
	v16 =	vmin.f32 v29, v23  }
0xd9: {  	v28 =	vmax.f32 v15, v13;
	v13 =	vmin.f32 v15, v13;
	v29 =	vmax.f32 v12, v14  }
0xda: {  	v12 =	vmin.f32 v12, v14;
	v23 =	vmax.f32 v4, v63;
	v4 =	vmin.f32 v4, v63  }
0xdb: {  	v1 =	vmax.f32 v2, v1;
	v38 =	vmax.f32 v38, v33;
	v39 =	vmax.f32 v40, v32  }
0xdc: {  	v40 =	vmax.f32 v36, v56;
	v41 =	vmax.f32 v41, v35;
	v0 =	vmax.f32 v0, v31  }
0xdd: {  	v14 =	vmax.f32 v25, v27;
	v19 =	vmin.f32 v25, v27;
	v20 =	vmax.f32 v16, v17  }
0xde: {  	v16 =	vmin.f32 v16, v17;
	v17 =	vmax.f32 v28, v29;
	v15 =	vmin.f32 v28, v29  }
0xdf: {  	v18 =	vmax.f32 v13, v12;
	v12 =	vmin.f32 v13, v12;
	v13 =	vmax.f32 v5, v57  }
0xe0: {  	v5 =	vmin.f32 v5, v57;
	v25 =	vmax.f32 v21, v23;
	v6 =	vmin.f32 v21, v23  }
0xe1: {  	v28 =	vmax.f32 v3, v4;
	v3 =	vmin.f32 v3, v4;
	v29 =	vmax.f32 v42, v34  }
0xe2: {  	v34 =	vmax.f32 v43, v30;
	v42 =	vmax.f32 v1, v39;
	v1 =	vmin.f32 v1, v39  }
0xe3: {  	v57 =	vmax.f32 v38, v0;
	v0 =	vmin.f32 v38, v0;
	v24 =	vmax.f32 v13, v22  }
0xe4: {  	v8 =	vmin.f32 v13, v22;
	v27 =	vmax.f32 v5, v7;
	v5 =	vmin.f32 v5, v7  }
0xe5: {  	v43 =	vmax.f32 v29, v40;
	v2 =	vmin.f32 v29, v40;
	v56 =	vmax.f32 v34, v41  }
0xe6: {  	v4 =	vmax.f32 v24, v25;
	v10 =	vmin.f32 v24, v25;
	v11 =	vmax.f32 v8, v6  }
0xe7: {  	v6 =	vmin.f32 v8, v6;
	v8 =	vmax.f32 v27, v28;
	v7 =	vmin.f32 v27, v28  }
0xe8: {  	v9 =	vmax.f32 v5, v3;
	v3 =	vmin.f32 v5, v3;
	v5 =	vmin.f32 v34, v41  }
0xe9: {  	v58 =	vmax.f32 v42, v56;
	v22 =	vmin.f32 v42, v56;
	v59 =	vmax.f32 v43, v57  }
0xea: {  	v21 =	vmin.f32 v43, v57;
	v61 =	vmax.f32 v2, v0;
	v0 =	vmin.f32 v2, v0  }
0xeb: {  	v60 =	vmax.f32 v1, v5;
	v1 =	vmin.f32 v1, v5;
	v63 =	vmax.f32 v58, v59  }
0xec: {  	v13 =	vmin.f32 v58, v59;
	v28 =	vmax.f32 v22, v21;
	v21 =	vmin.f32 v22, v21  }
0xed: {  	v31 =	vmax.f32 v14, v3;
	v32 =	vmax.f32 v19, v9;
	v7 =	vmax.f32 v20, v7  }
0xee: {  	v8 =	vmax.f32 v16, v8;
	v6 =	vmax.f32 v17, v6;
	v33 =	vmax.f32 v15, v11  }
0xef: {  	v10 =	vmax.f32 v18, v10;
	v4 =	vmax.f32 v12, v4;
	v29 =	vmax.f32 v60, v61  }
0xf0: {  	v5 =	vmin.f32 v60, v61;
	v30 =	vmax.f32 v1, v0;
	v0 =	vmin.f32 v1, v0  }
0xf1: {  	v34 =	vmax.f32 v31, v6;
	v1 =	vmin.f32 v31, v6;
	v35 =	vmax.f32 v32, v33  }
0xf2: {  	v3 =	vmin.f32 v32, v33;
	v36 =	vmax.f32 v7, v10;
	v7 =	vmin.f32 v7, v10  }
0xf3: {  	v38 =	vmax.f32 v8, v4;
	v4 =	vmin.f32 v8, v4;
	v39 =	vmax.f32 v34, v36  }
0xf4: {  	v9 =	vmin.f32 v34, v36;
	v40 =	vmax.f32 v35, v38;
	v6 =	vmin.f32 v35, v38  }
0xf5: {  	v41 =	vmax.f32 v1, v7;
	v1 =	vmin.f32 v1, v7;
	v42 =	vmax.f32 v3, v4  }
0xf6: {  	v3 =	vmin.f32 v3, v4;
	v43 =	vmax.f32 v39, v40;
	v8 =	vmin.f32 v39, v40  }
0xf7: {  	v56 =	vmax.f32 v9, v6;
	v6 =	vmin.f32 v9, v6;
	v57 =	vmax.f32 v41, v42  }
0xf8: {  	v7 =	vmin.f32 v41, v42;
	v58 =	vmax.f32 v1, v3;
	v1 =	vmin.f32 v1, v3  }
0xf9: {  	v1 =	vmax.f32 v63, v1;
	v59 =	vmax.f32 v13, v58;
	v60 =	vmax.f32 v28, v7  }
0xfa: {  	v61 =	vmax.f32 v21, v57;
	v6 =	vmax.f32 v29, v6;
	v5 =	vmax.f32 v5, v56  }
0xfb: {  	v8 =	vmax.f32 v30, v8;
	v0 =	vmax.f32 v0, v43;
	v63 =	vmax.f32 v1, v6  }
0xfc: {  	v16 =	vmax.f32 v59, v5;
	v17 =	vmax.f32 v60, v8;
	v18 =	vmax.f32 v61, v0  }
0xfd: {  	v1 =	vmin.f32 v1, v6;
	v19 =	vmax.f32 v63, v17;
	v20 =	vmax.f32 v16, v18  }
0xfe: {  	v2 =	vmin.f32 v59, v5;
	v3 =	vmin.f32 v60, v8;
	v21 =	vadd.f32 v20, v19  }
0xff: {  	v4 =	vmin.f32 v63, v17;
	v9 =	vmin.f32 v16, v18;
	v22 =	vmin.f32 v19, v20  }
0x100: {  	v0 =	vmin.f32 v61, v0;
	v11 =	vmax.f32 v4, v9;
	v23 =	vsub.f32 v21, v22  }
0x101: {  	v27 =	vmax.f32 v1, v3;
	v28 =	vmax.f32 v2, v0;
	v10 =	vadd.f32 v11, v21  }
0x102: {  	v6 =	vmax.f32 v19, v20;
	v4 =	vmin.f32 v4, v9;
	vm0 =	vlt.f32 v23, $6.999999880e-01  }
0x103: {  	v24 =	vsub.f32 v10, v11;
	v25 =	vadd.f32 v10, v4;
	v29 =	vnsel vm0, $0x0, v22  }
0x104: {  	v30 =	vmax.f32 v27, v28;
	v12 =	vadd.f32 v29, v6  }
0x105: {  	vm1 =	vlt.f32 v24, $6.999999880e-01;
	v31 =	vsub.f32 v25, v4;
	v8 =	vadd.f32 v25, v30  }
0x106: {  	v1 =	vmin.f32 v1, v3;
	v32 =	vmin.f32 v27, v28;
	v33 =	vnsel vm1, $0x0, v11  }
0x107: {  	v9 =	vadd.f32 v33, v12;
	vm2 =	vlt.f32 v31, $6.999999880e-01;
	v34 =	vsub.f32 v8, v30  }
0x108: {  	v0 =	vmin.f32 v2, v0;
	v35 =	vadd.f32 v8, v32;
	v36 =	vnsel vm2, $0x0, v4  }
0x109: {  	v38 =	vmax.f32 v1, v0;
	v8 =	vadd.f32 v36, v9;
	vm3 =	vlt.f32 v34, $6.999999880e-01  }
0x10a: {  	v39 =	vsub.f32 v35, v32;
	v2 =	vadd.f32 v35, v38;
	v40 =	vnsel vm3, $0x0, v30  }
0x10b: {  	v1 =	vmin.f32 v1, v0;
	v41 =	vadd.f32 v40, v8  }
0x10c: {  	vm4 =	vlt.f32 v39, $6.999999880e-01;
	v42 =	vsub.f32 v2, v38;
	v2 =	vadd.f32 v2, v1  }
0x10d: {  	v9 =	vnsel vm4, $0x0, v32  }
0x10e: {  	v0 =	vadd.f32 v9, v41;
	vm5 =	vlt.f32 v42, $6.999999880e-01;
	v2 =	vsub.f32 v2, v1  }
0x10f: {  	v8 =	vnsel vm5, $0x0, v38  }
0x110: {  	v0 =	vadd.f32 v8, v0;
	vm6 =	vlt.f32 v2, $6.999999880e-01  }
0x111: {  	v2 =	vnsel vm6, $0x0, v1  }
0x112: {  	v62 =	vimm.s32 $0x0;
	v57 =	vimm.s32 $0x1;
	v0 =	vadd.f32 v2, v0  }
0x113: {  	v13 =	vimm.s32 $0x0;
	v28 =	vimm.s32 $0x0;
	v43 =	vsel vm0, v22, v6  }
0x114: {  	v56 =	vsel vm1, v11, v43;
	v58 =	vsel vm1, $0x1, v62;
	v0 =	vadd.f32 $9.999999710e-10, v0  }
0x115: {  	v59 =	vsel vm2, $0x1, v62;
	v35 =	vimm.s32 $0x0;
	v2 =	vsel vm0, $0x2, v57  }
0x116: {  	v2 =	vadd.s32 v58, v2;
	(erf) = vrcp.f32 v0;
	v0 =	vsel vm2, v4, v56  }
0x117: {  	v60 =	vsel vm3, $0x1, v62;
	v2 =	vadd.s32 v59, v2;
	v0 =	vsel vm3, v30, v0  }
0x118: {  	v61 =	vsel vm4, $0x1, v62;
	v2 =	vadd.s32 v60, v2;
	v0 =	vsel vm4, v32, v0  }
0x119: {  	v63 =	vsel vm5, $0x1, v62;
	v2 =	vadd.s32 v61, v2;
	v0 =	vsel vm5, v38, v0  }
0x11a: {  	v9 =	vsel vm6, $0x1, v62;
	v2 =	vadd.s32 v63, v2;
	v0 =	vsel vm6, v1, v0  }
0x11b: {  	v2 =	vadd.s32 v9, v2;
	vm5 =	vgt.f32 v22, v0;
	vm7 =	vgt.f32 v6, v0  }
0x11c: {  	vm8 =	vgt.f32 v11, v0;
	vm9 =	vgt.f32 v4, v0;
	vm10 =	vgt.f32 v30, v0  }
0x11d: {  	vm11 =	vgt.f32 v32, v0;
	vm12 =	vgt.f32 v38, v0;
	vm13 =	vgt.f32 v1, v0  }
0x11e: {  	vm1 =	veq.f32 v53, v0;
	vm2 =	veq.f32 v49, v0;
	vm4 =	veq.f32 v45, v0  }
0x11f: {  	vm3 =	veq.f32 v47, v0;
	v10 =	vsel vm5, $0xFFFFFFFF, v62;
	v11 =	vsel vm7, $0xFFFFFFFF, v62  }
0x120: {  	v12 =	vsel vm8, $0xFFFFFFFF, v62;
	v14 =	vsel vm9, $0xFFFFFFFF, v62;
	v2 =	vadd.s32 v10, v2  }
0x121: {  	v15 =	vsel vm10, $0xFFFFFFFF, v62;
	v16 =	vsel vm11, $0xFFFFFFFF, v62;
	v2 =	vadd.s32 v11, v2  }
0x122: {  	v18 =	vsel vm12, $0xFFFFFFFF, v62;
	vm10 =	veq.f32 v54, v0;
	v2 =	vadd.s32 v12, v2  }
0x123: {  	v19 =	vsel vm13, $0xFFFFFFFF, v62;
	vm7 =	veq.f32 v55, v0;
	v2 =	vadd.s32 v14, v2  }
0x124: {  	vm5 =	veq.f32 v52, v0;
	v22 =	vsel vm1, $0x1, v62;
	v2 =	vadd.s32 v15, v2  }
0x125: {  	vm11 =	veq.f32 v51, v0;
	v25 =	vsel vm2, $0x1, v62;
	v17 =	vadd.s32 v16, v2  }
0x126: {  	v20 =	vsel vm10, $0x1, v62;
	v21 =	vsel vm7, $0x1, v62;
	v1 =	vadd.s32 v18, v17  }
0x127: {  	v27 =	vsel vm4, $0x1, v62;
	v56 =	vadd.s32 v19, v1;
	v1 =	vadd.s32 v21, v20  }
0x128: {  	v23 =	vsel vm5, $0x1, v62;
	vm6 =	vlt.s32 v1, v56;
	v1 =	vadd.s32 v22, v1  }
0x129: {  	v24 =	vsel vm11, $0x1, v62;
	vm13 =	vlt.s32 v1, v56;
	v1 =	vadd.s32 v23, v1  }
0x12a: {  	vm12 =	vgt.s32 v56, v20;
	vm15 =	vlt.s32 v1, v56;
	v1 =	vadd.s32 v24, v1  }
0x12b: {  	vm7 =	vmand vm7, vm12;
	vm8 =	vlt.s32 v1, v56;
	v1 =	vadd.s32 v25, v1  }
0x12c: {  	v59 =	vld [tilespmem:$0x1EB40];
	vm12 =	vgt.f32 v55, v0;
	vm14 =	vlt.s32 v1, v56;
	v1 =	vadd.s32 v27, v1  }
0x12d: {  	vm0 =	vgt.f32 v54, v0;
	v29 =	vsel vm3, $0x1, v62;
	vm7 =	vmor vm12, vm7  }
0x12e: {  	v3 =	vsel vm14, $0xFFFFFFFF, v28;
	vm14 =	vgt.s32 v56, $0x0;
	v2 =	vadd.s32 v29, v1  }
0x12f: {  	vm9 =	vlt.s32 v1, v56;
	vm10 =	vmand vm10, vm14;
	vm14 =	vlt.s32 v2, v56;
	v1 =	vpop (erf)  }
0x130: {  	v43 =	vld [tilespmem:$0x1EB10];
	vm3 =	vmand vm3, vm9;
	v30 =	vmul.f32 v1, v54;
	v31 =	vmul.f32 v1, v55  }
0x131: {  	vm9 =	veq.f32 v59, v0;
	v34 =	vmul.f32 v1, v53;
	v39 =	vmul.f32 v1, v52  }
0x132: {  	vm0 =	vmor vm0, vm10;
	v40 =	vmul.f32 v1, v51;
	v57 =	vmul.f32 v1, v45  }
0x133: {  	vm10 =	veq.f32 v50, v0;
	v58 =	vmul.f32 v1, v47;
	v12 =	vmul.f32 v1, v50  }
0x134: {  	v60 =	vsel vm9, $0x1, v62;
	v17 =	vmul.f32 v1, v46;
	v18 =	vmul.f32 v1, v48  }
0x135: {  	v32 =	vsel vm10, $0x1, v62;
	v23 =	vmul.f32 v1, v44;
	v28 =	vmul.f32 v1, v43  }
0x136: {  	[tilespmem:$0x1EB30] =	vst v3;
	v2 =	vadd.s32 v32, v2;
	v3 =	vnsel vm0, $0x0, v30;
	v33 =	vnsel vm7, $0x0, v31  }
0x137: {  	vm0 =	vmand vm1, vm6;
	vm6 =	vgt.f32 v53, v0;
	vm12 =	vlt.s32 v2, v56  }
0x138: {  	vm1 =	veq.f32 v46, v0;
	vm7 =	veq.f32 v48, v0;
	v4 =	vsel vm12, $0xFFFFFFFF, v35  }
0x139: {  	v55 =	vld [tilespmem:$0x1EB30];
	v36 =	vsel vm1, $0x1, v62;
	vm0 =	vmor vm6, vm0;
	v38 =	vsel vm7, $0x1, v62  }
0x13a: {  	[tilespmem:$0x1F190] =	vst v3;
	v35 =	vimm.s32 $0x0;
	v2 =	vadd.s32 v36, v2;
	v3 =	vnsel vm0, $0x0, v34  }
0x13b: {  	vm0 =	vmand vm5, vm13;
	vm13 =	vgt.f32 v52, v0;
	v34 =	vmul.f32 v1, v59  }
0x13c: {  	vm12 =	vlt.s32 v2, v56;
	v2 =	vadd.s32 v38, v2;
	vm0 =	vmor vm13, vm0  }
0x13d: {  	v53 =	vld [tilespmem:$0x1EB20];
	vm13 =	vmand vm11, vm15;
	vm15 =	vgt.f32 v51, v0;
	vm11 =	veq.f32 v44, v0  }
0x13e: {  	v63 =	vld [tilespmem:$0x1EB50];
	v51 =	vmul.f32 v1, v49;
	vm6 =	vnez.u8 v55;
	vm5 =	vmor vm15, vm13  }
0x13f: {  	[tilespmem:$0x1F1E0] =	vst v3;
	vm15 =	vlt.s32 v2, v56;
	v41 =	vsel vm11, $0x1, v62;
	v3 =	vnsel vm0, $0x0, v39  }
0x140: {  	vm0 =	vmand vm2, vm8;
	vm13 =	vgt.f32 v49, v0;
	vm2 =	veq.f32 v43, v0  }
0x141: {  	v22 =	vld [tilespmem:$0x1EB80];
	v2 =	vadd.s32 v41, v2;
	v42 =	vnsel vm5, $0x0, v40;
	v52 =	vsel vm2, $0x1, v62  }
0x142: {  	vm0 =	vmor vm13, vm0;
	vm8 =	veq.f32 v53, v0;
	v29 =	vmul.f32 v1, v53  }
0x143: {  	v19 =	vld [tilespmem:$0x1EB70];
	v41 =	vmul.f32 v1, v63;
	vm5 =	vlt.s32 v2, v56;
	v2 =	vadd.s32 v52, v2  }
0x144: {  	[tilespmem:$0x1F210] =	vst v3;
	v3 =	vnsel vm0, $0x0, v51;
	v54 =	vsel vm8, $0x1, v62;
	vm0 =	vmand vm4, vm6  }
0x145: {  	v25 =	vld [tilespmem:$0x1EB90];
	[tilespmem:$0x1F230] =	vst v42;
	vm4 =	vgt.f32 v45, v0;
	vm6 =	vgt.f32 v50, v0;
	v42 =	vmul.f32 v1, v37  }
0x146: {  	[tilespmem:$0x1EB60] =	vst v4;
	v52 =	vmul.f32 v1, v22;
	vm13 =	vlt.s32 v2, v56;
	v2 =	vadd.s32 v54, v2  }
0x147: {  	v16 =	vld [tilespmem:$0x1EB60];
	vm0 =	vmor vm4, vm0;
	vm4 =	vgt.f32 v47, v0;
	vm2 =	vmand vm2, vm5  }
0x148: {  	[tilespmem:$0x1F1C0] =	vst v33;
	v33 =	vld [tilespmem:$0x1EBB0];
	v47 =	vmul.f32 v1, v19;
	vm4 =	vmor vm4, vm3;
	vm3 =	vlt.s32 v2, v56  }
0x149: {  	[tilespmem:$0x1F260] =	vst v3;
	v2 =	vadd.s32 v60, v2;
	v3 =	vnsel vm0, $0x0, v57;
	vm0 =	veq.f32 v63, v0  }
0x14a: {  	vm5 =	vmand vm8, vm13;
	vm13 =	vgt.f32 v53, v0;
	v53 =	vmul.f32 v1, v25  }
0x14b: {  	v30 =	vld [tilespmem:$0x1EBA0];
	v60 =	vimm.s32 $0x0;
	v61 =	vnsel vm4, $0x0, v58;
	vm4 =	vmand vm10, vm14  }
0x14c: {  	vm14 =	vlt.s32 v2, v56;
	v14 =	vsel vm0, $0x1, v62;
	vm10 =	vnez.u8 v16  }
0x14d: {  	vm8 =	vmor vm13, vm5;
	vm3 =	vmand vm9, vm3;
	v16 =	vmul.f32 v1, v33  }
0x14e: {  	v38 =	vld [tilespmem:$0x1EBC0];
	v4 =	vsel vm14, $0xFFFFFFFF, v13;
	v2 =	vadd.s32 v14, v2;
	vm4 =	vmor vm6, vm4  }
0x14f: {  	vm6 =	veq.f32 v37, v0;
	vm1 =	vmand vm1, vm10;
	vm10 =	vgt.f32 v46, v0  }
0x150: {  	v32 =	vnsel vm8, $0x0, v29;
	vm8 =	vgt.f32 v59, v0;
	v59 =	vmul.f32 v1, v30  }
0x151: {  	[tilespmem:$0x1F290] =	vst v3;
	v3 =	vnsel vm4, $0x0, v12;
	vm14 =	vlt.s32 v2, v56;
	v15 =	vsel vm6, $0x1, v62  }
0x152: {  	vm1 =	vmor vm10, vm1;
	vm4 =	vmand vm7, vm12;
	vm12 =	vgt.f32 v48, v0  }
0x153: {  	vm10 =	veq.f32 v19, v0;
	vm3 =	vmor vm8, vm3;
	vm8 =	veq.f32 v38, v0  }
0x154: {  	v48 =	vimm.s32 $0x0;
	v2 =	vadd.s32 v15, v2;
	vm7 =	vmor vm12, vm4  }
0x155: {  	[tilespmem:$0x1F2D0] =	vst v3;
	v20 =	vsel vm10, $0x1, v62;
	v3 =	vnsel vm1, $0x0, v17;
	vm1 =	veq.f32 v22, v0  }
0x156: {  	v39 =	vsel vm8, $0x1, v62;
	v17 =	vmul.f32 v1, v38;
	vm4 =	vlt.s32 v2, v56  }
0x157: {  	v2 =	vadd.s32 v20, v2;
	v21 =	vnsel vm7, $0x0, v18;
	vm7 =	vmand vm11, vm15  }
0x158: {  	v46 =	vld [tilespmem:$0x1EBF0];
	vm11 =	vgt.f32 v44, v0;
	v24 =	vsel vm1, $0x1, v62;
	vm15 =	vlt.s32 v2, v56  }
0x159: {  	[tilespmem:$0x1EBD0] =	vst v4;
	v2 =	vadd.s32 v24, v2;
	vm11 =	vmor vm11, vm7;
	vm7 =	veq.f32 v25, v0  }
0x15a: {  	v54 =	vld [tilespmem:$0x1EC10];
	[tilespmem:$0x1F300] =	vst v3;
	vm4 =	vmand vm10, vm4;
	vm10 =	vgt.f32 v22, v0;
	v3 =	vnsel vm11, $0x0, v23  }
0x15b: {  	v40 =	vld [tilespmem:$0x1EBD0];
	vm12 =	vlt.s32 v2, v56;
	v27 =	vsel vm7, $0x1, v62;
	vm11 =	vgt.f32 v43, v0  }
0x15c: {  	v58 =	vld [tilespmem:$0x1EC20];
	vm1 =	vmand vm1, vm15;
	vm15 =	vgt.f32 v25, v0;
	v23 =	vimm.s32 $0x0  }
0x15d: {  	v29 =	vmul.f32 v1, v46;
	v2 =	vadd.s32 v27, v2;
	vm2 =	vmor vm11, vm2  }
0x15e: {  	vm11 =	veq.f32 v30, v0;
	vm1 =	vmor vm10, vm1;
	vm12 =	vmand vm7, vm12  }
0x15f: {  	vm10 =	veq.f32 v54, v0;
	vm5 =	vlt.s32 v2, v56;
	v31 =	vsel vm11, $0x1, v62  }
0x160: {  	[tilespmem:$0x1F350] =	vst v3;
	v3 =	vnsel vm2, $0x0, v28;
	vm2 =	veq.f32 v33, v0;
	vm9 =	vnez.u8 v40  }
0x161: {  	v43 =	vld [tilespmem:$0x1EBE0];
	v55 =	vsel vm10, $0x1, v62;
	v40 =	vmul.f32 v1, v58;
	v2 =	vadd.s32 v31, v2  }
0x162: {  	[tilespmem:$0x1F370] =	vst v3;
	v36 =	vsel vm2, $0x1, v62;
	v3 =	vnsel vm3, $0x0, v34;
	vm0 =	vmand vm0, vm9  }
0x163: {  	vm9 =	vgt.f32 v63, v0;
	vm3 =	vmand vm6, vm14;
	vm14 =	vgt.f32 v37, v0  }
0x164: {  	vm13 =	vlt.s32 v2, v56;
	v2 =	vadd.s32 v36, v2;
	vm0 =	vmor vm9, vm0  }
0x165: {  	v50 =	vld [tilespmem:$0x1EC00];
	vm6 =	vmor vm14, vm3;
	v4 =	vsel vm13, $0xFFFFFFFF, v35;
	vm13 =	vlt.s32 v2, v56  }
0x166: {  	[tilespmem:$0x1F3C0] =	vst v3;
	v2 =	vadd.s32 v39, v2;
	vm9 =	veq.f32 v43, v0;
	v3 =	vnsel vm0, $0x0, v41  }
0x167: {  	v45 =	vnsel vm6, $0x0, v42;
	vm6 =	vgt.f32 v19, v0;
	vm0 =	veq.f32 v46, v0  }
0x168: {  	v22 =	vmul.f32 v1, v43;
	v35 =	vmul.f32 v1, v54;
	vm3 =	vlt.s32 v2, v56  }
0x169: {  	[tilespmem:$0x1F320] =	vst v21;
	v21 =	vld [tilespmem:$0x1EC60];
	v44 =	vsel vm9, $0x1, v62;
	v49 =	vsel vm0, $0x1, v62;
	vm4 =	vmor vm6, vm4  }
0x16a: {  	v63 =	vld [tilespmem:$0x1EC30];
	[tilespmem:$0x1F3E0] =	vst v3;
	vm6 =	veq.f32 v50, v0;
	v2 =	vadd.s32 v44, v2;
	v3 =	vnsel vm4, $0x0, v47  }
0x16b: {  	v25 =	vld [tilespmem:$0x1EC70];
	v51 =	vsel vm6, $0x1, v62;
	vm4 =	vmor vm15, vm12;
	vm3 =	vmand vm9, vm3  }
0x16c: {  	v47 =	vimm.s32 $0x0;
	vm14 =	vlt.s32 v2, v56;
	v2 =	vadd.s32 v49, v2  }
0x16d: {  	[tilespmem:$0x1F430] =	vst v3;
	v3 =	vnsel vm1, $0x0, v52;
	v57 =	vnsel vm4, $0x0, v53;
	vm4 =	vmand vm11, vm5  }
0x16e: {  	vm11 =	vgt.f32 v30, v0;
	vm1 =	veq.f32 v58, v0;
	v30 =	vmul.f32 v1, v50  }
0x16f: {  	v31 =	vld [tilespmem:$0x1EC90];
	vm7 =	veq.f32 v63, v0;
	v41 =	vmul.f32 v1, v63;
	v52 =	vmul.f32 v1, v21  }
0x170: {  	[tilespmem:$0x1EC40] =	vst v4;
	v53 =	vmul.f32 v1, v25;
	v4 =	vsel vm14, $0xFFFFFFFF, v48;
	vm14 =	vlt.s32 v2, v56  }
0x171: {  	[tilespmem:$0x1F2B0] =	vst v61;
	v2 =	vadd.s32 v51, v2;
	v61 =	vsel vm1, $0x1, v62;
	vm4 =	vmor vm11, vm4  }
0x172: {  	v15 =	vld [tilespmem:$0x1EC40];
	v14 =	vsel vm7, $0x1, v62;
	vm15 =	vlt.s32 v2, v56;
	v2 =	vadd.s32 v55, v2  }
0x173: {  	[tilespmem:$0x1F450] =	vst v3;
	v3 =	vnsel vm4, $0x0, v59;
	vm4 =	vmand vm8, vm13;
	vm13 =	vgt.f32 v38, v0  }
0x174: {  	v18 =	vld [tilespmem:$0x1EC50];
	vm8 =	veq.f32 v25, v0;
	v59 =	vmul.f32 v1, v31;
	vm12 =	vlt.s32 v2, v56  }
0x175: {  	v2 =	vadd.s32 v61, v2;
	vm5 =	vmor vm13, vm4;
	v27 =	vsel vm8, $0x1, v62  }
0x176: {  	[tilespmem:$0x1EC80] =	vst v4;
	v4 =	vsel vm12, $0xFFFFFFFF, v60;
	vm12 =	vlt.s32 v2, v56;
	v2 =	vadd.s32 v14, v2  }
0x177: {  	vm11 =	vnez.u8 v15;
	v20 =	vnsel vm5, $0x0, v17;
	vm5 =	vgt.f32 v43, v0  }
0x178: {  	v28 =	vld [tilespmem:$0x1EC80];
	v60 =	vimm.s32 $0x0;
	vm2 =	vmand vm2, vm11;
	vm11 =	vgt.f32 v33, v0  }
0x179: {  	v37 =	vld [tilespmem:$0x1ECB0];
	vm4 =	vlt.s32 v2, v56;
	vm2 =	vmor vm11, vm2;
	vm11 =	veq.f32 v18, v0  }
0x17a: {  	[tilespmem:$0x1F4A0] =	vst v3;
	vm3 =	vmor vm5, vm3;
	v19 =	vsel vm11, $0x1, v62;
	v3 =	vnsel vm2, $0x0, v16  }
0x17b: {  	vm2 =	veq.f32 v21, v0;
	vm4 =	vmand vm11, vm4;
	v16 =	vimm.s32 $0x0  }
0x17c: {  	v42 =	vld [tilespmem:$0x1ECD0];
	v2 =	vadd.s32 v19, v2;
	[tilespmem:$0x1F4D0] =	vst v3;
	v24 =	vsel vm2, $0x1, v62;
	v3 =	vnsel vm3, $0x0, v22  }
0x17d: {  	vm9 =	vnez.u8 v28;
	vm3 =	vmand vm6, vm14;
	vm14 =	vgt.f32 v50, v0  }
0x17e: {  	vm6 =	veq.f32 v37, v0;
	v19 =	vmul.f32 v1, v37;
	vm13 =	vlt.s32 v2, v56  }
0x17f: {  	v34 =	vld [tilespmem:$0x1ECA0];
	[tilespmem:$0x1ECC0] =	vst v4;
	v2 =	vadd.s32 v24, v2;
	vm0 =	vmand vm0, vm9;
	vm9 =	vgt.f32 v46, v0  }
0x180: {  	v39 =	vld [tilespmem:$0x1ECC0];
	vm5 =	vmor vm14, vm3;
	v38 =	vsel vm6, $0x1, v62;
	v46 =	vmul.f32 v1, v18  }
0x181: {  	v24 =	vmul.f32 v1, v42;
	v4 =	vsel vm13, $0xFFFFFFFF, v23;
	vm13 =	vlt.s32 v2, v56  }
0x182: {  	v2 =	vadd.s32 v27, v2;
	vm0 =	vmor vm9, vm0;
	vm9 =	veq.f32 v31, v0  }
0x183: {  	[tilespmem:$0x1F390] =	vst v32;
	v49 =	vld [tilespmem:$0x1ECF0];
	v33 =	vnsel vm5, $0x0, v30;
	vm5 =	vmand vm10, vm15;
	vm10 =	vgt.f32 v54, v0  }
0x184: {  	[tilespmem:$0x1F520] =	vst v3;
	vm3 =	vlt.s32 v2, v56;
	v32 =	vsel vm9, $0x1, v62;
	v3 =	vnsel vm0, $0x0, v29  }
0x185: {  	vm0 =	veq.f32 v34, v0;
	vm5 =	vmor vm10, vm5;
	vm10 =	vnez.u8 v39  }
0x186: {  	v2 =	vadd.s32 v32, v2;
	[tilespmem:$0x1F540] =	vst v3;
	v36 =	vsel vm0, $0x1, v62;
	v3 =	vnsel vm5, $0x0, v35  }
0x187: {  	[tilespmem:$0x1F400] =	vst v45;
	v45 =	vld [tilespmem:$0x1ECE0];
	vm1 =	vmand vm1, vm10;
	vm10 =	vgt.f32 v58, v0;
	vm5 =	vmand vm7, vm12  }
0x188: {  	vm12 =	vgt.f32 v63, v0;
	vm3 =	vmand vm9, vm3;
	v32 =	vmul.f32 v1, v49  }
0x189: {  	vm15 =	vlt.s32 v2, v56;
	v2 =	vadd.s32 v36, v2;
	vm1 =	vmor vm10, vm1  }
0x18a: {  	vm10 =	veq.f32 v42, v0;
	vm7 =	vmor vm12, vm5;
	vm14 =	vlt.s32 v2, v56  }
0x18b: {  	[tilespmem:$0x1F590] =	vst v3;
	v2 =	vadd.s32 v38, v2;
	v43 =	vsel vm10, $0x1, v62;
	v3 =	vnsel vm1, $0x0, v40  }
0x18c: {  	[tilespmem:$0x1F500] =	vst v20;
	v44 =	vnsel vm7, $0x0, v41;
	vm7 =	vgt.f32 v18, v0;
	vm1 =	veq.f32 v45, v0  }
0x18d: {  	v20 =	vld [tilespmem:$0x1ED40];
	[tilespmem:$0x1ED00] =	vst v4;
	vm0 =	vmand vm0, vm15;
	v18 =	vmul.f32 v1, v34;
	vm5 =	vlt.s32 v2, v56  }
0x18e: {  	v51 =	vld [tilespmem:$0x1ED00];
	v2 =	vadd.s32 v43, v2;
	v48 =	vsel vm1, $0x1, v62;
	vm4 =	vmor vm7, vm4  }
0x18f: {  	v58 =	vld [tilespmem:$0x1ED20];
	vm7 =	veq.f32 v49, v0;
	vm15 =	vmand vm6, vm14;
	vm14 =	vgt.f32 v42, v0  }
0x190: {  	v63 =	vld [tilespmem:$0x1ED30];
	[tilespmem:$0x1F5C0] =	vst v3;
	vm12 =	vlt.s32 v2, v56;
	v2 =	vadd.s32 v48, v2;
	v3 =	vnsel vm4, $0x0, v46  }
0x191: {  	v50 =	vsel vm7, $0x1, v62;
	vm4 =	vmand vm8, vm13;
	vm13 =	vgt.f32 v25, v0  }
0x192: {  	vm5 =	vmand vm10, vm5;
	v25 =	vimm.s32 $0x0;
	vm10 =	vgt.f32 v49, v0  }
0x193: {  	v49 =	vmul.f32 v1, v20;
	v4 =	vsel vm12, $0xFFFFFFFF, v47;
	vm12 =	vlt.s32 v2, v56  }
0x194: {  	v54 =	vld [tilespmem:$0x1ED10];
	v2 =	vadd.s32 v50, v2;
	vm11 =	vnez.u8 v51;
	vm8 =	vmor vm13, vm4  }
0x195: {  	[tilespmem:$0x1F5E0] =	vst v44;
	vm5 =	vmor vm14, vm5;
	v43 =	vmul.f32 v1, v58;
	v44 =	vmul.f32 v1, v63  }
0x196: {  	v23 =	vld [tilespmem:$0x1ED50];
	v50 =	vimm.s32 $0x0;
	vm2 =	vmand vm2, vm11;
	vm11 =	vgt.f32 v21, v0  }
0x197: {  	[tilespmem:$0x1F480] =	vst v57;
	vm4 =	vlt.s32 v2, v56;
	v57 =	vnsel vm8, $0x0, v53;
	vm8 =	vgt.f32 v31, v0  }
0x198: {  	v31 =	vmul.f32 v1, v45;
	v53 =	vimm.s32 $0x0;
	vm2 =	vmor vm11, vm2  }
0x199: {  	[tilespmem:$0x1F570] =	vst v33;
	vm11 =	veq.f32 v54, v0;
	vm3 =	vmor vm8, vm3;
	vm8 =	veq.f32 v63, v0  }
0x19a: {  	[tilespmem:$0x1F610] =	vst v3;
	v55 =	vsel vm11, $0x1, v62;
	v3 =	vnsel vm2, $0x0, v52;
	vm2 =	veq.f32 v58, v0  }
0x19b: {  	v33 =	vld [tilespmem:$0x1ED80];
	[tilespmem:$0x1F660] =	vst v57;
	v57 =	vmul.f32 v1, v23;
	v2 =	vadd.s32 v55, v2;
	v61 =	vsel vm2, $0x1, v62  }
0x19c: {  	[tilespmem:$0x1ED70] =	vst v4;
	v17 =	vsel vm8, $0x1, v62;
	vm13 =	vlt.s32 v2, v56;
	v2 =	vadd.s32 v61, v2  }
0x19d: {  	v30 =	vld [tilespmem:$0x1ED70];
	[tilespmem:$0x1F630] =	vst v3;
	v3 =	vnsel vm3, $0x0, v59;
	v4 =	vsel vm13, $0xFFFFFFFF, v60;
	vm9 =	vlt.s32 v2, v56  }
0x19e: {  	v28 =	vld [tilespmem:$0x1ED60];
	[tilespmem:$0x1F680] =	vst v3;
	v2 =	vadd.s32 v17, v2;
	vm13 =	vgt.f32 v34, v0;
	v3 =	vsel vm9, $0xFFFFFFFF, v16  }
0x19f: {  	vm0 =	vmor vm13, vm0;
	vm13 =	vgt.f32 v37, v0;
	vm9 =	veq.f32 v20, v0  }
0x1a0: {  	v39 =	vld [tilespmem:$0x1EDA0];
	vm3 =	vlt.s32 v2, v56;
	v37 =	vmul.f32 v1, v54;
	v16 =	vmul.f32 v1, v33  }
0x1a1: {  	[tilespmem:$0x1EDC0] =	vst v3;
	vm6 =	vmor vm13, vm15;
	v21 =	vsel vm9, $0x1, v62;
	v3 =	vnsel vm0, $0x0, v18  }
0x1a2: {  	vm0 =	veq.f32 v23, v0;
	vm13 =	vnez.u8 v30;
	v2 =	vadd.s32 v21, v2  }
0x1a3: {  	v22 =	vnsel vm6, $0x0, v19;
	v27 =	vsel vm0, $0x1, v62;
	vm6 =	veq.f32 v28, v0  }
0x1a4: {  	[tilespmem:$0x1F6A0] =	vst v3;
	v3 =	vnsel vm5, $0x0, v24;
	vm1 =	vmand vm1, vm13;
	vm5 =	vmand vm7, vm12  }
0x1a5: {  	vm12 =	veq.f32 v33, v0;
	vm7 =	veq.f32 v39, v0;
	v21 =	vmul.f32 v1, v39  }
0x1a6: {  	v36 =	vld [tilespmem:$0x1ED90];
	vm15 =	vlt.s32 v2, v56;
	v2 =	vadd.s32 v27, v2;
	v29 =	vsel vm6, $0x1, v62  }
0x1a7: {  	v52 =	vld [tilespmem:$0x1EDF0];
	[tilespmem:$0x1EDB0] =	vst v4;
	vm5 =	vmor vm10, vm5;
	v34 =	vsel vm12, $0x1, v62;
	vm10 =	vgt.f32 v54, v0  }
0x1a8: {  	v41 =	vld [tilespmem:$0x1EDB0];
	v40 =	vsel vm7, $0x1, v62;
	v4 =	vsel vm15, $0xFFFFFFFF, v25;
	vm14 =	vlt.s32 v2, v56  }
0x1a9: {  	v2 =	vadd.s32 v29, v2;
	vm15 =	vgt.f32 v45, v0;
	v35 =	vnsel vm5, $0x0, v32  }
0x1aa: {  	vm1 =	vmor vm15, vm1;
	vm13 =	vlt.s32 v2, v56;
	v2 =	vadd.s32 v34, v2  }
0x1ab: {  	v42 =	vld [tilespmem:$0x1EDC0];
	vm15 =	vmand vm11, vm4;
	vm14 =	vmand vm6, vm14;
	vm6 =	vgt.f32 v28, v0  }
0x1ac: {  	v59 =	vld [tilespmem:$0x1EE10];
	[tilespmem:$0x1F6F0] =	vst v3;
	v34 =	vmul.f32 v1, v52;
	v3 =	vnsel vm1, $0x0, v31;
	vm1 =	veq.f32 v36, v0  }
0x1ad: {  	[tilespmem:$0x1F6C0] =	vst v22;
	v22 =	vld [tilespmem:$0x1EE40];
	vm4 =	vlt.s32 v2, v56;
	vm5 =	vmor vm10, vm15;
	vm11 =	vnez.u8 v41  }
0x1ae: {  	v45 =	vld [tilespmem:$0x1EDD0];
	vm10 =	vgt.f32 v58, v0;
	v58 =	vmul.f32 v1, v28;
	v41 =	vimm.s32 $0x0  }
0x1af: {  	[tilespmem:$0x1F720] =	vst v3;
	v38 =	vsel vm1, $0x1, v62;
	v3 =	vnsel vm5, $0x0, v37;
	vm2 =	vmand vm2, vm11  }
0x1b0: {  	vm11 =	vnez.u8 v42;
	vm1 =	vmand vm1, vm4;
	v2 =	vadd.s32 v38, v2  }
0x1b1: {  	vm2 =	vmor vm10, vm2;
	vm5 =	vmand vm8, vm11;
	vm8 =	vgt.f32 v63, v0  }
0x1b2: {  	v48 =	vld [tilespmem:$0x1EDE0];
	vm10 =	veq.f32 v52, v0;
	vm4 =	veq.f32 v22, v0;
	v38 =	vmul.f32 v1, v59  }
0x1b3: {  	vm15 =	vlt.s32 v2, v56;
	v2 =	vadd.s32 v40, v2;
	vm11 =	veq.f32 v45, v0  }
0x1b4: {  	[tilespmem:$0x1F760] =	vst v3;
	vm5 =	vmor vm8, vm5;
	v3 =	vnsel vm2, $0x0, v43;
	vm2 =	vmand vm9, vm3  }
0x1b5: {  	s10 =	sadd.s32 $0x10, s9;
	vm3 =	vgt.f32 v20, v0;
	v54 =	vsel vm10, $0x1, v62;
	v20 =	vmul.f32 v1, v36  }
0x1b6: {  	v27 =	vmul.f32 v1, v45;
	v43 =	vmov s10;
	vm8 =	vlt.s32 v2, v56  }
0x1b7: {  	v29 =	vld [tilespmem:$0x1EFC0];
	v46 =	vsel vm11, $0x1, v62;
	v47 =	vnsel vm5, $0x0, v44;
	vm5 =	veq.f32 v48, v0  }
0x1b8: {  	v18 =	vld [tilespmem:$0x1EE30];
	[tilespmem:$0x1EE00] =	vst v4;
	vm2 =	vmor vm3, vm2;
	v2 =	vadd.s32 v46, v2;
	v51 =	vsel vm5, $0x1, v62  }
0x1b9: {  	v25 =	vld [tilespmem:$0x1EFB0];
	[tilespmem:$0x1F780] =	vst v3;
	v3 =	vnsel vm2, $0x0, v49;
	vm2 =	vmor vm6, vm14;
	vm14 =	vmand vm7, vm15  }
0x1ba: {  	v55 =	vld [tilespmem:$0x1EE00];
	vm15 =	vgt.f32 v39, v0;
	vm8 =	vmand vm11, vm8;
	vm9 =	vlt.s32 v2, v56  }
0x1bb: {  	v63 =	vld [tilespmem:$0x1EE20];
	v2 =	vadd.s32 v51, v2;
	v61 =	vnsel vm2, $0x0, v58;
	vm2 =	vmand vm12, vm13  }
0x1bc: {  	vm12 =	vgt.f32 v33, v0;
	vm7 =	vmor vm15, vm14;
	vm14 =	veq.f32 v29, v0  }
0x1bd: {  	v33 =	vmul.f32 v1, v48;
	v4 =	vsel vm9, $0xFFFFFFFF, v50;
	vm9 =	vlt.s32 v2, v56  }
0x1be: {  	v2 =	vadd.s32 v54, v2;
	vm12 =	vmor vm12, vm2;
	vm2 =	veq.f32 v18, v0  }
0x1bf: {  	v24 =	vnsel vm7, $0x0, v21;
	vm7 =	veq.f32 v25, v0;
	v30 =	vsel vm14, $0x1, v62  }
0x1c0: {  	v37 =	vld [tilespmem:$0x1EFF0];
	[tilespmem:$0x1F7D0] =	vst v3;
	v44 =	vmul.f32 v1, v63;
	v3 =	vsel vm9, $0xFFFFFFFF, v53;
	vm9 =	vnez.u8 v55  }
0x1c1: {  	vm3 =	vlt.s32 v2, v56;
	vm0 =	vmand vm0, vm9;
	vm9 =	vgt.f32 v23, v0  }
0x1c2: {  	v19 =	vsel vm2, $0x1, v62;
	vm0 =	vmor vm9, vm0;
	vm9 =	veq.f32 v59, v0  }
0x1c3: {  	v28 =	vsel vm7, $0x1, v62;
	v23 =	vsel vm4, $0x1, v62;
	v60 =	vsel vm9, $0x1, v62  }
0x1c4: {  	[tilespmem:$0x1EE60] =	vst v3;
	v3 =	vnsel vm0, $0x0, v57;
	vm0 =	veq.f32 v63, v0;
	vm3 =	vmand vm9, vm3  }
0x1c5: {  	[tilespmem:$0x1EE50] =	vst v4;
	vm9 =	veq.f32 v37, v0;
	v2 =	vadd.s32 v60, v2;
	v17 =	vsel vm0, $0x1, v62  }
0x1c6: {  	v31 =	vld [tilespmem:$0x1EE50];
	[tilespmem:$0x1F800] =	vst v3;
	v3 =	vnsel vm12, $0x0, v16;
	vm12 =	vgt.f32 v36, v0;
	v39 =	vsel vm9, $0x1, v62  }
0x1c7: {  	vm6 =	vlt.s32 v2, v56;
	v2 =	vadd.s32 v17, v2;
	vm12 =	vmor vm12, vm1  }
0x1c8: {  	[tilespmem:$0x1F840] =	vst v3;
	vm13 =	vlt.s32 v2, v56;
	v2 =	vadd.s32 v19, v2;
	v3 =	vnsel vm12, $0x0, v20  }
0x1c9: {  	v32 =	vld [tilespmem:$0x1EE60];
	vm12 =	vgt.f32 v45, v0;
	vm0 =	vmand vm0, vm6;
	vm6 =	vgt.f32 v63, v0  }
0x1ca: {  	vm1 =	vlt.s32 v2, v56;
	v2 =	vadd.s32 v23, v2;
	vm8 =	vmor vm12, vm8  }
0x1cb: {  	[tilespmem:$0x1F740] =	vst v35;
	v35 =	vld [tilespmem:$0x1EFD0];
	vm12 =	vnez.u8 v31;
	vm2 =	vmand vm2, vm13;
	vm13 =	vgt.f32 v18, v0  }
0x1cc: {  	[tilespmem:$0x1F870] =	vst v3;
	vm11 =	vlt.s32 v2, v56;
	v2 =	vadd.s32 v28, v2;
	v3 =	vnsel vm8, $0x0, v27  }
0x1cd: {  	vm5 =	vmand vm5, vm12;
	vm12 =	vgt.f32 v48, v0;
	vm2 =	vmor vm13, vm2  }
0x1ce: {  	vm15 =	vlt.s32 v2, v56;
	vm5 =	vmor vm12, vm5;
	vm12 =	vnez.u8 v32  }
0x1cf: {  	v40 =	vld [tilespmem:$0x1F010];
	[tilespmem:$0x1F7B0] =	vst v47;
	v2 =	vadd.s32 v30, v2;
	vm8 =	vmand vm10, vm12;
	vm10 =	vgt.f32 v52, v0  }
0x1d0: {  	[tilespmem:$0x1F8B0] =	vst v3;
	vm12 =	veq.f32 v35, v0;
	v3 =	vnsel vm5, $0x0, v33;
	vm5 =	vgt.f32 v59, v0  }
0x1d1: {  	[tilespmem:$0x1F820] =	vst v61;
	v52 =	vmul.f32 v1, v18;
	vm10 =	vmor vm10, vm8;
	v5 =	vsel vm12, $0x1, v62  }
0x1d2: {  	[tilespmem:$0x1F890] =	vst v24;
	v45 =	vld [tilespmem:$0x1FFF0];
	vm8 =	vlt.s32 v2, v56;
	vm3 =	vmor vm5, vm3;
	v2 =	vadd.s32 v5, v2  }
0x1d3: {  	[tilespmem:$0x1F8E0] =	vst v3;
	v36 =	vnsel vm10, $0x0, v34;
	vm10 =	vlt.s32 v2, v56;
	v2 =	vadd.s32 v39, v2  }
0x1d4: {  	vm5 =	veq.f32 v40, v0;
	v3 =	vnsel vm3, $0x0, v38;
	[tilespmem:$0x1F900] =	vst v36;
	vm3 =	vlt.s32 v2, v56  }
0x1d5: {  	v42 =	vsel vm5, $0x1, v62;
	[tilespmem:$0x1F930] =	vst v3;
	v3 =	vsel vm3, $0xFFFFFFFF, v41;
	vm3 =	vmor vm6, vm0  }
0x1d6: {  	[tilespmem:$0x1F000] =	vst v3;
	v3 =	vadd.s32 v42, v2;
	v2 =	vshll.u32 v43, $0x6;
	v4 =	vnsel vm3, $0x0, v44  }
0x1d7: {  	v2 =	vor.u32 v45, v2;
	[tilespmem:$0x1F950] =	vst v4;
	v4 =	vnsel vm2, $0x0, v52  }
0x1d8: {  	v49 =	vimm.s32 $0x0;
	vm6 =	vlt.s32 v3, v56;
	v48 =	vor.u32 $0x1, v2;
	[tilespmem:$0x1F980] =	vst v4  }
0x1d9: {  	v9 =	vsel vm6, $0xFFFFFFFF, v49;
	[tilespmem:$0x1FAC0] =	vst v48  }
0x1da: {  	v50 =	vor.u32 $0x2, v2;
	[tilespmem:$0x1F070] =	vst v9  }
0x1db: {  	v51 =	vor.u32 $0x3, v2;
	[tilespmem:$0x1FAE0] =	vst v50  }
0x1dc: {  	v53 =	vor.u32 $0x4, v2;
	[tilespmem:$0x1FAF0] =	vst v51  }
0x1dd: {  	v15 =	vld [tilespmem:$0x1F040];
	v54 =	vor.u32 $0x5, v2;
	[tilespmem:$0x1FB00] =	vst v53  }
0x1de: {  	v46 =	vld [tilespmem:$0x1F020];
	v55 =	vor.u32 $0x6, v2;
	[tilespmem:$0x1FB20] =	vst v54  }
0x1df: {  	v13 =	vor.u32 $0x7, v2;
	[tilespmem:$0x1FB30] =	vst v55  }
0x1e0: {  	v14 =	vimm.s32 $0x0;
	v63 =	vld [tilespmem:$0x1F030];
	v30 =	vor.u32 $0x8, v2;
	[tilespmem:$0x1FB40] =	vst v13  }
0x1e1: {  	v61 =	vmul.f32 v1, v22;
	v16 =	vimm.s32 $0x0;
	v31 =	vor.u32 $0x9, v2;
	[tilespmem:$0x1FB60] =	vst v30  }
0x1e2: {  	v21 =	vld [tilespmem:$0x1F050];
	v19 =	vimm.s32 $0x0;
	vm1 =	vmand vm4, vm1;
	v35 =	vor.u32 $0xA, v2;
	[tilespmem:$0x1FB70] =	vst v31  }
0x1e3: {  	vm4 =	veq.f32 v15, v0;
	vm0 =	veq.f32 v46, v0;
	v36 =	vor.u32 $0xB, v2;
	[tilespmem:$0x1FB90] =	vst v35;
	v40 =	vld.idx.msk [tilespmem:v2+s2+$0x0], $0xffff  }
0x1e4: {  	v18 =	vsel vm4, $0x1, v62;
	v47 =	vsel vm0, $0x1, v62;
	v38 =	vor.u32 $0xC, v2;
	[tilespmem:$0x1FBA0] =	vst v36;
	v39 =	vld.idx.msk [tilespmem:v48+s2+$0x0], $0xffff  }
0x1e5: {  	vm3 =	veq.f32 v63, v0;
	v3 =	vadd.s32 v47, v3;
	v44 =	vor.u32 $0xD, v2;
	[tilespmem:$0x1FBC0] =	vst v38;
	v41 =	vld.idx.msk [tilespmem:v50+s2+$0x0], $0xffff  }
0x1e6: {  	v17 =	vsel vm3, $0x1, v62;
	vm2 =	vmand vm14, vm15;
	v46 =	vor.u32 $0xE, v2;
	[tilespmem:$0x1FBE0] =	vst v44;
	v59 =	vld.idx.msk [tilespmem:v51+s2+$0x0], $0xffff  }
0x1e7: {  	vm6 =	vgt.f32 v22, v0;
	vm13 =	vlt.s32 v3, v56;
	v47 =	vor.u32 $0xF, v2;
	[tilespmem:$0x1FBF0] =	vst v46;
	v43 =	vld.idx.msk [tilespmem:v53+s2+$0x0], $0xffff  }
0x1e8: {  	v3 =	vadd.s32 v17, v3;
	vm1 =	vmor vm6, vm1;
	v5 =	vsel vm13, $0xFFFFFFFF, v14;
	[tilespmem:$0x1FC00] =	vst v47;
	v60 =	vld.idx.msk [tilespmem:v54+s2+$0x0], $0xffff  }
0x1e9: {  	vm6 =	vlt.s32 v3, v56;
	v3 =	vadd.s32 v18, v3;
	[tilespmem:$0x1F080] =	vst v5;
	v5 =	vsel vm4, $0xFFFFFFFF, v16;
	v20 =	vld.idx.msk [tilespmem:v55+s2+$0x0], $0xffff  }
0x1ea: {  	vm13 =	vmand vm7, vm11;
	vm7 =	veq.f32 v21, v0;
	v4 =	vnsel vm1, $0x0, v61;
	[tilespmem:$0x1F090] =	vst v5;
	v10 =	vld.idx.msk [tilespmem:v13+s2+$0x0], $0xffff  }
0x1eb: {  	vm11 =	vgt.f32 v29, v0;
	[tilespmem:$0x1F9B0] =	vst v4;
	v5 =	vsel vm6, $0xFFFFFFFF, v19;
	v4 =	vsel vm7, $0x1, v62;
	v58 =	vld.idx.msk [tilespmem:v30+s2+$0x0], $0xffff  }
0x1ec: {  	vm14 =	vmor vm11, vm2;
	vm11 =	vlt.s32 v3, v56;
	[tilespmem:$0x1F0A0] =	vst v5;
	v3 =	vadd.s32 v4, v3;
	v61 =	vld.idx.msk [tilespmem:v35+s2+$0x0], $0xffff  }
0x1ed: {  	[tilespmem:$0x1EFE0] =	vst v3;
	v14 =	vld.idx.msk [tilespmem:v36+s2+$0x0], $0xffff;
	v35 =	vor.u32 $0x12, v2  }
0x1ee: {  	vm15 =	vgt.f32 v25, v0;
	v63 =	vld.idx.msk [tilespmem:v31+s2+$0x0], $0xffff;
	v36 =	vor.u32 $0x13, v2;
	[tilespmem:$0x1FC50] =	vst v35  }
0x1ef: {  	v51 =	vld.idx.msk [tilespmem:v38+s2+$0x0], $0xffff;
	[tilespmem:$0x1FC60] =	vst v36;
	v22 =	vmax.f32 v40, v39;
	v23 =	vmax.f32 v41, v59  }
0x1f0: {  	[tilespmem:$0x1F0B0] =	vst v20;
	v27 =	vmin.f32 v40, v39;
	v28 =	vmin.f32 v41, v59;
	v32 =	vmax.f32 v43, v60  }
0x1f1: {  	[tilespmem:$0x1F0C0] =	vst v10;
	v33 =	vmax.f32 v20, v10;
	v37 =	vmin.f32 v43, v60;
	v10 =	vmin.f32 v20, v10  }
0x1f2: {  	v20 =	vld.idx.msk [tilespmem:v44+s2+$0x0], $0xffff;
	[tilespmem:$0x1F0D0] =	vst v14;
	v24 =	vmax.f32 v22, v23;
	v25 =	vmin.f32 v22, v23  }
0x1f3: {  	v12 =	vld.idx.msk [tilespmem:v36+s2+$0x0], $0xffff;
	v29 =	vmax.f32 v27, v28;
	v5 =	vmin.f32 v27, v28;
	v34 =	vmax.f32 v32, v33  }
0x1f4: {  	[tilespmem:$0x1F0E0] =	vst v51;
	v6 =	vmin.f32 v32, v33;
	v11 =	vmax.f32 v37, v10;
	v22 =	vld.idx.msk [tilespmem:v46+s2+$0x0], $0xffff;
	v32 =	vor.u32 $0x10, v2  }
0x1f5: {  	v8 =	vmin.f32 v37, v10;
	v23 =	vld.idx.msk [tilespmem:v47+s2+$0x0], $0xffff;
	v46 =	vor.u32 $0x14, v2;
	v47 =	vor.u32 $0x16, v2;
	[tilespmem:$0x1FC20] =	vst v32  }
0x1f6: {  	v42 =	vmax.f32 v29, v25;
	v4 =	vmin.f32 v29, v25;
	v45 =	vmax.f32 v11, v6;
	[tilespmem:$0x1FC70] =	vst v46  }
0x1f7: {  	v6 =	vmin.f32 v11, v6;
	v50 =	vmax.f32 v5, v8;
	v5 =	vmin.f32 v5, v8;
	[tilespmem:$0x1FCA0] =	vst v47  }
0x1f8: {  	v53 =	vmax.f32 v24, v34;
	v3 =	vmin.f32 v24, v34;
	v34 =	vor.u32 $0x11, v2;
	[tilespmem:$0x1EF10] =	vst v5  }
0x1f9: {  	v7 =	vmin.f32 v42, v45;
	v49 =	vmax.f32 v4, v6;
	v4 =	vmin.f32 v4, v6;
	[tilespmem:$0x1FC30] =	vst v34  }
0x1fa: {  	v21 =	vmax.f32 v50, v7;
	v6 =	vmin.f32 v50, v7;
	v50 =	vor.u32 $0x17, v2;
	[tilespmem:$0x1F0F0] =	vst v20  }
0x1fb: {  	v30 =	vmin.f32 v61, v14;
	[tilespmem:$0x1FCB0] =	vst v50  }
0x1fc: {  	v27 =	vmax.f32 v58, v63;
	v19 =	vmax.f32 v49, v3;
	v3 =	vmin.f32 v49, v3;
	[tilespmem:$0x1F170] =	vst v12  }
0x1fd: {  	v28 =	vmax.f32 v61, v14;
	v57 =	vmax.f32 v21, v3;
	v3 =	vmin.f32 v21, v3;
	[tilespmem:$0x1F110] =	vst v22  }
0x1fe: {  	v29 =	vmin.f32 v58, v63;
	v31 =	vmax.f32 v27, v28;
	v48 =	vmax.f32 v42, v45;
	[tilespmem:$0x1EEB0] =	vst v3  }
0x1ff: {  	v33 =	vmax.f32 v29, v30;
	v5 =	vmin.f32 v29, v30;
	v24 =	vmax.f32 v6, v4;
	[tilespmem:$0x1F120] =	vst v23  }
0x200: {  	v25 =	vmin.f32 v6, v4;
	v37 =	vmax.f32 v51, v20;
	v42 =	vmin.f32 v51, v20;
	[tilespmem:$0x1EED0] =	vst v24  }
0x201: {  	v20 =	vor.u32 $0x27, v2;
	[tilespmem:$0x1EEF0] =	vst v25;
	v3 =	vmin.f32 v27, v28;
	v38 =	vmax.f32 v22, v23  }
0x202: {  	v49 =	vld.idx.msk [tilespmem:v35+s2+$0x0], $0xffff;
	v44 =	vmin.f32 v22, v23;
	v25 =	vor.u32 $0x15, v2;
	[tilespmem:$0x1FDF0] =	vst v20;
	v45 =	vmax.f32 v37, v38  }
0x203: {  	[tilespmem:$0x1FC90] =	vst v25;
	v27 =	vmax.f32 v33, v3;
	v3 =	vmin.f32 v33, v3;
	v33 =	vld.idx.msk [tilespmem:v47+s2+$0x0], $0xffff;
	v47 =	vor.u32 $0x18, v2  }
0x204: {  	v23 =	vld.idx.msk [tilespmem:v46+s2+$0x0], $0xffff;
	v9 =	vmin.f32 v42, v44;
	v51 =	vmax.f32 v31, v45;
	[tilespmem:$0x1FCD0] =	vst v47  }
0x205: {  	v24 =	vld.idx.msk [tilespmem:v32+s2+$0x0], $0xffff;
	v29 =	vmax.f32 v5, v9;
	v5 =	vmin.f32 v5, v9;
	[tilespmem:$0x1EF20] =	vst v51  }
0x206: {  	v54 =	vmax.f32 v48, v19;
	[tilespmem:$0x1EE70] =	vst v5  }
0x207: {  	v6 =	vmin.f32 v37, v38;
	v17 =	vmax.f32 v42, v44;
	[tilespmem:$0x1F160] =	vst v49;
	v51 =	vor.u32 $0x19, v2  }
0x208: {  	v55 =	vmin.f32 v48, v19;
	v48 =	vmax.f32 v17, v6;
	v6 =	vmin.f32 v17, v6;
	[tilespmem:$0x1FCE0] =	vst v51  }
0x209: {  	v7 =	vmin.f32 v31, v45;
	v4 =	vmin.f32 v27, v48;
	v22 =	vmax.f32 v3, v6;
	[tilespmem:$0x1F180] =	vst v23  }
0x20a: {  	v32 =	vmax.f32 v29, v4;
	v4 =	vmin.f32 v29, v4;
	v29 =	vor.u32 $0x1C, v2;
	[tilespmem:$0x1F130] =	vst v24  }
0x20b: {  	v52 =	vmax.f32 v27, v48;
	v30 =	vmax.f32 v22, v7;
	[tilespmem:$0x1FD20] =	vst v29  }
0x20c: {  	v28 =	vld.idx.msk [tilespmem:v34+s2+$0x0], $0xffff;
	v34 =	vmax.f32 v52, v30;
	[tilespmem:$0x1F1F0] =	vst v33  }
0x20d: {  	v7 =	vmin.f32 v22, v7;
	v5 =	vmin.f32 v52, v30;
	[tilespmem:$0x1EF00] =	vst v34  }
0x20e: {  	v35 =	vmax.f32 v32, v7;
	[tilespmem:$0x1EEE0] =	vst v5  }
0x20f: {  	v3 =	vmin.f32 v3, v6;
	v36 =	vmin.f32 v32, v7;
	[tilespmem:$0x1EEC0] =	vst v35  }
0x210: {  	v38 =	vmax.f32 v4, v3;
	[tilespmem:$0x1EEA0] =	vst v36  }
0x211: {  	[tilespmem:$0x1EE90] =	vst v38  }
0x212: {  	v37 =	vld.idx.msk [tilespmem:v50+s2+$0x0], $0xffff;
	v3 =	vmin.f32 v4, v3;
	[tilespmem:$0x1F150] =	vst v28  }
0x213: {  	v31 =	vld.idx.msk [tilespmem:v25+s2+$0x0], $0xffff;
	v52 =	vor.u32 $0x1A, v2;
	[tilespmem:$0x1EE80] =	vst v3  }
0x214: {  	v42 =	vmax.f32 v24, v28;
	v48 =	vmin.f32 v24, v28;
	[tilespmem:$0x1FD00] =	vst v52;
	v28 =	vor.u32 $0x1B, v2  }
0x215: {  	v36 =	vor.u32 $0x1E, v2;
	[tilespmem:$0x1FD10] =	vst v28  }
0x216: {  	v44 =	vmax.f32 v49, v12;
	v32 =	vld.idx.msk [tilespmem:v47+s2+$0x0], $0xffff;
	[tilespmem:$0x1FD50] =	vst v36  }
0x217: {  	v45 =	vmax.f32 v42, v44;
	v46 =	vmin.f32 v42, v44;
	v42 =	vor.u32 $0x1F, v2;
	[tilespmem:$0x1F270] =	vst v37  }
0x218: {  	v49 =	vmin.f32 v49, v12;
	v25 =	vmax.f32 v33, v37;
	[tilespmem:$0x1FD60] =	vst v42;
	v24 =	vmax.f32 v23, v31  }
0x219: {  	[tilespmem:$0x1F1A0] =	vst v31;
	v30 =	vmin.f32 v23, v31;
	v31 =	vmin.f32 v33, v37;
	v33 =	vor.u32 $0x1D, v2  }
0x21a: {  	v50 =	vmax.f32 v48, v49;
	v35 =	vld.idx.msk [tilespmem:v51+s2+$0x0], $0xffff;
	v27 =	vmax.f32 v24, v25;
	[tilespmem:$0x1FD30] =	vst v33  }
0x21b: {  	v47 =	vld.idx.msk [tilespmem:v29+s2+$0x0], $0xffff;
	v11 =	vmax.f32 v30, v31;
	v8 =	vmin.f32 v30, v31;
	[tilespmem:$0x1F2E0] =	vst v32;
	v31 =	vor.u32 $0x20, v2  }
0x21c: {  	v5 =	vmin.f32 v48, v49;
	v34 =	vmax.f32 v50, v46;
	v44 =	vmax.f32 v45, v27;
	[tilespmem:$0x1FD70] =	vst v31  }
0x21d: {  	v38 =	vld.idx.msk [tilespmem:v52+s2+$0x0], $0xffff;
	v48 =	vmax.f32 v5, v8;
	v5 =	vmin.f32 v5, v8;
	[tilespmem:$0x1EF30] =	vst v44  }
0x21e: {  	v4 =	vmin.f32 v50, v46;
	v6 =	vmin.f32 v24, v25;
	v16 =	vld.idx.msk [tilespmem:v28+s2+$0x0], $0xffff;
	[tilespmem:$0x1EFA0] =	vst v5  }
0x21f: {  	v37 =	vmax.f32 v11, v6;
	v6 =	vmin.f32 v11, v6;
	v3 =	vmin.f32 v45, v27;
	[tilespmem:$0x1F330] =	vst v35  }
0x220: {  	v52 =	vld.idx.msk [tilespmem:v36+s2+$0x0], $0xffff;
	v23 =	vmax.f32 v32, v35;
	v28 =	vmin.f32 v32, v35;
	v32 =	vor.u32 $0x21, v2;
	[tilespmem:$0x1F460] =	vst v47  }
0x221: {  	v45 =	vmax.f32 v34, v37;
	v7 =	vmin.f32 v34, v37;
	v37 =	vor.u32 $0x22, v2;
	[tilespmem:$0x1FD80] =	vst v32  }
0x222: {  	v46 =	vmax.f32 v4, v6;
	[tilespmem:$0x1FD90] =	vst v37  }
0x223: {  	v50 =	vmax.f32 v46, v3;
	v3 =	vmin.f32 v46, v3;
	v46 =	vor.u32 $0x24, v2;
	[tilespmem:$0x1F3A0] =	vst v38  }
0x224: {  	[tilespmem:$0x1FDB0] =	vst v46  }
0x225: {  	v11 =	vld.idx.msk [tilespmem:v42+s2+$0x0], $0xffff;
	v21 =	vmax.f32 v45, v50;
	[tilespmem:$0x1F550] =	vst v52  }
0x226: {  	v51 =	vmax.f32 v48, v7;
	v5 =	vmin.f32 v45, v50;
	[tilespmem:$0x1EF40] =	vst v21  }
0x227: {  	v22 =	vmax.f32 v51, v3;
	[tilespmem:$0x1EF50] =	vst v5  }
0x228: {  	v4 =	vmin.f32 v4, v6;
	v6 =	vmin.f32 v48, v7;
	v3 =	vmin.f32 v51, v3;
	[tilespmem:$0x1EF60] =	vst v22  }
0x229: {  	v25 =	vmax.f32 v6, v4;
	[tilespmem:$0x1EF70] =	vst v3  }
0x22a: {  	v49 =	vld.idx.msk [tilespmem:v33+s2+$0x0], $0xffff;
	[tilespmem:$0x1F410] =	vst v16;
	v35 =	vmax.f32 v52, v11;
	v45 =	vmin.f32 v52, v11;
	v52 =	vor.u32 $0x26, v2  }
0x22b: {  	v4 =	vmin.f32 v6, v4;
	[tilespmem:$0x1EF80] =	vst v25  }
0x22c: {  	v24 =	vmax.f32 v38, v16;
	[tilespmem:$0x1EF90] =	vst v4;
	v29 =	vmin.f32 v38, v16  }
0x22d: {  	v38 =	vor.u32 $0x23, v2;
	v48 =	vld.idx.msk [tilespmem:v31+s2+$0x0], $0xffff;
	[tilespmem:$0x1F5A0] =	vst v11;
	v27 =	vmax.f32 v23, v24;
	v3 =	vmin.f32 v23, v24  }
0x22e: {  	v30 =	vmax.f32 v28, v29;
	v5 =	vmin.f32 v28, v29;
	[tilespmem:$0x1FDA0] =	vst v38;
	v16 =	vld.idx.msk [tilespmem:v37+s2+$0x0], $0xffff  }
0x22f: {  	v33 =	vmov v49;
	[tilespmem:$0x1F4E0] =	vst v49;
	v34 =	vmax.f32 v47, v49;
	v49 =	vor.u32 $0x25, v2;
	v37 =	vld.idx.msk [tilespmem:v52+s2+$0x0], $0xffff  }
0x230: {  	v51 =	vld.idx.msk [tilespmem:v32+s2+$0x0], $0xffff;
	[tilespmem:$0x1FDD0] =	vst v52;
	v36 =	vmax.f32 v34, v35;
	v6 =	vmin.f32 v34, v35  }
0x231: {  	v24 =	vld.idx.msk [tilespmem:v46+s2+$0x0], $0xffff;
	v44 =	vmin.f32 v47, v33;
	v47 =	vmax.f32 v30, v3;
	v3 =	vmin.f32 v30, v3  }
0x232: {  	v12 =	vld.idx.msk [tilespmem:v38+s2+$0x0], $0xffff;
	v11 =	vmax.f32 v44, v45;
	v8 =	vmin.f32 v44, v45;
	v42 =	vmax.f32 v27, v36  }
0x233: {  	[tilespmem:$0x1FDC0] =	vst v49;
	v4 =	vmin.f32 v27, v36;
	v50 =	vmax.f32 v11, v6;
	v6 =	vmin.f32 v11, v6  }
0x234: {  	v23 =	vmax.f32 v5, v8;
	v38 =	vmin.f32 v5, v8;
	v27 =	vld.idx.msk [tilespmem:v49+s2+$0x0], $0xffff;
	[tilespmem:$0x1F8C0] =	vst v37  }
0x235: {  	v52 =	vor.u32 $0x2B, v2;
	v44 =	vmax.f32 v48, v51;
	v46 =	vmin.f32 v48, v51;
	v11 =	vld.idx.msk [tilespmem:v20+s2+$0x0], $0xffff;
	[tilespmem:$0x1F640] =	vst v48  }
0x236: {  	v21 =	vmax.f32 v47, v50;
	v7 =	vmin.f32 v47, v50;
	v22 =	vmax.f32 v3, v6;
	[tilespmem:$0x1F6D0] =	vst v51  }
0x237: {  	v3 =	vmin.f32 v3, v6;
	v50 =	vor.u32 $0x29, v2;
	v25 =	vmax.f32 v22, v4;
	[tilespmem:$0x1F790] =	vst v12  }
0x238: {  	v4 =	vmin.f32 v22, v4;
	v31 =	vmax.f32 v23, v7;
	v6 =	vmin.f32 v23, v7;
	[tilespmem:$0x1F700] =	vst v16  }
0x239: {  	v34 =	vmax.f32 v31, v4;
	v33 =	vmin.f32 v31, v4;
	v32 =	vmax.f32 v6, v3;
	[tilespmem:$0x1FE30] =	vst v50  }
0x23a: {  	v31 =	vmin.f32 v6, v3;
	v45 =	vmax.f32 v16, v12;
	v47 =	vmin.f32 v16, v12;
	[tilespmem:$0x1FE60] =	vst v52  }
0x23b: {  	v7 =	vmax.f32 v44, v45;
	v3 =	vmin.f32 v44, v45;
	v45 =	vor.u32 $0x2D, v2;
	[tilespmem:$0x1F7E0] =	vst v24  }
0x23c: {  	v49 =	vmax.f32 v46, v47;
	v5 =	vmin.f32 v46, v47;
	v47 =	vor.u32 $0x2E, v2;
	[tilespmem:$0x1FE80] =	vst v45  }
0x23d: {  	v13 =	vor.u32 $0x35, v2;
	[tilespmem:$0x1FE90] =	vst v47  }
0x23e: {  	v14 =	vor.u32 $0x36, v2;
	[tilespmem:$0x1FF30] =	vst v13  }
0x23f: {  	v48 =	vor.u32 $0x28, v2;
	[tilespmem:$0x1FF40] =	vst v14  }
0x240: {  	v51 =	vor.u32 $0x2A, v2;
	v52 =	vld.idx.msk [tilespmem:v52+s2+$0x0], $0xffff;
	[tilespmem:$0x1FE10] =	vst v48  }
0x241: {  	v36 =	vmax.f32 v21, v25;
	[tilespmem:$0x1FE50] =	vst v51  }
0x242: {  	v35 =	vmin.f32 v21, v25;
	v46 =	vmax.f32 v49, v3;
	v25 =	vld.idx.msk [tilespmem:v50+s2+$0x0], $0xffff;
	v50 =	vor.u32 $0x2F, v2;
	[tilespmem:$0x1F850] =	vst v27  }
0x243: {  	v3 =	vmin.f32 v49, v3;
	v19 =	vmax.f32 v24, v27;
	[tilespmem:$0x1FEA0] =	vst v50;
	v17 =	vld.idx.msk [tilespmem:v45+s2+$0x0], $0xffff  }
0x244: {  	v21 =	vmin.f32 v24, v27;
	[tilespmem:$0x1F910] =	vst v11;
	v20 =	vmax.f32 v37, v11;
	v28 =	vld.idx.msk [tilespmem:v48+s2+$0x0], $0xffff  }
0x245: {  	v22 =	vmin.f32 v37, v11;
	v37 =	vor.u32 $0x2C, v2;
	v49 =	vld.idx.msk [tilespmem:v51+s2+$0x0], $0xffff;
	[tilespmem:$0x1FA60] =	vst v52;
	v23 =	vmax.f32 v19, v20  }
0x246: {  	v6 =	vmin.f32 v19, v20;
	[tilespmem:$0x1FE70] =	vst v37;
	v44 =	vmax.f32 v21, v22;
	v9 =	vmin.f32 v21, v22  }
0x247: {  	v45 =	vld.idx.msk [tilespmem:v50+s2+$0x0], $0xffff;
	v48 =	vmax.f32 v44, v6;
	v6 =	vmin.f32 v44, v6;
	v30 =	vmax.f32 v7, v23  }
0x248: {  	[tilespmem:$0x1F9E0] =	vst v25;
	v7 =	vmin.f32 v7, v23;
	v23 =	vmax.f32 v5, v9;
	v29 =	vmin.f32 v5, v9  }
0x249: {  	v44 =	vld.idx.msk [tilespmem:v47+s2+$0x0], $0xffff;
	v51 =	vmax.f32 v46, v48;
	v4 =	vmin.f32 v46, v48;
	v22 =	vmax.f32 v3, v6  }
0x24a: {  	v3 =	vmin.f32 v3, v6;
	v24 =	vmax.f32 v22, v7;
	v7 =	vmin.f32 v22, v7;
	[tilespmem:$0x1FAD0] =	vst v17  }
0x24b: {  	v12 =	vld.idx.msk [tilespmem:v37+s2+$0x0], $0xffff;
	v37 =	vmax.f32 v23, v4;
	v4 =	vmin.f32 v23, v4;
	v23 =	vmax.f32 v51, v24  }
0x24c: {  	v24 =	vmin.f32 v51, v24;
	[tilespmem:$0x1F990] =	vst v28;
	v46 =	vmax.f32 v28, v25;
	v47 =	vmin.f32 v28, v25  }
0x24d: {  	[tilespmem:$0x1FA10] =	vst v49;
	v48 =	vmax.f32 v49, v52;
	v49 =	vmin.f32 v49, v52;
	v51 =	vor.u32 $0x30, v2  }
0x24e: {  	v25 =	vor.u32 $0x31, v2;
	v52 =	vor.u32 $0x32, v2;
	v21 =	vmax.f32 v37, v7;
	[tilespmem:$0x1FB50] =	vst v45  }
0x24f: {  	v22 =	vmin.f32 v37, v7;
	v19 =	vmax.f32 v4, v3;
	v20 =	vmin.f32 v4, v3;
	[tilespmem:$0x1FEC0] =	vst v51  }
0x250: {  	v7 =	vmax.f32 v46, v48;
	v3 =	vmin.f32 v46, v48;
	v50 =	vmax.f32 v47, v49;
	[tilespmem:$0x1FEE0] =	vst v25  }
0x251: {  	v4 =	vmin.f32 v47, v49;
	[tilespmem:$0x1FF00] =	vst v52;
	v28 =	vmax.f32 v44, v45;
	v10 =	vmin.f32 v44, v45  }
0x252: {  	[tilespmem:$0x1FB10] =	vst v44;
	v45 =	vor.u32 $0x33, v2;
	v47 =	vmax.f32 v50, v3;
	v3 =	vmin.f32 v50, v3  }
0x253: {  	[tilespmem:$0x1FF10] =	vst v45;
	v27 =	vmax.f32 v12, v17;
	v37 =	vmin.f32 v12, v17;
	v48 =	vld.idx.msk [tilespmem:v51+s2+$0x0], $0xffff  }
0x254: {  	[tilespmem:$0x1FAB0] =	vst v12;
	v12 =	vor.u32 $0x34, v2;
	v44 =	vmax.f32 v27, v28;
	v6 =	vmin.f32 v27, v28;
	v27 =	vld.idx.msk [tilespmem:v25+s2+$0x0], $0xffff  }
0x255: {  	v46 =	vmax.f32 v37, v10;
	v9 =	vmin.f32 v37, v10;
	[tilespmem:$0x1FF20] =	vst v12;
	v28 =	vld.idx.msk [tilespmem:v52+s2+$0x0], $0xffff;
	v25 =	vor.u32 $0x37, v2  }
0x256: {  	v10 =	vor.u32 $0x38, v2;
	v18 =	vmax.f32 v7, v44;
	v7 =	vmin.f32 v7, v44;
	[tilespmem:$0x1FF50] =	vst v25;
	v44 =	vld.idx.msk [tilespmem:v14+s2+$0x0], $0xffff  }
0x257: {  	v51 =	vmax.f32 v46, v6;
	v6 =	vmin.f32 v46, v6;
	v45 =	vld.idx.msk [tilespmem:v45+s2+$0x0], $0xffff;
	[tilespmem:$0x1FF70] =	vst v10  }
0x258: {  	v46 =	vmax.f32 v4, v9;
	v17 =	vmin.f32 v4, v9;
	v52 =	vmax.f32 v47, v51;
	[tilespmem:$0x1FB80] =	vst v48  }
0x259: {  	v5 =	vmin.f32 v47, v51;
	v37 =	vmax.f32 v3, v6;
	v3 =	vmin.f32 v3, v6;
	[tilespmem:$0x1FBD0] =	vst v27  }
0x25a: {  	v47 =	vmax.f32 v37, v7;
	v7 =	vmin.f32 v37, v7;
	v37 =	vld.idx.msk [tilespmem:v13+s2+$0x0], $0xffff;
	[tilespmem:$0x1FC10] =	vst v28  }
0x25b: {  	v50 =	vmax.f32 v46, v5;
	v49 =	vld.idx.msk [tilespmem:v12+s2+$0x0], $0xffff;
	v16 =	vmax.f32 v52, v47;
	[tilespmem:$0x1FCF0] =	vst v44  }
0x25c: {  	v15 =	vmin.f32 v52, v47;
	v51 =	vmovc v27;
	v52 =	vmax.f32 v48, v27;
	v27 =	vor.u32 $0x39, v2;
	[tilespmem:$0x1FC40] =	vst v45  }
0x25d: {  	v5 =	vmin.f32 v46, v5;
	v14 =	vmax.f32 v50, v7;
	v46 =	vld.idx.msk [tilespmem:v25+s2+$0x0], $0xffff;
	v25 =	vor.u32 $0x3C, v2;
	[tilespmem:$0x1FF80] =	vst v27  }
0x25e: {  	v13 =	vmin.f32 v50, v7;
	v9 =	vmovc v28;
	v47 =	vmax.f32 v28, v45;
	v28 =	vor.u32 $0x3A, v2;
	[tilespmem:$0x1FFB0] =	vst v25  }
0x25f: {  	v50 =	vmin.f32 v48, v51;
	v51 =	vmin.f32 v9, v45;
	v45 =	vor.u32 $0x3B, v2;
	[tilespmem:$0x1FF90] =	vst v28  }
0x260: {  	v12 =	vmax.f32 v5, v3;
	v11 =	vmin.f32 v5, v3;
	v5 =	vmax.f32 v52, v47;
	[tilespmem:$0x1FFA0] =	vst v45  }
0x261: {  	v3 =	vmin.f32 v52, v47;
	v7 =	vmax.f32 v50, v51;
	v4 =	vmin.f32 v50, v51;
	[tilespmem:$0x1FCC0] =	vst v37  }
0x262: {  	v50 =	vld.idx.msk [tilespmem:v10+s2+$0x0], $0xffff;
	v52 =	vmov v37;
	v10 =	vmax.f32 v7, v3;
	[tilespmem:$0x1FC80] =	vst v49;
	v37 =	vmax.f32 v49, v37  }
0x263: {  	v49 =	vmin.f32 v49, v52;
	v47 =	vmax.f32 v44, v46;
	v51 =	vmin.f32 v44, v46;
	v48 =	vld.idx.msk [tilespmem:v25+s2+$0x0], $0xffff  }
0x264: {  	[tilespmem:$0x1FD40] =	vst v46;
	v9 =	vmax.f32 v37, v47;
	v6 =	vmin.f32 v37, v47;
	v37 =	vor.u32 $0x3D, v2;
	v47 =	vld.idx.msk [tilespmem:v27+s2+$0x0], $0xffff  }
0x265: {  	v3 =	vmin.f32 v7, v3;
	v27 =	vor.u32 $0x3E, v2;
	v44 =	vmax.f32 v49, v51;
	v46 =	vld.idx.msk [tilespmem:v28+s2+$0x0], $0xffff;
	[tilespmem:$0x1FFC0] =	vst v37  }
0x266: {  	v8 =	vmin.f32 v49, v51;
	v28 =	vor.u32 $0x3F, v2;
	v49 =	vld.idx.msk [tilespmem:v45+s2+$0x0], $0xffff;
	[tilespmem:$0x1FFD0] =	vst v27;
	v52 =	vmax.f32 v44, v6  }
0x267: {  	[tilespmem:$0x1FFE0] =	vst v28;
	v6 =	vmin.f32 v44, v6;
	v44 =	vmax.f32 v5, v9;
	v5 =	vmin.f32 v5, v9  }
0x268: {  	[tilespmem:$0x1FDE0] =	vst v50;
	v9 =	vmax.f32 v10, v52;
	v7 =	vmin.f32 v10, v52;
	v51 =	vmax.f32 v3, v6  }
0x269: {  	v3 =	vmin.f32 v3, v6;
	v6 =	vmax.f32 v4, v8;
	v10 =	vmin.f32 v4, v8;
	v37 =	vld.idx.msk [tilespmem:v37+s2+$0x0], $0xffff  }
0x26a: {  	v52 =	vmax.f32 v51, v5;
	v25 =	vmin.f32 v51, v5;
	v51 =	vmax.f32 v6, v7;
	v27 =	vld.idx.msk [tilespmem:v27+s2+$0x0], $0xffff  }
0x26b: {  	v6 =	vmin.f32 v6, v7;
	v45 =	vmax.f32 v9, v52;
	v4 =	vmin.f32 v9, v52;
	v28 =	vld.idx.msk [tilespmem:v28+s2+$0x0], $0xffff  }
0x26c: {  	v9 =	vmax.f32 v51, v25;
	v5 =	vmin.f32 v51, v25;
	v7 =	vmax.f32 v6, v3;
	[tilespmem:$0x1FEB0] =	vst v48  }
0x26d: {  	v8 =	vmin.f32 v6, v3;
	[tilespmem:$0x1FE00] =	vst v47;
	v3 =	vmax.f32 v50, v47;
	v52 =	vmov v46  }
0x26e: {  	[tilespmem:$0x1FE20] =	vst v46;
	v51 =	vmax.f32 v46, v49;
	v6 =	vmin.f32 v50, v47;
	v47 =	vmin.f32 v52, v49  }
0x26f: {  	v46 =	vmax.f32 v3, v51;
	v3 =	vmin.f32 v3, v51;
	v25 =	vmovc v48;
	v50 =	vmax.f32 v6, v47  }
0x270: {  	v6 =	vmin.f32 v6, v47;
	[tilespmem:$0x1FED0] =	vst v37;
	v48 =	vmax.f32 v48, v37;
	v52 =	vmax.f32 v27, v28  }
0x271: {  	[tilespmem:$0x1FF60] =	vst v28;
	v37 =	vmin.f32 v25, v37;
	v25 =	vmin.f32 v27, v28;
	v28 =	vmax.f32 v50, v3  }
0x272: {  	[tilespmem:$0x1FEF0] =	vst v27;
	v47 =	vmax.f32 v48, v52;
	v48 =	vmin.f32 v48, v52;
	v27 =	vmax.f32 v37, v25  }
0x273: {  	[tilespmem:$0x1FE40] =	vst v49;
	v3 =	vmin.f32 v50, v3;
	v49 =	vmin.f32 v37, v25;
	v37 =	vmax.f32 v27, v48  }
0x274: {  	v48 =	vmin.f32 v27, v48;
	v27 =	vmax.f32 v6, v49;
	v50 =	vmin.f32 v28, v37  }
0x275: {  	v25 =	vmax.f32 v3, v48;
	v3 =	vmin.f32 v3, v48;
	v48 =	vmin.f32 v27, v50  }
0x276: {  	v51 =	vmax.f32 v48, v3;
	v3 =	vmin.f32 v48, v3;
	v48 =	vld [tilespmem:$0x1EE70];
	_ =	sdelay $0x4  }
0x277: {  	v48 =	vmax.f32 v53, v48;
	v53 =	vld [tilespmem:$0x1EE80];
	_ =	sdelay $0x1  }
0x278: {  	v52 =	vmax.f32 v46, v47;
	v46 =	vmin.f32 v46, v47  }
0x279: {  	v47 =	vmax.f32 v28, v37;
	v28 =	vmax.f32 v25, v46  }
0x27a: {  	v37 =	vmax.f32 v27, v50;
	v50 =	vmax.f32 v47, v28;
	v47 =	vmin.f32 v47, v28;
	v28 =	vld [tilespmem:$0x1EEA0]  }
0x27b: {  	v53 =	vmax.f32 v54, v53;
	v54 =	vld [tilespmem:$0x1EE90];
	_ =	sdelay $0x2  }
0x27c: {  	v46 =	vmin.f32 v25, v46  }
0x27d: {  	v6 =	vmin.f32 v6, v49;
	v49 =	vmax.f32 v37, v46;
	v46 =	vmin.f32 v37, v46;
	v37 =	vld [tilespmem:$0x1EEB0]  }
0x27e: {  	v54 =	vmax.f32 v55, v54;
	v55 =	vmax.f32 v57, v28;
	v57 =	vld [tilespmem:$0x1EEC0];
	_ =	sdelay $0x3  }
0x27f: {  	v25 =	vld [tilespmem:$0x1EED0]  }
0x280: {  	v57 =	vmax.f32 v37, v57;
	v37 =	vld [tilespmem:$0x1EEE0];
	_ =	sdelay $0x4  }
0x281: {  	v27 =	vmax.f32 v25, v37;
	v25 =	vld [tilespmem:$0x1EEF0]  }
0x282: {  	v37 =	vld [tilespmem:$0x1EF00];
	_ =	sdelay $0x3  }
0x283: {  	v28 =	vld [tilespmem:$0x1EF10]  }
0x284: {  	v25 =	vmax.f32 v25, v37;
	v37 =	vld [tilespmem:$0x1EF20];
	_ =	sdelay $0x4  }
0x285: {  	v28 =	vmax.f32 v28, v37  }
0x286: {  	v37 =	vmax.f32 v48, v57;
	v48 =	vmin.f32 v48, v57;
	v57 =	vmax.f32 v53, v27  }
0x287: {  	v27 =	vmin.f32 v53, v27;
	v53 =	vmax.f32 v54, v25;
	v25 =	vmin.f32 v54, v25  }
0x288: {  	v54 =	vmax.f32 v55, v28;
	v28 =	vmin.f32 v55, v28;
	v55 =	vmax.f32 v37, v53  }
0x289: {  	v37 =	vmin.f32 v37, v53;
	v53 =	vmax.f32 v57, v54;
	v54 =	vmin.f32 v57, v54  }
0x28a: {  	v57 =	vmax.f32 v48, v25;
	v25 =	vmin.f32 v48, v25;
	v48 =	vmax.f32 v27, v28  }
0x28b: {  	v27 =	vmin.f32 v27, v28;
	v28 =	vmax.f32 v55, v53;
	v53 =	vmin.f32 v55, v53  }
0x28c: {  	v55 =	vmax.f32 v37, v54;
	v37 =	vmin.f32 v37, v54;
	v54 =	vmax.f32 v57, v48  }
0x28d: {  	v48 =	vmin.f32 v57, v48;
	v57 =	vmax.f32 v25, v27;
	v25 =	vmin.f32 v25, v27;
	v27 =	vld [tilespmem:$0x1EF30];
	_ =	sdelay $0x4  }
0x28e: {  	v27 =	vmax.f32 v27, v38;
	v38 =	vld [tilespmem:$0x1EF40];
	_ =	sdelay $0x4  }
0x28f: {  	v31 =	vmax.f32 v38, v31;
	v38 =	vld [tilespmem:$0x1EF50];
	_ =	sdelay $0x4  }
0x290: {  	v32 =	vmax.f32 v38, v32;
	v38 =	vld [tilespmem:$0x1EF60];
	_ =	sdelay $0x4  }
0x291: {  	v33 =	vmax.f32 v38, v33;
	v38 =	vld [tilespmem:$0x1EF70];
	_ =	sdelay $0x4  }
0x292: {  	v34 =	vmax.f32 v38, v34;
	v38 =	vld [tilespmem:$0x1EF80]  }
0x293: {  	vm1 =	vmor vm15, vm13;
	vm7 =	vmand vm7, vm11  }
0x294: {  	v17 =	vmax.f32 v30, v17;
	v18 =	vmax.f32 v29, v18;
	v11 =	vmax.f32 v23, v11  }
0x295: {  	v12 =	vmax.f32 v24, v12;
	v13 =	vmax.f32 v21, v13;
	v14 =	vmax.f32 v22, v14  }
0x296: {  	v15 =	vmax.f32 v19, v15;
	v16 =	vmax.f32 v20, v16;
	v23 =	vmax.f32 v17, v14  }
0x297: {  	v14 =	vmin.f32 v17, v14;
	v24 =	vmax.f32 v11, v15;
	v35 =	vmax.f32 v38, v35;
	v38 =	vld [tilespmem:$0x1EF90]  }
0x298: {  	v11 =	vmin.f32 v11, v15;
	v29 =	vmax.f32 v12, v16;
	v12 =	vmin.f32 v12, v16  }
0x299: {  	v30 =	vmax.f32 v13, v18;
	v13 =	vmin.f32 v13, v18;
	v15 =	vmin.f32 v23, v29  }
0x29a: {  	v21 =	vmax.f32 v24, v30;
	v16 =	vmin.f32 v24, v30;
	v22 =	vmax.f32 v14, v12  }
0x29b: {  	v12 =	vmin.f32 v14, v12;
	v19 =	vmax.f32 v15, v16;
	v15 =	vmin.f32 v15, v16  }
0x29c: {  	v6 =	vmax.f32 v44, v6;
	v10 =	vmax.f32 v10, v52;
	v36 =	vmax.f32 v38, v36;
	v38 =	vld [tilespmem:$0x1EFA0]  }
0x29d: {  	v3 =	vmax.f32 v45, v3;
	v4 =	vmax.f32 v4, v51;
	v5 =	vmax.f32 v5, v49  }
0x29e: {  	v9 =	vmax.f32 v9, v46;
	v8 =	vmax.f32 v8, v50;
	v24 =	vmax.f32 v6, v5  }
0x29f: {  	v5 =	vmin.f32 v6, v5;
	v30 =	vmax.f32 v4, v8;
	v4 =	vmin.f32 v4, v8  }
0x2a0: {  	v7 =	vmax.f32 v7, v47;
	v44 =	vmax.f32 v24, v30;
	v46 =	vmax.f32 v5, v4  }
0x2a1: {  	v4 =	vmin.f32 v5, v4;
	v38 =	vmax.f32 v38, v42;
	v42 =	vmax.f32 v27, v34  }
0x2a2: {  	v27 =	vmin.f32 v27, v34;
	v34 =	vmax.f32 v31, v35;
	v31 =	vmin.f32 v31, v35  }
0x2a3: {  	v35 =	vmax.f32 v32, v36;
	v32 =	vmin.f32 v32, v36;
	v36 =	vmax.f32 v33, v38  }
0x2a4: {  	v33 =	vmin.f32 v33, v38;
	v38 =	vmax.f32 v42, v35;
	v35 =	vmin.f32 v42, v35  }
0x2a5: {  	v42 =	vmax.f32 v34, v36;
	v34 =	vmin.f32 v34, v36;
	v36 =	vmax.f32 v27, v32  }
0x2a6: {  	v27 =	vmin.f32 v27, v32;
	v32 =	vmax.f32 v31, v33;
	v31 =	vmin.f32 v31, v33  }
0x2a7: {  	v33 =	vmax.f32 v38, v42;
	v38 =	vmin.f32 v38, v42;
	v42 =	vmax.f32 v35, v34  }
0x2a8: {  	v34 =	vmin.f32 v35, v34;
	v35 =	vmax.f32 v36, v32;
	v32 =	vmin.f32 v36, v32  }
0x2a9: {  	v36 =	vmax.f32 v27, v31;
	v27 =	vmin.f32 v27, v31;
	v31 =	vmax.f32 v23, v29  }
0x2aa: {  	v23 =	vmax.f32 v11, v13;
	v11 =	vmin.f32 v11, v13;
	v29 =	vmax.f32 v3, v7  }
0x2ab: {  	v3 =	vmin.f32 v3, v7;
	v7 =	vmin.f32 v24, v30;
	v13 =	vmax.f32 v31, v21  }
0x2ac: {  	v18 =	vmin.f32 v31, v21;
	v16 =	vmax.f32 v22, v23;
	v14 =	vmin.f32 v22, v23  }
0x2ad: {  	v17 =	vmax.f32 v12, v11;
	v11 =	vmin.f32 v12, v11;
	v31 =	vmax.f32 v9, v10  }
0x2ae: {  	v9 =	vmin.f32 v9, v10;
	v50 =	vmax.f32 v28, v27;
	v51 =	vmax.f32 v53, v36  }
0x2af: {  	v52 =	vmax.f32 v55, v32;
	v53 =	vmax.f32 v37, v35;
	v54 =	vmax.f32 v54, v34  }
0x2b0: {  	v55 =	vmax.f32 v48, v42;
	v32 =	vmax.f32 v57, v38;
	v25 =	vmax.f32 v25, v33  }
0x2b1: {  	v45 =	vmax.f32 v29, v31;
	v6 =	vmin.f32 v29, v31;
	v47 =	vmax.f32 v3, v9  }
0x2b2: {  	v3 =	vmin.f32 v3, v9;
	v29 =	vimm.s32 $0x1;
	v28 =	vmax.f32 v50, v54  }
0x2b3: {  	v33 =	vmax.f32 v51, v55;
	v20 =	vmin.f32 v51, v55;
	v34 =	vmax.f32 v52, v32  }
0x2b4: {  	v21 =	vmin.f32 v52, v32;
	v35 =	vmax.f32 v53, v25;
	v22 =	vmin.f32 v53, v25  }
0x2b5: {  	v9 =	vmax.f32 v44, v45;
	v10 =	vmin.f32 v44, v45;
	v12 =	vmax.f32 v7, v6  }
0x2b6: {  	v6 =	vmin.f32 v7, v6;
	v7 =	vmax.f32 v46, v47;
	v5 =	vmin.f32 v46, v47  }
0x2b7: {  	v49 =	vmax.f32 v4, v3;
	v3 =	vmin.f32 v4, v3;
	v4 =	vmin.f32 v50, v54  }
0x2b8: {  	v36 =	vmax.f32 v28, v34;
	v24 =	vmin.f32 v28, v34;
	v37 =	vmax.f32 v33, v35  }
0x2b9: {  	v23 =	vmin.f32 v33, v35;
	v42 =	vmax.f32 v20, v22;
	v20 =	vmin.f32 v20, v22  }
0x2ba: {  	v38 =	vmax.f32 v4, v21;
	v4 =	vmin.f32 v4, v21;
	v44 =	vmax.f32 v36, v37  }
0x2bb: {  	v25 =	vmin.f32 v36, v37;
	v45 =	vmax.f32 v24, v23;
	v23 =	vmin.f32 v24, v23  }
0x2bc: {  	v3 =	vmax.f32 v13, v3;
	v8 =	vmax.f32 v18, v49;
	v5 =	vmax.f32 v19, v5  }
0x2bd: {  	v7 =	vmax.f32 v15, v7;
	v6 =	vmax.f32 v16, v6;
	v12 =	vmax.f32 v14, v12  }
0x2be: {  	v10 =	vmax.f32 v17, v10;
	v9 =	vmax.f32 v11, v9;
	v46 =	vmax.f32 v38, v42  }
0x2bf: {  	v21 =	vmin.f32 v38, v42;
	v47 =	vmax.f32 v4, v20;
	v4 =	vmin.f32 v4, v20  }
0x2c0: {  	v48 =	vmax.f32 v3, v6;
	v3 =	vmin.f32 v3, v6;
	v49 =	vmax.f32 v8, v12  }
0x2c1: {  	v8 =	vmin.f32 v8, v12;
	v50 =	vmax.f32 v5, v10;
	v5 =	vmin.f32 v5, v10  }
0x2c2: {  	v51 =	vmax.f32 v7, v9;
	v7 =	vmin.f32 v7, v9;
	v52 =	vmax.f32 v48, v50  }
0x2c3: {  	v31 =	vld [tilespmem:$0x1EFB0];
	v11 =	vmin.f32 v48, v50;
	v53 =	vmax.f32 v49, v51;
	v6 =	vmin.f32 v49, v51  }
0x2c4: {  	v54 =	vmax.f32 v3, v5;
	v3 =	vmin.f32 v3, v5;
	v55 =	vmax.f32 v8, v7  }
0x2c5: {  	v7 =	vmin.f32 v8, v7;
	v57 =	vmax.f32 v52, v53;
	v9 =	vmin.f32 v52, v53  }
0x2c6: {  	v32 =	vld [tilespmem:$0x1EFC0];
	v16 =	vmax.f32 v11, v6;
	v6 =	vmin.f32 v11, v6;
	v17 =	vmax.f32 v54, v55  }
0x2c7: {  	v5 =	vmin.f32 v54, v55;
	v18 =	vmax.f32 v3, v7;
	v3 =	vmin.f32 v3, v7  }
0x2c8: {  	v14 =	vmul.f32 v1, v31;
	v3 =	vmax.f32 v44, v3;
	v19 =	vmax.f32 v25, v18  }
0x2c9: {  	v5 =	vmax.f32 v45, v5;
	v20 =	vmax.f32 v23, v17;
	v6 =	vmax.f32 v46, v6  }
0x2ca: {  	v21 =	vmax.f32 v21, v16;
	v9 =	vmax.f32 v47, v9;
	v4 =	vmax.f32 v4, v57  }
0x2cb: {  	v16 =	vmul.f32 v1, v32;
	v22 =	vmax.f32 v3, v6;
	v12 =	vmax.f32 v19, v21  }
0x2cc: {  	v38 =	vld [tilespmem:$0x1EFD0];
	v23 =	vmax.f32 v5, v9;
	v24 =	vmax.f32 v20, v4;
	v3 =	vmin.f32 v3, v6  }
0x2cd: {  	v7 =	vmin.f32 v19, v21;
	v5 =	vmin.f32 v5, v9;
	v4 =	vmin.f32 v20, v4  }
0x2ce: {  	v48 =	vnsel vm1, $0x0, v14;
	v25 =	vmax.f32 v22, v23;
	v27 =	vmax.f32 v12, v24  }
0x2cf: {  	v8 =	vmin.f32 v22, v23;
	v12 =	vmin.f32 v12, v24;
	v47 =	vnsel vm14, $0x0, v16  }
0x2d0: {  	vm14 =	vmand vm12, vm8;
	v34 =	vmax.f32 v3, v5;
	v35 =	vmax.f32 v7, v4  }
0x2d1: {  	vm15 =	vgt.f32 v38, v0;
	v3 =	vmin.f32 v3, v5;
	v4 =	vmin.f32 v7, v4  }
0x2d2: {  	v28 =	vadd.f32 v27, v25;
	v9 =	vmax.f32 v8, v12;
	v10 =	vmin.f32 v25, v27  }
0x2d3: {  	v15 =	vmax.f32 v34, v35;
	v46 =	vmin.f32 v34, v35;
	v34 =	vmul.f32 v1, v38;
	v38 =	vld [tilespmem:$0x1EFF0]  }
0x2d4: {  	v6 =	vmax.f32 v25, v27;
	v30 =	vadd.f32 v9, v28;
	v13 =	vsub.f32 v28, v10  }
0x2d5: {  	v8 =	vmin.f32 v8, v12;
	vm1 =	vmor vm15, vm14;
	v53 =	vmax.f32 v3, v4  }
0x2d6: {  	v52 =	vld [tilespmem:$0x1EFE0];
	v3 =	vmin.f32 v3, v4;
	v33 =	vsub.f32 v30, v9;
	vm2 =	vlt.f32 v13, $6.999999880e-01  }
0x2d7: {  	v11 =	vadd.f32 v30, v8;
	v36 =	vnsel vm2, $0x0, v10;
	v49 =	vsel vm2, $0x2, v29  }
0x2d8: {  	v50 =	vsel vm2, v10, v6;
	v7 =	vmul.f32 v1, v38;
	v14 =	vadd.f32 v36, v6  }
0x2d9: {  	vm13 =	vlt.f32 v33, $6.999999880e-01;
	v37 =	vsub.f32 v11, v8;
	v11 =	vadd.f32 v11, v15  }
0x2da: {  	v42 =	vnsel vm13, $0x0, v9;
	v13 =	vsel vm13, v9, v50;
	v51 =	vsel vm13, $0x1, v62  }
0x2db: {  	vm13 =	vlt.s32 v52, v56;
	v50 =	vnsel vm1, $0x0, v34;
	v14 =	vadd.f32 v42, v14  }
0x2dc: {  	vm6 =	vlt.f32 v37, $6.999999880e-01;
	v45 =	vsub.f32 v11, v15;
	v11 =	vadd.f32 v11, v46  }
0x2dd: {  	v52 =	vld [tilespmem:$0x1F040];
	v12 =	vadd.s32 v51, v49;
	v44 =	vnsel vm6, $0x0, v8;
	v13 =	vsel vm6, v8, v13  }
0x2de: {  	v23 =	vsel vm6, $0x1, v62;
	v5 =	vadd.f32 v44, v14;
	vm8 =	vlt.f32 v45, $6.999999880e-01  }
0x2df: {  	v54 =	vld [tilespmem:$0x1F050];
	v21 =	vadd.f32 v11, v53;
	v11 =	vsub.f32 v11, v46;
	v57 =	vnsel vm8, $0x0, v15  }
0x2e0: {  	v12 =	vadd.s32 v23, v12;
	v44 =	vld [tilespmem:$0x1F010];
	v24 =	vsel vm8, v15, v13;
	v20 =	vadd.f32 v57, v5  }
0x2e1: {  	v45 =	vld [tilespmem:$0x1F020];
	v25 =	vsel vm8, $0x1, v62;
	v22 =	vsub.f32 v21, v53;
	v5 =	vadd.f32 v21, v3  }
0x2e2: {  	vm15 =	vlt.f32 v11, $6.999999880e-01;
	v29 =	vadd.s32 v25, v12;
	v23 =	vmul.f32 v1, v52  }
0x2e3: {  	v11 =	vsel vm15, v46, v24;
	v27 =	vnsel vm15, $0x0, v46;
	v28 =	vsel vm15, $0x1, v62  }
0x2e4: {  	v57 =	vld [tilespmem:$0x1F060];
	v24 =	vmul.f32 v1, v54;
	vm12 =	vlt.f32 v22, $6.999999880e-01;
	v5 =	vsub.f32 v5, v3  }
0x2e5: {  	v4 =	vadd.f32 v27, v20;
	v11 =	vsel vm12, v53, v11;
	v30 =	vnsel vm12, $0x0, v53  }
0x2e6: {  	v31 =	vsel vm12, $0x1, v62;
	v20 =	vmul.f32 v1, v44;
	v21 =	vmul.f32 v1, v45  }
0x2e7: {  	vm2 =	vlt.f32 v5, $6.999999880e-01;
	v5 =	vadd.s32 v28, v29;
	v4 =	vadd.f32 v30, v4  }
0x2e8: {  	v56 =	vsel vm2, v3, v11;
	v5 =	vadd.s32 v31, v5;
	v32 =	vsel vm2, $0x1, v62  }
0x2e9: {  	v42 =	vld [tilespmem:$0x1F000];
	vm4 =	veq.f32 v57, v0;
	vm14 =	vgt.f32 v10, v56;
	vm15 =	vgt.f32 v6, v56  }
0x2ea: {  	v5 =	vadd.s32 v32, v5;
	vm8 =	vgt.f32 v9, v56;
	vm12 =	vgt.f32 v8, v56  }
0x2eb: {  	vm6 =	vgt.f32 v53, v56;
	vm4 =	vmand vm4, vm13;
	v33 =	vsel vm14, $0xFFFFFFFF, v62  }
0x2ec: {  	v25 =	vld [tilespmem:$0x1F070];
	v35 =	vsel vm15, $0xFFFFFFFF, v62;
	v36 =	vsel vm8, $0xFFFFFFFF, v62;
	vm14 =	vgt.f32 v15, v56  }
0x2ed: {  	vm15 =	vmand vm9, vm10;
	vm8 =	vgt.f32 v46, v56;
	v37 =	vsel vm12, $0xFFFFFFFF, v62  }
0x2ee: {  	v29 =	vld [tilespmem:$0x1F080];
	vm9 =	vgt.f32 v38, v0;
	vm10 =	vnez.u8 v42;
	vm12 =	vgt.f32 v44, v0  }
0x2ef: {  	v55 =	vsel vm6, $0xFFFFFFFF, v62;
	v5 =	vadd.s32 v33, v5;
	vm1 =	vmor vm9, vm15  }
0x2f0: {  	v49 =	vsel vm14, $0xFFFFFFFF, v62;
	v53 =	vsel vm8, $0xFFFFFFFF, v62;
	vm8 =	vgt.f32 v57, v0  }
0x2f1: {  	vm14 =	vnez.u8 v25;
	v5 =	vadd.s32 v35, v5;
	v51 =	vnsel vm1, $0x0, v7  }
0x2f2: {  	v31 =	vld [tilespmem:$0x1F090];
	vm1 =	vmand vm5, vm10;
	vm10 =	vgt.f32 v3, v56;
	v3 =	vnsel vm2, $0x0, v3  }
0x2f3: {  	vm2 =	vgt.f32 v45, v0;
	vm0 =	vmand vm0, vm14;
	vm15 =	vnez.u8 v29  }
0x2f4: {  	v32 =	vld [tilespmem:$0x1F0A0];
	v45 =	vimm.s32 $0x0;
	vm4 =	vmor vm8, vm4;
	v5 =	vadd.s32 v36, v5  }
0x2f5: {  	v46 =	vld [tilespmem:$0x1F030];
	vm9 =	vmor vm12, vm1;
	vm12 =	vgt.f32 v52, v0;
	vm1 =	vgt.f32 v54, v0  }
0x2f6: {  	v17 =	vsel vm10, $0xFFFFFFFF, v62;
	v18 =	vadd.f32 v3, v4;
	vm0 =	vmor vm2, vm0  }
0x2f7: {  	vm10 =	veq.f32 v40, v56;
	vm3 =	vmand vm3, vm15;
	vm14 =	vnez.u8 v31  }
0x2f8: {  	v5 =	vadd.s32 v37, v5;
	v52 =	vnsel vm0, $0x0, v21;
	vm0 =	veq.f32 v39, v56  }
0x2f9: {  	v27 =	vsel vm10, $0x1, v62;
	vm15 =	vnez.u8 v32;
	vm11 =	vmor vm1, vm7  }
0x2fa: {  	vm5 =	vgt.f32 v46, v0;
	v19 =	vadd.s32 v49, v5;
	v22 =	vmul.f32 v1, v46  }
0x2fb: {  	v35 =	vld [tilespmem:$0x1F0B0];
	v0 =	vadd.f32 $9.999999710e-10, v18;
	v1 =	vmul.f32 v1, v57;
	v28 =	vsel vm0, $0x1, v62  }
0x2fc: {  	v46 =	vnsel vm11, $0x0, v24;
	v3 =	vadd.s32 v53, v19;
	v53 =	vnsel vm9, $0x0, v20  }
0x2fd: {  	vm9 =	veq.f32 v41, v56;
	vm3 =	vmor vm5, vm3;
	vm5 =	veq.f32 v43, v56  }
0x2fe: {  	v20 =	vimm.s32 $0x0;
	v3 =	vadd.s32 v55, v3;
	(erf) = vrcp.f32 v0  }
0x2ff: {  	v30 =	vsel vm9, $0x1, v62;
	v54 =	vnsel vm3, $0x0, v22;
	vm3 =	vmand vm14, vm15  }
0x300: {  	vm14 =	veq.f32 v59, v56;
	v34 =	vsel vm5, $0x1, v62;
	vm1 =	veq.f32 v35, v56  }
0x301: {  	v49 =	vld [tilespmem:$0x1F0C0];
	v57 =	vnsel vm4, $0x0, v1;
	v0 =	vadd.s32 v17, v3;
	v3 =	vadd.s32 v28, v27  }
0x302: {  	v33 =	vsel vm14, $0x1, v62;
	vm3 =	vmor vm12, vm3;
	v44 =	vsel vm1, $0x1, v62  }
0x303: {  	vm2 =	vgt.s32 v0, v27;
	vm6 =	vlt.s32 v3, v0;
	v3 =	vadd.s32 v30, v3  }
0x304: {  	v55 =	vnsel vm3, $0x0, v23;
	vm3 =	veq.f32 v60, v56;
	vm8 =	vgt.s32 v0, $0x0  }
0x305: {  	vm15 =	vlt.s32 v3, v0;
	v3 =	vadd.s32 v33, v3;
	v42 =	vsel vm3, $0x1, v62  }
0x306: {  	vm4 =	veq.f32 v49, v56;
	vm8 =	vmand vm10, vm8;
	vm10 =	vgt.f32 v40, v56  }
0x307: {  	v25 =	vld [tilespmem:$0x1F0D0];
	vm0 =	vmand vm0, vm2;
	vm2 =	vgt.f32 v39, v56;
	vm12 =	vlt.s32 v3, v0  }
0x308: {  	v3 =	vadd.s32 v34, v3;
	v15 =	vsel vm4, $0x1, v62;
	vm11 =	vmor vm10, vm8  }
0x309: {  	vm8 =	veq.f32 v58, v56;
	vm0 =	vmor vm2, vm0;
	vm2 =	veq.f32 v63, v56  }
0x30a: {  	vm14 =	vmand vm14, vm15;
	vm15 =	vgt.f32 v59, v56;
	vm7 =	vlt.s32 v3, v0  }
0x30b: {  	v3 =	vadd.s32 v42, v3;
	v18 =	vsel vm8, $0x1, v62;
	v21 =	vsel vm2, $0x1, v62  }
0x30c: {  	vm5 =	vmand vm5, vm12;
	vm12 =	veq.f32 v25, v56;
	vm13 =	vlt.s32 v3, v0  }
0x30d: {  	v3 =	vadd.s32 v44, v3;
	v27 =	vsel vm12, $0x1, v62;
	v44 =	vimm.s32 $0x0  }
0x30e: {  	v28 =	vld [tilespmem:$0x1F0E0];
	v5 =	vsel vm13, $0xFFFFFFFF, v45;
	vm13 =	vlt.s32 v3, v0;
	v3 =	vadd.s32 v15, v3;
	v1 =	vpop (erf)  }
0x30f: {  	v31 =	vld [tilespmem:$0x1F0F0];
	vm10 =	vlt.s32 v3, v0;
	v16 =	vmul.f32 v1, v40;
	v17 =	vmul.f32 v1, v39  }
0x310: {  	v6 =	vadd.s32 v18, v3;
	v19 =	vmul.f32 v1, v41;
	v23 =	vmul.f32 v1, v59  }
0x311: {  	vm4 =	vmand vm4, vm13;
	v24 =	vmul.f32 v1, v43;
	v29 =	vmul.f32 v1, v60  }
0x312: {  	vm13 =	vgt.f32 v49, v56;
	v34 =	vmul.f32 v1, v35;
	v10 =	vmul.f32 v1, v49  }
0x313: {  	vm4 =	vmor vm13, vm4;
	v59 =	vmul.f32 v1, v61;
	v18 =	vmul.f32 v1, v28  }
0x314: {  	v14 =	vmul.f32 v1, v31;
	v4 =	vnsel vm11, $0x0, v16;
	v3 =	vnsel vm0, $0x0, v17  }
0x315: {  	vm0 =	vmand vm9, vm6;
	vm6 =	vgt.f32 v41, v56;
	vm9 =	vlt.s32 v6, v0  }
0x316: {  	[tilespmem:$0x1F100] =	vst v5;
	v6 =	vadd.s32 v21, v6;
	v39 =	vnsel vm4, $0x0, v10;
	vm4 =	vmand vm8, vm10  }
0x317: {  	v33 =	vld [tilespmem:$0x1F100];
	vm8 =	vgt.f32 v58, v56;
	v7 =	vsel vm9, $0xFFFFFFFF, v20;
	vm0 =	vmor vm6, vm0  }
0x318: {  	vm9 =	veq.f32 v61, v56;
	vm11 =	vlt.s32 v6, v0;
	vm6 =	vgt.f32 v43, v56  }
0x319: {  	v43 =	vmul.f32 v1, v58;
	v5 =	vnsel vm0, $0x0, v19;
	vm0 =	vmor vm15, vm14  }
0x31a: {  	v37 =	vld [tilespmem:$0x1F210];
	vm4 =	vmor vm8, vm4;
	vm6 =	vmor vm6, vm5;
	v9 =	vnsel vm0, $0x0, v23  }
0x31b: {  	v21 =	vld [tilespmem:$0x1F150];
	v38 =	vnsel vm6, $0x0, v24;
	vm0 =	vmand vm3, vm7;
	vm6 =	vgt.f32 v60, v56  }
0x31c: {  	v41 =	vld [tilespmem:$0x1F220];
	v58 =	vmul.f32 v1, v63;
	vm0 =	vmor vm6, vm0;
	vm6 =	vnez.u8 v33  }
0x31d: {  	v8 =	vnsel vm0, $0x0, v29;
	vm0 =	vmand vm1, vm6;
	vm6 =	vgt.f32 v35, v56;
	v35 =	vld [tilespmem:$0x1F110]  }
0x31e: {  	v20 =	vld [tilespmem:$0x1F130];
	v22 =	vsel vm9, $0x1, v62;
	vm14 =	veq.f32 v31, v56;
	vm9 =	vmand vm9, vm11  }
0x31f: {  	[tilespmem:$0x1F140] =	vst v7;
	v19 =	vld [tilespmem:$0x1F120];
	v6 =	vadd.s32 v22, v6;
	vm3 =	veq.f32 v28, v56;
	v32 =	vsel vm14, $0x1, v62  }
0x320: {  	v49 =	vld [tilespmem:$0x1F140];
	vm5 =	vlt.s32 v6, v0;
	v6 =	vadd.s32 v27, v6;
	v30 =	vsel vm3, $0x1, v62  }
0x321: {  	v23 =	vld [tilespmem:$0x1F160];
	vm15 =	vlt.s32 v6, v0;
	v6 =	vadd.s32 v30, v6;
	vm5 =	vmand vm12, vm5  }
0x322: {  	v22 =	vld [tilespmem:$0x1F170];
	vm7 =	vlt.s32 v6, v0;
	vm1 =	vmor vm6, vm0;
	vm0 =	veq.f32 v35, v56  }
0x323: {  	v27 =	vld [tilespmem:$0x1F190];
	v6 =	vadd.s32 v32, v6;
	vm3 =	vmand vm3, vm15;
	v42 =	vsel vm0, $0x1, v62  }
0x324: {  	v24 =	vld [tilespmem:$0x1F180];
	vm15 =	vgt.f32 v28, v56;
	vm6 =	vlt.s32 v6, v0;
	v6 =	vadd.s32 v42, v6  }
0x325: {  	v28 =	vld [tilespmem:$0x1F1B0];
	v36 =	vnsel vm1, $0x0, v34;
	vm1 =	veq.f32 v19, v56;
	vm13 =	vlt.s32 v6, v0  }
0x326: {  	[tilespmem:$0x1FA90] =	vst v46;
	v33 =	vld [tilespmem:$0x1F1D0];
	vm8 =	veq.f32 v20, v56;
	v45 =	vsel vm1, $0x1, v62;
	v10 =	vsel vm13, $0xFFFFFFFF, v44  }
0x327: {  	v29 =	vld [tilespmem:$0x1F1C0];
	v46 =	vsel vm8, $0x1, v62;
	vm13 =	vnez.u8 v49;
	[tilespmem:$0x1F240] =	vst v10;
	v10 =	vadd.s32 v45, v6  }
0x328: {  	v34 =	vld [tilespmem:$0x1F1E0];
	[tilespmem:v26+s7+$0x0] =	vst.idx.msk $0xffff, v27;
	v6 =	vnsel vm4, $0x0, v43;
	vm2 =	vmand vm2, vm13;
	vm13 =	vgt.f32 v63, v56  }
0x329: {  	v26 =	vld [tilespmem:$0x1F1A0];
	vm4 =	veq.f32 v21, v56;
	vm10 =	vlt.s32 v10, v0;
	v7 =	vadd.s32 v46, v10  }
0x32a: {  	v27 =	vld [tilespmem:$0x1F270];
	vm2 =	vmor vm13, vm2;
	vm13 =	vgt.f32 v61, v56;
	v60 =	vsel vm4, $0x1, v62  }
0x32b: {  	v42 =	vld [tilespmem:$0x1F230];
	v61 =	vmul.f32 v1, v25;
	vm9 =	vmor vm13, vm9;
	vm11 =	vlt.s32 v7, v0  }
0x32c: {  	v44 =	vld [tilespmem:$0x1F250];
	v7 =	vadd.s32 v60, v7;
	v11 =	vnsel vm2, $0x0, v58;
	vm2 =	veq.f32 v23, v56  }
0x32d: {  	[tilespmem:v28+s7+$0x0] =	vst.idx.msk $0xffff, v29;
	v28 =	vld [tilespmem:$0x1F2C0];
	vm13 =	veq.f32 v22, v56;
	v10 =	vnsel vm9, $0x0, v59;
	vm9 =	vgt.f32 v25, v56  }
0x32e: {  	v29 =	vld [tilespmem:$0x1F2D0];
	vm12 =	vlt.s32 v7, v0;
	v63 =	vsel vm2, $0x1, v62;
	vm5 =	vmor vm9, vm5  }
0x32f: {  	v45 =	vld [tilespmem:$0x1F260];
	v17 =	vsel vm13, $0x1, v62;
	v7 =	vadd.s32 v63, v7;
	v12 =	vnsel vm5, $0x0, v61  }
0x330: {  	v43 =	vld [tilespmem:$0x1F240];
	vm9 =	vlt.s32 v7, v0;
	vm5 =	vmand vm14, vm7;
	vm7 =	veq.f32 v24, v56  }
0x331: {  	v58 =	vld [tilespmem:$0x1F280];
	v7 =	vadd.s32 v17, v7;
	vm14 =	vgt.f32 v31, v56;
	v25 =	vsel vm7, $0x1, v62  }
0x332: {  	vm5 =	vmor vm14, vm5;
	vm14 =	vlt.s32 v7, v0;
	v7 =	vadd.s32 v25, v7;
	v25 =	vld [tilespmem:$0x1F1F0]  }
0x333: {  	v30 =	vmul.f32 v1, v35;
	v15 =	vnsel vm5, $0x0, v14;
	vm5 =	vgt.f32 v35, v56;
	v35 =	vld [tilespmem:$0x1F200]  }
0x334: {  	vm3 =	vmor vm15, vm3;
	v59 =	vld [tilespmem:$0x1F290]  }
0x335: {  	v63 =	vld [tilespmem:$0x1F2B0];
	v17 =	vnsel vm3, $0x0, v18;
	vm3 =	vmand vm0, vm6  }
0x336: {  	vm0 =	veq.f32 v26, v56;
	v31 =	vimm.s32 $0x0;
	v61 =	vld [tilespmem:$0x1F2A0];
	vm15 =	vlt.s32 v7, v0  }
0x337: {  	v32 =	vsel vm0, $0x1, v62;
	v14 =	vsel vm15, $0xFFFFFFFF, v31;
	v31 =	vld [tilespmem:$0x1F300]  }
0x338: {  	vm3 =	vmor vm5, vm3;
	vm15 =	vnez.u8 v43;
	v43 =	vld [tilespmem:$0x1F360];
	vm5 =	veq.f32 v25, v56  }
0x339: {  	[tilespmem:$0x1F4B0] =	vst v14;
	v14 =	vadd.s32 v32, v7;
	v7 =	vnsel vm3, $0x0, v30;
	v30 =	vld [tilespmem:$0x1F2F0];
	v40 =	vsel vm5, $0x1, v62  }
0x33a: {  	[tilespmem:v33+s7+$0x0] =	vst.idx.msk $0xffff, v34;
	v46 =	vmul.f32 v1, v19;
	vm6 =	vmand vm8, vm10;
	v13 =	vadd.s32 v40, v14;
	v40 =	vld [tilespmem:$0x1F340]  }
0x33b: {  	vm8 =	veq.f32 v27, v56;
	vm1 =	vmand vm1, vm15;
	vm15 =	vgt.f32 v19, v56;
	[tilespmem:v35+s7+$0x0] =	vst.idx.msk $0xffff, v37;
	v35 =	vld [tilespmem:$0x1F310]  }
0x33c: {  	v60 =	vsel vm8, $0x1, v62;
	vm1 =	vmor vm15, vm1;
	v37 =	vld [tilespmem:$0x1F320]  }
0x33d: {  	vm10 =	vlt.s32 v13, v0;
	v18 =	vadd.s32 v60, v13;
	v13 =	vnsel vm1, $0x0, v46;
	v46 =	vld [tilespmem:$0x1F390]  }
0x33e: {  	v60 =	vld [tilespmem:$0x1F3C0]  }
0x33f: {  	v49 =	vmul.f32 v1, v20;
	v33 =	vimm.s32 $0x0;
	[tilespmem:v41+s7+$0x0] =	vst.idx.msk $0xffff, v42;
	v41 =	vld [tilespmem:$0x1F350]  }
0x340: {  	vm4 =	vmand vm4, vm11;
	vm2 =	vmand vm2, vm12;
	vm15 =	vgt.f32 v20, v56;
	[tilespmem:v44+s7+$0x0] =	vst.idx.msk $0xffff, v45;
	v44 =	vld [tilespmem:$0x1F370]  }
0x341: {  	v32 =	vmul.f32 v1, v21;
	vm6 =	vmor vm15, vm6;
	vm15 =	vlt.s32 v18, v0;
	v45 =	vld [tilespmem:$0x1F380]  }
0x342: {  	v16 =	vnsel vm6, $0x0, v49;
	vm6 =	vgt.f32 v21, v56;
	v19 =	vsel vm15, $0xFFFFFFFF, v33;
	v33 =	vld [tilespmem:$0x1F400]  }
0x343: {  	vm12 =	vgt.f32 v23, v56;
	v49 =	vmul.f32 v1, v23;
	vm4 =	vmor vm6, vm4;
	[tilespmem:v58+s7+$0x0] =	vst.idx.msk $0xffff, v59;
	v59 =	vld [tilespmem:$0x1F3B0]  }
0x344: {  	vm2 =	vmor vm12, vm2;
	[tilespmem:$0x1F5F0] =	vst v19;
	v19 =	vnsel vm4, $0x0, v32;
	vm4 =	vmand vm13, vm9;
	v32 =	vld [tilespmem:$0x1F3F0]  }
0x345: {  	vm9 =	vgt.f32 v22, v56;
	v58 =	vmul.f32 v1, v22;
	v22 =	vnsel vm2, $0x0, v49;
	v49 =	vld [tilespmem:$0x1F490]  }
0x346: {  	[tilespmem:v61+s7+$0x0] =	vst.idx.msk $0xffff, v63;
	v63 =	vld [tilespmem:$0x1F3D0]  }
0x347: {  	[tilespmem:v28+s7+$0x0] =	vst.idx.msk $0xffff, v29;
	v29 =	vld [tilespmem:$0x1F2E0]  }
0x348: {  	vm4 =	vmor vm9, vm4;
	v28 =	vld [tilespmem:$0x1F330]  }
0x349: {  	v20 =	vnsel vm4, $0x0, v58;
	v58 =	vld [tilespmem:$0x1F4A0]  }
0x34a: {  	[tilespmem:v30+s7+$0x0] =	vst.idx.msk $0xffff, v31;
	v30 =	vld [tilespmem:$0x1F3A0]  }
0x34b: {  	v31 =	vld [tilespmem:$0x1F3E0]  }
0x34c: {  	[tilespmem:v35+s7+$0x0] =	vst.idx.msk $0xffff, v37;
	v35 =	vld [tilespmem:$0x1F430]  }
0x34d: {  	[tilespmem:v40+s7+$0x0] =	vst.idx.msk $0xffff, v41;
	v40 =	vld [tilespmem:$0x1F520]  }
0x34e: {  	vm13 =	vmand vm7, vm14;
	vm14 =	vgt.f32 v24, v56;
	v37 =	vmul.f32 v1, v24;
	[tilespmem:v43+s7+$0x0] =	vst.idx.msk $0xffff, v44;
	v43 =	vld [tilespmem:$0x1F450]  }
0x34f: {  	vm9 =	vmor vm14, vm13;
	v44 =	vld [tilespmem:$0x1F470]  }
0x350: {  	vm1 =	veq.f32 v29, v56;
	v23 =	vnsel vm9, $0x0, v37;
	v37 =	vld [tilespmem:$0x1F510]  }
0x351: {  	v34 =	vsel vm1, $0x1, v62;
	[tilespmem:v45+s7+$0x0] =	vst.idx.msk $0xffff, v46;
	v45 =	vld [tilespmem:$0x1F480]  }
0x352: {  	v18 =	vadd.s32 v34, v18;
	[tilespmem:v59+s7+$0x0] =	vst.idx.msk $0xffff, v60;
	v34 =	vld [tilespmem:$0x1F420]  }
0x353: {  	vm6 =	veq.f32 v28, v56;
	[tilespmem:v63+s7+$0x0] =	vst.idx.msk $0xffff, v31;
	v31 =	vld [tilespmem:$0x1F410]  }
0x354: {  	v42 =	vsel vm6, $0x1, v62;
	v59 =	vld [tilespmem:$0x1F4B0]  }
0x355: {  	vm3 =	vlt.s32 v14, v0;
	vm12 =	veq.f32 v30, v56;
	v14 =	vadd.s32 v42, v18;
	v42 =	vld [tilespmem:$0x1F440]  }
0x356: {  	v61 =	vsel vm12, $0x1, v62;
	v60 =	vld [tilespmem:$0x1F4C0]  }
0x357: {  	vm15 =	vlt.s32 v14, v0;
	v14 =	vadd.s32 v61, v14;
	v61 =	vld [tilespmem:$0x1F4D0]  }
0x358: {  	v63 =	vmul.f32 v1, v26;
	[tilespmem:v32+s7+$0x0] =	vst.idx.msk $0xffff, v33;
	v33 =	vld [tilespmem:$0x1F4F0];
	vm7 =	veq.f32 v31, v56  }
0x359: {  	vm4 =	vlt.s32 v14, v0;
	vm13 =	vnez.u8 v59;
	v59 =	vld [tilespmem:$0x1F580];
	v41 =	vsel vm7, $0x1, v62  }
0x35a: {  	vm0 =	vmand vm0, vm13;
	vm13 =	vgt.f32 v26, v56;
	v14 =	vadd.s32 v41, v14;
	v41 =	vld [tilespmem:$0x1F460]  }
0x35b: {  	vm9 =	vmor vm13, vm0;
	[tilespmem:v34+s7+$0x0] =	vst.idx.msk $0xffff, v35;
	v34 =	vld [tilespmem:$0x1F500]  }
0x35c: {  	vm11 =	vlt.s32 v18, v0;
	v18 =	vnsel vm9, $0x0, v63;
	v63 =	vld [tilespmem:$0x1F5C0]  }
0x35d: {  	[tilespmem:v42+s7+$0x0] =	vst.idx.msk $0xffff, v43;
	v43 =	vld [tilespmem:$0x1F4E0]  }
0x35e: {  	v42 =	vld [tilespmem:$0x1F530]  }
0x35f: {  	[tilespmem:v44+s7+$0x0] =	vst.idx.msk $0xffff, v45;
	v44 =	vld [tilespmem:$0x1F540]  }
0x360: {  	v45 =	vld [tilespmem:$0x1F560];
	[tilespmem:v49+s7+$0x0] =	vst.idx.msk $0xffff, v58  }
0x361: {  	[tilespmem:v60+s7+$0x0] =	vst.idx.msk $0xffff, v61;
	v60 =	vld [tilespmem:$0x1F590]  }
0x362: {  	v61 =	vld [tilespmem:$0x1F5B0]  }
0x363: {  	[tilespmem:v33+s7+$0x0] =	vst.idx.msk $0xffff, v34;
	v33 =	vld [tilespmem:$0x1F550]  }
0x364: {  	v32 =	vmul.f32 v1, v25;
	v34 =	vld [tilespmem:$0x1F5A0]  }
0x365: {  	vm3 =	vmand vm5, vm3;
	vm13 =	vgt.f32 v25, v56;
	vm2 =	veq.f32 v41, v56;
	[tilespmem:v37+s7+$0x0] =	vst.idx.msk $0xffff, v40;
	v37 =	vld [tilespmem:$0x1F5E0]  }
0x366: {  	vm3 =	vmor vm13, vm3;
	v46 =	vsel vm2, $0x1, v62;
	vm0 =	veq.f32 v43, v56;
	v40 =	vld [tilespmem:$0x1F5F0]  }
0x367: {  	vm14 =	vlt.s32 v14, v0;
	v14 =	vadd.s32 v46, v14;
	v35 =	vsel vm0, $0x1, v62;
	v46 =	vld [tilespmem:$0x1F570]  }
0x368: {  	v24 =	vnsel vm3, $0x0, v32;
	vm5 =	vlt.s32 v14, v0;
	v14 =	vadd.s32 v35, v14;
	v35 =	vld [tilespmem:$0x1F5D0]  }
0x369: {  	vm3 =	vmand vm8, vm10;
	vm8 =	vgt.f32 v27, v56;
	v49 =	vmul.f32 v1, v27;
	[tilespmem:v42+s7+$0x0] =	vst.idx.msk $0xffff, v44;
	v42 =	vld [tilespmem:$0x1F600]  }
0x36a: {  	vm8 =	vmor vm8, vm3;
	v44 =	vld [tilespmem:$0x1F610]  }
0x36b: {  	v21 =	vnsel vm8, $0x0, v49;
	v49 =	vmul.f32 v1, v29;
	vm9 =	vnez.u8 v40;
	v40 =	vld [tilespmem:$0x1F6A0]  }
0x36c: {  	vm10 =	veq.f32 v33, v56;
	vm3 =	veq.f32 v34, v56;
	[tilespmem:v45+s7+$0x0] =	vst.idx.msk $0xffff, v46;
	v45 =	vld [tilespmem:$0x1F620]  }
0x36d: {  	vm13 =	vlt.s32 v14, v0;
	v58 =	vsel vm10, $0x1, v62;
	v32 =	vsel vm3, $0x1, v62;
	v46 =	vld [tilespmem:$0x1F630]  }
0x36e: {  	v14 =	vadd.s32 v58, v14;
	vm1 =	vmand vm1, vm9;
	vm9 =	vgt.f32 v29, v56;
	v58 =	vld [tilespmem:$0x1F650]  }
0x36f: {  	[tilespmem:v59+s7+$0x0] =	vst.idx.msk $0xffff, v60;
	vm8 =	vlt.s32 v14, v0;
	v14 =	vadd.s32 v32, v14;
	v59 =	vld [tilespmem:$0x1F660]  }
0x370: {  	vm9 =	vmor vm9, vm1;
	vm1 =	vmand vm6, vm11;
	vm11 =	vgt.f32 v28, v56;
	v32 =	vld [tilespmem:$0x1F670];
	[tilespmem:v61+s7+$0x0] =	vst.idx.msk $0xffff, v63  }
0x371: {  	vm6 =	vmor vm11, vm1;
	vm11 =	vlt.s32 v14, v0;
	v61 =	vimm.s32 $0x0;
	[tilespmem:v35+s7+$0x0] =	vst.idx.msk $0xffff, v37;
	v35 =	vld [tilespmem:$0x1F680]  }
0x372: {  	v27 =	vsel vm11, $0xFFFFFFFF, v61;
	v37 =	vld [tilespmem:$0x1F690]  }
0x373: {  	[tilespmem:$0x1F960] =	vst v27;
	v27 =	vnsel vm9, $0x0, v49;
	v49 =	vld [tilespmem:$0x1F6F0]  }
0x374: {  	[tilespmem:v42+s7+$0x0] =	vst.idx.msk $0xffff, v44;
	v44 =	vld [tilespmem:$0x1F640]  }
0x375: {  	v42 =	vld [tilespmem:$0x1F6B0]  }
0x376: {  	[tilespmem:v45+s7+$0x0] =	vst.idx.msk $0xffff, v46;
	v46 =	vld [tilespmem:$0x1F6E0]  }
0x377: {  	v45 =	vld [tilespmem:$0x1F6C0]  }
0x378: {  	[tilespmem:v58+s7+$0x0] =	vst.idx.msk $0xffff, v59;
	v59 =	vld [tilespmem:$0x1F710]  }
0x379: {  	v60 =	vmul.f32 v1, v28;
	vm1 =	veq.f32 v44, v56;
	[tilespmem:v32+s7+$0x0] =	vst.idx.msk $0xffff, v35;
	v35 =	vld [tilespmem:$0x1F6D0]  }
0x37a: {  	v63 =	vsel vm1, $0x1, v62;
	[tilespmem:v37+s7+$0x0] =	vst.idx.msk $0xffff, v40;
	v37 =	vld [tilespmem:$0x1F700]  }
0x37b: {  	v28 =	vadd.s32 v63, v14;
	v14 =	vnsel vm6, $0x0, v60;
	v60 =	vld [tilespmem:$0x1F720]  }
0x37c: {  	v40 =	vld [tilespmem:$0x1F730]  }
0x37d: {  	[tilespmem:v42+s7+$0x0] =	vst.idx.msk $0xffff, v45;
	v45 =	vld [tilespmem:$0x1F750]  }
0x37e: {  	vm7 =	vmand vm7, vm4;
	vm11 =	vmand vm12, vm15;
	[tilespmem:v46+s7+$0x0] =	vst.idx.msk $0xffff, v49;
	v49 =	vld [tilespmem:$0x1F770]  }
0x37f: {  	vm12 =	vgt.f32 v30, v56;
	v61 =	vmul.f32 v1, v31;
	v42 =	vld [tilespmem:$0x1F740];
	vm15 =	veq.f32 v35, v56  }
0x380: {  	vm9 =	vmor vm12, vm11;
	vm12 =	vgt.f32 v31, v56;
	v58 =	vsel vm15, $0x1, v62;
	v46 =	vld [tilespmem:$0x1F760]  }
0x381: {  	vm11 =	vmor vm12, vm7;
	vm4 =	veq.f32 v37, v56;
	v26 =	vadd.s32 v58, v28;
	v58 =	vld [tilespmem:$0x1F780]  }
0x382: {  	vm6 =	vlt.s32 v28, v0;
	[tilespmem:v59+s7+$0x0] =	vst.idx.msk $0xffff, v60;
	v60 =	vld [tilespmem:$0x1F7A0];
	v63 =	vsel vm4, $0x1, v62;
	vm7 =	vlt.s32 v26, v0  }
0x383: {  	v59 =	vmovc v41;
	v28 =	vadd.s32 v63, v26;
	v26 =	vnsel vm11, $0x0, v61;
	vm11 =	vgt.f32 v41, v56;
	v41 =	vld [tilespmem:$0x1F790]  }
0x384: {  	v25 =	vmul.f32 v1, v30;
	v61 =	vld [tilespmem:$0x1F7B0];
	[tilespmem:v40+s7+$0x0] =	vst.idx.msk $0xffff, v42  }
0x385: {  	v63 =	vmul.f32 v1, v59;
	v59 =	vld [tilespmem:$0x1F7F0];
	[tilespmem:v45+s7+$0x0] =	vst.idx.msk $0xffff, v46  }
0x386: {  	v40 =	vnsel vm9, $0x0, v25;
	vm9 =	vmand vm2, vm14;
	[tilespmem:v49+s7+$0x0] =	vst.idx.msk $0xffff, v58;
	v49 =	vld [tilespmem:$0x1F7C0]  }
0x387: {  	v42 =	vld [tilespmem:$0x1F7E0];
	vm11 =	vmor vm11, vm9  }
0x388: {  	v25 =	vnsel vm11, $0x0, v63;
	v63 =	vld [tilespmem:$0x1F810]  }
0x389: {  	vm2 =	veq.f32 v41, v56;
	v58 =	vld [tilespmem:$0x1F7D0]  }
0x38a: {  	[tilespmem:v60+s7+$0x0] =	vst.idx.msk $0xffff, v61;
	v46 =	vsel vm2, $0x1, v62;
	v60 =	vld [tilespmem:$0x1F800]  }
0x38b: {  	vm12 =	vlt.s32 v28, v0;
	v45 =	vimm.s32 $0x0;
	v28 =	vadd.s32 v46, v28;
	v46 =	vld [tilespmem:$0x1F830]  }
0x38c: {  	v29 =	vsel vm12, $0xFFFFFFFF, v45;
	v45 =	vld [tilespmem:$0x1F820];
	_ =	sdelay $0x1  }
0x38d: {  	[tilespmem:v49+s7+$0x0] =	vst.idx.msk $0xffff, v58;
	v49 =	vld [tilespmem:$0x1F840];
	_ =	sdelay $0x1  }
0x38e: {  	vm9 =	veq.f32 v42, v56;
	[tilespmem:v59+s7+$0x0] =	vst.idx.msk $0xffff, v60;
	v60 =	vld [tilespmem:$0x1F860]  }
0x38f: {  	v61 =	vsel vm9, $0x1, v62;
	[tilespmem:v63+s7+$0x0] =	vst.idx.msk $0xffff, v45;
	v45 =	vld [tilespmem:$0x1F880]  }
0x390: {  	vm0 =	vmand vm0, vm5;
	vm11 =	vlt.s32 v28, v0;
	v28 =	vadd.s32 v61, v28;
	v61 =	vld [tilespmem:$0x1F870]  }
0x391: {  	vm10 =	vmand vm10, vm13;
	vm14 =	vgt.f32 v43, v56;
	v58 =	vmul.f32 v1, v43;
	[tilespmem:v46+s7+$0x0] =	vst.idx.msk $0xffff, v49;
	v49 =	vld [tilespmem:$0x1F8A0]  }
0x392: {  	vm0 =	vmor vm14, vm0;
	vm12 =	vgt.f32 v33, v56;
	v59 =	vmul.f32 v1, v33;
	v46 =	vld [tilespmem:$0x1F890]  }
0x393: {  	vm10 =	vmor vm12, vm10;
	v32 =	vnsel vm0, $0x0, v58;
	v58 =	vld [tilespmem:$0x1F8B0]  }
0x394: {  	[tilespmem:$0x1FA40] =	vst v29;
	v29 =	vnsel vm10, $0x0, v59;
	v59 =	vld [tilespmem:$0x1F8D0];
	_ =	sdelay $0x1  }
0x395: {  	[tilespmem:v60+s7+$0x0] =	vst.idx.msk $0xffff, v61;
	v60 =	vld [tilespmem:$0x1F8E0]  }
0x396: {  	[tilespmem:v45+s7+$0x0] =	vst.idx.msk $0xffff, v46;
	v45 =	vld [tilespmem:$0x1F8F0]  }
0x397: {  	v43 =	vld [tilespmem:$0x1F850]  }
0x398: {  	[tilespmem:v49+s7+$0x0] =	vst.idx.msk $0xffff, v58;
	v58 =	vld [tilespmem:$0x1F920]  }
0x399: {  	v49 =	vld [tilespmem:$0x1F900]  }
0x39a: {  	v46 =	vld [tilespmem:$0x1F8C0]  }
0x39b: {  	vm8 =	vmand vm3, vm8;
	vm12 =	vgt.f32 v34, v56;
	v61 =	vmul.f32 v1, v34;
	[tilespmem:v59+s7+$0x0] =	vst.idx.msk $0xffff, v60;
	v59 =	vld [tilespmem:$0x1F930]  }
0x39c: {  	vm10 =	vmor vm12, vm8  }
0x39d: {  	v33 =	vnsel vm10, $0x0, v61;
	v61 =	vld [tilespmem:$0x1F940]  }
0x39e: {  	vm5 =	veq.f32 v43, v56;
	[tilespmem:v45+s7+$0x0] =	vst.idx.msk $0xffff, v49;
	v45 =	vld [tilespmem:$0x1F910]  }
0x39f: {  	v63 =	vsel vm5, $0x1, v62;
	vm0 =	veq.f32 v46, v56;
	v49 =	vld [tilespmem:$0x1F960]  }
0x3a0: {  	vm14 =	vlt.s32 v28, v0;
	v28 =	vadd.s32 v63, v28;
	v63 =	vsel vm0, $0x1, v62;
	[tilespmem:v58+s7+$0x0] =	vst.idx.msk $0xffff, v59;
	v58 =	vld [tilespmem:$0x1F970]  }
0x3a1: {  	vm3 =	vlt.s32 v28, v0;
	v28 =	vadd.s32 v63, v28;
	v63 =	vld [tilespmem:$0x1F950];
	_ =	sdelay $0x1  }
0x3a2: {  	v59 =	vld [tilespmem:$0x1F980];
	_ =	sdelay $0x1  }
0x3a3: {  	vm10 =	vmand vm15, vm6;
	vm8 =	veq.f32 v45, v56;
	vm13 =	vnez.u8 v49  }
0x3a4: {  	vm12 =	vlt.s32 v28, v0;
	[tilespmem:v61+s7+$0x0] =	vst.idx.msk $0xffff, v63;
	v63 =	vld [tilespmem:$0x1F9A0];
	v60 =	vsel vm8, $0x1, v62;
	vm1 =	vmand vm1, vm13  }
0x3a5: {  	vm13 =	vgt.f32 v44, v56;
	v28 =	vadd.s32 v60, v28;
	v60 =	vmul.f32 v1, v44;
	v44 =	vld [tilespmem:$0x1F9B0]  }
0x3a6: {  	v61 =	vmul.f32 v1, v35;
	vm1 =	vmor vm13, vm1;
	vm13 =	vgt.f32 v35, v56;
	[tilespmem:v58+s7+$0x0] =	vst.idx.msk $0xffff, v59;
	v59 =	vld [tilespmem:$0x1F9C0]  }
0x3a7: {  	vm10 =	vmor vm13, vm10;
	v34 =	vnsel vm1, $0x0, v60;
	v60 =	vld [tilespmem:$0x1F9D0]  }
0x3a8: {  	v30 =	vnsel vm10, $0x0, v61;
	v61 =	vld [tilespmem:$0x1F9F0];
	_ =	sdelay $0x4  }
0x3a9: {  	[tilespmem:v63+s7+$0x0] =	vst.idx.msk $0xffff, v44  }
0x3aa: {  	[tilespmem:v59+s7+$0x0] =	vst.idx.msk $0xffff, v48  }
0x3ab: {  	[tilespmem:v60+s7+$0x0] =	vst.idx.msk $0xffff, v47  }
0x3ac: {  	[tilespmem:v61+s7+$0x0] =	vst.idx.msk $0xffff, v50;
	v50 =	vld [tilespmem:$0x1FA00];
	_ =	sdelay $0x3  }
0x3ad: {  	v49 =	vld [tilespmem:$0x1F990];
	_ =	sdelay $0x2  }
0x3ae: {  	v48 =	vld [tilespmem:$0x1F9E0]  }
0x3af: {  	[tilespmem:v50+s7+$0x0] =	vst.idx.msk $0xffff, v51;
	v51 =	vld [tilespmem:$0x1FA20]  }
0x3b0: {  	vm6 =	veq.f32 v49, v56  }
0x3b1: {  	vm4 =	vmand vm4, vm7;
	v58 =	vsel vm6, $0x1, v62;
	v59 =	vld [tilespmem:$0x1FA40]  }
0x3b2: {  	vm7 =	vgt.f32 v37, v56;
	vm15 =	vlt.s32 v28, v0;
	v28 =	vadd.s32 v58, v28;
	v58 =	vld [tilespmem:$0x1FA30]  }
0x3b3: {  	vm4 =	vmor vm7, vm4  }
0x3b4: {  	vm7 =	vgt.f32 v42, v56;
	v63 =	vmul.f32 v1, v37;
	vm1 =	veq.f32 v48, v56  }
0x3b5: {  	v44 =	vimm.s32 $0x0;
	vm13 =	vlt.s32 v28, v0;
	v60 =	vld [tilespmem:$0x1FA50];
	v47 =	vsel vm1, $0x1, v62  }
0x3b6: {  	v31 =	vnsel vm4, $0x0, v63;
	vm4 =	vnez.u8 v59;
	v28 =	vadd.s32 v47, v28;
	v47 =	vld [tilespmem:$0x1FA10]  }
0x3b7: {  	v35 =	vsel vm13, $0xFFFFFFFF, v44;
	vm2 =	vmand vm2, vm4;
	vm4 =	vgt.f32 v41, v56;
	[tilespmem:v51+s7+$0x0] =	vst.idx.msk $0xffff, v53;
	v51 =	vld [tilespmem:$0x1FA70]  }
0x3b8: {  	v63 =	vmul.f32 v1, v42;
	v44 =	vld [tilespmem:$0x1FA60];
	vm2 =	vmor vm4, vm2;
	vm4 =	vmand vm9, vm11  }
0x3b9: {  	[tilespmem:$0x1FBB0] =	vst v35;
	vm7 =	vmor vm7, vm4  }
0x3ba: {  	v35 =	vnsel vm7, $0x0, v63;
	vm7 =	vmand vm5, vm14;
	vm14 =	vgt.f32 v43, v56;
	[tilespmem:v58+s7+$0x0] =	vst.idx.msk $0xffff, v52;
	v58 =	vmovc v43;
	v43 =	vld [tilespmem:$0x1FAB0]  }
0x3bb: {  	vm10 =	veq.f32 v47, v56  }
0x3bc: {  	v61 =	vmul.f32 v1, v41;
	v53 =	vsel vm10, $0x1, v62  }
0x3bd: {  	vm9 =	veq.f32 v44, v56;
	vm13 =	vlt.s32 v28, v0;
	v28 =	vadd.s32 v53, v28;
	v53 =	vld [tilespmem:$0x1FA80]  }
0x3be: {  	v52 =	vsel vm9, $0x1, v62;
	[tilespmem:v60+s7+$0x0] =	vst.idx.msk $0xffff, v54;
	vm4 =	vlt.s32 v28, v0;
	v54 =	vld [tilespmem:$0x1FA90]  }
0x3bf: {  	v41 =	vadd.s32 v52, v28;
	v28 =	vnsel vm2, $0x0, v61;
	vm2 =	veq.f32 v43, v56;
	[tilespmem:v51+s7+$0x0] =	vst.idx.msk $0xffff, v55;
	v55 =	vld [tilespmem:$0x1FAA0]  }
0x3c0: {  	v61 =	vld [tilespmem:$0x1FAC0];
	v60 =	vsel vm2, $0x1, v62  }
0x3c1: {  	vm5 =	vlt.s32 v41, v0;
	v63 =	vadd.s32 v60, v41;
	v41 =	vld [tilespmem:$0x1FAE0]  }
0x3c2: {  	v51 =	vld [tilespmem:$0x1FAF0]  }
0x3c3: {  	v52 =	vld [tilespmem:$0x1FB00];
	_ =	sdelay $0x1  }
0x3c4: {  	[tilespmem:v2+s7+$0x0] =	vst.idx.msk $0xffff, v4  }
0x3c5: {  	v42 =	vld [tilespmem:$0x1FAD0];
	[tilespmem:v53+s7+$0x0] =	vst.idx.msk $0xffff, v54  }
0x3c6: {  	v59 =	vmul.f32 v1, v58;
	[tilespmem:v55+s7+$0x0] =	vst.idx.msk $0xffff, v57;
	v55 =	vld [tilespmem:$0x1FB20]  }
0x3c7: {  	vm11 =	vmor vm14, vm7;
	v58 =	vld [tilespmem:$0x1FB30];
	[tilespmem:v61+s7+$0x0] =	vst.idx.msk $0xffff, v3  }
0x3c8: {  	v2 =	vnsel vm11, $0x0, v59;
	v59 =	vld [tilespmem:$0x1FB40];
	[tilespmem:v41+s7+$0x0] =	vst.idx.msk $0xffff, v5  }
0x3c9: {  	[tilespmem:v51+s7+$0x0] =	vst.idx.msk $0xffff, v9  }
0x3ca: {  	[tilespmem:v52+s7+$0x0] =	vst.idx.msk $0xffff, v38;
	v38 =	vld [tilespmem:$0x1FB10];
	_ =	sdelay $0x1  }
0x3cb: {  	vm7 =	veq.f32 v42, v56  }
0x3cc: {  	vm0 =	vmand vm0, vm3;
	v50 =	vsel vm7, $0x1, v62;
	v60 =	vld [tilespmem:$0x1FB60]  }
0x3cd: {  	vm3 =	vmand vm8, vm12;
	vm11 =	vgt.f32 v46, v56;
	v3 =	vadd.s32 v50, v63;
	v50 =	vld [tilespmem:$0x1FBB0];
	[tilespmem:v55+s7+$0x0] =	vst.idx.msk $0xffff, v8  }
0x3ce: {  	vm12 =	vgt.f32 v45, v56;
	vm0 =	vmor vm11, vm0;
	v41 =	vld [tilespmem:$0x1FB90];
	vm11 =	veq.f32 v38, v56;
	[tilespmem:v58+s7+$0x0] =	vst.idx.msk $0xffff, v36  }
0x3cf: {  	vm3 =	vmor vm12, vm3;
	v54 =	vmul.f32 v1, v45;
	v57 =	vsel vm11, $0x1, v62;
	[tilespmem:v59+s7+$0x0] =	vst.idx.msk $0xffff, v39;
	v39 =	vld [tilespmem:$0x1FB70]  }
0x3d0: {  	v61 =	vmul.f32 v1, v49;
	vm12 =	vlt.s32 v3, v0;
	v51 =	vld [tilespmem:$0x1FBC0];
	v8 =	vadd.s32 v57, v3  }
0x3d1: {  	v3 =	vnsel vm3, $0x0, v54;
	vm3 =	vmand vm6, vm15;
	vm15 =	vgt.f32 v49, v56;
	v49 =	vld [tilespmem:$0x1FBA0]  }
0x3d2: {  	v36 =	vld [tilespmem:$0x1FB50]  }
0x3d3: {  	v54 =	vld [tilespmem:$0x1FBE0]  }
0x3d4: {  	v57 =	vld [tilespmem:$0x1FBF0]  }
0x3d5: {  	v53 =	vmul.f32 v1, v46;
	v58 =	vld [tilespmem:$0x1FC00]  }
0x3d6: {  	v59 =	vld [tilespmem:$0x1FC20];
	[tilespmem:v60+s7+$0x0] =	vst.idx.msk $0xffff, v6  }
0x3d7: {  	vm14 =	vlt.s32 v63, v0;
	v4 =	vnsel vm0, $0x0, v53;
	v52 =	vmul.f32 v1, v48;
	[tilespmem:v39+s7+$0x0] =	vst.idx.msk $0xffff, v11  }
0x3d8: {  	v45 =	vld [tilespmem:$0x1FB80];
	vm8 =	vmor vm15, vm3;
	vm15 =	vnez.u8 v50;
	vm0 =	veq.f32 v36, v56;
	[tilespmem:v41+s7+$0x0] =	vst.idx.msk $0xffff, v10  }
0x3d9: {  	vm1 =	vmand vm1, vm15;
	vm15 =	vgt.f32 v48, v56;
	v48 =	vld [tilespmem:$0x1FCA0];
	v63 =	vsel vm0, $0x1, v62;
	[tilespmem:v49+s7+$0x0] =	vst.idx.msk $0xffff, v12  }
0x3da: {  	v6 =	vadd.s32 v63, v8;
	v63 =	vld [tilespmem:$0x1FC30];
	[tilespmem:v51+s7+$0x0] =	vst.idx.msk $0xffff, v17  }
0x3db: {  	v41 =	vld [tilespmem:$0x1FBD0];
	[tilespmem:v54+s7+$0x0] =	vst.idx.msk $0xffff, v15  }
0x3dc: {  	v12 =	vld [tilespmem:$0x1FC50];
	[tilespmem:v57+s7+$0x0] =	vst.idx.msk $0xffff, v7  }
0x3dd: {  	vm3 =	veq.f32 v45, v56;
	v15 =	vld [tilespmem:$0x1FC60];
	[tilespmem:v58+s7+$0x0] =	vst.idx.msk $0xffff, v13  }
0x3de: {  	v46 =	vsel vm3, $0x1, v62;
	[tilespmem:v59+s7+$0x0] =	vst.idx.msk $0xffff, v16;
	v16 =	vld [tilespmem:$0x1FC70]  }
0x3df: {  	v5 =	vnsel vm8, $0x0, v61;
	vm8 =	vlt.s32 v6, v0;
	v6 =	vadd.s32 v46, v6;
	v46 =	vld [tilespmem:$0x1FC90]  }
0x3e0: {  	v49 =	vld [tilespmem:$0x1FCB0]  }
0x3e1: {  	v17 =	vld [tilespmem:$0x1FC10]  }
0x3e2: {  	vm15 =	vmor vm15, vm1;
	v51 =	vld [tilespmem:$0x1FCD0];
	vm1 =	veq.f32 v41, v56  }
0x3e3: {  	vm10 =	vmand vm10, vm13;
	vm13 =	vgt.f32 v47, v56;
	v54 =	vld [tilespmem:$0x1FCE0];
	v55 =	vsel vm1, $0x1, v62;
	[tilespmem:v63+s7+$0x0] =	vst.idx.msk $0xffff, v19  }
0x3e4: {  	vm13 =	vmor vm13, vm10;
	vm10 =	vlt.s32 v6, v0;
	v6 =	vadd.s32 v55, v6;
	v55 =	vld [tilespmem:$0x1FD00];
	[tilespmem:v12+s7+$0x0] =	vst.idx.msk $0xffff, v22  }
0x3e5: {  	vm2 =	vmand vm2, vm5;
	vm5 =	vgt.f32 v43, v56;
	v58 =	vld [tilespmem:$0x1FD10];
	[tilespmem:v15+s7+$0x0] =	vst.idx.msk $0xffff, v20  }
0x3e6: {  	vm2 =	vmor vm5, vm2;
	v59 =	vld [tilespmem:$0x1FD20];
	[tilespmem:v16+s7+$0x0] =	vst.idx.msk $0xffff, v23  }
0x3e7: {  	vm5 =	vmand vm7, vm14;
	vm14 =	vgt.f32 v42, v56;
	v53 =	vmul.f32 v1, v47;
	[tilespmem:v46+s7+$0x0] =	vst.idx.msk $0xffff, v18  }
0x3e8: {  	vm4 =	vmand vm9, vm4;
	vm6 =	vlt.s32 v8, v0;
	v50 =	vld [tilespmem:$0x1FCC0];
	v60 =	vmul.f32 v1, v44;
	[tilespmem:v48+s7+$0x0] =	vst.idx.msk $0xffff, v24  }
0x3e9: {  	vm0 =	vmand vm0, vm6;
	v39 =	vld [tilespmem:$0x1FC40];
	v7 =	vnsel vm15, $0x0, v52;
	vm15 =	vgt.f32 v44, v56;
	[tilespmem:v49+s7+$0x0] =	vst.idx.msk $0xffff, v21  }
0x3ea: {  	vm6 =	vgt.f32 v36, v56;
	v44 =	vld [tilespmem:$0x1FC80];
	vm4 =	vmor vm15, vm4;
	vm9 =	veq.f32 v17, v56;
	[tilespmem:v51+s7+$0x0] =	vst.idx.msk $0xffff, v27  }
0x3eb: {  	v9 =	vnsel vm4, $0x0, v60;
	v60 =	vmul.f32 v1, v36;
	v36 =	vld [tilespmem:$0x1FDA0];
	v61 =	vsel vm9, $0x1, v62;
	[tilespmem:v54+s7+$0x0] =	vst.idx.msk $0xffff, v14  }
0x3ec: {  	v8 =	vnsel vm13, $0x0, v53;
	vm13 =	vlt.s32 v6, v0;
	v6 =	vadd.s32 v61, v6;
	v61 =	vld [tilespmem:$0x1FD30];
	[tilespmem:v55+s7+$0x0] =	vst.idx.msk $0xffff, v40  }
0x3ed: {  	v19 =	vmul.f32 v1, v43;
	v43 =	vmul.f32 v1, v42;
	v23 =	vld [tilespmem:$0x1FD50];
	[tilespmem:v58+s7+$0x0] =	vst.idx.msk $0xffff, v26  }
0x3ee: {  	vm5 =	vmor vm14, vm5;
	v52 =	vmul.f32 v1, v38;
	[tilespmem:v59+s7+$0x0] =	vst.idx.msk $0xffff, v25;
	v25 =	vld [tilespmem:$0x1FD60]  }
0x3ef: {  	vm15 =	veq.f32 v39, v56;
	v11 =	vnsel vm5, $0x0, v43;
	vm5 =	vgt.f32 v38, v56;
	v38 =	vld [tilespmem:$0x1FDB0]  }
0x3f0: {  	v13 =	vsel vm15, $0x1, v62;
	vm7 =	veq.f32 v44, v56;
	v43 =	vld [tilespmem:$0x1FDE0]  }
0x3f1: {  	v10 =	vnsel vm2, $0x0, v19;
	vm2 =	vmand vm11, vm12;
	vm11 =	veq.f32 v50, v56;
	v26 =	vld [tilespmem:$0x1FD70]  }
0x3f2: {  	vm4 =	vlt.s32 v6, v0;
	v6 =	vadd.s32 v13, v6;
	v47 =	vsel vm7, $0x1, v62;
	v20 =	vld [tilespmem:$0x1FD40]  }
0x3f3: {  	v53 =	vsel vm11, $0x1, v62;
	vm14 =	vlt.s32 v6, v0;
	v6 =	vadd.s32 v47, v6;
	v47 =	vld [tilespmem:$0x1FE10]  }
0x3f4: {  	vm12 =	vlt.s32 v6, v0;
	v6 =	vadd.s32 v53, v6;
	v53 =	vld [tilespmem:$0x1FE40];
	[tilespmem:v61+s7+$0x0] =	vst.idx.msk $0xffff, v32  }
0x3f5: {  	vm0 =	vmor vm6, vm0;
	vm6 =	vgt.f32 v45, v56;
	vm8 =	vmand vm3, vm8;
	[tilespmem:v23+s7+$0x0] =	vst.idx.msk $0xffff, v29;
	v29 =	vld [tilespmem:$0x1FD80]  }
0x3f6: {  	vm8 =	vmor vm6, vm8;
	v63 =	vmul.f32 v1, v45;
	[tilespmem:v25+s7+$0x0] =	vst.idx.msk $0xffff, v33;
	v33 =	vld [tilespmem:$0x1FD90]  }
0x3f7: {  	vm5 =	vmor vm5, vm2;
	v13 =	vnsel vm0, $0x0, v60;
	vm0 =	vmand vm1, vm10;
	v46 =	vld [tilespmem:$0x1FE00]  }
0x3f8: {  	vm4 =	vmand vm15, vm4;
	vm15 =	vgt.f32 v39, v56;
	v21 =	vld [tilespmem:$0x1FCF0];
	v14 =	vnsel vm8, $0x0, v63  }
0x3f9: {  	vm8 =	vmand vm9, vm13;
	vm13 =	vgt.f32 v17, v56;
	[tilespmem:v26+s7+$0x0] =	vst.idx.msk $0xffff, v34;
	v34 =	vmul.f32 v1, v39;
	v39 =	vld [tilespmem:$0x1FDC0]  }
0x3fa: {  	vm1 =	vgt.f32 v41, v56;
	v27 =	vmul.f32 v1, v41;
	v41 =	vld [tilespmem:$0x1FDD0];
	vm9 =	vmor vm13, vm8  }
0x3fb: {  	vm13 =	vmand vm7, vm14;
	vm14 =	vgt.f32 v44, v56;
	v40 =	vmul.f32 v1, v44;
	v44 =	vld [tilespmem:$0x1FDF0]  }
0x3fc: {  	v42 =	vmovc v50;
	v12 =	vnsel vm5, $0x0, v52;
	vm4 =	vmor vm15, vm4;
	vm15 =	vgt.f32 v50, v56;
	v49 =	vld [tilespmem:$0x1FE20]  }
0x3fd: {  	vm0 =	vmor vm1, vm0;
	v50 =	vld [tilespmem:$0x1FE30];
	vm5 =	vlt.s32 v6, v0;
	vm2 =	veq.f32 v21, v56;
	[tilespmem:v29+s7+$0x0] =	vst.idx.msk $0xffff, v30  }
0x3fe: {  	vm10 =	veq.f32 v43, v56;
	vm3 =	veq.f32 v20, v56;
	v54 =	vld [tilespmem:$0x1FE50];
	v57 =	vsel vm2, $0x1, v62;
	[tilespmem:v33+s7+$0x0] =	vst.idx.msk $0xffff, v31  }
0x3ff: {  	v45 =	vsel vm10, $0x1, v62;
	v24 =	vsel vm3, $0x1, v62;
	v6 =	vadd.s32 v57, v6;
	v57 =	vld [tilespmem:$0x1FE60];
	[tilespmem:v36+s7+$0x0] =	vst.idx.msk $0xffff, v28  }
0x400: {  	v15 =	vnsel vm0, $0x0, v27;
	vm7 =	veq.f32 v46, v56;
	vm0 =	veq.f32 v53, v56;
	v59 =	vld [tilespmem:$0x1FE70];
	[tilespmem:v38+s7+$0x0] =	vst.idx.msk $0xffff, v35  }
0x401: {  	v32 =	vmul.f32 v1, v17;
	v61 =	vld [tilespmem:$0x1FE80];
	v17 =	vnsel vm4, $0x0, v34;
	vm4 =	veq.f32 v49, v56;
	[tilespmem:v39+s7+$0x0] =	vst.idx.msk $0xffff, v2  }
0x402: {  	v48 =	vsel vm7, $0x1, v62;
	v55 =	vsel vm0, $0x1, v62;
	v51 =	vsel vm4, $0x1, v62;
	v62 =	vld [tilespmem:$0x1FE90];
	[tilespmem:v41+s7+$0x0] =	vst.idx.msk $0xffff, v4  }
0x403: {  	[tilespmem:v44+s7+$0x0] =	vst.idx.msk $0xffff, v3  }
0x404: {  	[tilespmem:v47+s7+$0x0] =	vst.idx.msk $0xffff, v5  }
0x405: {  	v52 =	vmul.f32 v1, v42;
	vm12 =	vmand vm11, vm12;
	[tilespmem:v50+s7+$0x0] =	vst.idx.msk $0xffff, v7  }
0x406: {  	vm12 =	vmor vm15, vm12;
	vm15 =	vgt.f32 v43, v56;
	v26 =	vld [tilespmem:$0x1FED0];
	[tilespmem:v54+s7+$0x0] =	vst.idx.msk $0xffff, v8  }
0x407: {  	v60 =	vnsel vm12, $0x0, v52;
	v58 =	vimm.s32 $0x0;
	vm13 =	vmor vm14, vm13;
	v29 =	vld [tilespmem:$0x1FEF0];
	[tilespmem:v57+s7+$0x0] =	vst.idx.msk $0xffff, v9  }
0x408: {  	v42 =	vld [tilespmem:$0x1FF50];
	v63 =	vmul.f32 v1, v21;
	vm2 =	vmand vm2, vm5;
	vm6 =	vlt.s32 v6, v0;
	[tilespmem:v59+s7+$0x0] =	vst.idx.msk $0xffff, v10  }
0x409: {  	v27 =	vld [tilespmem:$0x1FEE0];
	v6 =	vadd.s32 v24, v6;
	v16 =	vnsel vm9, $0x0, v32;
	v32 =	vmul.f32 v1, v43;
	[tilespmem:v61+s7+$0x0] =	vst.idx.msk $0xffff, v11  }
0x40a: {  	vm11 =	vlt.s32 v6, v0;
	vm3 =	vmand vm3, vm6;
	vm6 =	vgt.f32 v20, v56;
	[tilespmem:v62+s7+$0x0] =	vst.idx.msk $0xffff, v12;
	v12 =	vld [tilespmem:$0x1FEA0]  }
0x40b: {  	v24 =	vld [tilespmem:$0x1FEC0];
	v20 =	vmul.f32 v1, v20;
	vm14 =	vmor vm6, vm3;
	vm11 =	vmand vm10, vm11  }
0x40c: {  	vm15 =	vmor vm15, vm11;
	v30 =	vld [tilespmem:$0x1FF00];
	vm3 =	veq.f32 v26, v56;
	vm5 =	veq.f32 v29, v56  }
0x40d: {  	v34 =	vld [tilespmem:$0x1FF20];
	v36 =	vnsel vm14, $0x0, v20;
	vm14 =	vgt.f32 v46, v56;
	v38 =	vnsel vm15, $0x0, v32  }
0x40e: {  	v33 =	vld [tilespmem:$0x1FF10];
	vm15 =	vgt.f32 v49, v56;
	v2 =	vnsel vm13, $0x0, v40;
	vm13 =	vgt.f32 v21, v56  }
0x40f: {  	v21 =	vld [tilespmem:$0x1FEB0];
	v40 =	vmul.f32 v1, v46;
	vm13 =	vmor vm13, vm2;
	v3 =	vadd.s32 v45, v6  }
0x410: {  	v39 =	vld [tilespmem:$0x1FF30];
	v35 =	vnsel vm13, $0x0, v63;
	v44 =	vmul.f32 v1, v49;
	v45 =	vmul.f32 v1, v53  }
0x411: {  	v41 =	vld [tilespmem:$0x1FF40];
	vm13 =	vgt.f32 v29, v56;
	vm8 =	vlt.s32 v3, v0;
	v3 =	vadd.s32 v48, v3  }
0x412: {  	v31 =	vsel vm5, $0x1, v58;
	v46 =	vld [tilespmem:$0x1FF60];
	v48 =	vmul.f32 v1, v26;
	v4 =	vadd.s32 v51, v3;
	[tilespmem:v12+s7+$0x0] =	vst.idx.msk $0xffff, v13  }
0x413: {  	v49 =	vld [tilespmem:$0x1FF70];
	vm9 =	vlt.s32 v3, v0;
	vm7 =	vmand vm7, vm8;
	v50 =	vmul.f32 v1, v29;
	[tilespmem:v24+s7+$0x0] =	vst.idx.msk $0xffff, v14  }
0x414: {  	v51 =	vld [tilespmem:$0x1FF80];
	vm1 =	vlt.s32 v4, v0;
	v3 =	vadd.s32 v55, v4;
	vm7 =	vmor vm14, vm7;
	[tilespmem:v27+s7+$0x0] =	vst.idx.msk $0xffff, v15  }
0x415: {  	vm2 =	veq.f32 v21, v56;
	v43 =	vnsel vm7, $0x0, v40;
	vm7 =	vgt.f32 v53, v56;
	v53 =	vld [tilespmem:$0x1FF90];
	[tilespmem:v30+s7+$0x0] =	vst.idx.msk $0xffff, v16  }
0x416: {  	vm4 =	vmand vm4, vm9;
	vm8 =	vgt.f32 v21, v56;
	vm9 =	vgt.f32 v26, v56;
	v55 =	vld [tilespmem:$0x1FFA0];
	[tilespmem:v33+s7+$0x0] =	vst.idx.msk $0xffff, v17  }
0x417: {  	v28 =	vsel vm3, $0x1, v58;
	vm14 =	vgt.f32 v46, v56;
	v47 =	vmul.f32 v1, v21;
	v57 =	vld [tilespmem:$0x1FFB0];
	[tilespmem:v34+s7+$0x0] =	vst.idx.msk $0xffff, v2  }
0x418: {  	v1 =	vmul.f32 v1, v46;
	vm6 =	vlt.s32 v3, v0;
	v25 =	vsel vm2, $0x1, v58;
	v59 =	vld [tilespmem:$0x1FFC0];
	[tilespmem:v39+s7+$0x0] =	vst.idx.msk $0xffff, v60  }
0x419: {  	vm4 =	vmor vm15, vm4;
	vm15 =	veq.f32 v46, v56;
	vm0 =	vmand vm0, vm1;
	v61 =	vld [tilespmem:$0x1FFD0];
	[tilespmem:v41+s7+$0x0] =	vst.idx.msk $0xffff, v35  }
0x41a: {  	v63 =	vld [tilespmem:$0x1FFE0];
	v3 =	vadd.s32 v25, v3;
	v52 =	vnsel vm4, $0x0, v44;
	vm0 =	vmor vm7, vm0;
	[tilespmem:v42+s7+$0x0] =	vst.idx.msk $0xffff, v36  }
0x41b: {  	vm6 =	vmand vm2, vm6;
	vm10 =	vlt.s32 v3, v0;
	v3 =	vadd.s32 v28, v3;
	[tilespmem:v49+s7+$0x0] =	vst.idx.msk $0xffff, v38  }
0x41c: {  	v54 =	vnsel vm0, $0x0, v45;
	vm7 =	vmor vm8, vm6;
	v7 =	vadd.s32 v31, v3;
	[tilespmem:v51+s7+$0x0] =	vst.idx.msk $0xffff, v43  }
0x41d: {  	p0 =	slt.u32 s9, $0x1E0;
	vm12 =	vlt.s32 v3, v0;
	vm8 =	vmand vm3, vm10;
	v56 =	vnsel vm7, $0x0, v47;
	[tilespmem:v53+s7+$0x0] =	vst.idx.msk $0xffff, v52  }
.Ltmp0:
0x41e: {  	vm11 =	vlt.s32 v7, v0;
	vm9 =	vmor vm9, vm8;
	vm10 =	vmand vm5, vm12;
	[tilespmem:v55+s7+$0x0] =	vst.idx.msk $0xffff, v54;
	(pc) =	sbr.rel @p0 .LBB2_2-.Ltmp0, $4  }
0x41f: {  	v58 =	vnsel vm9, $0x0, v48;
	vm12 =	vmor vm13, vm10;
	vm13 =	vmand vm15, vm11;
	[tilespmem:v57+s7+$0x0] =	vst.idx.msk $0xffff, v56  }
0x420: {  	vm15 =	vmor vm14, vm13;
	v60 =	vnsel vm12, $0x0, v50;
	[tilespmem:v59+s7+$0x0] =	vst.idx.msk $0xffff, v58  }
0x421: {  	v62 =	vnsel vm15, $0x0, v1;
	[tilespmem:v61+s7+$0x0] =	vst.idx.msk $0xffff, v60  }
0x422: {  	s9 =	sadd.s32 $0x20, s9;
	v37 =	vld [tilespmem:$0x1FFF0];
	[tilespmem:v63+s7+$0x0] =	vst.idx.msk $0xffff, v62  }
0x423: {  	s8 =	sadd.s32 $0x1, s8  }
0x424: {  	p0 =	sne.s32 s8, s5  }
.Ltmp1:
0x425: {  	_ = 	snop;
	(pc) =	sbr.rel @p0 .LBB2_1-.Ltmp1, $4  }
0x426: {  	[hbm4b:s4+s2] =	stream.linear.scatter [tilespmem:s7], [sflag:$0x1], $0x8000, $0x38;
	[tilespmem:$0x10000] =	vst v63  }
0x427: {  	_ =	swait.ge [sflag:s6], $0x8000  }
0x428: {  	[sflag:s6] =	ssyncset.done $0x0  }
0x429: {  	[sflag:s6] =	ssyncadd.s32 $0xFFFF8000  }
0x42a: {  	_ =	sfence.sel $0x180000  }
0x42b: {  	[bflag:$0x0] =	sbarrier.arrive $0xFFFF  }
0x42c: {  	p0 =	sne.s32 s1, $0x0;
	_ =	strace $0x90000047  }
0x42d: {  	s0 =	sadd.s32 @!p0 $0x100000, s0;
	[bflag:$0x2] =	sbarrier.arrive $0xFFFF  }
0x42e: {  	[sflag:s0] =	ssyncadd.tile.s32 @!p0 $0x1;
	_ =	shalt  }
.Lfunc_end2:
_tile_overlayer_lowered:
.L_overlay_start_2:
0x42f: {  	(tag) =	ssettag $0x2  }
0x430: {  	s0 =	rddreg [dreg:$0x0];
	s2 =	stileid.u32  }
0x431: {  	s1 =	rddreg [dreg:$0x1];
	p0 =	sne.s32 s2, $0x0  }
0x432: {  	s3 =	rddreg [dreg:$0x2];
	[bflag:$0x3] =	sbarrier.arrive $0xFFFF;
	s2 =	simm.s32 @!p0 $0x1C01  }
0x433: {  	[timem:s3], [sflag:s2] =	dma.local @!p0 [hbm:s0], s1  }
0x434: {  	s0 =	simm.s32 @!p0 $0x1  }
0x435: {  	_ =	swait.ge @!p0 [sflag:s0], s1  }
0x436: {  	s1 =	ssub.s32 @!p0 $0x0, s1;
	[sflag:s0] =	ssyncset.done @!p0 $0x0  }
0x437: {  	[sflag:s0] =	ssyncadd.s32 @!p0 s1  }
0x438: {  	[bflag:$0x3] =	sbarrier.arrive $0xFFFF  }
0x439: {  	_ =	shalt  }

</sc_bundles>
